<compile_context>
chip_gen: v7x
topology: tpu7x:2x2x1
jax: 0.10.2.dev20260603
libtpu: 0.0.44.dev20260713+nightly
codegen_flags: <defaults>
</compile_context>

<pallas_src>
import functools

import jax
import jax.numpy as jnp
from jax import lax
from jax.experimental import pallas as pl
from jax.experimental.pallas import tpu as pltpu
from jax.experimental.pallas import tpu_sc as plsc

N_NODES = 10000
N_EDGES = 320000
D = 128
DH = D // 2
H = 2 * D
EPS = 1e-7

NC = 2
NS = 16
CHUNK = 40
EPT = N_EDGES // NS
NCHUNK = EPT // CHUNK
N_PAD = 10240
RPT = N_PAD // NS

ROWS_PER_BLOCK = 2000


def _make_edge_kernel():
    mesh = plsc.VectorSubcoreMesh(core_axis_name="c", subcore_axis_name="s",
                                  num_cores=NC, num_subcores=NS)

    @functools.partial(
        pl.kernel,
        out_type=jax.ShapeDtypeStruct((NC, N_PAD, 2 * DH), jnp.float32),
        mesh=mesh,
        compiler_params=pltpu.CompilerParams(use_tc_tiling_on_sc=False),
        scratch_types=[
            pltpu.VMEM((4, CHUNK), jnp.int32),
            pltpu.VMEM((4, CHUNK), jnp.int32),
            pltpu.VMEM((4, CHUNK), jnp.int32),
            pltpu.VMEM((2, CHUNK, DH), jnp.float32),
            pltpu.VMEM((2, CHUNK, DH), jnp.float32),
            pltpu.VMEM((2, CHUNK, 2 * DH), jnp.float32),
            pltpu.VMEM((16,), jnp.float32),
            pltpu.VMEM_SHARED((N_PAD, 2 * DH), jnp.float32),
            [pltpu.SemaphoreType.DMA] * 4,
            [pltpu.SemaphoreType.DMA] * 2,
            [pltpu.SemaphoreType.DMA] * 2,
            [pltpu.SemaphoreType.DMA] * 2,
        ],
    )
    def edge_kernel(x_h, ea_h, src_h, eidx_h, dst_h, t_h, zeros_h, out_h,
                    src_v, eidx_v, dst_v, xg_v, ea_v, o_v, t_v, acc_sh,
                    sem_i, sem_g, sem_e, sem_s):
        c = lax.axis_index("c")
        s = lax.axis_index("s")
        base0 = s * EPT

        pltpu.sync_copy(zeros_h.at[pl.ds(s * RPT, RPT)],
                        acc_sh.at[pl.ds(s * RPT, RPT)])
        pltpu.sync_copy(t_h, t_v)
        plsc.subcore_barrier()
        tv = t_v[...]

        def idx_descs(ci, q):
            base = base0 + ci * CHUNK
            cbase = c * N_EDGES + base
            return (pltpu.make_async_copy(src_h.at[pl.ds(cbase, CHUNK)],
                                          src_v.at[q], sem_i[q]),
                    pltpu.make_async_copy(eidx_h.at[pl.ds(cbase, CHUNK)],
                                          eidx_v.at[q], sem_i[q]),
                    pltpu.make_async_copy(dst_h.at[pl.ds(base, CHUNK)],
                                          dst_v.at[q], sem_i[q]))

        def load_descs(ci, b, q):
            return (pltpu.make_async_copy(x_h.at[src_v.at[q]], xg_v.at[b],
                                          sem_g[b]),
                    pltpu.make_async_copy(ea_h.at[eidx_v.at[q]],
                                          ea_v.at[b], sem_e[b]))

        def scatter_desc(b, q):
            return pltpu.make_async_copy(o_v.at[b], acc_sh.at[dst_v.at[q]],
                                         sem_s[b])

        def step(ci, qc):
            b, bn, qn, q2 = qc % 2, (qc + 1) % 2, (qc + 1) % 4, (qc + 2) % 4

            @pl.when(ci + 1 < NCHUNK)
            def _():
                for d in idx_descs(ci + 1, qn):
                    d.wait()
                for d in load_descs(ci + 1, bn, qn):
                    d.start()

            @pl.when(ci >= 2)
            def _():
                scatter_desc(b, q2).wait()

            @pl.when(ci + 2 < NCHUNK)
            def _():
                for d in idx_descs(ci + 2, q2):
                    d.start()

            for d in load_descs(ci, b, qc):
                d.wait()

            @plsc.parallel_loop(0, CHUNK, 1, unroll=8)
            def row_body(j):
                for k in range(DH // 16):
                    xv = xg_v[b, j, pl.ds(k * 16, 16)]
                    ev = ea_v[b, j, pl.ds(k * 16, 16)]
                    m = jnp.maximum(xv + ev, 0.0) + EPS
                    e = jnp.exp(m * tv)
                    o_v[b, j, pl.ds(k * 16, 16)] = e * m
                    o_v[b, j, pl.ds(DH + k * 16, 16)] = e

            scatter_desc(b, qc).start(add=True)

        for d in idx_descs(0, 0):
            d.start()
        for d in idx_descs(1, 1):
            d.start()
        for d in idx_descs(0, 0):
            d.wait()
        for d in load_descs(0, 0, 0):
            d.start()

        def outer_body(i, carry):
            for u in range(4):
                step(4 * i + u, u)
            return carry

        lax.fori_loop(0, NCHUNK // 4, outer_body, 0)
        scatter_desc(0, (NCHUNK - 2) % 4).wait()
        scatter_desc(1, (NCHUNK - 1) % 4).wait()
        plsc.subcore_barrier()
        pltpu.sync_copy(acc_sh.at[pl.ds(s * RPT, RPT)],
                        out_h.at[c, pl.ds(s * RPT, RPT)])

    return edge_kernel


_EDGE_KERNEL_CACHE = []


def _edge_kernel():
    if not _EDGE_KERNEL_CACHE:
        _EDGE_KERNEL_CACHE.append(_make_edge_kernel())
    return _EDGE_KERNEL_CACHE[0]


def _mlp_body(x_ref, sc_ref, w1_ref, b1_ref, lnw_ref, lnb_ref,
              w2_ref, b2_ref, out_ref):
    x = x_ref[...]
    num = jnp.concatenate([sc_ref[0, :, :DH], sc_ref[1, :, :DH]], axis=-1)
    den = jnp.concatenate([sc_ref[0, :, DH:], sc_ref[1, :, DH:]], axis=-1)
    aggr = num / (den + 1e-16)
    h = x + aggr
    h = jnp.dot(h, w1_ref[...], preferred_element_type=jnp.float32) + b1_ref[...]
    mu = jnp.mean(h, axis=-1, keepdims=True)
    var = jnp.mean((h - mu) ** 2, axis=-1, keepdims=True)
    h = (h - mu) * lax.rsqrt(var + 1e-5) * lnw_ref[...] + lnb_ref[...]
    h = jnp.maximum(h, 0.0)
    out_ref[...] = jnp.dot(h, w2_ref[...], preferred_element_type=jnp.float32) + b2_ref[...]


def _mlp(x, sc_out, w1, b1, ln_w, ln_b, w2, b2):
    grid = (N_NODES // ROWS_PER_BLOCK,)
    row_spec = pl.BlockSpec((ROWS_PER_BLOCK, D), lambda i: (i, 0))
    full = lambda shape: pl.BlockSpec(shape, lambda i: tuple(0 for _ in shape))
    return pl.pallas_call(
        _mlp_body,
        grid=grid,
        in_specs=[row_spec,
                  pl.BlockSpec((NC, ROWS_PER_BLOCK, D), lambda i: (0, i, 0)),
                  full((D, H)), full((H,)), full((H,)), full((H,)),
                  full((H, D)), full((D,))],
        out_specs=pl.BlockSpec((ROWS_PER_BLOCK, D), lambda i: (i, 0)),
        out_shape=jax.ShapeDtypeStruct((N_NODES, D), jnp.float32),
    )(x, sc_out, w1, b1, ln_w, ln_b, w2, b2)


def kernel(x, edge_index, edge_attr, t, w1, b1, ln_w, ln_b, w2, b2):
    src = edge_index[0]
    dst = edge_index[1]
    xr2 = jnp.concatenate([x[:, :DH], x[:, DH:]], axis=0)
    ea2 = edge_attr.reshape(2 * N_EDGES, DH)
    src2 = jnp.concatenate([src, src + N_NODES])
    ids = 2 * jnp.arange(N_EDGES, dtype=jnp.int32)
    eidx = jnp.concatenate([ids, ids + 1])
    t16 = jnp.full((16,), t, dtype=jnp.float32)
    zeros = jnp.zeros((N_PAD, 2 * DH), dtype=jnp.float32)
    sc_out = _edge_kernel()(xr2, ea2, src2, eidx, dst, t16, zeros)
    return _mlp(x, sc_out, w1, b1, ln_w, ln_b, w2, b2)

# --- scband reference (transcript-rebuilt; emitter-appended) ---
"""Pipeline reference for scband-genlayer-wraaper-46016279610078 (READ-ONLY COPY).

The authoritative reference and input builder live on the scoring server;
editing this copy changes nothing except your own understanding.
"""

import jax, jax.numpy as jnp
import numpy as np

N_NODES = 10000
N_EDGES = 320000
D = 128
H = 2 * D  # GENConv MLP hidden: channels = [in, 2*in, out] for num_layers=2
EPS = 1e-7


def setup_inputs(seed: int = 0) -> dict:
    key = jax.random.key(seed)
    ks = jax.random.split(key, 8)
    x = jax.random.normal(ks[0], (N_NODES, D), dtype=jnp.float32)
    edge_index = jax.random.randint(ks[1], (2, N_EDGES), 0, N_NODES, dtype=jnp.int32)
    edge_attr = jax.random.normal(ks[2], (N_EDGES, D), dtype=jnp.float32)
    # learned parameters of GENConv(aggr='softmax', t=1.0, learn_t=True, num_layers=2, norm='layer')
    t = jnp.array(1.0, dtype=jnp.float32)  # learnable temperature
    w1 = jax.random.normal(ks[3], (D, H), dtype=jnp.float32) * (1.0 / np.sqrt(D))
    b1 = jnp.zeros((H,), dtype=jnp.float32)
    ln_w = jnp.ones((H,), dtype=jnp.float32)
    ln_b = jnp.zeros((H,), dtype=jnp.float32)
    w2 = jax.random.normal(ks[4], (H, D), dtype=jnp.float32) * (1.0 / np.sqrt(H))
    b2 = jnp.zeros((D,), dtype=jnp.float32)
    return {"x": x, "edge_index": edge_index, "edge_attr": edge_attr,
            "t": t, "w1": w1, "b1": b1, "ln_w": ln_w, "ln_b": ln_b,
            "w2": w2, "b2": b2}


def reference(x, edge_index, edge_attr, t, w1, b1, ln_w, ln_b, w2, b2):
    src = edge_index[0]
    dst = edge_index[1]
    # GENConv.message: relu(x_j + edge_attr) + eps
    m = x[src] + edge_attr
    m = jax.nn.relu(m) + EPS
    # softmax aggregation over incoming edges per dst node (elementwise per channel)
    logits = m * t
    seg_max = jax.ops.segment_max(logits, dst, num_segments=N_NODES)
    seg_max = jnp.where(jnp.isfinite(seg_max), seg_max, 0.0)
    logits = logits - jax.lax.stop_gradient(seg_max)[dst]
    e = jnp.exp(logits)
    denom = jax.ops.segment_sum(e, dst, num_segments=N_NODES)
    alpha = e / (denom[dst] + 1e-16)
    aggr = jax.ops.segment_sum(alpha * m, dst, num_segments=N_NODES)
    # GENConv.update: MLP(x + aggr), MLP = Lin(D->2D), LayerNorm, ReLU, Lin(2D->D)
    h = x + aggr
    h = h @ w1 + b1
    mu = jnp.mean(h, axis=-1, keepdims=True)
    var = jnp.var(h, axis=-1, keepdims=True)
    h = (h - mu) / jnp.sqrt(var + 1e-5) * ln_w + ln_b
    h = jax.nn.relu(h)
    out = h @ w2 + b2
    return out


if False:  # reference __main__ guard neutralized (emitter)
    inp = setup_inputs()
    out = reference(**inp)
    print(out.shape, out.dtype)

if __name__ == "__main__":
    import jax
    _d = setup_inputs()
    print(jax.jit(kernel)(*tuple(_d.values())))

</pallas_src>

<mosaic_0001>
#map = affine_map<(d0, d1) -> (0, 0)>
#map1 = affine_map<(d0, d1) -> (0)>
#map2 = affine_map<(d0, d1) -> (0, 0, 0)>
module attributes {stable_mosaic.version = 14 : i64} {
  func.func @edge_kernel(%arg0: i32, %arg1: i32, %arg2: memref<20000x64xf32, #tpu.memory_space<hbm>>, %arg3: memref<640000x64xf32, #tpu.memory_space<hbm>>, %arg4: memref<640000xi32, #tpu.memory_space<hbm>>, %arg5: memref<640000xi32, #tpu.memory_space<hbm>>, %arg6: memref<320000xi32, #tpu.memory_space<hbm>>, %arg7: memref<16xf32, #tpu.memory_space<hbm>>, %arg8: memref<10240x128xf32, #tpu.memory_space<hbm>>, %arg9: memref<2x10240x128xf32, #tpu.memory_space<hbm>>, %arg10: memref<4x40xi32, #tpu.memory_space<vmem>>, %arg11: memref<4x40xi32, #tpu.memory_space<vmem>>, %arg12: memref<4x40xi32, #tpu.memory_space<vmem>>, %arg13: memref<2x40x64xf32, #tpu.memory_space<vmem>>, %arg14: memref<2x40x64xf32, #tpu.memory_space<vmem>>, %arg15: memref<2x40x128xf32, #tpu.memory_space<vmem>>, %arg16: memref<16xf32, #tpu.memory_space<vmem>>, %arg17: memref<10240x128xf32, #tpu.memory_space<vmem_shared>>, %arg18: memref<!tpu.dma_semaphore, #tpu.memory_space<semaphore_mem>>, %arg19: memref<!tpu.dma_semaphore, #tpu.memory_space<semaphore_mem>>, %arg20: memref<!tpu.dma_semaphore, #tpu.memory_space<semaphore_mem>>, %arg21: memref<!tpu.dma_semaphore, #tpu.memory_space<semaphore_mem>>, %arg22: memref<!tpu.dma_semaphore, #tpu.memory_space<semaphore_mem>>, %arg23: memref<!tpu.dma_semaphore, #tpu.memory_space<semaphore_mem>>, %arg24: memref<!tpu.dma_semaphore, #tpu.memory_space<semaphore_mem>>, %arg25: memref<!tpu.dma_semaphore, #tpu.memory_space<semaphore_mem>>, %arg26: memref<!tpu.dma_semaphore, #tpu.memory_space<semaphore_mem>>, %arg27: memref<!tpu.dma_semaphore, #tpu.memory_space<semaphore_mem>>) attributes {dimension_semantics = [#tpu.dimension_semantics<core_parallel>, #tpu.dimension_semantics<subcore_parallel>], iteration_bounds = array<i64: 2, 16>, scalar_prefetch = 0 : i64, scratch_operands = 18 : i64, tpu.core_type = #tpu.core_type<sc_vector_subcore>, window_params = [{transform_indices = #map}, {transform_indices = #map}, {transform_indices = #map1}, {transform_indices = #map1}, {transform_indices = #map1}, {transform_indices = #map1}, {transform_indices = #map}, {transform_indices = #map2}]} {
    %mul3A = arith.constant 20000 : i32
    %mul3A_0 = arith.muli %arg1, %mul3A : i32
    %mul3A_1 = arith.constant 640 : i32
    %mul3A_2 = arith.muli %arg1, %mul3A_1 : i32
    %mul3A_3 = arith.constant 640 : i32
    %mul3A_4 = arith.muli %arg1, %mul3A_3 : i32
    "tpu.region"() ({
      %run_scoped3A = tpu.sem_alloc : memref<!tpu.dma_semaphore, #tpu.memory_space<semaphore_mem>>
      %dma_start3A_158 = arith.constant 0 : i32
      %dma_start3A_159 = tpu.memref_slice %arg17[%mul3A_4, %dma_start3A_158] : memref<10240x128xf32, #tpu.memory_space<vmem_shared>> -> memref<640x128xf32, #tpu.memory_space<vmem_shared>>
      %dma_start3A_160 = arith.constant 0 : i32
      %dma_start3A_161 = tpu.memref_slice %arg8[%mul3A_2, %dma_start3A_160] : memref<10240x128xf32, #tpu.memory_space<hbm>> -> memref<640x128xf32, #tpu.memory_space<hbm>>
      tpu.enqueue_dma source(%dma_start3A_161 : memref<640x128xf32, #tpu.memory_space<hbm>>) target(%dma_start3A_159 : memref<640x128xf32, #tpu.memory_space<vmem_shared>>) target_semaphore(%run_scoped3A : memref<!tpu.dma_semaphore, #tpu.memory_space<semaphore_mem>>)
      %dma_wait3A_162 = arith.constant 0 : i32
      %dma_wait3A_163 = tpu.memref_slice %arg17[%mul3A_4, %dma_wait3A_162] : memref<10240x128xf32, #tpu.memory_space<vmem_shared>> -> memref<640x128xf32, #tpu.memory_space<vmem_shared>>
      %dma_wait3A_164 = arith.constant 0 : i32
      %dma_wait3A_165 = tpu.memref_slice %arg8[%mul3A_2, %dma_wait3A_164] : memref<10240x128xf32, #tpu.memory_space<hbm>> -> memref<640x128xf32, #tpu.memory_space<hbm>>
      tpu.wait_dma2 semaphore(%run_scoped3A : memref<!tpu.dma_semaphore, #tpu.memory_space<semaphore_mem>>) src(%dma_wait3A_165 : memref<640x128xf32, #tpu.memory_space<hbm>>) dst(%dma_wait3A_163 : memref<640x128xf32, #tpu.memory_space<vmem_shared>>)
      tpu.yield
    }) : () -> ()
    "tpu.region"() ({
      %run_scoped3A = tpu.sem_alloc : memref<!tpu.dma_semaphore, #tpu.memory_space<semaphore_mem>>
      tpu.enqueue_dma source(%arg7 : memref<16xf32, #tpu.memory_space<hbm>>) target(%arg16 : memref<16xf32, #tpu.memory_space<vmem>>) target_semaphore(%run_scoped3A : memref<!tpu.dma_semaphore, #tpu.memory_space<semaphore_mem>>)
      tpu.wait_dma2 semaphore(%run_scoped3A : memref<!tpu.dma_semaphore, #tpu.memory_space<semaphore_mem>>) src(%arg7 : memref<16xf32, #tpu.memory_space<hbm>>) dst(%arg16 : memref<16xf32, #tpu.memory_space<vmem>>)
      tpu.yield
    }) : () -> ()
    %barrier3A = arith.constant 0 : index
    tpu.barrier barrier_id(%barrier3A)
    %get3A = arith.constant 0 : index
    %get3A_5 = tpu.vector_load %arg16[%get3A] {strides = array<i32>} : memref<16xf32, #tpu.memory_space<vmem>>, vector<16xf32>,
    %get3A_6 = vector.shape_cast %get3A_5 : vector<16xf32> to vector<16xf32>
    %add3A = arith.constant 0 : i32
    %add3A_7 = arith.addi %mul3A_0, %add3A : i32
    %mul3A_8 = arith.constant 320000 : i32
    %mul3A_9 = arith.muli %arg0, %mul3A_8 : i32
    %add3A_10 = arith.addi %mul3A_9, %add3A_7 : i32
    %dma_start3A = arith.constant 0 : i32
    %dma_start3A_11 = arith.constant 0 : i32
    %dma_start3A_12 = tpu.memref_slice %arg10[%dma_start3A, %dma_start3A_11] : memref<4x40xi32, #tpu.memory_space<vmem>> -> memref<1x40xi32, #tpu.memory_space<vmem>>
    %dma_start3A_13 = tpu.memref_squeeze %dma_start3A_12 : memref<1x40xi32, #tpu.memory_space<vmem>> -> memref<40xi32, #tpu.memory_space<vmem>>
    %dma_start3A_14 = tpu.memref_slice %arg4[%add3A_10] : memref<640000xi32, #tpu.memory_space<hbm>> -> memref<40xi32, #tpu.memory_space<hbm>>
    %dma_start3A_15 = arith.constant 0 : i32
    %dma_start3A_16 = tpu.memref_slice %arg10[%dma_start3A, %dma_start3A_15] : memref<4x40xi32, #tpu.memory_space<vmem>> -> memref<1x40xi32, #tpu.memory_space<vmem>>
    %dma_start3A_17 = tpu.memref_squeeze %dma_start3A_16 : memref<1x40xi32, #tpu.memory_space<vmem>> -> memref<40xi32, #tpu.memory_space<vmem>>
    %dma_start3A_18 = tpu.memref_slice %arg4[%add3A_10] : memref<640000xi32, #tpu.memory_space<hbm>> -> memref<40xi32, #tpu.memory_space<hbm>>
    tpu.enqueue_dma source(%dma_start3A_18 : memref<40xi32, #tpu.memory_space<hbm>>) target(%dma_start3A_17 : memref<40xi32, #tpu.memory_space<vmem>>) target_semaphore(%arg18 : memref<!tpu.dma_semaphore, #tpu.memory_space<semaphore_mem>>)
    %dma_start3A_19 = arith.constant 0 : i32
    %dma_start3A_20 = arith.constant 0 : i32
    %dma_start3A_21 = tpu.memref_slice %arg11[%dma_start3A_19, %dma_start3A_20] : memref<4x40xi32, #tpu.memory_space<vmem>> -> memref<1x40xi32, #tpu.memory_space<vmem>>
    %dma_start3A_22 = tpu.memref_squeeze %dma_start3A_21 : memref<1x40xi32, #tpu.memory_space<vmem>> -> memref<40xi32, #tpu.memory_space<vmem>>
    %dma_start3A_23 = tpu.memref_slice %arg5[%add3A_10] : memref<640000xi32, #tpu.memory_space<hbm>> -> memref<40xi32, #tpu.memory_space<hbm>>
    %dma_start3A_24 = arith.constant 0 : i32
    %dma_start3A_25 = tpu.memref_slice %arg11[%dma_start3A_19, %dma_start3A_24] : memref<4x40xi32, #tpu.memory_space<vmem>> -> memref<1x40xi32, #tpu.memory_space<vmem>>
    %dma_start3A_26 = tpu.memref_squeeze %dma_start3A_25 : memref<1x40xi32, #tpu.memory_space<vmem>> -> memref<40xi32, #tpu.memory_space<vmem>>
    %dma_start3A_27 = tpu.memref_slice %arg5[%add3A_10] : memref<640000xi32, #tpu.memory_space<hbm>> -> memref<40xi32, #tpu.memory_space<hbm>>
    tpu.enqueue_dma source(%dma_start3A_27 : memref<40xi32, #tpu.memory_space<hbm>>) target(%dma_start3A_26 : memref<40xi32, #tpu.memory_space<vmem>>) target_semaphore(%arg18 : memref<!tpu.dma_semaphore, #tpu.memory_space<semaphore_mem>>)
    %dma_start3A_28 = arith.constant 0 : i32
    %dma_start3A_29 = arith.constant 0 : i32
    %dma_start3A_30 = tpu.memref_slice %arg12[%dma_start3A_28, %dma_start3A_29] : memref<4x40xi32, #tpu.memory_space<vmem>> -> memref<1x40xi32, #tpu.memory_space<vmem>>
    %dma_start3A_31 = tpu.memref_squeeze %dma_start3A_30 : memref<1x40xi32, #tpu.memory_space<vmem>> -> memref<40xi32, #tpu.memory_space<vmem>>
    %dma_start3A_32 = tpu.memref_slice %arg6[%add3A_7] : memref<320000xi32, #tpu.memory_space<hbm>> -> memref<40xi32, #tpu.memory_space<hbm>>
    %dma_start3A_33 = arith.constant 0 : i32
    %dma_start3A_34 = tpu.memref_slice %arg12[%dma_start3A_28, %dma_start3A_33] : memref<4x40xi32, #tpu.memory_space<vmem>> -> memref<1x40xi32, #tpu.memory_space<vmem>>
    %dma_start3A_35 = tpu.memref_squeeze %dma_start3A_34 : memref<1x40xi32, #tpu.memory_space<vmem>> -> memref<40xi32, #tpu.memory_space<vmem>>
    %dma_start3A_36 = tpu.memref_slice %arg6[%add3A_7] : memref<320000xi32, #tpu.memory_space<hbm>> -> memref<40xi32, #tpu.memory_space<hbm>>
    tpu.enqueue_dma source(%dma_start3A_36 : memref<40xi32, #tpu.memory_space<hbm>>) target(%dma_start3A_35 : memref<40xi32, #tpu.memory_space<vmem>>) target_semaphore(%arg18 : memref<!tpu.dma_semaphore, #tpu.memory_space<semaphore_mem>>)
    %add3A_37 = arith.constant 40 : i32
    %add3A_38 = arith.addi %mul3A_0, %add3A_37 : i32
    %mul3A_39 = arith.constant 320000 : i32
    %mul3A_40 = arith.muli %arg0, %mul3A_39 : i32
    %add3A_41 = arith.addi %mul3A_40, %add3A_38 : i32
    %dma_start3A_42 = arith.constant 1 : i32
    %dma_start3A_43 = arith.constant 0 : i32
    %dma_start3A_44 = tpu.memref_slice %arg10[%dma_start3A_42, %dma_start3A_43] : memref<4x40xi32, #tpu.memory_space<vmem>> -> memref<1x40xi32, #tpu.memory_space<vmem>>
    %dma_start3A_45 = tpu.memref_squeeze %dma_start3A_44 : memref<1x40xi32, #tpu.memory_space<vmem>> -> memref<40xi32, #tpu.memory_space<vmem>>
    %dma_start3A_46 = tpu.memref_slice %arg4[%add3A_41] : memref<640000xi32, #tpu.memory_space<hbm>> -> memref<40xi32, #tpu.memory_space<hbm>>
    %dma_start3A_47 = arith.constant 0 : i32
    %dma_start3A_48 = tpu.memref_slice %arg10[%dma_start3A_42, %dma_start3A_47] : memref<4x40xi32, #tpu.memory_space<vmem>> -> memref<1x40xi32, #tpu.memory_space<vmem>>
    %dma_start3A_49 = tpu.memref_squeeze %dma_start3A_48 : memref<1x40xi32, #tpu.memory_space<vmem>> -> memref<40xi32, #tpu.memory_space<vmem>>
    %dma_start3A_50 = tpu.memref_slice %arg4[%add3A_41] : memref<640000xi32, #tpu.memory_space<hbm>> -> memref<40xi32, #tpu.memory_space<hbm>>
    tpu.enqueue_dma source(%dma_start3A_50 : memref<40xi32, #tpu.memory_space<hbm>>) target(%dma_start3A_49 : memref<40xi32, #tpu.memory_space<vmem>>) target_semaphore(%arg19 : memref<!tpu.dma_semaphore, #tpu.memory_space<semaphore_mem>>)
    %dma_start3A_51 = arith.constant 1 : i32
    %dma_start3A_52 = arith.constant 0 : i32
    %dma_start3A_53 = tpu.memref_slice %arg11[%dma_start3A_51, %dma_start3A_52] : memref<4x40xi32, #tpu.memory_space<vmem>> -> memref<1x40xi32, #tpu.memory_space<vmem>>
    %dma_start3A_54 = tpu.memref_squeeze %dma_start3A_53 : memref<1x40xi32, #tpu.memory_space<vmem>> -> memref<40xi32, #tpu.memory_space<vmem>>
    %dma_start3A_55 = tpu.memref_slice %arg5[%add3A_41] : memref<640000xi32, #tpu.memory_space<hbm>> -> memref<40xi32, #tpu.memory_space<hbm>>
    %dma_start3A_56 = arith.constant 0 : i32
    %dma_start3A_57 = tpu.memref_slice %arg11[%dma_start3A_51, %dma_start3A_56] : memref<4x40xi32, #tpu.memory_space<vmem>> -> memref<1x40xi32, #tpu.memory_space<vmem>>
    %dma_start3A_58 = tpu.memref_squeeze %dma_start3A_57 : memref<1x40xi32, #tpu.memory_space<vmem>> -> memref<40xi32, #tpu.memory_space<vmem>>
    %dma_start3A_59 = tpu.memref_slice %arg5[%add3A_41] : memref<640000xi32, #tpu.memory_space<hbm>> -> memref<40xi32, #tpu.memory_space<hbm>>
    tpu.enqueue_dma source(%dma_start3A_59 : memref<40xi32, #tpu.memory_space<hbm>>) target(%dma_start3A_58 : memref<40xi32, #tpu.memory_space<vmem>>) target_semaphore(%arg19 : memref<!tpu.dma_semaphore, #tpu.memory_space<semaphore_mem>>)
    %dma_start3A_60 = arith.constant 1 : i32
    %dma_start3A_61 = arith.constant 0 : i32
    %dma_start3A_62 = tpu.memref_slice %arg12[%dma_start3A_60, %dma_start3A_61] : memref<4x40xi32, #tpu.memory_space<vmem>> -> memref<1x40xi32, #tpu.memory_space<vmem>>
    %dma_start3A_63 = tpu.memref_squeeze %dma_start3A_62 : memref<1x40xi32, #tpu.memory_space<vmem>> -> memref<40xi32, #tpu.memory_space<vmem>>
    %dma_start3A_64 = tpu.memref_slice %arg6[%add3A_38] : memref<320000xi32, #tpu.memory_space<hbm>> -> memref<40xi32, #tpu.memory_space<hbm>>
    %dma_start3A_65 = arith.constant 0 : i32
    %dma_start3A_66 = tpu.memref_slice %arg12[%dma_start3A_60, %dma_start3A_65] : memref<4x40xi32, #tpu.memory_space<vmem>> -> memref<1x40xi32, #tpu.memory_space<vmem>>
    %dma_start3A_67 = tpu.memref_squeeze %dma_start3A_66 : memref<1x40xi32, #tpu.memory_space<vmem>> -> memref<40xi32, #tpu.memory_space<vmem>>
    %dma_start3A_68 = tpu.memref_slice %arg6[%add3A_38] : memref<320000xi32, #tpu.memory_space<hbm>> -> memref<40xi32, #tpu.memory_space<hbm>>
    tpu.enqueue_dma source(%dma_start3A_68 : memref<40xi32, #tpu.memory_space<hbm>>) target(%dma_start3A_67 : memref<40xi32, #tpu.memory_space<vmem>>) target_semaphore(%arg19 : memref<!tpu.dma_semaphore, #tpu.memory_space<semaphore_mem>>)
    %add3A_69 = arith.constant 0 : i32
    %add3A_70 = arith.addi %mul3A_0, %add3A_69 : i32
    %mul3A_71 = arith.constant 320000 : i32
    %mul3A_72 = arith.muli %arg0, %mul3A_71 : i32
    %add3A_73 = arith.addi %mul3A_72, %add3A_70 : i32
    %dma_wait3A = arith.constant 0 : i32
    %dma_wait3A_74 = arith.constant 0 : i32
    %dma_wait3A_75 = tpu.memref_slice %arg10[%dma_wait3A, %dma_wait3A_74] : memref<4x40xi32, #tpu.memory_space<vmem>> -> memref<1x40xi32, #tpu.memory_space<vmem>>
    %dma_wait3A_76 = tpu.memref_squeeze %dma_wait3A_75 : memref<1x40xi32, #tpu.memory_space<vmem>> -> memref<40xi32, #tpu.memory_space<vmem>>
    %dma_wait3A_77 = tpu.memref_slice %arg4[%add3A_73] : memref<640000xi32, #tpu.memory_space<hbm>> -> memref<40xi32, #tpu.memory_space<hbm>>
    %dma_wait3A_78 = arith.constant 0 : i32
    %dma_wait3A_79 = tpu.memref_slice %arg10[%dma_wait3A, %dma_wait3A_78] : memref<4x40xi32, #tpu.memory_space<vmem>> -> memref<1x40xi32, #tpu.memory_space<vmem>>
    %dma_wait3A_80 = tpu.memref_squeeze %dma_wait3A_79 : memref<1x40xi32, #tpu.memory_space<vmem>> -> memref<40xi32, #tpu.memory_space<vmem>>
    %dma_wait3A_81 = tpu.memref_slice %arg4[%add3A_73] : memref<640000xi32, #tpu.memory_space<hbm>> -> memref<40xi32, #tpu.memory_space<hbm>>
    tpu.wait_dma2 semaphore(%arg18 : memref<!tpu.dma_semaphore, #tpu.memory_space<semaphore_mem>>) src(%dma_wait3A_81 : memref<40xi32, #tpu.memory_space<hbm>>) dst(%dma_wait3A_80 : memref<40xi32, #tpu.memory_space<vmem>>)
    %dma_wait3A_82 = arith.constant 0 : i32
    %dma_wait3A_83 = arith.constant 0 : i32
    %dma_wait3A_84 = tpu.memref_slice %arg11[%dma_wait3A_82, %dma_wait3A_83] : memref<4x40xi32, #tpu.memory_space<vmem>> -> memref<1x40xi32, #tpu.memory_space<vmem>>
    %dma_wait3A_85 = tpu.memref_squeeze %dma_wait3A_84 : memref<1x40xi32, #tpu.memory_space<vmem>> -> memref<40xi32, #tpu.memory_space<vmem>>
    %dma_wait3A_86 = tpu.memref_slice %arg5[%add3A_73] : memref<640000xi32, #tpu.memory_space<hbm>> -> memref<40xi32, #tpu.memory_space<hbm>>
    %dma_wait3A_87 = arith.constant 0 : i32
    %dma_wait3A_88 = tpu.memref_slice %arg11[%dma_wait3A_82, %dma_wait3A_87] : memref<4x40xi32, #tpu.memory_space<vmem>> -> memref<1x40xi32, #tpu.memory_space<vmem>>
    %dma_wait3A_89 = tpu.memref_squeeze %dma_wait3A_88 : memref<1x40xi32, #tpu.memory_space<vmem>> -> memref<40xi32, #tpu.memory_space<vmem>>
    %dma_wait3A_90 = tpu.memref_slice %arg5[%add3A_73] : memref<640000xi32, #tpu.memory_space<hbm>> -> memref<40xi32, #tpu.memory_space<hbm>>
    tpu.wait_dma2 semaphore(%arg18 : memref<!tpu.dma_semaphore, #tpu.memory_space<semaphore_mem>>) src(%dma_wait3A_90 : memref<40xi32, #tpu.memory_space<hbm>>) dst(%dma_wait3A_89 : memref<40xi32, #tpu.memory_space<vmem>>)
    %dma_wait3A_91 = arith.constant 0 : i32
    %dma_wait3A_92 = arith.constant 0 : i32
    %dma_wait3A_93 = tpu.memref_slice %arg12[%dma_wait3A_91, %dma_wait3A_92] : memref<4x40xi32, #tpu.memory_space<vmem>> -> memref<1x40xi32, #tpu.memory_space<vmem>>
    %dma_wait3A_94 = tpu.memref_squeeze %dma_wait3A_93 : memref<1x40xi32, #tpu.memory_space<vmem>> -> memref<40xi32, #tpu.memory_space<vmem>>
    %dma_wait3A_95 = tpu.memref_slice %arg6[%add3A_70] : memref<320000xi32, #tpu.memory_space<hbm>> -> memref<40xi32, #tpu.memory_space<hbm>>
    %dma_wait3A_96 = arith.constant 0 : i32
    %dma_wait3A_97 = tpu.memref_slice %arg12[%dma_wait3A_91, %dma_wait3A_96] : memref<4x40xi32, #tpu.memory_space<vmem>> -> memref<1x40xi32, #tpu.memory_space<vmem>>
    %dma_wait3A_98 = tpu.memref_squeeze %dma_wait3A_97 : memref<1x40xi32, #tpu.memory_space<vmem>> -> memref<40xi32, #tpu.memory_space<vmem>>
    %dma_wait3A_99 = tpu.memref_slice %arg6[%add3A_70] : memref<320000xi32, #tpu.memory_space<hbm>> -> memref<40xi32, #tpu.memory_space<hbm>>
    tpu.wait_dma2 semaphore(%arg18 : memref<!tpu.dma_semaphore, #tpu.memory_space<semaphore_mem>>) src(%dma_wait3A_99 : memref<40xi32, #tpu.memory_space<hbm>>) dst(%dma_wait3A_98 : memref<40xi32, #tpu.memory_space<vmem>>)
    %dma_start3A_100 = arith.constant 0 : i32
    %dma_start3A_101 = arith.constant 0 : i32
    %dma_start3A_102 = arith.constant 0 : i32
    %dma_start3A_103 = arith.constant 0 : i32
    %dma_start3A_104 = tpu.memref_slice %arg13[%dma_start3A_101, %dma_start3A_102, %dma_start3A_103] : memref<2x40x64xf32, #tpu.memory_space<vmem>> -> memref<1x40x64xf32, #tpu.memory_space<vmem>>
    %dma_start3A_105 = tpu.memref_squeeze %dma_start3A_104 : memref<1x40x64xf32, #tpu.memory_space<vmem>> -> memref<40x64xf32, #tpu.memory_space<vmem>>
    %dma_start3A_106 = arith.constant 0 : i32
    %dma_start3A_107 = tpu.memref_slice %arg10[%dma_start3A_100, %dma_start3A_106] : memref<4x40xi32, #tpu.memory_space<vmem>> -> memref<1x40xi32, #tpu.memory_space<vmem>>
    %dma_start3A_108 = tpu.memref_squeeze %dma_start3A_107 : memref<1x40xi32, #tpu.memory_space<vmem>> -> memref<40xi32, #tpu.memory_space<vmem>>
    %dma_start3A_109 = arith.constant 0 : i32
    %dma_start3A_110 = arith.constant 0 : i32
    %dma_start3A_111 = tpu.memref_slice %arg2[%dma_start3A_109, %dma_start3A_110] : memref<20000x64xf32, #tpu.memory_space<hbm>> -> memref<20000x64xf32, #tpu.memory_space<hbm>>
    tpu.enqueue_indirect_dma source(%dma_start3A_111 : memref<20000x64xf32, #tpu.memory_space<hbm>>) target(%dma_start3A_105 : memref<40x64xf32, #tpu.memory_space<vmem>>) offsets(%dma_start3A_108 : memref<40xi32, #tpu.memory_space<vmem>>) semaphore(%arg22 : memref<!tpu.dma_semaphore, #tpu.memory_space<semaphore_mem>>)
    %dma_start3A_112 = arith.constant 0 : i32
    %dma_start3A_113 = arith.constant 0 : i32
    %dma_start3A_114 = arith.constant 0 : i32
    %dma_start3A_115 = arith.constant 0 : i32
    %dma_start3A_116 = tpu.memref_slice %arg14[%dma_start3A_113, %dma_start3A_114, %dma_start3A_115] : memref<2x40x64xf32, #tpu.memory_space<vmem>> -> memref<1x40x64xf32, #tpu.memory_space<vmem>>
    %dma_start3A_117 = tpu.memref_squeeze %dma_start3A_116 : memref<1x40x64xf32, #tpu.memory_space<vmem>> -> memref<40x64xf32, #tpu.memory_space<vmem>>
    %dma_start3A_118 = arith.constant 0 : i32
    %dma_start3A_119 = tpu.memref_slice %arg11[%dma_start3A_112, %dma_start3A_118] : memref<4x40xi32, #tpu.memory_space<vmem>> -> memref<1x40xi32, #tpu.memory_space<vmem>>
    %dma_start3A_120 = tpu.memref_squeeze %dma_start3A_119 : memref<1x40xi32, #tpu.memory_space<vmem>> -> memref<40xi32, #tpu.memory_space<vmem>>
    %dma_start3A_121 = arith.constant 0 : i32
    %dma_start3A_122 = arith.constant 0 : i32
    %dma_start3A_123 = tpu.memref_slice %arg3[%dma_start3A_121, %dma_start3A_122] : memref<640000x64xf32, #tpu.memory_space<hbm>> -> memref<640000x64xf32, #tpu.memory_space<hbm>>
    tpu.enqueue_indirect_dma source(%dma_start3A_123 : memref<640000x64xf32, #tpu.memory_space<hbm>>) target(%dma_start3A_117 : memref<40x64xf32, #tpu.memory_space<vmem>>) offsets(%dma_start3A_120 : memref<40xi32, #tpu.memory_space<vmem>>) semaphore(%arg24 : memref<!tpu.dma_semaphore, #tpu.memory_space<semaphore_mem>>)
    %scan3A = arith.constant 0 : i32
    %scan3A_124 = arith.constant 0 : i32
    %scan3A_125 = arith.constant 125 : i32
    %scan3A_126 = arith.addi %scan3A_124, %scan3A_125 : i32
    %scan3A_127 = arith.constant 1 : i32
    scf.for %scan3A_158 = %scan3A_124 to %scan3A_126 step %scan3A_127  : i32 {
      %mul3A_159 = arith.constant 4 : i32
      %mul3A_160 = arith.muli %mul3A_159, %scan3A_158 : i32
      %add3A_161 = arith.constant 0 : i32
      %add3A_162 = arith.addi %mul3A_160, %add3A_161 : i32
      %add3A_163 = arith.constant 1 : i32
      %add3A_164 = arith.addi %add3A_162, %add3A_163 : i32
      %lt3A = arith.constant 500 : i32
      %lt3A_165 = arith.cmpi slt, %add3A_164, %lt3A : i32
      %convert_element_type3A = arith.extui %lt3A_165 : i1 to i32
      %cond3A = arith.constant 0 : i32
      %cond3A_166 = arith.cmpi ne, %convert_element_type3A, %cond3A : i32
      scf.if %cond3A_166 {
        %add3A_402 = arith.constant 1 : i32
        %add3A_403 = arith.addi %add3A_162, %add3A_402 : i32
        %mul3A_404 = arith.constant 40 : i32
        %mul3A_405 = arith.muli %add3A_403, %mul3A_404 : i32
        %add3A_406 = arith.addi %mul3A_0, %mul3A_405 : i32
        %mul3A_407 = arith.constant 320000 : i32
        %mul3A_408 = arith.muli %arg0, %mul3A_407 : i32
        %add3A_409 = arith.addi %mul3A_408, %add3A_406 : i32
        %dma_wait3A_410 = arith.constant 1 : i32
        %dma_wait3A_411 = arith.constant 0 : i32
        %dma_wait3A_412 = tpu.memref_slice %arg10[%dma_wait3A_410, %dma_wait3A_411] : memref<4x40xi32, #tpu.memory_space<vmem>> -> memref<1x40xi32, #tpu.memory_space<vmem>>
        %dma_wait3A_413 = tpu.memref_squeeze %dma_wait3A_412 : memref<1x40xi32, #tpu.memory_space<vmem>> -> memref<40xi32, #tpu.memory_space<vmem>>
        %dma_wait3A_414 = tpu.memref_slice %arg4[%add3A_409] : memref<640000xi32, #tpu.memory_space<hbm>> -> memref<40xi32, #tpu.memory_space<hbm>>
        %dma_wait3A_415 = arith.constant 0 : i32
        %dma_wait3A_416 = tpu.memref_slice %arg10[%dma_wait3A_410, %dma_wait3A_415] : memref<4x40xi32, #tpu.memory_space<vmem>> -> memref<1x40xi32, #tpu.memory_space<vmem>>
        %dma_wait3A_417 = tpu.memref_squeeze %dma_wait3A_416 : memref<1x40xi32, #tpu.memory_space<vmem>> -> memref<40xi32, #tpu.memory_space<vmem>>
        %dma_wait3A_418 = tpu.memref_slice %arg4[%add3A_409] : memref<640000xi32, #tpu.memory_space<hbm>> -> memref<40xi32, #tpu.memory_space<hbm>>
        tpu.wait_dma2 semaphore(%arg19 : memref<!tpu.dma_semaphore, #tpu.memory_space<semaphore_mem>>) src(%dma_wait3A_418 : memref<40xi32, #tpu.memory_space<hbm>>) dst(%dma_wait3A_417 : memref<40xi32, #tpu.memory_space<vmem>>)
        %dma_wait3A_419 = arith.constant 1 : i32
        %dma_wait3A_420 = arith.constant 0 : i32
        %dma_wait3A_421 = tpu.memref_slice %arg11[%dma_wait3A_419, %dma_wait3A_420] : memref<4x40xi32, #tpu.memory_space<vmem>> -> memref<1x40xi32, #tpu.memory_space<vmem>>
        %dma_wait3A_422 = tpu.memref_squeeze %dma_wait3A_421 : memref<1x40xi32, #tpu.memory_space<vmem>> -> memref<40xi32, #tpu.memory_space<vmem>>
        %dma_wait3A_423 = tpu.memref_slice %arg5[%add3A_409] : memref<640000xi32, #tpu.memory_space<hbm>> -> memref<40xi32, #tpu.memory_space<hbm>>
        %dma_wait3A_424 = arith.constant 0 : i32
        %dma_wait3A_425 = tpu.memref_slice %arg11[%dma_wait3A_419, %dma_wait3A_424] : memref<4x40xi32, #tpu.memory_space<vmem>> -> memref<1x40xi32, #tpu.memory_space<vmem>>
        %dma_wait3A_426 = tpu.memref_squeeze %dma_wait3A_425 : memref<1x40xi32, #tpu.memory_space<vmem>> -> memref<40xi32, #tpu.memory_space<vmem>>
        %dma_wait3A_427 = tpu.memref_slice %arg5[%add3A_409] : memref<640000xi32, #tpu.memory_space<hbm>> -> memref<40xi32, #tpu.memory_space<hbm>>
        tpu.wait_dma2 semaphore(%arg19 : memref<!tpu.dma_semaphore, #tpu.memory_space<semaphore_mem>>) src(%dma_wait3A_427 : memref<40xi32, #tpu.memory_space<hbm>>) dst(%dma_wait3A_426 : memref<40xi32, #tpu.memory_space<vmem>>)
        %dma_wait3A_428 = arith.constant 1 : i32
        %dma_wait3A_429 = arith.constant 0 : i32
        %dma_wait3A_430 = tpu.memref_slice %arg12[%dma_wait3A_428, %dma_wait3A_429] : memref<4x40xi32, #tpu.memory_space<vmem>> -> memref<1x40xi32, #tpu.memory_space<vmem>>
        %dma_wait3A_431 = tpu.memref_squeeze %dma_wait3A_430 : memref<1x40xi32, #tpu.memory_space<vmem>> -> memref<40xi32, #tpu.memory_space<vmem>>
        %dma_wait3A_432 = tpu.memref_slice %arg6[%add3A_406] : memref<320000xi32, #tpu.memory_space<hbm>> -> memref<40xi32, #tpu.memory_space<hbm>>
        %dma_wait3A_433 = arith.constant 0 : i32
        %dma_wait3A_434 = tpu.memref_slice %arg12[%dma_wait3A_428, %dma_wait3A_433] : memref<4x40xi32, #tpu.memory_space<vmem>> -> memref<1x40xi32, #tpu.memory_space<vmem>>
        %dma_wait3A_435 = tpu.memref_squeeze %dma_wait3A_434 : memref<1x40xi32, #tpu.memory_space<vmem>> -> memref<40xi32, #tpu.memory_space<vmem>>
        %dma_wait3A_436 = tpu.memref_slice %arg6[%add3A_406] : memref<320000xi32, #tpu.memory_space<hbm>> -> memref<40xi32, #tpu.memory_space<hbm>>
        tpu.wait_dma2 semaphore(%arg19 : memref<!tpu.dma_semaphore, #tpu.memory_space<semaphore_mem>>) src(%dma_wait3A_436 : memref<40xi32, #tpu.memory_space<hbm>>) dst(%dma_wait3A_435 : memref<40xi32, #tpu.memory_space<vmem>>)
        %add3A_437 = arith.constant 1 : i32
        %add3A_438 = arith.addi %add3A_162, %add3A_437 : i32
        %dma_start3A_439 = arith.constant 1 : i32
        %dma_start3A_440 = arith.constant 1 : i32
        %dma_start3A_441 = arith.constant 0 : i32
        %dma_start3A_442 = arith.constant 0 : i32
        %dma_start3A_443 = tpu.memref_slice %arg13[%dma_start3A_440, %dma_start3A_441, %dma_start3A_442] : memref<2x40x64xf32, #tpu.memory_space<vmem>> -> memref<1x40x64xf32, #tpu.memory_space<vmem>>
        %dma_start3A_444 = tpu.memref_squeeze %dma_start3A_443 : memref<1x40x64xf32, #tpu.memory_space<vmem>> -> memref<40x64xf32, #tpu.memory_space<vmem>>
        %dma_start3A_445 = arith.constant 0 : i32
        %dma_start3A_446 = tpu.memref_slice %arg10[%dma_start3A_439, %dma_start3A_445] : memref<4x40xi32, #tpu.memory_space<vmem>> -> memref<1x40xi32, #tpu.memory_space<vmem>>
        %dma_start3A_447 = tpu.memref_squeeze %dma_start3A_446 : memref<1x40xi32, #tpu.memory_space<vmem>> -> memref<40xi32, #tpu.memory_space<vmem>>
        %dma_start3A_448 = arith.constant 0 : i32
        %dma_start3A_449 = arith.constant 0 : i32
        %dma_start3A_450 = tpu.memref_slice %arg2[%dma_start3A_448, %dma_start3A_449] : memref<20000x64xf32, #tpu.memory_space<hbm>> -> memref<20000x64xf32, #tpu.memory_space<hbm>>
        tpu.enqueue_indirect_dma source(%dma_start3A_450 : memref<20000x64xf32, #tpu.memory_space<hbm>>) target(%dma_start3A_444 : memref<40x64xf32, #tpu.memory_space<vmem>>) offsets(%dma_start3A_447 : memref<40xi32, #tpu.memory_space<vmem>>) semaphore(%arg23 : memref<!tpu.dma_semaphore, #tpu.memory_space<semaphore_mem>>)
        %dma_start3A_451 = arith.constant 1 : i32
        %dma_start3A_452 = arith.constant 1 : i32
        %dma_start3A_453 = arith.constant 0 : i32
        %dma_start3A_454 = arith.constant 0 : i32
        %dma_start3A_455 = tpu.memref_slice %arg14[%dma_start3A_452, %dma_start3A_453, %dma_start3A_454] : memref<2x40x64xf32, #tpu.memory_space<vmem>> -> memref<1x40x64xf32, #tpu.memory_space<vmem>>
        %dma_start3A_456 = tpu.memref_squeeze %dma_start3A_455 : memref<1x40x64xf32, #tpu.memory_space<vmem>> -> memref<40x64xf32, #tpu.memory_space<vmem>>
        %dma_start3A_457 = arith.constant 0 : i32
        %dma_start3A_458 = tpu.memref_slice %arg11[%dma_start3A_451, %dma_start3A_457] : memref<4x40xi32, #tpu.memory_space<vmem>> -> memref<1x40xi32, #tpu.memory_space<vmem>>
        %dma_start3A_459 = tpu.memref_squeeze %dma_start3A_458 : memref<1x40xi32, #tpu.memory_space<vmem>> -> memref<40xi32, #tpu.memory_space<vmem>>
        %dma_start3A_460 = arith.constant 0 : i32
        %dma_start3A_461 = arith.constant 0 : i32
        %dma_start3A_462 = tpu.memref_slice %arg3[%dma_start3A_460, %dma_start3A_461] : memref<640000x64xf32, #tpu.memory_space<hbm>> -> memref<640000x64xf32, #tpu.memory_space<hbm>>
        tpu.enqueue_indirect_dma source(%dma_start3A_462 : memref<640000x64xf32, #tpu.memory_space<hbm>>) target(%dma_start3A_456 : memref<40x64xf32, #tpu.memory_space<vmem>>) offsets(%dma_start3A_459 : memref<40xi32, #tpu.memory_space<vmem>>) semaphore(%arg25 : memref<!tpu.dma_semaphore, #tpu.memory_space<semaphore_mem>>)
      } else {
      }
      %ge3A = arith.constant 2 : i32
      %ge3A_167 = arith.cmpi sge, %add3A_162, %ge3A : i32
      %convert_element_type3A_168 = arith.extui %ge3A_167 : i1 to i32
      %cond3A_169 = arith.constant 0 : i32
      %cond3A_170 = arith.cmpi ne, %convert_element_type3A_168, %cond3A_169 : i32
      scf.if %cond3A_170 {
        %dma_wait3A_402 = arith.constant 0 : i32
        %dma_wait3A_403 = arith.constant 2 : i32
        %dma_wait3A_404 = arith.constant 0 : i32
        %dma_wait3A_405 = arith.constant 0 : i32
        %dma_wait3A_406 = tpu.memref_slice %arg15[%dma_wait3A_402, %dma_wait3A_404, %dma_wait3A_405] : memref<2x40x128xf32, #tpu.memory_space<vmem>> -> memref<1x40x128xf32, #tpu.memory_space<vmem>>
        %dma_wait3A_407 = tpu.memref_squeeze %dma_wait3A_406 : memref<1x40x128xf32, #tpu.memory_space<vmem>> -> memref<40x128xf32, #tpu.memory_space<vmem>>
        %dma_wait3A_408 = arith.constant 0 : i32
        %dma_wait3A_409 = tpu.memref_slice %arg12[%dma_wait3A_403, %dma_wait3A_408] : memref<4x40xi32, #tpu.memory_space<vmem>> -> memref<1x40xi32, #tpu.memory_space<vmem>>
        %dma_wait3A_410 = tpu.memref_squeeze %dma_wait3A_409 : memref<1x40xi32, #tpu.memory_space<vmem>> -> memref<40xi32, #tpu.memory_space<vmem>>
        %dma_wait3A_411 = arith.constant 0 : i32
        %dma_wait3A_412 = arith.constant 0 : i32
        %dma_wait3A_413 = tpu.memref_slice %arg17[%dma_wait3A_411, %dma_wait3A_412] : memref<10240x128xf32, #tpu.memory_space<vmem_shared>> -> memref<10240x128xf32, #tpu.memory_space<vmem_shared>>
        tpu.wait_indirect_dma semaphore(%arg26 : memref<!tpu.dma_semaphore, #tpu.memory_space<semaphore_mem>>) src(%dma_wait3A_407 : memref<40x128xf32, #tpu.memory_space<vmem>>) dst(%dma_wait3A_413 : memref<10240x128xf32, #tpu.memory_space<vmem_shared>>)
      } else {
      }
      %add3A_171 = arith.constant 2 : i32
      %add3A_172 = arith.addi %add3A_162, %add3A_171 : i32
      %lt3A_173 = arith.constant 500 : i32
      %lt3A_174 = arith.cmpi slt, %add3A_172, %lt3A_173 : i32
      %convert_element_type3A_175 = arith.extui %lt3A_174 : i1 to i32
      %cond3A_176 = arith.constant 0 : i32
      %cond3A_177 = arith.cmpi ne, %convert_element_type3A_175, %cond3A_176 : i32
      scf.if %cond3A_177 {
        %add3A_402 = arith.constant 2 : i32
        %add3A_403 = arith.addi %add3A_162, %add3A_402 : i32
        %mul3A_404 = arith.constant 40 : i32
        %mul3A_405 = arith.muli %add3A_403, %mul3A_404 : i32
        %add3A_406 = arith.addi %mul3A_0, %mul3A_405 : i32
        %mul3A_407 = arith.constant 320000 : i32
        %mul3A_408 = arith.muli %arg0, %mul3A_407 : i32
        %add3A_409 = arith.addi %mul3A_408, %add3A_406 : i32
        %dma_start3A_410 = arith.constant 2 : i32
        %dma_start3A_411 = arith.constant 0 : i32
        %dma_start3A_412 = tpu.memref_slice %arg10[%dma_start3A_410, %dma_start3A_411] : memref<4x40xi32, #tpu.memory_space<vmem>> -> memref<1x40xi32, #tpu.memory_space<vmem>>
        %dma_start3A_413 = tpu.memref_squeeze %dma_start3A_412 : memref<1x40xi32, #tpu.memory_space<vmem>> -> memref<40xi32, #tpu.memory_space<vmem>>
        %dma_start3A_414 = tpu.memref_slice %arg4[%add3A_409] : memref<640000xi32, #tpu.memory_space<hbm>> -> memref<40xi32, #tpu.memory_space<hbm>>
        %dma_start3A_415 = arith.constant 0 : i32
        %dma_start3A_416 = tpu.memref_slice %arg10[%dma_start3A_410, %dma_start3A_415] : memref<4x40xi32, #tpu.memory_space<vmem>> -> memref<1x40xi32, #tpu.memory_space<vmem>>
        %dma_start3A_417 = tpu.memref_squeeze %dma_start3A_416 : memref<1x40xi32, #tpu.memory_space<vmem>> -> memref<40xi32, #tpu.memory_space<vmem>>
        %dma_start3A_418 = tpu.memref_slice %arg4[%add3A_409] : memref<640000xi32, #tpu.memory_space<hbm>> -> memref<40xi32, #tpu.memory_space<hbm>>
        tpu.enqueue_dma source(%dma_start3A_418 : memref<40xi32, #tpu.memory_space<hbm>>) target(%dma_start3A_417 : memref<40xi32, #tpu.memory_space<vmem>>) target_semaphore(%arg20 : memref<!tpu.dma_semaphore, #tpu.memory_space<semaphore_mem>>)
        %dma_start3A_419 = arith.constant 2 : i32
        %dma_start3A_420 = arith.constant 0 : i32
        %dma_start3A_421 = tpu.memref_slice %arg11[%dma_start3A_419, %dma_start3A_420] : memref<4x40xi32, #tpu.memory_space<vmem>> -> memref<1x40xi32, #tpu.memory_space<vmem>>
        %dma_start3A_422 = tpu.memref_squeeze %dma_start3A_421 : memref<1x40xi32, #tpu.memory_space<vmem>> -> memref<40xi32, #tpu.memory_space<vmem>>
        %dma_start3A_423 = tpu.memref_slice %arg5[%add3A_409] : memref<640000xi32, #tpu.memory_space<hbm>> -> memref<40xi32, #tpu.memory_space<hbm>>
        %dma_start3A_424 = arith.constant 0 : i32
        %dma_start3A_425 = tpu.memref_slice %arg11[%dma_start3A_419, %dma_start3A_424] : memref<4x40xi32, #tpu.memory_space<vmem>> -> memref<1x40xi32, #tpu.memory_space<vmem>>
        %dma_start3A_426 = tpu.memref_squeeze %dma_start3A_425 : memref<1x40xi32, #tpu.memory_space<vmem>> -> memref<40xi32, #tpu.memory_space<vmem>>
        %dma_start3A_427 = tpu.memref_slice %arg5[%add3A_409] : memref<640000xi32, #tpu.memory_space<hbm>> -> memref<40xi32, #tpu.memory_space<hbm>>
        tpu.enqueue_dma source(%dma_start3A_427 : memref<40xi32, #tpu.memory_space<hbm>>) target(%dma_start3A_426 : memref<40xi32, #tpu.memory_space<vmem>>) target_semaphore(%arg20 : memref<!tpu.dma_semaphore, #tpu.memory_space<semaphore_mem>>)
        %dma_start3A_428 = arith.constant 2 : i32
        %dma_start3A_429 = arith.constant 0 : i32
        %dma_start3A_430 = tpu.memref_slice %arg12[%dma_start3A_428, %dma_start3A_429] : memref<4x40xi32, #tpu.memory_space<vmem>> -> memref<1x40xi32, #tpu.memory_space<vmem>>
        %dma_start3A_431 = tpu.memref_squeeze %dma_start3A_430 : memref<1x40xi32, #tpu.memory_space<vmem>> -> memref<40xi32, #tpu.memory_space<vmem>>
        %dma_start3A_432 = tpu.memref_slice %arg6[%add3A_406] : memref<320000xi32, #tpu.memory_space<hbm>> -> memref<40xi32, #tpu.memory_space<hbm>>
        %dma_start3A_433 = arith.constant 0 : i32
        %dma_start3A_434 = tpu.memref_slice %arg12[%dma_start3A_428, %dma_start3A_433] : memref<4x40xi32, #tpu.memory_space<vmem>> -> memref<1x40xi32, #tpu.memory_space<vmem>>
        %dma_start3A_435 = tpu.memref_squeeze %dma_start3A_434 : memref<1x40xi32, #tpu.memory_space<vmem>> -> memref<40xi32, #tpu.memory_space<vmem>>
        %dma_start3A_436 = tpu.memref_slice %arg6[%add3A_406] : memref<320000xi32, #tpu.memory_space<hbm>> -> memref<40xi32, #tpu.memory_space<hbm>>
        tpu.enqueue_dma source(%dma_start3A_436 : memref<40xi32, #tpu.memory_space<hbm>>) target(%dma_start3A_435 : memref<40xi32, #tpu.memory_space<vmem>>) target_semaphore(%arg20 : memref<!tpu.dma_semaphore, #tpu.memory_space<semaphore_mem>>)
      } else {
      }
      %dma_wait3A_178 = arith.constant 0 : i32
      %dma_wait3A_179 = arith.constant 0 : i32
      %dma_wait3A_180 = arith.constant 0 : i32
      %dma_wait3A_181 = arith.constant 0 : i32
      %dma_wait3A_182 = tpu.memref_slice %arg13[%dma_wait3A_179, %dma_wait3A_180, %dma_wait3A_181] : memref<2x40x64xf32, #tpu.memory_space<vmem>> -> memref<1x40x64xf32, #tpu.memory_space<vmem>>
      %dma_wait3A_183 = tpu.memref_squeeze %dma_wait3A_182 : memref<1x40x64xf32, #tpu.memory_space<vmem>> -> memref<40x64xf32, #tpu.memory_space<vmem>>
      %dma_wait3A_184 = arith.constant 0 : i32
      %dma_wait3A_185 = tpu.memref_slice %arg10[%dma_wait3A_178, %dma_wait3A_184] : memref<4x40xi32, #tpu.memory_space<vmem>> -> memref<1x40xi32, #tpu.memory_space<vmem>>
      %dma_wait3A_186 = tpu.memref_squeeze %dma_wait3A_185 : memref<1x40xi32, #tpu.memory_space<vmem>> -> memref<40xi32, #tpu.memory_space<vmem>>
      %dma_wait3A_187 = arith.constant 0 : i32
      %dma_wait3A_188 = arith.constant 0 : i32
      %dma_wait3A_189 = tpu.memref_slice %arg2[%dma_wait3A_187, %dma_wait3A_188] : memref<20000x64xf32, #tpu.memory_space<hbm>> -> memref<20000x64xf32, #tpu.memory_space<hbm>>
      tpu.wait_indirect_dma semaphore(%arg22 : memref<!tpu.dma_semaphore, #tpu.memory_space<semaphore_mem>>) src(%dma_wait3A_189 : memref<20000x64xf32, #tpu.memory_space<hbm>>) dst(%dma_wait3A_183 : memref<40x64xf32, #tpu.memory_space<vmem>>)
      %dma_wait3A_190 = arith.constant 0 : i32
      %dma_wait3A_191 = arith.constant 0 : i32
      %dma_wait3A_192 = arith.constant 0 : i32
      %dma_wait3A_193 = arith.constant 0 : i32
      %dma_wait3A_194 = tpu.memref_slice %arg14[%dma_wait3A_191, %dma_wait3A_192, %dma_wait3A_193] : memref<2x40x64xf32, #tpu.memory_space<vmem>> -> memref<1x40x64xf32, #tpu.memory_space<vmem>>
      %dma_wait3A_195 = tpu.memref_squeeze %dma_wait3A_194 : memref<1x40x64xf32, #tpu.memory_space<vmem>> -> memref<40x64xf32, #tpu.memory_space<vmem>>
      %dma_wait3A_196 = arith.constant 0 : i32
      %dma_wait3A_197 = tpu.memref_slice %arg11[%dma_wait3A_190, %dma_wait3A_196] : memref<4x40xi32, #tpu.memory_space<vmem>> -> memref<1x40xi32, #tpu.memory_space<vmem>>
      %dma_wait3A_198 = tpu.memref_squeeze %dma_wait3A_197 : memref<1x40xi32, #tpu.memory_space<vmem>> -> memref<40xi32, #tpu.memory_space<vmem>>
      %dma_wait3A_199 = arith.constant 0 : i32
      %dma_wait3A_200 = arith.constant 0 : i32
      %dma_wait3A_201 = tpu.memref_slice %arg3[%dma_wait3A_199, %dma_wait3A_200] : memref<640000x64xf32, #tpu.memory_space<hbm>> -> memref<640000x64xf32, #tpu.memory_space<hbm>>
      tpu.wait_indirect_dma semaphore(%arg24 : memref<!tpu.dma_semaphore, #tpu.memory_space<semaphore_mem>>) src(%dma_wait3A_201 : memref<640000x64xf32, #tpu.memory_space<hbm>>) dst(%dma_wait3A_195 : memref<40x64xf32, #tpu.memory_space<vmem>>)
      %parallel_loop3A = arith.constant 0 : i32
      %parallel_loop3A_202 = arith.constant 40 : i32
      %parallel_loop3A_203 = arith.constant 1 : i32
      scf.for %parallel_loop3A_402 = %parallel_loop3A to %parallel_loop3A_202 step %parallel_loop3A_203  : i32 {
        %parallel_loop3A_403 = arith.constant 0 : i32
        %parallel_loop3A_404 = arith.index_cast %parallel_loop3A_403 : i32 to index
        %parallel_loop3A_405 = arith.index_cast %parallel_loop3A_402 : i32 to index
        %parallel_loop3A_406 = arith.constant 0 : index
        %parallel_loop3A_407 = tpu.vector_load %arg13[%parallel_loop3A_404, %parallel_loop3A_405, %parallel_loop3A_406] {strides = array<i32>} : memref<2x40x64xf32, #tpu.memory_space<vmem>>, vector<1x1x16xf32>,
        %parallel_loop3A_408 = vector.shape_cast %parallel_loop3A_407 : vector<1x1x16xf32> to vector<16xf32>
        %parallel_loop3A_409 = arith.constant 0 : i32
        %parallel_loop3A_410 = arith.index_cast %parallel_loop3A_409 : i32 to index
        %parallel_loop3A_411 = arith.index_cast %parallel_loop3A_402 : i32 to index
        %parallel_loop3A_412 = arith.constant 0 : index
        %parallel_loop3A_413 = tpu.vector_load %arg14[%parallel_loop3A_410, %parallel_loop3A_411, %parallel_loop3A_412] {strides = array<i32>} : memref<2x40x64xf32, #tpu.memory_space<vmem>>, vector<1x1x16xf32>,
        %parallel_loop3A_414 = vector.shape_cast %parallel_loop3A_413 : vector<1x1x16xf32> to vector<16xf32>
        %parallel_loop3A_415 = arith.addf %parallel_loop3A_408, %parallel_loop3A_414 : vector<16xf32>
        %parallel_loop3A_416 = arith.constant 0.000000e+00 : f32
        %parallel_loop3A_417 = vector.broadcast %parallel_loop3A_416 : f32 to vector<16xf32>
        %parallel_loop3A_418 = arith.maximumf %parallel_loop3A_415, %parallel_loop3A_417 : vector<16xf32>
        %parallel_loop3A_419 = arith.constant 1.000000e-07 : f32
        %parallel_loop3A_420 = vector.broadcast %parallel_loop3A_419 : f32 to vector<16xf32>
        %parallel_loop3A_421 = arith.addf %parallel_loop3A_418, %parallel_loop3A_420 : vector<16xf32>
        %parallel_loop3A_422 = arith.mulf %parallel_loop3A_421, %get3A_6 : vector<16xf32>
        %parallel_loop3A_423 = math.exp %parallel_loop3A_422 : vector<16xf32>
        %parallel_loop3A_424 = arith.mulf %parallel_loop3A_423, %parallel_loop3A_421 : vector<16xf32>
        %parallel_loop3A_425 = arith.constant 0 : i32
        %parallel_loop3A_426 = arith.index_cast %parallel_loop3A_425 : i32 to index
        %parallel_loop3A_427 = arith.index_cast %parallel_loop3A_402 : i32 to index
        %parallel_loop3A_428 = arith.constant 0 : index
        %parallel_loop3A_429 = tpu.vector_load %arg15[%parallel_loop3A_426, %parallel_loop3A_427, %parallel_loop3A_428] {strides = array<i32>} : memref<2x40x128xf32, #tpu.memory_space<vmem>>, vector<1x1x16xf32>,
        %parallel_loop3A_430 = vector.shape_cast %parallel_loop3A_429 : vector<1x1x16xf32> to vector<16xf32>
        %parallel_loop3A_431 = vector.shape_cast %parallel_loop3A_424 : vector<16xf32> to vector<1x1x16xf32>
        tpu.vector_store %arg15[%parallel_loop3A_426, %parallel_loop3A_427, %parallel_loop3A_428], %parallel_loop3A_431 {strides = array<i32>} : memref<2x40x128xf32, #tpu.memory_space<vmem>>, vector<1x1x16xf32>,
        %parallel_loop3A_432 = arith.constant 0 : i32
        %parallel_loop3A_433 = arith.index_cast %parallel_loop3A_432 : i32 to index
        %parallel_loop3A_434 = arith.index_cast %parallel_loop3A_402 : i32 to index
        %parallel_loop3A_435 = arith.constant 64 : index
        %parallel_loop3A_436 = tpu.vector_load %arg15[%parallel_loop3A_433, %parallel_loop3A_434, %parallel_loop3A_435] {strides = array<i32>} : memref<2x40x128xf32, #tpu.memory_space<vmem>>, vector<1x1x16xf32>,
        %parallel_loop3A_437 = vector.shape_cast %parallel_loop3A_436 : vector<1x1x16xf32> to vector<16xf32>
        %parallel_loop3A_438 = vector.shape_cast %parallel_loop3A_423 : vector<16xf32> to vector<1x1x16xf32>
        tpu.vector_store %arg15[%parallel_loop3A_433, %parallel_loop3A_434, %parallel_loop3A_435], %parallel_loop3A_438 {strides = array<i32>} : memref<2x40x128xf32, #tpu.memory_space<vmem>>, vector<1x1x16xf32>,
        %parallel_loop3A_439 = arith.constant 0 : i32
        %parallel_loop3A_440 = arith.index_cast %parallel_loop3A_439 : i32 to index
        %parallel_loop3A_441 = arith.index_cast %parallel_loop3A_402 : i32 to index
        %parallel_loop3A_442 = arith.constant 16 : index
        %parallel_loop3A_443 = tpu.vector_load %arg13[%parallel_loop3A_440, %parallel_loop3A_441, %parallel_loop3A_442] {strides = array<i32>} : memref<2x40x64xf32, #tpu.memory_space<vmem>>, vector<1x1x16xf32>,
        %parallel_loop3A_444 = vector.shape_cast %parallel_loop3A_443 : vector<1x1x16xf32> to vector<16xf32>
        %parallel_loop3A_445 = arith.constant 0 : i32
        %parallel_loop3A_446 = arith.index_cast %parallel_loop3A_445 : i32 to index
        %parallel_loop3A_447 = arith.index_cast %parallel_loop3A_402 : i32 to index
        %parallel_loop3A_448 = arith.constant 16 : index
        %parallel_loop3A_449 = tpu.vector_load %arg14[%parallel_loop3A_446, %parallel_loop3A_447, %parallel_loop3A_448] {strides = array<i32>} : memref<2x40x64xf32, #tpu.memory_space<vmem>>, vector<1x1x16xf32>,
        %parallel_loop3A_450 = vector.shape_cast %parallel_loop3A_449 : vector<1x1x16xf32> to vector<16xf32>
        %parallel_loop3A_451 = arith.addf %parallel_loop3A_444, %parallel_loop3A_450 : vector<16xf32>
        %parallel_loop3A_452 = arith.constant 0.000000e+00 : f32
        %parallel_loop3A_453 = vector.broadcast %parallel_loop3A_452 : f32 to vector<16xf32>
        %parallel_loop3A_454 = arith.maximumf %parallel_loop3A_451, %parallel_loop3A_453 : vector<16xf32>
        %parallel_loop3A_455 = arith.constant 1.000000e-07 : f32
        %parallel_loop3A_456 = vector.broadcast %parallel_loop3A_455 : f32 to vector<16xf32>
        %parallel_loop3A_457 = arith.addf %parallel_loop3A_454, %parallel_loop3A_456 : vector<16xf32>
        %parallel_loop3A_458 = arith.mulf %parallel_loop3A_457, %get3A_6 : vector<16xf32>
        %parallel_loop3A_459 = math.exp %parallel_loop3A_458 : vector<16xf32>
        %parallel_loop3A_460 = arith.mulf %parallel_loop3A_459, %parallel_loop3A_457 : vector<16xf32>
        %parallel_loop3A_461 = arith.constant 0 : i32
        %parallel_loop3A_462 = arith.index_cast %parallel_loop3A_461 : i32 to index
        %parallel_loop3A_463 = arith.index_cast %parallel_loop3A_402 : i32 to index
        %parallel_loop3A_464 = arith.constant 16 : index
        %parallel_loop3A_465 = tpu.vector_load %arg15[%parallel_loop3A_462, %parallel_loop3A_463, %parallel_loop3A_464] {strides = array<i32>} : memref<2x40x128xf32, #tpu.memory_space<vmem>>, vector<1x1x16xf32>,
        %parallel_loop3A_466 = vector.shape_cast %parallel_loop3A_465 : vector<1x1x16xf32> to vector<16xf32>
        %parallel_loop3A_467 = vector.shape_cast %parallel_loop3A_460 : vector<16xf32> to vector<1x1x16xf32>
        tpu.vector_store %arg15[%parallel_loop3A_462, %parallel_loop3A_463, %parallel_loop3A_464], %parallel_loop3A_467 {strides = array<i32>} : memref<2x40x128xf32, #tpu.memory_space<vmem>>, vector<1x1x16xf32>,
        %parallel_loop3A_468 = arith.constant 0 : i32
        %parallel_loop3A_469 = arith.index_cast %parallel_loop3A_468 : i32 to index
        %parallel_loop3A_470 = arith.index_cast %parallel_loop3A_402 : i32 to index
        %parallel_loop3A_471 = arith.constant 80 : index
        %parallel_loop3A_472 = tpu.vector_load %arg15[%parallel_loop3A_469, %parallel_loop3A_470, %parallel_loop3A_471] {strides = array<i32>} : memref<2x40x128xf32, #tpu.memory_space<vmem>>, vector<1x1x16xf32>,
        %parallel_loop3A_473 = vector.shape_cast %parallel_loop3A_472 : vector<1x1x16xf32> to vector<16xf32>
        %parallel_loop3A_474 = vector.shape_cast %parallel_loop3A_459 : vector<16xf32> to vector<1x1x16xf32>
        tpu.vector_store %arg15[%parallel_loop3A_469, %parallel_loop3A_470, %parallel_loop3A_471], %parallel_loop3A_474 {strides = array<i32>} : memref<2x40x128xf32, #tpu.memory_space<vmem>>, vector<1x1x16xf32>,
        %parallel_loop3A_475 = arith.constant 0 : i32
        %parallel_loop3A_476 = arith.index_cast %parallel_loop3A_475 : i32 to index
        %parallel_loop3A_477 = arith.index_cast %parallel_loop3A_402 : i32 to index
        %parallel_loop3A_478 = arith.constant 32 : index
        %parallel_loop3A_479 = tpu.vector_load %arg13[%parallel_loop3A_476, %parallel_loop3A_477, %parallel_loop3A_478] {strides = array<i32>} : memref<2x40x64xf32, #tpu.memory_space<vmem>>, vector<1x1x16xf32>,
        %parallel_loop3A_480 = vector.shape_cast %parallel_loop3A_479 : vector<1x1x16xf32> to vector<16xf32>
        %parallel_loop3A_481 = arith.constant 0 : i32
        %parallel_loop3A_482 = arith.index_cast %parallel_loop3A_481 : i32 to index
        %parallel_loop3A_483 = arith.index_cast %parallel_loop3A_402 : i32 to index
        %parallel_loop3A_484 = arith.constant 32 : index
        %parallel_loop3A_485 = tpu.vector_load %arg14[%parallel_loop3A_482, %parallel_loop3A_483, %parallel_loop3A_484] {strides = array<i32>} : memref<2x40x64xf32, #tpu.memory_space<vmem>>, vector<1x1x16xf32>,
        %parallel_loop3A_486 = vector.shape_cast %parallel_loop3A_485 : vector<1x1x16xf32> to vector<16xf32>
        %parallel_loop3A_487 = arith.addf %parallel_loop3A_480, %parallel_loop3A_486 : vector<16xf32>
        %parallel_loop3A_488 = arith.constant 0.000000e+00 : f32
        %parallel_loop3A_489 = vector.broadcast %parallel_loop3A_488 : f32 to vector<16xf32>
        %parallel_loop3A_490 = arith.maximumf %parallel_loop3A_487, %parallel_loop3A_489 : vector<16xf32>
        %parallel_loop3A_491 = arith.constant 1.000000e-07 : f32
        %parallel_loop3A_492 = vector.broadcast %parallel_loop3A_491 : f32 to vector<16xf32>
        %parallel_loop3A_493 = arith.addf %parallel_loop3A_490, %parallel_loop3A_492 : vector<16xf32>
        %parallel_loop3A_494 = arith.mulf %parallel_loop3A_493, %get3A_6 : vector<16xf32>
        %parallel_loop3A_495 = math.exp %parallel_loop3A_494 : vector<16xf32>
        %parallel_loop3A_496 = arith.mulf %parallel_loop3A_495, %parallel_loop3A_493 : vector<16xf32>
        %parallel_loop3A_497 = arith.constant 0 : i32
        %parallel_loop3A_498 = arith.index_cast %parallel_loop3A_497 : i32 to index
        %parallel_loop3A_499 = arith.index_cast %parallel_loop3A_402 : i32 to index
        %parallel_loop3A_500 = arith.constant 32 : index
        %parallel_loop3A_501 = tpu.vector_load %arg15[%parallel_loop3A_498, %parallel_loop3A_499, %parallel_loop3A_500] {strides = array<i32>} : memref<2x40x128xf32, #tpu.memory_space<vmem>>, vector<1x1x16xf32>,
        %parallel_loop3A_502 = vector.shape_cast %parallel_loop3A_501 : vector<1x1x16xf32> to vector<16xf32>
        %parallel_loop3A_503 = vector.shape_cast %parallel_loop3A_496 : vector<16xf32> to vector<1x1x16xf32>
        tpu.vector_store %arg15[%parallel_loop3A_498, %parallel_loop3A_499, %parallel_loop3A_500], %parallel_loop3A_503 {strides = array<i32>} : memref<2x40x128xf32, #tpu.memory_space<vmem>>, vector<1x1x16xf32>,
        %parallel_loop3A_504 = arith.constant 0 : i32
        %parallel_loop3A_505 = arith.index_cast %parallel_loop3A_504 : i32 to index
        %parallel_loop3A_506 = arith.index_cast %parallel_loop3A_402 : i32 to index
        %parallel_loop3A_507 = arith.constant 96 : index
        %parallel_loop3A_508 = tpu.vector_load %arg15[%parallel_loop3A_505, %parallel_loop3A_506, %parallel_loop3A_507] {strides = array<i32>} : memref<2x40x128xf32, #tpu.memory_space<vmem>>, vector<1x1x16xf32>,
        %parallel_loop3A_509 = vector.shape_cast %parallel_loop3A_508 : vector<1x1x16xf32> to vector<16xf32>
        %parallel_loop3A_510 = vector.shape_cast %parallel_loop3A_495 : vector<16xf32> to vector<1x1x16xf32>
        tpu.vector_store %arg15[%parallel_loop3A_505, %parallel_loop3A_506, %parallel_loop3A_507], %parallel_loop3A_510 {strides = array<i32>} : memref<2x40x128xf32, #tpu.memory_space<vmem>>, vector<1x1x16xf32>,
        %parallel_loop3A_511 = arith.constant 0 : i32
        %parallel_loop3A_512 = arith.index_cast %parallel_loop3A_511 : i32 to index
        %parallel_loop3A_513 = arith.index_cast %parallel_loop3A_402 : i32 to index
        %parallel_loop3A_514 = arith.constant 48 : index
        %parallel_loop3A_515 = tpu.vector_load %arg13[%parallel_loop3A_512, %parallel_loop3A_513, %parallel_loop3A_514] {strides = array<i32>} : memref<2x40x64xf32, #tpu.memory_space<vmem>>, vector<1x1x16xf32>,
        %parallel_loop3A_516 = vector.shape_cast %parallel_loop3A_515 : vector<1x1x16xf32> to vector<16xf32>
        %parallel_loop3A_517 = arith.constant 0 : i32
        %parallel_loop3A_518 = arith.index_cast %parallel_loop3A_517 : i32 to index
        %parallel_loop3A_519 = arith.index_cast %parallel_loop3A_402 : i32 to index
        %parallel_loop3A_520 = arith.constant 48 : index
        %parallel_loop3A_521 = tpu.vector_load %arg14[%parallel_loop3A_518, %parallel_loop3A_519, %parallel_loop3A_520] {strides = array<i32>} : memref<2x40x64xf32, #tpu.memory_space<vmem>>, vector<1x1x16xf32>,
        %parallel_loop3A_522 = vector.shape_cast %parallel_loop3A_521 : vector<1x1x16xf32> to vector<16xf32>
        %parallel_loop3A_523 = arith.addf %parallel_loop3A_516, %parallel_loop3A_522 : vector<16xf32>
        %parallel_loop3A_524 = arith.constant 0.000000e+00 : f32
        %parallel_loop3A_525 = vector.broadcast %parallel_loop3A_524 : f32 to vector<16xf32>
        %parallel_loop3A_526 = arith.maximumf %parallel_loop3A_523, %parallel_loop3A_525 : vector<16xf32>
        %parallel_loop3A_527 = arith.constant 1.000000e-07 : f32
        %parallel_loop3A_528 = vector.broadcast %parallel_loop3A_527 : f32 to vector<16xf32>
        %parallel_loop3A_529 = arith.addf %parallel_loop3A_526, %parallel_loop3A_528 : vector<16xf32>
        %parallel_loop3A_530 = arith.mulf %parallel_loop3A_529, %get3A_6 : vector<16xf32>
        %parallel_loop3A_531 = math.exp %parallel_loop3A_530 : vector<16xf32>
        %parallel_loop3A_532 = arith.mulf %parallel_loop3A_531, %parallel_loop3A_529 : vector<16xf32>
        %parallel_loop3A_533 = arith.constant 0 : i32
        %parallel_loop3A_534 = arith.index_cast %parallel_loop3A_533 : i32 to index
        %parallel_loop3A_535 = arith.index_cast %parallel_loop3A_402 : i32 to index
        %parallel_loop3A_536 = arith.constant 48 : index
        %parallel_loop3A_537 = tpu.vector_load %arg15[%parallel_loop3A_534, %parallel_loop3A_535, %parallel_loop3A_536] {strides = array<i32>} : memref<2x40x128xf32, #tpu.memory_space<vmem>>, vector<1x1x16xf32>,
        %parallel_loop3A_538 = vector.shape_cast %parallel_loop3A_537 : vector<1x1x16xf32> to vector<16xf32>
        %parallel_loop3A_539 = vector.shape_cast %parallel_loop3A_532 : vector<16xf32> to vector<1x1x16xf32>
        tpu.vector_store %arg15[%parallel_loop3A_534, %parallel_loop3A_535, %parallel_loop3A_536], %parallel_loop3A_539 {strides = array<i32>} : memref<2x40x128xf32, #tpu.memory_space<vmem>>, vector<1x1x16xf32>,
        %parallel_loop3A_540 = arith.constant 0 : i32
        %parallel_loop3A_541 = arith.index_cast %parallel_loop3A_540 : i32 to index
        %parallel_loop3A_542 = arith.index_cast %parallel_loop3A_402 : i32 to index
        %parallel_loop3A_543 = arith.constant 112 : index
        %parallel_loop3A_544 = tpu.vector_load %arg15[%parallel_loop3A_541, %parallel_loop3A_542, %parallel_loop3A_543] {strides = array<i32>} : memref<2x40x128xf32, #tpu.memory_space<vmem>>, vector<1x1x16xf32>,
        %parallel_loop3A_545 = vector.shape_cast %parallel_loop3A_544 : vector<1x1x16xf32> to vector<16xf32>
        %parallel_loop3A_546 = vector.shape_cast %parallel_loop3A_531 : vector<16xf32> to vector<1x1x16xf32>
        tpu.vector_store %arg15[%parallel_loop3A_541, %parallel_loop3A_542, %parallel_loop3A_543], %parallel_loop3A_546 {strides = array<i32>} : memref<2x40x128xf32, #tpu.memory_space<vmem>>, vector<1x1x16xf32>,
      } {sc.loop_unroll_factor = 8 : i64, sc.parallel_access}
      %dma_start3A_204 = arith.constant 0 : i32
      %dma_start3A_205 = arith.constant 0 : i32
      %dma_start3A_206 = arith.constant 0 : i32
      %dma_start3A_207 = arith.constant 0 : i32
      %dma_start3A_208 = tpu.memref_slice %arg15[%dma_start3A_204, %dma_start3A_206, %dma_start3A_207] : memref<2x40x128xf32, #tpu.memory_space<vmem>> -> memref<1x40x128xf32, #tpu.memory_space<vmem>>
      %dma_start3A_209 = tpu.memref_squeeze %dma_start3A_208 : memref<1x40x128xf32, #tpu.memory_space<vmem>> -> memref<40x128xf32, #tpu.memory_space<vmem>>
      %dma_start3A_210 = arith.constant 0 : i32
      %dma_start3A_211 = tpu.memref_slice %arg12[%dma_start3A_205, %dma_start3A_210] : memref<4x40xi32, #tpu.memory_space<vmem>> -> memref<1x40xi32, #tpu.memory_space<vmem>>
      %dma_start3A_212 = tpu.memref_squeeze %dma_start3A_211 : memref<1x40xi32, #tpu.memory_space<vmem>> -> memref<40xi32, #tpu.memory_space<vmem>>
      %dma_start3A_213 = arith.constant 0 : i32
      %dma_start3A_214 = arith.constant 0 : i32
      %dma_start3A_215 = tpu.memref_slice %arg17[%dma_start3A_213, %dma_start3A_214] : memref<10240x128xf32, #tpu.memory_space<vmem_shared>> -> memref<10240x128xf32, #tpu.memory_space<vmem_shared>>
      tpu.enqueue_indirect_dma source(%dma_start3A_209 : memref<40x128xf32, #tpu.memory_space<vmem>>) target(%dma_start3A_215 : memref<10240x128xf32, #tpu.memory_space<vmem_shared>>) offsets(%dma_start3A_212 : memref<40xi32, #tpu.memory_space<vmem>>) semaphore(%arg26 : memref<!tpu.dma_semaphore, #tpu.memory_space<semaphore_mem>>) {add = true}
      %mul3A_216 = arith.constant 4 : i32
      %mul3A_217 = arith.muli %mul3A_216, %scan3A_158 : i32
      %add3A_218 = arith.constant 1 : i32
      %add3A_219 = arith.addi %mul3A_217, %add3A_218 : i32
      %add3A_220 = arith.constant 1 : i32
      %add3A_221 = arith.addi %add3A_219, %add3A_220 : i32
      %lt3A_222 = arith.constant 500 : i32
      %lt3A_223 = arith.cmpi slt, %add3A_221, %lt3A_222 : i32
      %convert_element_type3A_224 = arith.extui %lt3A_223 : i1 to i32
      %cond3A_225 = arith.constant 0 : i32
      %cond3A_226 = arith.cmpi ne, %convert_element_type3A_224, %cond3A_225 : i32
      scf.if %cond3A_226 {
        %add3A_402 = arith.constant 1 : i32
        %add3A_403 = arith.addi %add3A_219, %add3A_402 : i32
        %mul3A_404 = arith.constant 40 : i32
        %mul3A_405 = arith.muli %add3A_403, %mul3A_404 : i32
        %add3A_406 = arith.addi %mul3A_0, %mul3A_405 : i32
        %mul3A_407 = arith.constant 320000 : i32
        %mul3A_408 = arith.muli %arg0, %mul3A_407 : i32
        %add3A_409 = arith.addi %mul3A_408, %add3A_406 : i32
        %dma_wait3A_410 = arith.constant 2 : i32
        %dma_wait3A_411 = arith.constant 0 : i32
        %dma_wait3A_412 = tpu.memref_slice %arg10[%dma_wait3A_410, %dma_wait3A_411] : memref<4x40xi32, #tpu.memory_space<vmem>> -> memref<1x40xi32, #tpu.memory_space<vmem>>
        %dma_wait3A_413 = tpu.memref_squeeze %dma_wait3A_412 : memref<1x40xi32, #tpu.memory_space<vmem>> -> memref<40xi32, #tpu.memory_space<vmem>>
        %dma_wait3A_414 = tpu.memref_slice %arg4[%add3A_409] : memref<640000xi32, #tpu.memory_space<hbm>> -> memref<40xi32, #tpu.memory_space<hbm>>
        %dma_wait3A_415 = arith.constant 0 : i32
        %dma_wait3A_416 = tpu.memref_slice %arg10[%dma_wait3A_410, %dma_wait3A_415] : memref<4x40xi32, #tpu.memory_space<vmem>> -> memref<1x40xi32, #tpu.memory_space<vmem>>
        %dma_wait3A_417 = tpu.memref_squeeze %dma_wait3A_416 : memref<1x40xi32, #tpu.memory_space<vmem>> -> memref<40xi32, #tpu.memory_space<vmem>>
        %dma_wait3A_418 = tpu.memref_slice %arg4[%add3A_409] : memref<640000xi32, #tpu.memory_space<hbm>> -> memref<40xi32, #tpu.memory_space<hbm>>
        tpu.wait_dma2 semaphore(%arg20 : memref<!tpu.dma_semaphore, #tpu.memory_space<semaphore_mem>>) src(%dma_wait3A_418 : memref<40xi32, #tpu.memory_space<hbm>>) dst(%dma_wait3A_417 : memref<40xi32, #tpu.memory_space<vmem>>)
        %dma_wait3A_419 = arith.constant 2 : i32
        %dma_wait3A_420 = arith.constant 0 : i32
        %dma_wait3A_421 = tpu.memref_slice %arg11[%dma_wait3A_419, %dma_wait3A_420] : memref<4x40xi32, #tpu.memory_space<vmem>> -> memref<1x40xi32, #tpu.memory_space<vmem>>
        %dma_wait3A_422 = tpu.memref_squeeze %dma_wait3A_421 : memref<1x40xi32, #tpu.memory_space<vmem>> -> memref<40xi32, #tpu.memory_space<vmem>>
        %dma_wait3A_423 = tpu.memref_slice %arg5[%add3A_409] : memref<640000xi32, #tpu.memory_space<hbm>> -> memref<40xi32, #tpu.memory_space<hbm>>
        %dma_wait3A_424 = arith.constant 0 : i32
        %dma_wait3A_425 = tpu.memref_slice %arg11[%dma_wait3A_419, %dma_wait3A_424] : memref<4x40xi32, #tpu.memory_space<vmem>> -> memref<1x40xi32, #tpu.memory_space<vmem>>
        %dma_wait3A_426 = tpu.memref_squeeze %dma_wait3A_425 : memref<1x40xi32, #tpu.memory_space<vmem>> -> memref<40xi32, #tpu.memory_space<vmem>>
        %dma_wait3A_427 = tpu.memref_slice %arg5[%add3A_409] : memref<640000xi32, #tpu.memory_space<hbm>> -> memref<40xi32, #tpu.memory_space<hbm>>
        tpu.wait_dma2 semaphore(%arg20 : memref<!tpu.dma_semaphore, #tpu.memory_space<semaphore_mem>>) src(%dma_wait3A_427 : memref<40xi32, #tpu.memory_space<hbm>>) dst(%dma_wait3A_426 : memref<40xi32, #tpu.memory_space<vmem>>)
        %dma_wait3A_428 = arith.constant 2 : i32
        %dma_wait3A_429 = arith.constant 0 : i32
        %dma_wait3A_430 = tpu.memref_slice %arg12[%dma_wait3A_428, %dma_wait3A_429] : memref<4x40xi32, #tpu.memory_space<vmem>> -> memref<1x40xi32, #tpu.memory_space<vmem>>
        %dma_wait3A_431 = tpu.memref_squeeze %dma_wait3A_430 : memref<1x40xi32, #tpu.memory_space<vmem>> -> memref<40xi32, #tpu.memory_space<vmem>>
        %dma_wait3A_432 = tpu.memref_slice %arg6[%add3A_406] : memref<320000xi32, #tpu.memory_space<hbm>> -> memref<40xi32, #tpu.memory_space<hbm>>
        %dma_wait3A_433 = arith.constant 0 : i32
        %dma_wait3A_434 = tpu.memref_slice %arg12[%dma_wait3A_428, %dma_wait3A_433] : memref<4x40xi32, #tpu.memory_space<vmem>> -> memref<1x40xi32, #tpu.memory_space<vmem>>
        %dma_wait3A_435 = tpu.memref_squeeze %dma_wait3A_434 : memref<1x40xi32, #tpu.memory_space<vmem>> -> memref<40xi32, #tpu.memory_space<vmem>>
        %dma_wait3A_436 = tpu.memref_slice %arg6[%add3A_406] : memref<320000xi32, #tpu.memory_space<hbm>> -> memref<40xi32, #tpu.memory_space<hbm>>
        tpu.wait_dma2 semaphore(%arg20 : memref<!tpu.dma_semaphore, #tpu.memory_space<semaphore_mem>>) src(%dma_wait3A_436 : memref<40xi32, #tpu.memory_space<hbm>>) dst(%dma_wait3A_435 : memref<40xi32, #tpu.memory_space<vmem>>)
        %add3A_437 = arith.constant 1 : i32
        %add3A_438 = arith.addi %add3A_219, %add3A_437 : i32
        %dma_start3A_439 = arith.constant 2 : i32
        %dma_start3A_440 = arith.constant 0 : i32
        %dma_start3A_441 = arith.constant 0 : i32
        %dma_start3A_442 = arith.constant 0 : i32
        %dma_start3A_443 = tpu.memref_slice %arg13[%dma_start3A_440, %dma_start3A_441, %dma_start3A_442] : memref<2x40x64xf32, #tpu.memory_space<vmem>> -> memref<1x40x64xf32, #tpu.memory_space<vmem>>
        %dma_start3A_444 = tpu.memref_squeeze %dma_start3A_443 : memref<1x40x64xf32, #tpu.memory_space<vmem>> -> memref<40x64xf32, #tpu.memory_space<vmem>>
        %dma_start3A_445 = arith.constant 0 : i32
        %dma_start3A_446 = tpu.memref_slice %arg10[%dma_start3A_439, %dma_start3A_445] : memref<4x40xi32, #tpu.memory_space<vmem>> -> memref<1x40xi32, #tpu.memory_space<vmem>>
        %dma_start3A_447 = tpu.memref_squeeze %dma_start3A_446 : memref<1x40xi32, #tpu.memory_space<vmem>> -> memref<40xi32, #tpu.memory_space<vmem>>
        %dma_start3A_448 = arith.constant 0 : i32
        %dma_start3A_449 = arith.constant 0 : i32
        %dma_start3A_450 = tpu.memref_slice %arg2[%dma_start3A_448, %dma_start3A_449] : memref<20000x64xf32, #tpu.memory_space<hbm>> -> memref<20000x64xf32, #tpu.memory_space<hbm>>
        tpu.enqueue_indirect_dma source(%dma_start3A_450 : memref<20000x64xf32, #tpu.memory_space<hbm>>) target(%dma_start3A_444 : memref<40x64xf32, #tpu.memory_space<vmem>>) offsets(%dma_start3A_447 : memref<40xi32, #tpu.memory_space<vmem>>) semaphore(%arg22 : memref<!tpu.dma_semaphore, #tpu.memory_space<semaphore_mem>>)
        %dma_start3A_451 = arith.constant 2 : i32
        %dma_start3A_452 = arith.constant 0 : i32
        %dma_start3A_453 = arith.constant 0 : i32
        %dma_start3A_454 = arith.constant 0 : i32
        %dma_start3A_455 = tpu.memref_slice %arg14[%dma_start3A_452, %dma_start3A_453, %dma_start3A_454] : memref<2x40x64xf32, #tpu.memory_space<vmem>> -> memref<1x40x64xf32, #tpu.memory_space<vmem>>
        %dma_start3A_456 = tpu.memref_squeeze %dma_start3A_455 : memref<1x40x64xf32, #tpu.memory_space<vmem>> -> memref<40x64xf32, #tpu.memory_space<vmem>>
        %dma_start3A_457 = arith.constant 0 : i32
        %dma_start3A_458 = tpu.memref_slice %arg11[%dma_start3A_451, %dma_start3A_457] : memref<4x40xi32, #tpu.memory_space<vmem>> -> memref<1x40xi32, #tpu.memory_space<vmem>>
        %dma_start3A_459 = tpu.memref_squeeze %dma_start3A_458 : memref<1x40xi32, #tpu.memory_space<vmem>> -> memref<40xi32, #tpu.memory_space<vmem>>
        %dma_start3A_460 = arith.constant 0 : i32
        %dma_start3A_461 = arith.constant 0 : i32
        %dma_start3A_462 = tpu.memref_slice %arg3[%dma_start3A_460, %dma_start3A_461] : memref<640000x64xf32, #tpu.memory_space<hbm>> -> memref<640000x64xf32, #tpu.memory_space<hbm>>
        tpu.enqueue_indirect_dma source(%dma_start3A_462 : memref<640000x64xf32, #tpu.memory_space<hbm>>) target(%dma_start3A_456 : memref<40x64xf32, #tpu.memory_space<vmem>>) offsets(%dma_start3A_459 : memref<40xi32, #tpu.memory_space<vmem>>) semaphore(%arg24 : memref<!tpu.dma_semaphore, #tpu.memory_space<semaphore_mem>>)
      } else {
      }
      %ge3A_227 = arith.constant 2 : i32
      %ge3A_228 = arith.cmpi sge, %add3A_219, %ge3A_227 : i32
      %convert_element_type3A_229 = arith.extui %ge3A_228 : i1 to i32
      %cond3A_230 = arith.constant 0 : i32
      %cond3A_231 = arith.cmpi ne, %convert_element_type3A_229, %cond3A_230 : i32
      scf.if %cond3A_231 {
        %dma_wait3A_402 = arith.constant 1 : i32
        %dma_wait3A_403 = arith.constant 3 : i32
        %dma_wait3A_404 = arith.constant 0 : i32
        %dma_wait3A_405 = arith.constant 0 : i32
        %dma_wait3A_406 = tpu.memref_slice %arg15[%dma_wait3A_402, %dma_wait3A_404, %dma_wait3A_405] : memref<2x40x128xf32, #tpu.memory_space<vmem>> -> memref<1x40x128xf32, #tpu.memory_space<vmem>>
        %dma_wait3A_407 = tpu.memref_squeeze %dma_wait3A_406 : memref<1x40x128xf32, #tpu.memory_space<vmem>> -> memref<40x128xf32, #tpu.memory_space<vmem>>
        %dma_wait3A_408 = arith.constant 0 : i32
        %dma_wait3A_409 = tpu.memref_slice %arg12[%dma_wait3A_403, %dma_wait3A_408] : memref<4x40xi32, #tpu.memory_space<vmem>> -> memref<1x40xi32, #tpu.memory_space<vmem>>
        %dma_wait3A_410 = tpu.memref_squeeze %dma_wait3A_409 : memref<1x40xi32, #tpu.memory_space<vmem>> -> memref<40xi32, #tpu.memory_space<vmem>>
        %dma_wait3A_411 = arith.constant 0 : i32
        %dma_wait3A_412 = arith.constant 0 : i32
        %dma_wait3A_413 = tpu.memref_slice %arg17[%dma_wait3A_411, %dma_wait3A_412] : memref<10240x128xf32, #tpu.memory_space<vmem_shared>> -> memref<10240x128xf32, #tpu.memory_space<vmem_shared>>
        tpu.wait_indirect_dma semaphore(%arg27 : memref<!tpu.dma_semaphore, #tpu.memory_space<semaphore_mem>>) src(%dma_wait3A_407 : memref<40x128xf32, #tpu.memory_space<vmem>>) dst(%dma_wait3A_413 : memref<10240x128xf32, #tpu.memory_space<vmem_shared>>)
      } else {
      }
      %add3A_232 = arith.constant 2 : i32
      %add3A_233 = arith.addi %add3A_219, %add3A_232 : i32
      %lt3A_234 = arith.constant 500 : i32
      %lt3A_235 = arith.cmpi slt, %add3A_233, %lt3A_234 : i32
      %convert_element_type3A_236 = arith.extui %lt3A_235 : i1 to i32
      %cond3A_237 = arith.constant 0 : i32
      %cond3A_238 = arith.cmpi ne, %convert_element_type3A_236, %cond3A_237 : i32
      scf.if %cond3A_238 {
        %add3A_402 = arith.constant 2 : i32
        %add3A_403 = arith.addi %add3A_219, %add3A_402 : i32
        %mul3A_404 = arith.constant 40 : i32
        %mul3A_405 = arith.muli %add3A_403, %mul3A_404 : i32
        %add3A_406 = arith.addi %mul3A_0, %mul3A_405 : i32
        %mul3A_407 = arith.constant 320000 : i32
        %mul3A_408 = arith.muli %arg0, %mul3A_407 : i32
        %add3A_409 = arith.addi %mul3A_408, %add3A_406 : i32
        %dma_start3A_410 = arith.constant 3 : i32
        %dma_start3A_411 = arith.constant 0 : i32
        %dma_start3A_412 = tpu.memref_slice %arg10[%dma_start3A_410, %dma_start3A_411] : memref<4x40xi32, #tpu.memory_space<vmem>> -> memref<1x40xi32, #tpu.memory_space<vmem>>
        %dma_start3A_413 = tpu.memref_squeeze %dma_start3A_412 : memref<1x40xi32, #tpu.memory_space<vmem>> -> memref<40xi32, #tpu.memory_space<vmem>>
        %dma_start3A_414 = tpu.memref_slice %arg4[%add3A_409] : memref<640000xi32, #tpu.memory_space<hbm>> -> memref<40xi32, #tpu.memory_space<hbm>>
        %dma_start3A_415 = arith.constant 0 : i32
        %dma_start3A_416 = tpu.memref_slice %arg10[%dma_start3A_410, %dma_start3A_415] : memref<4x40xi32, #tpu.memory_space<vmem>> -> memref<1x40xi32, #tpu.memory_space<vmem>>
        %dma_start3A_417 = tpu.memref_squeeze %dma_start3A_416 : memref<1x40xi32, #tpu.memory_space<vmem>> -> memref<40xi32, #tpu.memory_space<vmem>>
        %dma_start3A_418 = tpu.memref_slice %arg4[%add3A_409] : memref<640000xi32, #tpu.memory_space<hbm>> -> memref<40xi32, #tpu.memory_space<hbm>>
        tpu.enqueue_dma source(%dma_start3A_418 : memref<40xi32, #tpu.memory_space<hbm>>) target(%dma_start3A_417 : memref<40xi32, #tpu.memory_space<vmem>>) target_semaphore(%arg21 : memref<!tpu.dma_semaphore, #tpu.memory_space<semaphore_mem>>)
        %dma_start3A_419 = arith.constant 3 : i32
        %dma_start3A_420 = arith.constant 0 : i32
        %dma_start3A_421 = tpu.memref_slice %arg11[%dma_start3A_419, %dma_start3A_420] : memref<4x40xi32, #tpu.memory_space<vmem>> -> memref<1x40xi32, #tpu.memory_space<vmem>>
        %dma_start3A_422 = tpu.memref_squeeze %dma_start3A_421 : memref<1x40xi32, #tpu.memory_space<vmem>> -> memref<40xi32, #tpu.memory_space<vmem>>
        %dma_start3A_423 = tpu.memref_slice %arg5[%add3A_409] : memref<640000xi32, #tpu.memory_space<hbm>> -> memref<40xi32, #tpu.memory_space<hbm>>
        %dma_start3A_424 = arith.constant 0 : i32
        %dma_start3A_425 = tpu.memref_slice %arg11[%dma_start3A_419, %dma_start3A_424] : memref<4x40xi32, #tpu.memory_space<vmem>> -> memref<1x40xi32, #tpu.memory_space<vmem>>
        %dma_start3A_426 = tpu.memref_squeeze %dma_start3A_425 : memref<1x40xi32, #tpu.memory_space<vmem>> -> memref<40xi32, #tpu.memory_space<vmem>>
        %dma_start3A_427 = tpu.memref_slice %arg5[%add3A_409] : memref<640000xi32, #tpu.memory_space<hbm>> -> memref<40xi32, #tpu.memory_space<hbm>>
        tpu.enqueue_dma source(%dma_start3A_427 : memref<40xi32, #tpu.memory_space<hbm>>) target(%dma_start3A_426 : memref<40xi32, #tpu.memory_space<vmem>>) target_semaphore(%arg21 : memref<!tpu.dma_semaphore, #tpu.memory_space<semaphore_mem>>)
        %dma_start3A_428 = arith.constant 3 : i32
        %dma_start3A_429 = arith.constant 0 : i32
        %dma_start3A_430 = tpu.memref_slice %arg12[%dma_start3A_428, %dma_start3A_429] : memref<4x40xi32, #tpu.memory_space<vmem>> -> memref<1x40xi32, #tpu.memory_space<vmem>>
        %dma_start3A_431 = tpu.memref_squeeze %dma_start3A_430 : memref<1x40xi32, #tpu.memory_space<vmem>> -> memref<40xi32, #tpu.memory_space<vmem>>
        %dma_start3A_432 = tpu.memref_slice %arg6[%add3A_406] : memref<320000xi32, #tpu.memory_space<hbm>> -> memref<40xi32, #tpu.memory_space<hbm>>
        %dma_start3A_433 = arith.constant 0 : i32
        %dma_start3A_434 = tpu.memref_slice %arg12[%dma_start3A_428, %dma_start3A_433] : memref<4x40xi32, #tpu.memory_space<vmem>> -> memref<1x40xi32, #tpu.memory_space<vmem>>
        %dma_start3A_435 = tpu.memref_squeeze %dma_start3A_434 : memref<1x40xi32, #tpu.memory_space<vmem>> -> memref<40xi32, #tpu.memory_space<vmem>>
        %dma_start3A_436 = tpu.memref_slice %arg6[%add3A_406] : memref<320000xi32, #tpu.memory_space<hbm>> -> memref<40xi32, #tpu.memory_space<hbm>>
        tpu.enqueue_dma source(%dma_start3A_436 : memref<40xi32, #tpu.memory_space<hbm>>) target(%dma_start3A_435 : memref<40xi32, #tpu.memory_space<vmem>>) target_semaphore(%arg21 : memref<!tpu.dma_semaphore, #tpu.memory_space<semaphore_mem>>)
      } else {
      }
      %dma_wait3A_239 = arith.constant 1 : i32
      %dma_wait3A_240 = arith.constant 1 : i32
      %dma_wait3A_241 = arith.constant 0 : i32
      %dma_wait3A_242 = arith.constant 0 : i32
      %dma_wait3A_243 = tpu.memref_slice %arg13[%dma_wait3A_240, %dma_wait3A_241, %dma_wait3A_242] : memref<2x40x64xf32, #tpu.memory_space<vmem>> -> memref<1x40x64xf32, #tpu.memory_space<vmem>>
      %dma_wait3A_244 = tpu.memref_squeeze %dma_wait3A_243 : memref<1x40x64xf32, #tpu.memory_space<vmem>> -> memref<40x64xf32, #tpu.memory_space<vmem>>
      %dma_wait3A_245 = arith.constant 0 : i32
      %dma_wait3A_246 = tpu.memref_slice %arg10[%dma_wait3A_239, %dma_wait3A_245] : memref<4x40xi32, #tpu.memory_space<vmem>> -> memref<1x40xi32, #tpu.memory_space<vmem>>
      %dma_wait3A_247 = tpu.memref_squeeze %dma_wait3A_246 : memref<1x40xi32, #tpu.memory_space<vmem>> -> memref<40xi32, #tpu.memory_space<vmem>>
      %dma_wait3A_248 = arith.constant 0 : i32
      %dma_wait3A_249 = arith.constant 0 : i32
      %dma_wait3A_250 = tpu.memref_slice %arg2[%dma_wait3A_248, %dma_wait3A_249] : memref<20000x64xf32, #tpu.memory_space<hbm>> -> memref<20000x64xf32, #tpu.memory_space<hbm>>
      tpu.wait_indirect_dma semaphore(%arg23 : memref<!tpu.dma_semaphore, #tpu.memory_space<semaphore_mem>>) src(%dma_wait3A_250 : memref<20000x64xf32, #tpu.memory_space<hbm>>) dst(%dma_wait3A_244 : memref<40x64xf32, #tpu.memory_space<vmem>>)
      %dma_wait3A_251 = arith.constant 1 : i32
      %dma_wait3A_252 = arith.constant 1 : i32
      %dma_wait3A_253 = arith.constant 0 : i32
      %dma_wait3A_254 = arith.constant 0 : i32
      %dma_wait3A_255 = tpu.memref_slice %arg14[%dma_wait3A_252, %dma_wait3A_253, %dma_wait3A_254] : memref<2x40x64xf32, #tpu.memory_space<vmem>> -> memref<1x40x64xf32, #tpu.memory_space<vmem>>
      %dma_wait3A_256 = tpu.memref_squeeze %dma_wait3A_255 : memref<1x40x64xf32, #tpu.memory_space<vmem>> -> memref<40x64xf32, #tpu.memory_space<vmem>>
      %dma_wait3A_257 = arith.constant 0 : i32
      %dma_wait3A_258 = tpu.memref_slice %arg11[%dma_wait3A_251, %dma_wait3A_257] : memref<4x40xi32, #tpu.memory_space<vmem>> -> memref<1x40xi32, #tpu.memory_space<vmem>>
      %dma_wait3A_259 = tpu.memref_squeeze %dma_wait3A_258 : memref<1x40xi32, #tpu.memory_space<vmem>> -> memref<40xi32, #tpu.memory_space<vmem>>
      %dma_wait3A_260 = arith.constant 0 : i32
      %dma_wait3A_261 = arith.constant 0 : i32
      %dma_wait3A_262 = tpu.memref_slice %arg3[%dma_wait3A_260, %dma_wait3A_261] : memref<640000x64xf32, #tpu.memory_space<hbm>> -> memref<640000x64xf32, #tpu.memory_space<hbm>>
      tpu.wait_indirect_dma semaphore(%arg25 : memref<!tpu.dma_semaphore, #tpu.memory_space<semaphore_mem>>) src(%dma_wait3A_262 : memref<640000x64xf32, #tpu.memory_space<hbm>>) dst(%dma_wait3A_256 : memref<40x64xf32, #tpu.memory_space<vmem>>)
      %parallel_loop3A_263 = arith.constant 0 : i32
      %parallel_loop3A_264 = arith.constant 40 : i32
      %parallel_loop3A_265 = arith.constant 1 : i32
      scf.for %parallel_loop3A_402 = %parallel_loop3A_263 to %parallel_loop3A_264 step %parallel_loop3A_265  : i32 {
        %parallel_loop3A_403 = arith.constant 1 : i32
        %parallel_loop3A_404 = arith.index_cast %parallel_loop3A_403 : i32 to index
        %parallel_loop3A_405 = arith.index_cast %parallel_loop3A_402 : i32 to index
        %parallel_loop3A_406 = arith.constant 0 : index
        %parallel_loop3A_407 = tpu.vector_load %arg13[%parallel_loop3A_404, %parallel_loop3A_405, %parallel_loop3A_406] {strides = array<i32>} : memref<2x40x64xf32, #tpu.memory_space<vmem>>, vector<1x1x16xf32>,
        %parallel_loop3A_408 = vector.shape_cast %parallel_loop3A_407 : vector<1x1x16xf32> to vector<16xf32>
        %parallel_loop3A_409 = arith.constant 1 : i32
        %parallel_loop3A_410 = arith.index_cast %parallel_loop3A_409 : i32 to index
        %parallel_loop3A_411 = arith.index_cast %parallel_loop3A_402 : i32 to index
        %parallel_loop3A_412 = arith.constant 0 : index
        %parallel_loop3A_413 = tpu.vector_load %arg14[%parallel_loop3A_410, %parallel_loop3A_411, %parallel_loop3A_412] {strides = array<i32>} : memref<2x40x64xf32, #tpu.memory_space<vmem>>, vector<1x1x16xf32>,
        %parallel_loop3A_414 = vector.shape_cast %parallel_loop3A_413 : vector<1x1x16xf32> to vector<16xf32>
        %parallel_loop3A_415 = arith.addf %parallel_loop3A_408, %parallel_loop3A_414 : vector<16xf32>
        %parallel_loop3A_416 = arith.constant 0.000000e+00 : f32
        %parallel_loop3A_417 = vector.broadcast %parallel_loop3A_416 : f32 to vector<16xf32>
        %parallel_loop3A_418 = arith.maximumf %parallel_loop3A_415, %parallel_loop3A_417 : vector<16xf32>
        %parallel_loop3A_419 = arith.constant 1.000000e-07 : f32
        %parallel_loop3A_420 = vector.broadcast %parallel_loop3A_419 : f32 to vector<16xf32>
        %parallel_loop3A_421 = arith.addf %parallel_loop3A_418, %parallel_loop3A_420 : vector<16xf32>
        %parallel_loop3A_422 = arith.mulf %parallel_loop3A_421, %get3A_6 : vector<16xf32>
        %parallel_loop3A_423 = math.exp %parallel_loop3A_422 : vector<16xf32>
        %parallel_loop3A_424 = arith.mulf %parallel_loop3A_423, %parallel_loop3A_421 : vector<16xf32>
        %parallel_loop3A_425 = arith.constant 1 : i32
        %parallel_loop3A_426 = arith.index_cast %parallel_loop3A_425 : i32 to index
        %parallel_loop3A_427 = arith.index_cast %parallel_loop3A_402 : i32 to index
        %parallel_loop3A_428 = arith.constant 0 : index
        %parallel_loop3A_429 = tpu.vector_load %arg15[%parallel_loop3A_426, %parallel_loop3A_427, %parallel_loop3A_428] {strides = array<i32>} : memref<2x40x128xf32, #tpu.memory_space<vmem>>, vector<1x1x16xf32>,
        %parallel_loop3A_430 = vector.shape_cast %parallel_loop3A_429 : vector<1x1x16xf32> to vector<16xf32>
        %parallel_loop3A_431 = vector.shape_cast %parallel_loop3A_424 : vector<16xf32> to vector<1x1x16xf32>
        tpu.vector_store %arg15[%parallel_loop3A_426, %parallel_loop3A_427, %parallel_loop3A_428], %parallel_loop3A_431 {strides = array<i32>} : memref<2x40x128xf32, #tpu.memory_space<vmem>>, vector<1x1x16xf32>,
        %parallel_loop3A_432 = arith.constant 1 : i32
        %parallel_loop3A_433 = arith.index_cast %parallel_loop3A_432 : i32 to index
        %parallel_loop3A_434 = arith.index_cast %parallel_loop3A_402 : i32 to index
        %parallel_loop3A_435 = arith.constant 64 : index
        %parallel_loop3A_436 = tpu.vector_load %arg15[%parallel_loop3A_433, %parallel_loop3A_434, %parallel_loop3A_435] {strides = array<i32>} : memref<2x40x128xf32, #tpu.memory_space<vmem>>, vector<1x1x16xf32>,
        %parallel_loop3A_437 = vector.shape_cast %parallel_loop3A_436 : vector<1x1x16xf32> to vector<16xf32>
        %parallel_loop3A_438 = vector.shape_cast %parallel_loop3A_423 : vector<16xf32> to vector<1x1x16xf32>
        tpu.vector_store %arg15[%parallel_loop3A_433, %parallel_loop3A_434, %parallel_loop3A_435], %parallel_loop3A_438 {strides = array<i32>} : memref<2x40x128xf32, #tpu.memory_space<vmem>>, vector<1x1x16xf32>,
        %parallel_loop3A_439 = arith.constant 1 : i32
        %parallel_loop3A_440 = arith.index_cast %parallel_loop3A_439 : i32 to index
        %parallel_loop3A_441 = arith.index_cast %parallel_loop3A_402 : i32 to index
        %parallel_loop3A_442 = arith.constant 16 : index
        %parallel_loop3A_443 = tpu.vector_load %arg13[%parallel_loop3A_440, %parallel_loop3A_441, %parallel_loop3A_442] {strides = array<i32>} : memref<2x40x64xf32, #tpu.memory_space<vmem>>, vector<1x1x16xf32>,
        %parallel_loop3A_444 = vector.shape_cast %parallel_loop3A_443 : vector<1x1x16xf32> to vector<16xf32>
        %parallel_loop3A_445 = arith.constant 1 : i32
        %parallel_loop3A_446 = arith.index_cast %parallel_loop3A_445 : i32 to index
        %parallel_loop3A_447 = arith.index_cast %parallel_loop3A_402 : i32 to index
        %parallel_loop3A_448 = arith.constant 16 : index
        %parallel_loop3A_449 = tpu.vector_load %arg14[%parallel_loop3A_446, %parallel_loop3A_447, %parallel_loop3A_448] {strides = array<i32>} : memref<2x40x64xf32, #tpu.memory_space<vmem>>, vector<1x1x16xf32>,
        %parallel_loop3A_450 = vector.shape_cast %parallel_loop3A_449 : vector<1x1x16xf32> to vector<16xf32>
        %parallel_loop3A_451 = arith.addf %parallel_loop3A_444, %parallel_loop3A_450 : vector<16xf32>
        %parallel_loop3A_452 = arith.constant 0.000000e+00 : f32
        %parallel_loop3A_453 = vector.broadcast %parallel_loop3A_452 : f32 to vector<16xf32>
        %parallel_loop3A_454 = arith.maximumf %parallel_loop3A_451, %parallel_loop3A_453 : vector<16xf32>
        %parallel_loop3A_455 = arith.constant 1.000000e-07 : f32
        %parallel_loop3A_456 = vector.broadcast %parallel_loop3A_455 : f32 to vector<16xf32>
        %parallel_loop3A_457 = arith.addf %parallel_loop3A_454, %parallel_loop3A_456 : vector<16xf32>
        %parallel_loop3A_458 = arith.mulf %parallel_loop3A_457, %get3A_6 : vector<16xf32>
        %parallel_loop3A_459 = math.exp %parallel_loop3A_458 : vector<16xf32>
        %parallel_loop3A_460 = arith.mulf %parallel_loop3A_459, %parallel_loop3A_457 : vector<16xf32>
        %parallel_loop3A_461 = arith.constant 1 : i32
        %parallel_loop3A_462 = arith.index_cast %parallel_loop3A_461 : i32 to index
        %parallel_loop3A_463 = arith.index_cast %parallel_loop3A_402 : i32 to index
        %parallel_loop3A_464 = arith.constant 16 : index
        %parallel_loop3A_465 = tpu.vector_load %arg15[%parallel_loop3A_462, %parallel_loop3A_463, %parallel_loop3A_464] {strides = array<i32>} : memref<2x40x128xf32, #tpu.memory_space<vmem>>, vector<1x1x16xf32>,
        %parallel_loop3A_466 = vector.shape_cast %parallel_loop3A_465 : vector<1x1x16xf32> to vector<16xf32>
        %parallel_loop3A_467 = vector.shape_cast %parallel_loop3A_460 : vector<16xf32> to vector<1x1x16xf32>
        tpu.vector_store %arg15[%parallel_loop3A_462, %parallel_loop3A_463, %parallel_loop3A_464], %parallel_loop3A_467 {strides = array<i32>} : memref<2x40x128xf32, #tpu.memory_space<vmem>>, vector<1x1x16xf32>,
        %parallel_loop3A_468 = arith.constant 1 : i32
        %parallel_loop3A_469 = arith.index_cast %parallel_loop3A_468 : i32 to index
        %parallel_loop3A_470 = arith.index_cast %parallel_loop3A_402 : i32 to index
        %parallel_loop3A_471 = arith.constant 80 : index
        %parallel_loop3A_472 = tpu.vector_load %arg15[%parallel_loop3A_469, %parallel_loop3A_470, %parallel_loop3A_471] {strides = array<i32>} : memref<2x40x128xf32, #tpu.memory_space<vmem>>, vector<1x1x16xf32>,
        %parallel_loop3A_473 = vector.shape_cast %parallel_loop3A_472 : vector<1x1x16xf32> to vector<16xf32>
        %parallel_loop3A_474 = vector.shape_cast %parallel_loop3A_459 : vector<16xf32> to vector<1x1x16xf32>
        tpu.vector_store %arg15[%parallel_loop3A_469, %parallel_loop3A_470, %parallel_loop3A_471], %parallel_loop3A_474 {strides = array<i32>} : memref<2x40x128xf32, #tpu.memory_space<vmem>>, vector<1x1x16xf32>,
        %parallel_loop3A_475 = arith.constant 1 : i32
        %parallel_loop3A_476 = arith.index_cast %parallel_loop3A_475 : i32 to index
        %parallel_loop3A_477 = arith.index_cast %parallel_loop3A_402 : i32 to index
        %parallel_loop3A_478 = arith.constant 32 : index
        %parallel_loop3A_479 = tpu.vector_load %arg13[%parallel_loop3A_476, %parallel_loop3A_477, %parallel_loop3A_478] {strides = array<i32>} : memref<2x40x64xf32, #tpu.memory_space<vmem>>, vector<1x1x16xf32>,
        %parallel_loop3A_480 = vector.shape_cast %parallel_loop3A_479 : vector<1x1x16xf32> to vector<16xf32>
        %parallel_loop3A_481 = arith.constant 1 : i32
        %parallel_loop3A_482 = arith.index_cast %parallel_loop3A_481 : i32 to index
        %parallel_loop3A_483 = arith.index_cast %parallel_loop3A_402 : i32 to index
        %parallel_loop3A_484 = arith.constant 32 : index
        %parallel_loop3A_485 = tpu.vector_load %arg14[%parallel_loop3A_482, %parallel_loop3A_483, %parallel_loop3A_484] {strides = array<i32>} : memref<2x40x64xf32, #tpu.memory_space<vmem>>, vector<1x1x16xf32>,
        %parallel_loop3A_486 = vector.shape_cast %parallel_loop3A_485 : vector<1x1x16xf32> to vector<16xf32>
        %parallel_loop3A_487 = arith.addf %parallel_loop3A_480, %parallel_loop3A_486 : vector<16xf32>
        %parallel_loop3A_488 = arith.constant 0.000000e+00 : f32
        %parallel_loop3A_489 = vector.broadcast %parallel_loop3A_488 : f32 to vector<16xf32>
        %parallel_loop3A_490 = arith.maximumf %parallel_loop3A_487, %parallel_loop3A_489 : vector<16xf32>
        %parallel_loop3A_491 = arith.constant 1.000000e-07 : f32
        %parallel_loop3A_492 = vector.broadcast %parallel_loop3A_491 : f32 to vector<16xf32>
        %parallel_loop3A_493 = arith.addf %parallel_loop3A_490, %parallel_loop3A_492 : vector<16xf32>
        %parallel_loop3A_494 = arith.mulf %parallel_loop3A_493, %get3A_6 : vector<16xf32>
        %parallel_loop3A_495 = math.exp %parallel_loop3A_494 : vector<16xf32>
        %parallel_loop3A_496 = arith.mulf %parallel_loop3A_495, %parallel_loop3A_493 : vector<16xf32>
        %parallel_loop3A_497 = arith.constant 1 : i32
        %parallel_loop3A_498 = arith.index_cast %parallel_loop3A_497 : i32 to index
        %parallel_loop3A_499 = arith.index_cast %parallel_loop3A_402 : i32 to index
        %parallel_loop3A_500 = arith.constant 32 : index
        %parallel_loop3A_501 = tpu.vector_load %arg15[%parallel_loop3A_498, %parallel_loop3A_499, %parallel_loop3A_500] {strides = array<i32>} : memref<2x40x128xf32, #tpu.memory_space<vmem>>, vector<1x1x16xf32>,
        %parallel_loop3A_502 = vector.shape_cast %parallel_loop3A_501 : vector<1x1x16xf32> to vector<16xf32>
        %parallel_loop3A_503 = vector.shape_cast %parallel_loop3A_496 : vector<16xf32> to vector<1x1x16xf32>
        tpu.vector_store %arg15[%parallel_loop3A_498, %parallel_loop3A_499, %parallel_loop3A_500], %parallel_loop3A_503 {strides = array<i32>} : memref<2x40x128xf32, #tpu.memory_space<vmem>>, vector<1x1x16xf32>,
        %parallel_loop3A_504 = arith.constant 1 : i32
        %parallel_loop3A_505 = arith.index_cast %parallel_loop3A_504 : i32 to index
        %parallel_loop3A_506 = arith.index_cast %parallel_loop3A_402 : i32 to index
        %parallel_loop3A_507 = arith.constant 96 : index
        %parallel_loop3A_508 = tpu.vector_load %arg15[%parallel_loop3A_505, %parallel_loop3A_506, %parallel_loop3A_507] {strides = array<i32>} : memref<2x40x128xf32, #tpu.memory_space<vmem>>, vector<1x1x16xf32>,
        %parallel_loop3A_509 = vector.shape_cast %parallel_loop3A_508 : vector<1x1x16xf32> to vector<16xf32>
        %parallel_loop3A_510 = vector.shape_cast %parallel_loop3A_495 : vector<16xf32> to vector<1x1x16xf32>
        tpu.vector_store %arg15[%parallel_loop3A_505, %parallel_loop3A_506, %parallel_loop3A_507], %parallel_loop3A_510 {strides = array<i32>} : memref<2x40x128xf32, #tpu.memory_space<vmem>>, vector<1x1x16xf32>,
        %parallel_loop3A_511 = arith.constant 1 : i32
        %parallel_loop3A_512 = arith.index_cast %parallel_loop3A_511 : i32 to index
        %parallel_loop3A_513 = arith.index_cast %parallel_loop3A_402 : i32 to index
        %parallel_loop3A_514 = arith.constant 48 : index
        %parallel_loop3A_515 = tpu.vector_load %arg13[%parallel_loop3A_512, %parallel_loop3A_513, %parallel_loop3A_514] {strides = array<i32>} : memref<2x40x64xf32, #tpu.memory_space<vmem>>, vector<1x1x16xf32>,
        %parallel_loop3A_516 = vector.shape_cast %parallel_loop3A_515 : vector<1x1x16xf32> to vector<16xf32>
        %parallel_loop3A_517 = arith.constant 1 : i32
        %parallel_loop3A_518 = arith.index_cast %parallel_loop3A_517 : i32 to index
        %parallel_loop3A_519 = arith.index_cast %parallel_loop3A_402 : i32 to index
        %parallel_loop3A_520 = arith.constant 48 : index
        %parallel_loop3A_521 = tpu.vector_load %arg14[%parallel_loop3A_518, %parallel_loop3A_519, %parallel_loop3A_520] {strides = array<i32>} : memref<2x40x64xf32, #tpu.memory_space<vmem>>, vector<1x1x16xf32>,
        %parallel_loop3A_522 = vector.shape_cast %parallel_loop3A_521 : vector<1x1x16xf32> to vector<16xf32>
        %parallel_loop3A_523 = arith.addf %parallel_loop3A_516, %parallel_loop3A_522 : vector<16xf32>
        %parallel_loop3A_524 = arith.constant 0.000000e+00 : f32
        %parallel_loop3A_525 = vector.broadcast %parallel_loop3A_524 : f32 to vector<16xf32>
        %parallel_loop3A_526 = arith.maximumf %parallel_loop3A_523, %parallel_loop3A_525 : vector<16xf32>
        %parallel_loop3A_527 = arith.constant 1.000000e-07 : f32
        %parallel_loop3A_528 = vector.broadcast %parallel_loop3A_527 : f32 to vector<16xf32>
        %parallel_loop3A_529 = arith.addf %parallel_loop3A_526, %parallel_loop3A_528 : vector<16xf32>
        %parallel_loop3A_530 = arith.mulf %parallel_loop3A_529, %get3A_6 : vector<16xf32>
        %parallel_loop3A_531 = math.exp %parallel_loop3A_530 : vector<16xf32>
        %parallel_loop3A_532 = arith.mulf %parallel_loop3A_531, %parallel_loop3A_529 : vector<16xf32>
        %parallel_loop3A_533 = arith.constant 1 : i32
        %parallel_loop3A_534 = arith.index_cast %parallel_loop3A_533 : i32 to index
        %parallel_loop3A_535 = arith.index_cast %parallel_loop3A_402 : i32 to index
        %parallel_loop3A_536 = arith.constant 48 : index
        %parallel_loop3A_537 = tpu.vector_load %arg15[%parallel_loop3A_534, %parallel_loop3A_535, %parallel_loop3A_536] {strides = array<i32>} : memref<2x40x128xf32, #tpu.memory_space<vmem>>, vector<1x1x16xf32>,
        %parallel_loop3A_538 = vector.shape_cast %parallel_loop3A_537 : vector<1x1x16xf32> to vector<16xf32>
        %parallel_loop3A_539 = vector.shape_cast %parallel_loop3A_532 : vector<16xf32> to vector<1x1x16xf32>
        tpu.vector_store %arg15[%parallel_loop3A_534, %parallel_loop3A_535, %parallel_loop3A_536], %parallel_loop3A_539 {strides = array<i32>} : memref<2x40x128xf32, #tpu.memory_space<vmem>>, vector<1x1x16xf32>,
        %parallel_loop3A_540 = arith.constant 1 : i32
        %parallel_loop3A_541 = arith.index_cast %parallel_loop3A_540 : i32 to index
        %parallel_loop3A_542 = arith.index_cast %parallel_loop3A_402 : i32 to index
        %parallel_loop3A_543 = arith.constant 112 : index
        %parallel_loop3A_544 = tpu.vector_load %arg15[%parallel_loop3A_541, %parallel_loop3A_542, %parallel_loop3A_543] {strides = array<i32>} : memref<2x40x128xf32, #tpu.memory_space<vmem>>, vector<1x1x16xf32>,
        %parallel_loop3A_545 = vector.shape_cast %parallel_loop3A_544 : vector<1x1x16xf32> to vector<16xf32>
        %parallel_loop3A_546 = vector.shape_cast %parallel_loop3A_531 : vector<16xf32> to vector<1x1x16xf32>
        tpu.vector_store %arg15[%parallel_loop3A_541, %parallel_loop3A_542, %parallel_loop3A_543], %parallel_loop3A_546 {strides = array<i32>} : memref<2x40x128xf32, #tpu.memory_space<vmem>>, vector<1x1x16xf32>,
      } {sc.loop_unroll_factor = 8 : i64, sc.parallel_access}
      %dma_start3A_266 = arith.constant 1 : i32
      %dma_start3A_267 = arith.constant 1 : i32
      %dma_start3A_268 = arith.constant 0 : i32
      %dma_start3A_269 = arith.constant 0 : i32
      %dma_start3A_270 = tpu.memref_slice %arg15[%dma_start3A_266, %dma_start3A_268, %dma_start3A_269] : memref<2x40x128xf32, #tpu.memory_space<vmem>> -> memref<1x40x128xf32, #tpu.memory_space<vmem>>
      %dma_start3A_271 = tpu.memref_squeeze %dma_start3A_270 : memref<1x40x128xf32, #tpu.memory_space<vmem>> -> memref<40x128xf32, #tpu.memory_space<vmem>>
      %dma_start3A_272 = arith.constant 0 : i32
      %dma_start3A_273 = tpu.memref_slice %arg12[%dma_start3A_267, %dma_start3A_272] : memref<4x40xi32, #tpu.memory_space<vmem>> -> memref<1x40xi32, #tpu.memory_space<vmem>>
      %dma_start3A_274 = tpu.memref_squeeze %dma_start3A_273 : memref<1x40xi32, #tpu.memory_space<vmem>> -> memref<40xi32, #tpu.memory_space<vmem>>
      %dma_start3A_275 = arith.constant 0 : i32
      %dma_start3A_276 = arith.constant 0 : i32
      %dma_start3A_277 = tpu.memref_slice %arg17[%dma_start3A_275, %dma_start3A_276] : memref<10240x128xf32, #tpu.memory_space<vmem_shared>> -> memref<10240x128xf32, #tpu.memory_space<vmem_shared>>
      tpu.enqueue_indirect_dma source(%dma_start3A_271 : memref<40x128xf32, #tpu.memory_space<vmem>>) target(%dma_start3A_277 : memref<10240x128xf32, #tpu.memory_space<vmem_shared>>) offsets(%dma_start3A_274 : memref<40xi32, #tpu.memory_space<vmem>>) semaphore(%arg27 : memref<!tpu.dma_semaphore, #tpu.memory_space<semaphore_mem>>) {add = true}
      %mul3A_278 = arith.constant 4 : i32
      %mul3A_279 = arith.muli %mul3A_278, %scan3A_158 : i32
      %add3A_280 = arith.constant 2 : i32
      %add3A_281 = arith.addi %mul3A_279, %add3A_280 : i32
      %add3A_282 = arith.constant 1 : i32
      %add3A_283 = arith.addi %add3A_281, %add3A_282 : i32
      %lt3A_284 = arith.constant 500 : i32
      %lt3A_285 = arith.cmpi slt, %add3A_283, %lt3A_284 : i32
      %convert_element_type3A_286 = arith.extui %lt3A_285 : i1 to i32
      %cond3A_287 = arith.constant 0 : i32
      %cond3A_288 = arith.cmpi ne, %convert_element_type3A_286, %cond3A_287 : i32
      scf.if %cond3A_288 {
        %add3A_402 = arith.constant 1 : i32
        %add3A_403 = arith.addi %add3A_281, %add3A_402 : i32
        %mul3A_404 = arith.constant 40 : i32
        %mul3A_405 = arith.muli %add3A_403, %mul3A_404 : i32
        %add3A_406 = arith.addi %mul3A_0, %mul3A_405 : i32
        %mul3A_407 = arith.constant 320000 : i32
        %mul3A_408 = arith.muli %arg0, %mul3A_407 : i32
        %add3A_409 = arith.addi %mul3A_408, %add3A_406 : i32
        %dma_wait3A_410 = arith.constant 3 : i32
        %dma_wait3A_411 = arith.constant 0 : i32
        %dma_wait3A_412 = tpu.memref_slice %arg10[%dma_wait3A_410, %dma_wait3A_411] : memref<4x40xi32, #tpu.memory_space<vmem>> -> memref<1x40xi32, #tpu.memory_space<vmem>>
        %dma_wait3A_413 = tpu.memref_squeeze %dma_wait3A_412 : memref<1x40xi32, #tpu.memory_space<vmem>> -> memref<40xi32, #tpu.memory_space<vmem>>
        %dma_wait3A_414 = tpu.memref_slice %arg4[%add3A_409] : memref<640000xi32, #tpu.memory_space<hbm>> -> memref<40xi32, #tpu.memory_space<hbm>>
        %dma_wait3A_415 = arith.constant 0 : i32
        %dma_wait3A_416 = tpu.memref_slice %arg10[%dma_wait3A_410, %dma_wait3A_415] : memref<4x40xi32, #tpu.memory_space<vmem>> -> memref<1x40xi32, #tpu.memory_space<vmem>>
        %dma_wait3A_417 = tpu.memref_squeeze %dma_wait3A_416 : memref<1x40xi32, #tpu.memory_space<vmem>> -> memref<40xi32, #tpu.memory_space<vmem>>
        %dma_wait3A_418 = tpu.memref_slice %arg4[%add3A_409] : memref<640000xi32, #tpu.memory_space<hbm>> -> memref<40xi32, #tpu.memory_space<hbm>>
        tpu.wait_dma2 semaphore(%arg21 : memref<!tpu.dma_semaphore, #tpu.memory_space<semaphore_mem>>) src(%dma_wait3A_418 : memref<40xi32, #tpu.memory_space<hbm>>) dst(%dma_wait3A_417 : memref<40xi32, #tpu.memory_space<vmem>>)
        %dma_wait3A_419 = arith.constant 3 : i32
        %dma_wait3A_420 = arith.constant 0 : i32
        %dma_wait3A_421 = tpu.memref_slice %arg11[%dma_wait3A_419, %dma_wait3A_420] : memref<4x40xi32, #tpu.memory_space<vmem>> -> memref<1x40xi32, #tpu.memory_space<vmem>>
        %dma_wait3A_422 = tpu.memref_squeeze %dma_wait3A_421 : memref<1x40xi32, #tpu.memory_space<vmem>> -> memref<40xi32, #tpu.memory_space<vmem>>
        %dma_wait3A_423 = tpu.memref_slice %arg5[%add3A_409] : memref<640000xi32, #tpu.memory_space<hbm>> -> memref<40xi32, #tpu.memory_space<hbm>>
        %dma_wait3A_424 = arith.constant 0 : i32
        %dma_wait3A_425 = tpu.memref_slice %arg11[%dma_wait3A_419, %dma_wait3A_424] : memref<4x40xi32, #tpu.memory_space<vmem>> -> memref<1x40xi32, #tpu.memory_space<vmem>>
        %dma_wait3A_426 = tpu.memref_squeeze %dma_wait3A_425 : memref<1x40xi32, #tpu.memory_space<vmem>> -> memref<40xi32, #tpu.memory_space<vmem>>
        %dma_wait3A_427 = tpu.memref_slice %arg5[%add3A_409] : memref<640000xi32, #tpu.memory_space<hbm>> -> memref<40xi32, #tpu.memory_space<hbm>>
        tpu.wait_dma2 semaphore(%arg21 : memref<!tpu.dma_semaphore, #tpu.memory_space<semaphore_mem>>) src(%dma_wait3A_427 : memref<40xi32, #tpu.memory_space<hbm>>) dst(%dma_wait3A_426 : memref<40xi32, #tpu.memory_space<vmem>>)
        %dma_wait3A_428 = arith.constant 3 : i32
        %dma_wait3A_429 = arith.constant 0 : i32
        %dma_wait3A_430 = tpu.memref_slice %arg12[%dma_wait3A_428, %dma_wait3A_429] : memref<4x40xi32, #tpu.memory_space<vmem>> -> memref<1x40xi32, #tpu.memory_space<vmem>>
        %dma_wait3A_431 = tpu.memref_squeeze %dma_wait3A_430 : memref<1x40xi32, #tpu.memory_space<vmem>> -> memref<40xi32, #tpu.memory_space<vmem>>
        %dma_wait3A_432 = tpu.memref_slice %arg6[%add3A_406] : memref<320000xi32, #tpu.memory_space<hbm>> -> memref<40xi32, #tpu.memory_space<hbm>>
        %dma_wait3A_433 = arith.constant 0 : i32
        %dma_wait3A_434 = tpu.memref_slice %arg12[%dma_wait3A_428, %dma_wait3A_433] : memref<4x40xi32, #tpu.memory_space<vmem>> -> memref<1x40xi32, #tpu.memory_space<vmem>>
        %dma_wait3A_435 = tpu.memref_squeeze %dma_wait3A_434 : memref<1x40xi32, #tpu.memory_space<vmem>> -> memref<40xi32, #tpu.memory_space<vmem>>
        %dma_wait3A_436 = tpu.memref_slice %arg6[%add3A_406] : memref<320000xi32, #tpu.memory_space<hbm>> -> memref<40xi32, #tpu.memory_space<hbm>>
        tpu.wait_dma2 semaphore(%arg21 : memref<!tpu.dma_semaphore, #tpu.memory_space<semaphore_mem>>) src(%dma_wait3A_436 : memref<40xi32, #tpu.memory_space<hbm>>) dst(%dma_wait3A_435 : memref<40xi32, #tpu.memory_space<vmem>>)
        %add3A_437 = arith.constant 1 : i32
        %add3A_438 = arith.addi %add3A_281, %add3A_437 : i32
        %dma_start3A_439 = arith.constant 3 : i32
        %dma_start3A_440 = arith.constant 1 : i32
        %dma_start3A_441 = arith.constant 0 : i32
        %dma_start3A_442 = arith.constant 0 : i32
        %dma_start3A_443 = tpu.memref_slice %arg13[%dma_start3A_440, %dma_start3A_441, %dma_start3A_442] : memref<2x40x64xf32, #tpu.memory_space<vmem>> -> memref<1x40x64xf32, #tpu.memory_space<vmem>>
        %dma_start3A_444 = tpu.memref_squeeze %dma_start3A_443 : memref<1x40x64xf32, #tpu.memory_space<vmem>> -> memref<40x64xf32, #tpu.memory_space<vmem>>
        %dma_start3A_445 = arith.constant 0 : i32
        %dma_start3A_446 = tpu.memref_slice %arg10[%dma_start3A_439, %dma_start3A_445] : memref<4x40xi32, #tpu.memory_space<vmem>> -> memref<1x40xi32, #tpu.memory_space<vmem>>
        %dma_start3A_447 = tpu.memref_squeeze %dma_start3A_446 : memref<1x40xi32, #tpu.memory_space<vmem>> -> memref<40xi32, #tpu.memory_space<vmem>>
        %dma_start3A_448 = arith.constant 0 : i32
        %dma_start3A_449 = arith.constant 0 : i32
        %dma_start3A_450 = tpu.memref_slice %arg2[%dma_start3A_448, %dma_start3A_449] : memref<20000x64xf32, #tpu.memory_space<hbm>> -> memref<20000x64xf32, #tpu.memory_space<hbm>>
        tpu.enqueue_indirect_dma source(%dma_start3A_450 : memref<20000x64xf32, #tpu.memory_space<hbm>>) target(%dma_start3A_444 : memref<40x64xf32, #tpu.memory_space<vmem>>) offsets(%dma_start3A_447 : memref<40xi32, #tpu.memory_space<vmem>>) semaphore(%arg23 : memref<!tpu.dma_semaphore, #tpu.memory_space<semaphore_mem>>)
        %dma_start3A_451 = arith.constant 3 : i32
        %dma_start3A_452 = arith.constant 1 : i32
        %dma_start3A_453 = arith.constant 0 : i32
        %dma_start3A_454 = arith.constant 0 : i32
        %dma_start3A_455 = tpu.memref_slice %arg14[%dma_start3A_452, %dma_start3A_453, %dma_start3A_454] : memref<2x40x64xf32, #tpu.memory_space<vmem>> -> memref<1x40x64xf32, #tpu.memory_space<vmem>>
        %dma_start3A_456 = tpu.memref_squeeze %dma_start3A_455 : memref<1x40x64xf32, #tpu.memory_space<vmem>> -> memref<40x64xf32, #tpu.memory_space<vmem>>
        %dma_start3A_457 = arith.constant 0 : i32
        %dma_start3A_458 = tpu.memref_slice %arg11[%dma_start3A_451, %dma_start3A_457] : memref<4x40xi32, #tpu.memory_space<vmem>> -> memref<1x40xi32, #tpu.memory_space<vmem>>
        %dma_start3A_459 = tpu.memref_squeeze %dma_start3A_458 : memref<1x40xi32, #tpu.memory_space<vmem>> -> memref<40xi32, #tpu.memory_space<vmem>>
        %dma_start3A_460 = arith.constant 0 : i32
        %dma_start3A_461 = arith.constant 0 : i32
        %dma_start3A_462 = tpu.memref_slice %arg3[%dma_start3A_460, %dma_start3A_461] : memref<640000x64xf32, #tpu.memory_space<hbm>> -> memref<640000x64xf32, #tpu.memory_space<hbm>>
        tpu.enqueue_indirect_dma source(%dma_start3A_462 : memref<640000x64xf32, #tpu.memory_space<hbm>>) target(%dma_start3A_456 : memref<40x64xf32, #tpu.memory_space<vmem>>) offsets(%dma_start3A_459 : memref<40xi32, #tpu.memory_space<vmem>>) semaphore(%arg25 : memref<!tpu.dma_semaphore, #tpu.memory_space<semaphore_mem>>)
      } else {
      }
      %ge3A_289 = arith.constant 2 : i32
      %ge3A_290 = arith.cmpi sge, %add3A_281, %ge3A_289 : i32
      %convert_element_type3A_291 = arith.extui %ge3A_290 : i1 to i32
      %cond3A_292 = arith.constant 0 : i32
      %cond3A_293 = arith.cmpi ne, %convert_element_type3A_291, %cond3A_292 : i32
      scf.if %cond3A_293 {
        %dma_wait3A_402 = arith.constant 0 : i32
        %dma_wait3A_403 = arith.constant 0 : i32
        %dma_wait3A_404 = arith.constant 0 : i32
        %dma_wait3A_405 = arith.constant 0 : i32
        %dma_wait3A_406 = tpu.memref_slice %arg15[%dma_wait3A_402, %dma_wait3A_404, %dma_wait3A_405] : memref<2x40x128xf32, #tpu.memory_space<vmem>> -> memref<1x40x128xf32, #tpu.memory_space<vmem>>
        %dma_wait3A_407 = tpu.memref_squeeze %dma_wait3A_406 : memref<1x40x128xf32, #tpu.memory_space<vmem>> -> memref<40x128xf32, #tpu.memory_space<vmem>>
        %dma_wait3A_408 = arith.constant 0 : i32
        %dma_wait3A_409 = tpu.memref_slice %arg12[%dma_wait3A_403, %dma_wait3A_408] : memref<4x40xi32, #tpu.memory_space<vmem>> -> memref<1x40xi32, #tpu.memory_space<vmem>>
        %dma_wait3A_410 = tpu.memref_squeeze %dma_wait3A_409 : memref<1x40xi32, #tpu.memory_space<vmem>> -> memref<40xi32, #tpu.memory_space<vmem>>
        %dma_wait3A_411 = arith.constant 0 : i32
        %dma_wait3A_412 = arith.constant 0 : i32
        %dma_wait3A_413 = tpu.memref_slice %arg17[%dma_wait3A_411, %dma_wait3A_412] : memref<10240x128xf32, #tpu.memory_space<vmem_shared>> -> memref<10240x128xf32, #tpu.memory_space<vmem_shared>>
        tpu.wait_indirect_dma semaphore(%arg26 : memref<!tpu.dma_semaphore, #tpu.memory_space<semaphore_mem>>) src(%dma_wait3A_407 : memref<40x128xf32, #tpu.memory_space<vmem>>) dst(%dma_wait3A_413 : memref<10240x128xf32, #tpu.memory_space<vmem_shared>>)
      } else {
      }
      %add3A_294 = arith.constant 2 : i32
      %add3A_295 = arith.addi %add3A_281, %add3A_294 : i32
      %lt3A_296 = arith.constant 500 : i32
      %lt3A_297 = arith.cmpi slt, %add3A_295, %lt3A_296 : i32
      %convert_element_type3A_298 = arith.extui %lt3A_297 : i1 to i32
      %cond3A_299 = arith.constant 0 : i32
      %cond3A_300 = arith.cmpi ne, %convert_element_type3A_298, %cond3A_299 : i32
      scf.if %cond3A_300 {
        %add3A_402 = arith.constant 2 : i32
        %add3A_403 = arith.addi %add3A_281, %add3A_402 : i32
        %mul3A_404 = arith.constant 40 : i32
        %mul3A_405 = arith.muli %add3A_403, %mul3A_404 : i32
        %add3A_406 = arith.addi %mul3A_0, %mul3A_405 : i32
        %mul3A_407 = arith.constant 320000 : i32
        %mul3A_408 = arith.muli %arg0, %mul3A_407 : i32
        %add3A_409 = arith.addi %mul3A_408, %add3A_406 : i32
        %dma_start3A_410 = arith.constant 0 : i32
        %dma_start3A_411 = arith.constant 0 : i32
        %dma_start3A_412 = tpu.memref_slice %arg10[%dma_start3A_410, %dma_start3A_411] : memref<4x40xi32, #tpu.memory_space<vmem>> -> memref<1x40xi32, #tpu.memory_space<vmem>>
        %dma_start3A_413 = tpu.memref_squeeze %dma_start3A_412 : memref<1x40xi32, #tpu.memory_space<vmem>> -> memref<40xi32, #tpu.memory_space<vmem>>
        %dma_start3A_414 = tpu.memref_slice %arg4[%add3A_409] : memref<640000xi32, #tpu.memory_space<hbm>> -> memref<40xi32, #tpu.memory_space<hbm>>
        %dma_start3A_415 = arith.constant 0 : i32
        %dma_start3A_416 = tpu.memref_slice %arg10[%dma_start3A_410, %dma_start3A_415] : memref<4x40xi32, #tpu.memory_space<vmem>> -> memref<1x40xi32, #tpu.memory_space<vmem>>
        %dma_start3A_417 = tpu.memref_squeeze %dma_start3A_416 : memref<1x40xi32, #tpu.memory_space<vmem>> -> memref<40xi32, #tpu.memory_space<vmem>>
        %dma_start3A_418 = tpu.memref_slice %arg4[%add3A_409] : memref<640000xi32, #tpu.memory_space<hbm>> -> memref<40xi32, #tpu.memory_space<hbm>>
        tpu.enqueue_dma source(%dma_start3A_418 : memref<40xi32, #tpu.memory_space<hbm>>) target(%dma_start3A_417 : memref<40xi32, #tpu.memory_space<vmem>>) target_semaphore(%arg18 : memref<!tpu.dma_semaphore, #tpu.memory_space<semaphore_mem>>)
        %dma_start3A_419 = arith.constant 0 : i32
        %dma_start3A_420 = arith.constant 0 : i32
        %dma_start3A_421 = tpu.memref_slice %arg11[%dma_start3A_419, %dma_start3A_420] : memref<4x40xi32, #tpu.memory_space<vmem>> -> memref<1x40xi32, #tpu.memory_space<vmem>>
        %dma_start3A_422 = tpu.memref_squeeze %dma_start3A_421 : memref<1x40xi32, #tpu.memory_space<vmem>> -> memref<40xi32, #tpu.memory_space<vmem>>
        %dma_start3A_423 = tpu.memref_slice %arg5[%add3A_409] : memref<640000xi32, #tpu.memory_space<hbm>> -> memref<40xi32, #tpu.memory_space<hbm>>
        %dma_start3A_424 = arith.constant 0 : i32
        %dma_start3A_425 = tpu.memref_slice %arg11[%dma_start3A_419, %dma_start3A_424] : memref<4x40xi32, #tpu.memory_space<vmem>> -> memref<1x40xi32, #tpu.memory_space<vmem>>
        %dma_start3A_426 = tpu.memref_squeeze %dma_start3A_425 : memref<1x40xi32, #tpu.memory_space<vmem>> -> memref<40xi32, #tpu.memory_space<vmem>>
        %dma_start3A_427 = tpu.memref_slice %arg5[%add3A_409] : memref<640000xi32, #tpu.memory_space<hbm>> -> memref<40xi32, #tpu.memory_space<hbm>>
        tpu.enqueue_dma source(%dma_start3A_427 : memref<40xi32, #tpu.memory_space<hbm>>) target(%dma_start3A_426 : memref<40xi32, #tpu.memory_space<vmem>>) target_semaphore(%arg18 : memref<!tpu.dma_semaphore, #tpu.memory_space<semaphore_mem>>)
        %dma_start3A_428 = arith.constant 0 : i32
        %dma_start3A_429 = arith.constant 0 : i32
        %dma_start3A_430 = tpu.memref_slice %arg12[%dma_start3A_428, %dma_start3A_429] : memref<4x40xi32, #tpu.memory_space<vmem>> -> memref<1x40xi32, #tpu.memory_space<vmem>>
        %dma_start3A_431 = tpu.memref_squeeze %dma_start3A_430 : memref<1x40xi32, #tpu.memory_space<vmem>> -> memref<40xi32, #tpu.memory_space<vmem>>
        %dma_start3A_432 = tpu.memref_slice %arg6[%add3A_406] : memref<320000xi32, #tpu.memory_space<hbm>> -> memref<40xi32, #tpu.memory_space<hbm>>
        %dma_start3A_433 = arith.constant 0 : i32
        %dma_start3A_434 = tpu.memref_slice %arg12[%dma_start3A_428, %dma_start3A_433] : memref<4x40xi32, #tpu.memory_space<vmem>> -> memref<1x40xi32, #tpu.memory_space<vmem>>
        %dma_start3A_435 = tpu.memref_squeeze %dma_start3A_434 : memref<1x40xi32, #tpu.memory_space<vmem>> -> memref<40xi32, #tpu.memory_space<vmem>>
        %dma_start3A_436 = tpu.memref_slice %arg6[%add3A_406] : memref<320000xi32, #tpu.memory_space<hbm>> -> memref<40xi32, #tpu.memory_space<hbm>>
        tpu.enqueue_dma source(%dma_start3A_436 : memref<40xi32, #tpu.memory_space<hbm>>) target(%dma_start3A_435 : memref<40xi32, #tpu.memory_space<vmem>>) target_semaphore(%arg18 : memref<!tpu.dma_semaphore, #tpu.memory_space<semaphore_mem>>)
      } else {
      }
      %dma_wait3A_301 = arith.constant 2 : i32
      %dma_wait3A_302 = arith.constant 0 : i32
      %dma_wait3A_303 = arith.constant 0 : i32
      %dma_wait3A_304 = arith.constant 0 : i32
      %dma_wait3A_305 = tpu.memref_slice %arg13[%dma_wait3A_302, %dma_wait3A_303, %dma_wait3A_304] : memref<2x40x64xf32, #tpu.memory_space<vmem>> -> memref<1x40x64xf32, #tpu.memory_space<vmem>>
      %dma_wait3A_306 = tpu.memref_squeeze %dma_wait3A_305 : memref<1x40x64xf32, #tpu.memory_space<vmem>> -> memref<40x64xf32, #tpu.memory_space<vmem>>
      %dma_wait3A_307 = arith.constant 0 : i32
      %dma_wait3A_308 = tpu.memref_slice %arg10[%dma_wait3A_301, %dma_wait3A_307] : memref<4x40xi32, #tpu.memory_space<vmem>> -> memref<1x40xi32, #tpu.memory_space<vmem>>
      %dma_wait3A_309 = tpu.memref_squeeze %dma_wait3A_308 : memref<1x40xi32, #tpu.memory_space<vmem>> -> memref<40xi32, #tpu.memory_space<vmem>>
      %dma_wait3A_310 = arith.constant 0 : i32
      %dma_wait3A_311 = arith.constant 0 : i32
      %dma_wait3A_312 = tpu.memref_slice %arg2[%dma_wait3A_310, %dma_wait3A_311] : memref<20000x64xf32, #tpu.memory_space<hbm>> -> memref<20000x64xf32, #tpu.memory_space<hbm>>
      tpu.wait_indirect_dma semaphore(%arg22 : memref<!tpu.dma_semaphore, #tpu.memory_space<semaphore_mem>>) src(%dma_wait3A_312 : memref<20000x64xf32, #tpu.memory_space<hbm>>) dst(%dma_wait3A_306 : memref<40x64xf32, #tpu.memory_space<vmem>>)
      %dma_wait3A_313 = arith.constant 2 : i32
      %dma_wait3A_314 = arith.constant 0 : i32
      %dma_wait3A_315 = arith.constant 0 : i32
      %dma_wait3A_316 = arith.constant 0 : i32
      %dma_wait3A_317 = tpu.memref_slice %arg14[%dma_wait3A_314, %dma_wait3A_315, %dma_wait3A_316] : memref<2x40x64xf32, #tpu.memory_space<vmem>> -> memref<1x40x64xf32, #tpu.memory_space<vmem>>
      %dma_wait3A_318 = tpu.memref_squeeze %dma_wait3A_317 : memref<1x40x64xf32, #tpu.memory_space<vmem>> -> memref<40x64xf32, #tpu.memory_space<vmem>>
      %dma_wait3A_319 = arith.constant 0 : i32
      %dma_wait3A_320 = tpu.memref_slice %arg11[%dma_wait3A_313, %dma_wait3A_319] : memref<4x40xi32, #tpu.memory_space<vmem>> -> memref<1x40xi32, #tpu.memory_space<vmem>>
      %dma_wait3A_321 = tpu.memref_squeeze %dma_wait3A_320 : memref<1x40xi32, #tpu.memory_space<vmem>> -> memref<40xi32, #tpu.memory_space<vmem>>
      %dma_wait3A_322 = arith.constant 0 : i32
      %dma_wait3A_323 = arith.constant 0 : i32
      %dma_wait3A_324 = tpu.memref_slice %arg3[%dma_wait3A_322, %dma_wait3A_323] : memref<640000x64xf32, #tpu.memory_space<hbm>> -> memref<640000x64xf32, #tpu.memory_space<hbm>>
      tpu.wait_indirect_dma semaphore(%arg24 : memref<!tpu.dma_semaphore, #tpu.memory_space<semaphore_mem>>) src(%dma_wait3A_324 : memref<640000x64xf32, #tpu.memory_space<hbm>>) dst(%dma_wait3A_318 : memref<40x64xf32, #tpu.memory_space<vmem>>)
      %parallel_loop3A_325 = arith.constant 0 : i32
      %parallel_loop3A_326 = arith.constant 40 : i32
      %parallel_loop3A_327 = arith.constant 1 : i32
      scf.for %parallel_loop3A_402 = %parallel_loop3A_325 to %parallel_loop3A_326 step %parallel_loop3A_327  : i32 {
        %parallel_loop3A_403 = arith.constant 0 : i32
        %parallel_loop3A_404 = arith.index_cast %parallel_loop3A_403 : i32 to index
        %parallel_loop3A_405 = arith.index_cast %parallel_loop3A_402 : i32 to index
        %parallel_loop3A_406 = arith.constant 0 : index
        %parallel_loop3A_407 = tpu.vector_load %arg13[%parallel_loop3A_404, %parallel_loop3A_405, %parallel_loop3A_406] {strides = array<i32>} : memref<2x40x64xf32, #tpu.memory_space<vmem>>, vector<1x1x16xf32>,
        %parallel_loop3A_408 = vector.shape_cast %parallel_loop3A_407 : vector<1x1x16xf32> to vector<16xf32>
        %parallel_loop3A_409 = arith.constant 0 : i32
        %parallel_loop3A_410 = arith.index_cast %parallel_loop3A_409 : i32 to index
        %parallel_loop3A_411 = arith.index_cast %parallel_loop3A_402 : i32 to index
        %parallel_loop3A_412 = arith.constant 0 : index
        %parallel_loop3A_413 = tpu.vector_load %arg14[%parallel_loop3A_410, %parallel_loop3A_411, %parallel_loop3A_412] {strides = array<i32>} : memref<2x40x64xf32, #tpu.memory_space<vmem>>, vector<1x1x16xf32>,
        %parallel_loop3A_414 = vector.shape_cast %parallel_loop3A_413 : vector<1x1x16xf32> to vector<16xf32>
        %parallel_loop3A_415 = arith.addf %parallel_loop3A_408, %parallel_loop3A_414 : vector<16xf32>
        %parallel_loop3A_416 = arith.constant 0.000000e+00 : f32
        %parallel_loop3A_417 = vector.broadcast %parallel_loop3A_416 : f32 to vector<16xf32>
        %parallel_loop3A_418 = arith.maximumf %parallel_loop3A_415, %parallel_loop3A_417 : vector<16xf32>
        %parallel_loop3A_419 = arith.constant 1.000000e-07 : f32
        %parallel_loop3A_420 = vector.broadcast %parallel_loop3A_419 : f32 to vector<16xf32>
        %parallel_loop3A_421 = arith.addf %parallel_loop3A_418, %parallel_loop3A_420 : vector<16xf32>
        %parallel_loop3A_422 = arith.mulf %parallel_loop3A_421, %get3A_6 : vector<16xf32>
        %parallel_loop3A_423 = math.exp %parallel_loop3A_422 : vector<16xf32>
        %parallel_loop3A_424 = arith.mulf %parallel_loop3A_423, %parallel_loop3A_421 : vector<16xf32>
        %parallel_loop3A_425 = arith.constant 0 : i32
        %parallel_loop3A_426 = arith.index_cast %parallel_loop3A_425 : i32 to index
        %parallel_loop3A_427 = arith.index_cast %parallel_loop3A_402 : i32 to index
        %parallel_loop3A_428 = arith.constant 0 : index
        %parallel_loop3A_429 = tpu.vector_load %arg15[%parallel_loop3A_426, %parallel_loop3A_427, %parallel_loop3A_428] {strides = array<i32>} : memref<2x40x128xf32, #tpu.memory_space<vmem>>, vector<1x1x16xf32>,
        %parallel_loop3A_430 = vector.shape_cast %parallel_loop3A_429 : vector<1x1x16xf32> to vector<16xf32>
        %parallel_loop3A_431 = vector.shape_cast %parallel_loop3A_424 : vector<16xf32> to vector<1x1x16xf32>
        tpu.vector_store %arg15[%parallel_loop3A_426, %parallel_loop3A_427, %parallel_loop3A_428], %parallel_loop3A_431 {strides = array<i32>} : memref<2x40x128xf32, #tpu.memory_space<vmem>>, vector<1x1x16xf32>,
        %parallel_loop3A_432 = arith.constant 0 : i32
        %parallel_loop3A_433 = arith.index_cast %parallel_loop3A_432 : i32 to index
        %parallel_loop3A_434 = arith.index_cast %parallel_loop3A_402 : i32 to index
        %parallel_loop3A_435 = arith.constant 64 : index
        %parallel_loop3A_436 = tpu.vector_load %arg15[%parallel_loop3A_433, %parallel_loop3A_434, %parallel_loop3A_435] {strides = array<i32>} : memref<2x40x128xf32, #tpu.memory_space<vmem>>, vector<1x1x16xf32>,
        %parallel_loop3A_437 = vector.shape_cast %parallel_loop3A_436 : vector<1x1x16xf32> to vector<16xf32>
        %parallel_loop3A_438 = vector.shape_cast %parallel_loop3A_423 : vector<16xf32> to vector<1x1x16xf32>
        tpu.vector_store %arg15[%parallel_loop3A_433, %parallel_loop3A_434, %parallel_loop3A_435], %parallel_loop3A_438 {strides = array<i32>} : memref<2x40x128xf32, #tpu.memory_space<vmem>>, vector<1x1x16xf32>,
        %parallel_loop3A_439 = arith.constant 0 : i32
        %parallel_loop3A_440 = arith.index_cast %parallel_loop3A_439 : i32 to index
        %parallel_loop3A_441 = arith.index_cast %parallel_loop3A_402 : i32 to index
        %parallel_loop3A_442 = arith.constant 16 : index
        %parallel_loop3A_443 = tpu.vector_load %arg13[%parallel_loop3A_440, %parallel_loop3A_441, %parallel_loop3A_442] {strides = array<i32>} : memref<2x40x64xf32, #tpu.memory_space<vmem>>, vector<1x1x16xf32>,
        %parallel_loop3A_444 = vector.shape_cast %parallel_loop3A_443 : vector<1x1x16xf32> to vector<16xf32>
        %parallel_loop3A_445 = arith.constant 0 : i32
        %parallel_loop3A_446 = arith.index_cast %parallel_loop3A_445 : i32 to index
        %parallel_loop3A_447 = arith.index_cast %parallel_loop3A_402 : i32 to index
        %parallel_loop3A_448 = arith.constant 16 : index
        %parallel_loop3A_449 = tpu.vector_load %arg14[%parallel_loop3A_446, %parallel_loop3A_447, %parallel_loop3A_448] {strides = array<i32>} : memref<2x40x64xf32, #tpu.memory_space<vmem>>, vector<1x1x16xf32>,
        %parallel_loop3A_450 = vector.shape_cast %parallel_loop3A_449 : vector<1x1x16xf32> to vector<16xf32>
        %parallel_loop3A_451 = arith.addf %parallel_loop3A_444, %parallel_loop3A_450 : vector<16xf32>
        %parallel_loop3A_452 = arith.constant 0.000000e+00 : f32
        %parallel_loop3A_453 = vector.broadcast %parallel_loop3A_452 : f32 to vector<16xf32>
        %parallel_loop3A_454 = arith.maximumf %parallel_loop3A_451, %parallel_loop3A_453 : vector<16xf32>
        %parallel_loop3A_455 = arith.constant 1.000000e-07 : f32
        %parallel_loop3A_456 = vector.broadcast %parallel_loop3A_455 : f32 to vector<16xf32>
        %parallel_loop3A_457 = arith.addf %parallel_loop3A_454, %parallel_loop3A_456 : vector<16xf32>
        %parallel_loop3A_458 = arith.mulf %parallel_loop3A_457, %get3A_6 : vector<16xf32>
        %parallel_loop3A_459 = math.exp %parallel_loop3A_458 : vector<16xf32>
        %parallel_loop3A_460 = arith.mulf %parallel_loop3A_459, %parallel_loop3A_457 : vector<16xf32>
        %parallel_loop3A_461 = arith.constant 0 : i32
        %parallel_loop3A_462 = arith.index_cast %parallel_loop3A_461 : i32 to index
        %parallel_loop3A_463 = arith.index_cast %parallel_loop3A_402 : i32 to index
        %parallel_loop3A_464 = arith.constant 16 : index
        %parallel_loop3A_465 = tpu.vector_load %arg15[%parallel_loop3A_462, %parallel_loop3A_463, %parallel_loop3A_464] {strides = array<i32>} : memref<2x40x128xf32, #tpu.memory_space<vmem>>, vector<1x1x16xf32>,
        %parallel_loop3A_466 = vector.shape_cast %parallel_loop3A_465 : vector<1x1x16xf32> to vector<16xf32>
        %parallel_loop3A_467 = vector.shape_cast %parallel_loop3A_460 : vector<16xf32> to vector<1x1x16xf32>
        tpu.vector_store %arg15[%parallel_loop3A_462, %parallel_loop3A_463, %parallel_loop3A_464], %parallel_loop3A_467 {strides = array<i32>} : memref<2x40x128xf32, #tpu.memory_space<vmem>>, vector<1x1x16xf32>,
        %parallel_loop3A_468 = arith.constant 0 : i32
        %parallel_loop3A_469 = arith.index_cast %parallel_loop3A_468 : i32 to index
        %parallel_loop3A_470 = arith.index_cast %parallel_loop3A_402 : i32 to index
        %parallel_loop3A_471 = arith.constant 80 : index
        %parallel_loop3A_472 = tpu.vector_load %arg15[%parallel_loop3A_469, %parallel_loop3A_470, %parallel_loop3A_471] {strides = array<i32>} : memref<2x40x128xf32, #tpu.memory_space<vmem>>, vector<1x1x16xf32>,
        %parallel_loop3A_473 = vector.shape_cast %parallel_loop3A_472 : vector<1x1x16xf32> to vector<16xf32>
        %parallel_loop3A_474 = vector.shape_cast %parallel_loop3A_459 : vector<16xf32> to vector<1x1x16xf32>
        tpu.vector_store %arg15[%parallel_loop3A_469, %parallel_loop3A_470, %parallel_loop3A_471], %parallel_loop3A_474 {strides = array<i32>} : memref<2x40x128xf32, #tpu.memory_space<vmem>>, vector<1x1x16xf32>,
        %parallel_loop3A_475 = arith.constant 0 : i32
        %parallel_loop3A_476 = arith.index_cast %parallel_loop3A_475 : i32 to index
        %parallel_loop3A_477 = arith.index_cast %parallel_loop3A_402 : i32 to index
        %parallel_loop3A_478 = arith.constant 32 : index
        %parallel_loop3A_479 = tpu.vector_load %arg13[%parallel_loop3A_476, %parallel_loop3A_477, %parallel_loop3A_478] {strides = array<i32>} : memref<2x40x64xf32, #tpu.memory_space<vmem>>, vector<1x1x16xf32>,
        %parallel_loop3A_480 = vector.shape_cast %parallel_loop3A_479 : vector<1x1x16xf32> to vector<16xf32>
        %parallel_loop3A_481 = arith.constant 0 : i32
        %parallel_loop3A_482 = arith.index_cast %parallel_loop3A_481 : i32 to index
        %parallel_loop3A_483 = arith.index_cast %parallel_loop3A_402 : i32 to index
        %parallel_loop3A_484 = arith.constant 32 : index
        %parallel_loop3A_485 = tpu.vector_load %arg14[%parallel_loop3A_482, %parallel_loop3A_483, %parallel_loop3A_484] {strides = array<i32>} : memref<2x40x64xf32, #tpu.memory_space<vmem>>, vector<1x1x16xf32>,
        %parallel_loop3A_486 = vector.shape_cast %parallel_loop3A_485 : vector<1x1x16xf32> to vector<16xf32>
        %parallel_loop3A_487 = arith.addf %parallel_loop3A_480, %parallel_loop3A_486 : vector<16xf32>
        %parallel_loop3A_488 = arith.constant 0.000000e+00 : f32
        %parallel_loop3A_489 = vector.broadcast %parallel_loop3A_488 : f32 to vector<16xf32>
        %parallel_loop3A_490 = arith.maximumf %parallel_loop3A_487, %parallel_loop3A_489 : vector<16xf32>
        %parallel_loop3A_491 = arith.constant 1.000000e-07 : f32
        %parallel_loop3A_492 = vector.broadcast %parallel_loop3A_491 : f32 to vector<16xf32>
        %parallel_loop3A_493 = arith.addf %parallel_loop3A_490, %parallel_loop3A_492 : vector<16xf32>
        %parallel_loop3A_494 = arith.mulf %parallel_loop3A_493, %get3A_6 : vector<16xf32>
        %parallel_loop3A_495 = math.exp %parallel_loop3A_494 : vector<16xf32>
        %parallel_loop3A_496 = arith.mulf %parallel_loop3A_495, %parallel_loop3A_493 : vector<16xf32>
        %parallel_loop3A_497 = arith.constant 0 : i32
        %parallel_loop3A_498 = arith.index_cast %parallel_loop3A_497 : i32 to index
        %parallel_loop3A_499 = arith.index_cast %parallel_loop3A_402 : i32 to index
        %parallel_loop3A_500 = arith.constant 32 : index
        %parallel_loop3A_501 = tpu.vector_load %arg15[%parallel_loop3A_498, %parallel_loop3A_499, %parallel_loop3A_500] {strides = array<i32>} : memref<2x40x128xf32, #tpu.memory_space<vmem>>, vector<1x1x16xf32>,
        %parallel_loop3A_502 = vector.shape_cast %parallel_loop3A_501 : vector<1x1x16xf32> to vector<16xf32>
        %parallel_loop3A_503 = vector.shape_cast %parallel_loop3A_496 : vector<16xf32> to vector<1x1x16xf32>
        tpu.vector_store %arg15[%parallel_loop3A_498, %parallel_loop3A_499, %parallel_loop3A_500], %parallel_loop3A_503 {strides = array<i32>} : memref<2x40x128xf32, #tpu.memory_space<vmem>>, vector<1x1x16xf32>,
        %parallel_loop3A_504 = arith.constant 0 : i32
        %parallel_loop3A_505 = arith.index_cast %parallel_loop3A_504 : i32 to index
        %parallel_loop3A_506 = arith.index_cast %parallel_loop3A_402 : i32 to index
        %parallel_loop3A_507 = arith.constant 96 : index
        %parallel_loop3A_508 = tpu.vector_load %arg15[%parallel_loop3A_505, %parallel_loop3A_506, %parallel_loop3A_507] {strides = array<i32>} : memref<2x40x128xf32, #tpu.memory_space<vmem>>, vector<1x1x16xf32>,
        %parallel_loop3A_509 = vector.shape_cast %parallel_loop3A_508 : vector<1x1x16xf32> to vector<16xf32>
        %parallel_loop3A_510 = vector.shape_cast %parallel_loop3A_495 : vector<16xf32> to vector<1x1x16xf32>
        tpu.vector_store %arg15[%parallel_loop3A_505, %parallel_loop3A_506, %parallel_loop3A_507], %parallel_loop3A_510 {strides = array<i32>} : memref<2x40x128xf32, #tpu.memory_space<vmem>>, vector<1x1x16xf32>,
        %parallel_loop3A_511 = arith.constant 0 : i32
        %parallel_loop3A_512 = arith.index_cast %parallel_loop3A_511 : i32 to index
        %parallel_loop3A_513 = arith.index_cast %parallel_loop3A_402 : i32 to index
        %parallel_loop3A_514 = arith.constant 48 : index
        %parallel_loop3A_515 = tpu.vector_load %arg13[%parallel_loop3A_512, %parallel_loop3A_513, %parallel_loop3A_514] {strides = array<i32>} : memref<2x40x64xf32, #tpu.memory_space<vmem>>, vector<1x1x16xf32>,
        %parallel_loop3A_516 = vector.shape_cast %parallel_loop3A_515 : vector<1x1x16xf32> to vector<16xf32>
        %parallel_loop3A_517 = arith.constant 0 : i32
        %parallel_loop3A_518 = arith.index_cast %parallel_loop3A_517 : i32 to index
        %parallel_loop3A_519 = arith.index_cast %parallel_loop3A_402 : i32 to index
        %parallel_loop3A_520 = arith.constant 48 : index
        %parallel_loop3A_521 = tpu.vector_load %arg14[%parallel_loop3A_518, %parallel_loop3A_519, %parallel_loop3A_520] {strides = array<i32>} : memref<2x40x64xf32, #tpu.memory_space<vmem>>, vector<1x1x16xf32>,
        %parallel_loop3A_522 = vector.shape_cast %parallel_loop3A_521 : vector<1x1x16xf32> to vector<16xf32>
        %parallel_loop3A_523 = arith.addf %parallel_loop3A_516, %parallel_loop3A_522 : vector<16xf32>
        %parallel_loop3A_524 = arith.constant 0.000000e+00 : f32
        %parallel_loop3A_525 = vector.broadcast %parallel_loop3A_524 : f32 to vector<16xf32>
        %parallel_loop3A_526 = arith.maximumf %parallel_loop3A_523, %parallel_loop3A_525 : vector<16xf32>
        %parallel_loop3A_527 = arith.constant 1.000000e-07 : f32
        %parallel_loop3A_528 = vector.broadcast %parallel_loop3A_527 : f32 to vector<16xf32>
        %parallel_loop3A_529 = arith.addf %parallel_loop3A_526, %parallel_loop3A_528 : vector<16xf32>
        %parallel_loop3A_530 = arith.mulf %parallel_loop3A_529, %get3A_6 : vector<16xf32>
        %parallel_loop3A_531 = math.exp %parallel_loop3A_530 : vector<16xf32>
        %parallel_loop3A_532 = arith.mulf %parallel_loop3A_531, %parallel_loop3A_529 : vector<16xf32>
        %parallel_loop3A_533 = arith.constant 0 : i32
        %parallel_loop3A_534 = arith.index_cast %parallel_loop3A_533 : i32 to index
        %parallel_loop3A_535 = arith.index_cast %parallel_loop3A_402 : i32 to index
        %parallel_loop3A_536 = arith.constant 48 : index
        %parallel_loop3A_537 = tpu.vector_load %arg15[%parallel_loop3A_534, %parallel_loop3A_535, %parallel_loop3A_536] {strides = array<i32>} : memref<2x40x128xf32, #tpu.memory_space<vmem>>, vector<1x1x16xf32>,
        %parallel_loop3A_538 = vector.shape_cast %parallel_loop3A_537 : vector<1x1x16xf32> to vector<16xf32>
        %parallel_loop3A_539 = vector.shape_cast %parallel_loop3A_532 : vector<16xf32> to vector<1x1x16xf32>
        tpu.vector_store %arg15[%parallel_loop3A_534, %parallel_loop3A_535, %parallel_loop3A_536], %parallel_loop3A_539 {strides = array<i32>} : memref<2x40x128xf32, #tpu.memory_space<vmem>>, vector<1x1x16xf32>,
        %parallel_loop3A_540 = arith.constant 0 : i32
        %parallel_loop3A_541 = arith.index_cast %parallel_loop3A_540 : i32 to index
        %parallel_loop3A_542 = arith.index_cast %parallel_loop3A_402 : i32 to index
        %parallel_loop3A_543 = arith.constant 112 : index
        %parallel_loop3A_544 = tpu.vector_load %arg15[%parallel_loop3A_541, %parallel_loop3A_542, %parallel_loop3A_543] {strides = array<i32>} : memref<2x40x128xf32, #tpu.memory_space<vmem>>, vector<1x1x16xf32>,
        %parallel_loop3A_545 = vector.shape_cast %parallel_loop3A_544 : vector<1x1x16xf32> to vector<16xf32>
        %parallel_loop3A_546 = vector.shape_cast %parallel_loop3A_531 : vector<16xf32> to vector<1x1x16xf32>
        tpu.vector_store %arg15[%parallel_loop3A_541, %parallel_loop3A_542, %parallel_loop3A_543], %parallel_loop3A_546 {strides = array<i32>} : memref<2x40x128xf32, #tpu.memory_space<vmem>>, vector<1x1x16xf32>,
      } {sc.loop_unroll_factor = 8 : i64, sc.parallel_access}
      %dma_start3A_328 = arith.constant 0 : i32
      %dma_start3A_329 = arith.constant 2 : i32
      %dma_start3A_330 = arith.constant 0 : i32
      %dma_start3A_331 = arith.constant 0 : i32
      %dma_start3A_332 = tpu.memref_slice %arg15[%dma_start3A_328, %dma_start3A_330, %dma_start3A_331] : memref<2x40x128xf32, #tpu.memory_space<vmem>> -> memref<1x40x128xf32, #tpu.memory_space<vmem>>
      %dma_start3A_333 = tpu.memref_squeeze %dma_start3A_332 : memref<1x40x128xf32, #tpu.memory_space<vmem>> -> memref<40x128xf32, #tpu.memory_space<vmem>>
      %dma_start3A_334 = arith.constant 0 : i32
      %dma_start3A_335 = tpu.memref_slice %arg12[%dma_start3A_329, %dma_start3A_334] : memref<4x40xi32, #tpu.memory_space<vmem>> -> memref<1x40xi32, #tpu.memory_space<vmem>>
      %dma_start3A_336 = tpu.memref_squeeze %dma_start3A_335 : memref<1x40xi32, #tpu.memory_space<vmem>> -> memref<40xi32, #tpu.memory_space<vmem>>
      %dma_start3A_337 = arith.constant 0 : i32
      %dma_start3A_338 = arith.constant 0 : i32
      %dma_start3A_339 = tpu.memref_slice %arg17[%dma_start3A_337, %dma_start3A_338] : memref<10240x128xf32, #tpu.memory_space<vmem_shared>> -> memref<10240x128xf32, #tpu.memory_space<vmem_shared>>
      tpu.enqueue_indirect_dma source(%dma_start3A_333 : memref<40x128xf32, #tpu.memory_space<vmem>>) target(%dma_start3A_339 : memref<10240x128xf32, #tpu.memory_space<vmem_shared>>) offsets(%dma_start3A_336 : memref<40xi32, #tpu.memory_space<vmem>>) semaphore(%arg26 : memref<!tpu.dma_semaphore, #tpu.memory_space<semaphore_mem>>) {add = true}
      %mul3A_340 = arith.constant 4 : i32
      %mul3A_341 = arith.muli %mul3A_340, %scan3A_158 : i32
      %add3A_342 = arith.constant 3 : i32
      %add3A_343 = arith.addi %mul3A_341, %add3A_342 : i32
      %add3A_344 = arith.constant 1 : i32
      %add3A_345 = arith.addi %add3A_343, %add3A_344 : i32
      %lt3A_346 = arith.constant 500 : i32
      %lt3A_347 = arith.cmpi slt, %add3A_345, %lt3A_346 : i32
      %convert_element_type3A_348 = arith.extui %lt3A_347 : i1 to i32
      %cond3A_349 = arith.constant 0 : i32
      %cond3A_350 = arith.cmpi ne, %convert_element_type3A_348, %cond3A_349 : i32
      scf.if %cond3A_350 {
        %add3A_402 = arith.constant 1 : i32
        %add3A_403 = arith.addi %add3A_343, %add3A_402 : i32
        %mul3A_404 = arith.constant 40 : i32
        %mul3A_405 = arith.muli %add3A_403, %mul3A_404 : i32
        %add3A_406 = arith.addi %mul3A_0, %mul3A_405 : i32
        %mul3A_407 = arith.constant 320000 : i32
        %mul3A_408 = arith.muli %arg0, %mul3A_407 : i32
        %add3A_409 = arith.addi %mul3A_408, %add3A_406 : i32
        %dma_wait3A_410 = arith.constant 0 : i32
        %dma_wait3A_411 = arith.constant 0 : i32
        %dma_wait3A_412 = tpu.memref_slice %arg10[%dma_wait3A_410, %dma_wait3A_411] : memref<4x40xi32, #tpu.memory_space<vmem>> -> memref<1x40xi32, #tpu.memory_space<vmem>>
        %dma_wait3A_413 = tpu.memref_squeeze %dma_wait3A_412 : memref<1x40xi32, #tpu.memory_space<vmem>> -> memref<40xi32, #tpu.memory_space<vmem>>
        %dma_wait3A_414 = tpu.memref_slice %arg4[%add3A_409] : memref<640000xi32, #tpu.memory_space<hbm>> -> memref<40xi32, #tpu.memory_space<hbm>>
        %dma_wait3A_415 = arith.constant 0 : i32
        %dma_wait3A_416 = tpu.memref_slice %arg10[%dma_wait3A_410, %dma_wait3A_415] : memref<4x40xi32, #tpu.memory_space<vmem>> -> memref<1x40xi32, #tpu.memory_space<vmem>>
        %dma_wait3A_417 = tpu.memref_squeeze %dma_wait3A_416 : memref<1x40xi32, #tpu.memory_space<vmem>> -> memref<40xi32, #tpu.memory_space<vmem>>
        %dma_wait3A_418 = tpu.memref_slice %arg4[%add3A_409] : memref<640000xi32, #tpu.memory_space<hbm>> -> memref<40xi32, #tpu.memory_space<hbm>>
        tpu.wait_dma2 semaphore(%arg18 : memref<!tpu.dma_semaphore, #tpu.memory_space<semaphore_mem>>) src(%dma_wait3A_418 : memref<40xi32, #tpu.memory_space<hbm>>) dst(%dma_wait3A_417 : memref<40xi32, #tpu.memory_space<vmem>>)
        %dma_wait3A_419 = arith.constant 0 : i32
        %dma_wait3A_420 = arith.constant 0 : i32
        %dma_wait3A_421 = tpu.memref_slice %arg11[%dma_wait3A_419, %dma_wait3A_420] : memref<4x40xi32, #tpu.memory_space<vmem>> -> memref<1x40xi32, #tpu.memory_space<vmem>>
        %dma_wait3A_422 = tpu.memref_squeeze %dma_wait3A_421 : memref<1x40xi32, #tpu.memory_space<vmem>> -> memref<40xi32, #tpu.memory_space<vmem>>
        %dma_wait3A_423 = tpu.memref_slice %arg5[%add3A_409] : memref<640000xi32, #tpu.memory_space<hbm>> -> memref<40xi32, #tpu.memory_space<hbm>>
        %dma_wait3A_424 = arith.constant 0 : i32
        %dma_wait3A_425 = tpu.memref_slice %arg11[%dma_wait3A_419, %dma_wait3A_424] : memref<4x40xi32, #tpu.memory_space<vmem>> -> memref<1x40xi32, #tpu.memory_space<vmem>>
        %dma_wait3A_426 = tpu.memref_squeeze %dma_wait3A_425 : memref<1x40xi32, #tpu.memory_space<vmem>> -> memref<40xi32, #tpu.memory_space<vmem>>
        %dma_wait3A_427 = tpu.memref_slice %arg5[%add3A_409] : memref<640000xi32, #tpu.memory_space<hbm>> -> memref<40xi32, #tpu.memory_space<hbm>>
        tpu.wait_dma2 semaphore(%arg18 : memref<!tpu.dma_semaphore, #tpu.memory_space<semaphore_mem>>) src(%dma_wait3A_427 : memref<40xi32, #tpu.memory_space<hbm>>) dst(%dma_wait3A_426 : memref<40xi32, #tpu.memory_space<vmem>>)
        %dma_wait3A_428 = arith.constant 0 : i32
        %dma_wait3A_429 = arith.constant 0 : i32
        %dma_wait3A_430 = tpu.memref_slice %arg12[%dma_wait3A_428, %dma_wait3A_429] : memref<4x40xi32, #tpu.memory_space<vmem>> -> memref<1x40xi32, #tpu.memory_space<vmem>>
        %dma_wait3A_431 = tpu.memref_squeeze %dma_wait3A_430 : memref<1x40xi32, #tpu.memory_space<vmem>> -> memref<40xi32, #tpu.memory_space<vmem>>
        %dma_wait3A_432 = tpu.memref_slice %arg6[%add3A_406] : memref<320000xi32, #tpu.memory_space<hbm>> -> memref<40xi32, #tpu.memory_space<hbm>>
        %dma_wait3A_433 = arith.constant 0 : i32
        %dma_wait3A_434 = tpu.memref_slice %arg12[%dma_wait3A_428, %dma_wait3A_433] : memref<4x40xi32, #tpu.memory_space<vmem>> -> memref<1x40xi32, #tpu.memory_space<vmem>>
        %dma_wait3A_435 = tpu.memref_squeeze %dma_wait3A_434 : memref<1x40xi32, #tpu.memory_space<vmem>> -> memref<40xi32, #tpu.memory_space<vmem>>
        %dma_wait3A_436 = tpu.memref_slice %arg6[%add3A_406] : memref<320000xi32, #tpu.memory_space<hbm>> -> memref<40xi32, #tpu.memory_space<hbm>>
        tpu.wait_dma2 semaphore(%arg18 : memref<!tpu.dma_semaphore, #tpu.memory_space<semaphore_mem>>) src(%dma_wait3A_436 : memref<40xi32, #tpu.memory_space<hbm>>) dst(%dma_wait3A_435 : memref<40xi32, #tpu.memory_space<vmem>>)
        %add3A_437 = arith.constant 1 : i32
        %add3A_438 = arith.addi %add3A_343, %add3A_437 : i32
        %dma_start3A_439 = arith.constant 0 : i32
        %dma_start3A_440 = arith.constant 0 : i32
        %dma_start3A_441 = arith.constant 0 : i32
        %dma_start3A_442 = arith.constant 0 : i32
        %dma_start3A_443 = tpu.memref_slice %arg13[%dma_start3A_440, %dma_start3A_441, %dma_start3A_442] : memref<2x40x64xf32, #tpu.memory_space<vmem>> -> memref<1x40x64xf32, #tpu.memory_space<vmem>>
        %dma_start3A_444 = tpu.memref_squeeze %dma_start3A_443 : memref<1x40x64xf32, #tpu.memory_space<vmem>> -> memref<40x64xf32, #tpu.memory_space<vmem>>
        %dma_start3A_445 = arith.constant 0 : i32
        %dma_start3A_446 = tpu.memref_slice %arg10[%dma_start3A_439, %dma_start3A_445] : memref<4x40xi32, #tpu.memory_space<vmem>> -> memref<1x40xi32, #tpu.memory_space<vmem>>
        %dma_start3A_447 = tpu.memref_squeeze %dma_start3A_446 : memref<1x40xi32, #tpu.memory_space<vmem>> -> memref<40xi32, #tpu.memory_space<vmem>>
        %dma_start3A_448 = arith.constant 0 : i32
        %dma_start3A_449 = arith.constant 0 : i32
        %dma_start3A_450 = tpu.memref_slice %arg2[%dma_start3A_448, %dma_start3A_449] : memref<20000x64xf32, #tpu.memory_space<hbm>> -> memref<20000x64xf32, #tpu.memory_space<hbm>>
        tpu.enqueue_indirect_dma source(%dma_start3A_450 : memref<20000x64xf32, #tpu.memory_space<hbm>>) target(%dma_start3A_444 : memref<40x64xf32, #tpu.memory_space<vmem>>) offsets(%dma_start3A_447 : memref<40xi32, #tpu.memory_space<vmem>>) semaphore(%arg22 : memref<!tpu.dma_semaphore, #tpu.memory_space<semaphore_mem>>)
        %dma_start3A_451 = arith.constant 0 : i32
        %dma_start3A_452 = arith.constant 0 : i32
        %dma_start3A_453 = arith.constant 0 : i32
        %dma_start3A_454 = arith.constant 0 : i32
        %dma_start3A_455 = tpu.memref_slice %arg14[%dma_start3A_452, %dma_start3A_453, %dma_start3A_454] : memref<2x40x64xf32, #tpu.memory_space<vmem>> -> memref<1x40x64xf32, #tpu.memory_space<vmem>>
        %dma_start3A_456 = tpu.memref_squeeze %dma_start3A_455 : memref<1x40x64xf32, #tpu.memory_space<vmem>> -> memref<40x64xf32, #tpu.memory_space<vmem>>
        %dma_start3A_457 = arith.constant 0 : i32
        %dma_start3A_458 = tpu.memref_slice %arg11[%dma_start3A_451, %dma_start3A_457] : memref<4x40xi32, #tpu.memory_space<vmem>> -> memref<1x40xi32, #tpu.memory_space<vmem>>
        %dma_start3A_459 = tpu.memref_squeeze %dma_start3A_458 : memref<1x40xi32, #tpu.memory_space<vmem>> -> memref<40xi32, #tpu.memory_space<vmem>>
        %dma_start3A_460 = arith.constant 0 : i32
        %dma_start3A_461 = arith.constant 0 : i32
        %dma_start3A_462 = tpu.memref_slice %arg3[%dma_start3A_460, %dma_start3A_461] : memref<640000x64xf32, #tpu.memory_space<hbm>> -> memref<640000x64xf32, #tpu.memory_space<hbm>>
        tpu.enqueue_indirect_dma source(%dma_start3A_462 : memref<640000x64xf32, #tpu.memory_space<hbm>>) target(%dma_start3A_456 : memref<40x64xf32, #tpu.memory_space<vmem>>) offsets(%dma_start3A_459 : memref<40xi32, #tpu.memory_space<vmem>>) semaphore(%arg24 : memref<!tpu.dma_semaphore, #tpu.memory_space<semaphore_mem>>)
      } else {
      }
      %ge3A_351 = arith.constant 2 : i32
      %ge3A_352 = arith.cmpi sge, %add3A_343, %ge3A_351 : i32
      %convert_element_type3A_353 = arith.extui %ge3A_352 : i1 to i32
      %cond3A_354 = arith.constant 0 : i32
      %cond3A_355 = arith.cmpi ne, %convert_element_type3A_353, %cond3A_354 : i32
      scf.if %cond3A_355 {
        %dma_wait3A_402 = arith.constant 1 : i32
        %dma_wait3A_403 = arith.constant 1 : i32
        %dma_wait3A_404 = arith.constant 0 : i32
        %dma_wait3A_405 = arith.constant 0 : i32
        %dma_wait3A_406 = tpu.memref_slice %arg15[%dma_wait3A_402, %dma_wait3A_404, %dma_wait3A_405] : memref<2x40x128xf32, #tpu.memory_space<vmem>> -> memref<1x40x128xf32, #tpu.memory_space<vmem>>
        %dma_wait3A_407 = tpu.memref_squeeze %dma_wait3A_406 : memref<1x40x128xf32, #tpu.memory_space<vmem>> -> memref<40x128xf32, #tpu.memory_space<vmem>>
        %dma_wait3A_408 = arith.constant 0 : i32
        %dma_wait3A_409 = tpu.memref_slice %arg12[%dma_wait3A_403, %dma_wait3A_408] : memref<4x40xi32, #tpu.memory_space<vmem>> -> memref<1x40xi32, #tpu.memory_space<vmem>>
        %dma_wait3A_410 = tpu.memref_squeeze %dma_wait3A_409 : memref<1x40xi32, #tpu.memory_space<vmem>> -> memref<40xi32, #tpu.memory_space<vmem>>
        %dma_wait3A_411 = arith.constant 0 : i32
        %dma_wait3A_412 = arith.constant 0 : i32
        %dma_wait3A_413 = tpu.memref_slice %arg17[%dma_wait3A_411, %dma_wait3A_412] : memref<10240x128xf32, #tpu.memory_space<vmem_shared>> -> memref<10240x128xf32, #tpu.memory_space<vmem_shared>>
        tpu.wait_indirect_dma semaphore(%arg27 : memref<!tpu.dma_semaphore, #tpu.memory_space<semaphore_mem>>) src(%dma_wait3A_407 : memref<40x128xf32, #tpu.memory_space<vmem>>) dst(%dma_wait3A_413 : memref<10240x128xf32, #tpu.memory_space<vmem_shared>>)
      } else {
      }
      %add3A_356 = arith.constant 2 : i32
      %add3A_357 = arith.addi %add3A_343, %add3A_356 : i32
      %lt3A_358 = arith.constant 500 : i32
      %lt3A_359 = arith.cmpi slt, %add3A_357, %lt3A_358 : i32
      %convert_element_type3A_360 = arith.extui %lt3A_359 : i1 to i32
      %cond3A_361 = arith.constant 0 : i32
      %cond3A_362 = arith.cmpi ne, %convert_element_type3A_360, %cond3A_361 : i32
      scf.if %cond3A_362 {
        %add3A_402 = arith.constant 2 : i32
        %add3A_403 = arith.addi %add3A_343, %add3A_402 : i32
        %mul3A_404 = arith.constant 40 : i32
        %mul3A_405 = arith.muli %add3A_403, %mul3A_404 : i32
        %add3A_406 = arith.addi %mul3A_0, %mul3A_405 : i32
        %mul3A_407 = arith.constant 320000 : i32
        %mul3A_408 = arith.muli %arg0, %mul3A_407 : i32
        %add3A_409 = arith.addi %mul3A_408, %add3A_406 : i32
        %dma_start3A_410 = arith.constant 1 : i32
        %dma_start3A_411 = arith.constant 0 : i32
        %dma_start3A_412 = tpu.memref_slice %arg10[%dma_start3A_410, %dma_start3A_411] : memref<4x40xi32, #tpu.memory_space<vmem>> -> memref<1x40xi32, #tpu.memory_space<vmem>>
        %dma_start3A_413 = tpu.memref_squeeze %dma_start3A_412 : memref<1x40xi32, #tpu.memory_space<vmem>> -> memref<40xi32, #tpu.memory_space<vmem>>
        %dma_start3A_414 = tpu.memref_slice %arg4[%add3A_409] : memref<640000xi32, #tpu.memory_space<hbm>> -> memref<40xi32, #tpu.memory_space<hbm>>
        %dma_start3A_415 = arith.constant 0 : i32
        %dma_start3A_416 = tpu.memref_slice %arg10[%dma_start3A_410, %dma_start3A_415] : memref<4x40xi32, #tpu.memory_space<vmem>> -> memref<1x40xi32, #tpu.memory_space<vmem>>
        %dma_start3A_417 = tpu.memref_squeeze %dma_start3A_416 : memref<1x40xi32, #tpu.memory_space<vmem>> -> memref<40xi32, #tpu.memory_space<vmem>>
        %dma_start3A_418 = tpu.memref_slice %arg4[%add3A_409] : memref<640000xi32, #tpu.memory_space<hbm>> -> memref<40xi32, #tpu.memory_space<hbm>>
        tpu.enqueue_dma source(%dma_start3A_418 : memref<40xi32, #tpu.memory_space<hbm>>) target(%dma_start3A_417 : memref<40xi32, #tpu.memory_space<vmem>>) target_semaphore(%arg19 : memref<!tpu.dma_semaphore, #tpu.memory_space<semaphore_mem>>)
        %dma_start3A_419 = arith.constant 1 : i32
        %dma_start3A_420 = arith.constant 0 : i32
        %dma_start3A_421 = tpu.memref_slice %arg11[%dma_start3A_419, %dma_start3A_420] : memref<4x40xi32, #tpu.memory_space<vmem>> -> memref<1x40xi32, #tpu.memory_space<vmem>>
        %dma_start3A_422 = tpu.memref_squeeze %dma_start3A_421 : memref<1x40xi32, #tpu.memory_space<vmem>> -> memref<40xi32, #tpu.memory_space<vmem>>
        %dma_start3A_423 = tpu.memref_slice %arg5[%add3A_409] : memref<640000xi32, #tpu.memory_space<hbm>> -> memref<40xi32, #tpu.memory_space<hbm>>
        %dma_start3A_424 = arith.constant 0 : i32
        %dma_start3A_425 = tpu.memref_slice %arg11[%dma_start3A_419, %dma_start3A_424] : memref<4x40xi32, #tpu.memory_space<vmem>> -> memref<1x40xi32, #tpu.memory_space<vmem>>
        %dma_start3A_426 = tpu.memref_squeeze %dma_start3A_425 : memref<1x40xi32, #tpu.memory_space<vmem>> -> memref<40xi32, #tpu.memory_space<vmem>>
        %dma_start3A_427 = tpu.memref_slice %arg5[%add3A_409] : memref<640000xi32, #tpu.memory_space<hbm>> -> memref<40xi32, #tpu.memory_space<hbm>>
        tpu.enqueue_dma source(%dma_start3A_427 : memref<40xi32, #tpu.memory_space<hbm>>) target(%dma_start3A_426 : memref<40xi32, #tpu.memory_space<vmem>>) target_semaphore(%arg19 : memref<!tpu.dma_semaphore, #tpu.memory_space<semaphore_mem>>)
        %dma_start3A_428 = arith.constant 1 : i32
        %dma_start3A_429 = arith.constant 0 : i32
        %dma_start3A_430 = tpu.memref_slice %arg12[%dma_start3A_428, %dma_start3A_429] : memref<4x40xi32, #tpu.memory_space<vmem>> -> memref<1x40xi32, #tpu.memory_space<vmem>>
        %dma_start3A_431 = tpu.memref_squeeze %dma_start3A_430 : memref<1x40xi32, #tpu.memory_space<vmem>> -> memref<40xi32, #tpu.memory_space<vmem>>
        %dma_start3A_432 = tpu.memref_slice %arg6[%add3A_406] : memref<320000xi32, #tpu.memory_space<hbm>> -> memref<40xi32, #tpu.memory_space<hbm>>
        %dma_start3A_433 = arith.constant 0 : i32
        %dma_start3A_434 = tpu.memref_slice %arg12[%dma_start3A_428, %dma_start3A_433] : memref<4x40xi32, #tpu.memory_space<vmem>> -> memref<1x40xi32, #tpu.memory_space<vmem>>
        %dma_start3A_435 = tpu.memref_squeeze %dma_start3A_434 : memref<1x40xi32, #tpu.memory_space<vmem>> -> memref<40xi32, #tpu.memory_space<vmem>>
        %dma_start3A_436 = tpu.memref_slice %arg6[%add3A_406] : memref<320000xi32, #tpu.memory_space<hbm>> -> memref<40xi32, #tpu.memory_space<hbm>>
        tpu.enqueue_dma source(%dma_start3A_436 : memref<40xi32, #tpu.memory_space<hbm>>) target(%dma_start3A_435 : memref<40xi32, #tpu.memory_space<vmem>>) target_semaphore(%arg19 : memref<!tpu.dma_semaphore, #tpu.memory_space<semaphore_mem>>)
      } else {
      }
      %dma_wait3A_363 = arith.constant 3 : i32
      %dma_wait3A_364 = arith.constant 1 : i32
      %dma_wait3A_365 = arith.constant 0 : i32
      %dma_wait3A_366 = arith.constant 0 : i32
      %dma_wait3A_367 = tpu.memref_slice %arg13[%dma_wait3A_364, %dma_wait3A_365, %dma_wait3A_366] : memref<2x40x64xf32, #tpu.memory_space<vmem>> -> memref<1x40x64xf32, #tpu.memory_space<vmem>>
      %dma_wait3A_368 = tpu.memref_squeeze %dma_wait3A_367 : memref<1x40x64xf32, #tpu.memory_space<vmem>> -> memref<40x64xf32, #tpu.memory_space<vmem>>
      %dma_wait3A_369 = arith.constant 0 : i32
      %dma_wait3A_370 = tpu.memref_slice %arg10[%dma_wait3A_363, %dma_wait3A_369] : memref<4x40xi32, #tpu.memory_space<vmem>> -> memref<1x40xi32, #tpu.memory_space<vmem>>
      %dma_wait3A_371 = tpu.memref_squeeze %dma_wait3A_370 : memref<1x40xi32, #tpu.memory_space<vmem>> -> memref<40xi32, #tpu.memory_space<vmem>>
      %dma_wait3A_372 = arith.constant 0 : i32
      %dma_wait3A_373 = arith.constant 0 : i32
      %dma_wait3A_374 = tpu.memref_slice %arg2[%dma_wait3A_372, %dma_wait3A_373] : memref<20000x64xf32, #tpu.memory_space<hbm>> -> memref<20000x64xf32, #tpu.memory_space<hbm>>
      tpu.wait_indirect_dma semaphore(%arg23 : memref<!tpu.dma_semaphore, #tpu.memory_space<semaphore_mem>>) src(%dma_wait3A_374 : memref<20000x64xf32, #tpu.memory_space<hbm>>) dst(%dma_wait3A_368 : memref<40x64xf32, #tpu.memory_space<vmem>>)
      %dma_wait3A_375 = arith.constant 3 : i32
      %dma_wait3A_376 = arith.constant 1 : i32
      %dma_wait3A_377 = arith.constant 0 : i32
      %dma_wait3A_378 = arith.constant 0 : i32
      %dma_wait3A_379 = tpu.memref_slice %arg14[%dma_wait3A_376, %dma_wait3A_377, %dma_wait3A_378] : memref<2x40x64xf32, #tpu.memory_space<vmem>> -> memref<1x40x64xf32, #tpu.memory_space<vmem>>
      %dma_wait3A_380 = tpu.memref_squeeze %dma_wait3A_379 : memref<1x40x64xf32, #tpu.memory_space<vmem>> -> memref<40x64xf32, #tpu.memory_space<vmem>>
      %dma_wait3A_381 = arith.constant 0 : i32
      %dma_wait3A_382 = tpu.memref_slice %arg11[%dma_wait3A_375, %dma_wait3A_381] : memref<4x40xi32, #tpu.memory_space<vmem>> -> memref<1x40xi32, #tpu.memory_space<vmem>>
      %dma_wait3A_383 = tpu.memref_squeeze %dma_wait3A_382 : memref<1x40xi32, #tpu.memory_space<vmem>> -> memref<40xi32, #tpu.memory_space<vmem>>
      %dma_wait3A_384 = arith.constant 0 : i32
      %dma_wait3A_385 = arith.constant 0 : i32
      %dma_wait3A_386 = tpu.memref_slice %arg3[%dma_wait3A_384, %dma_wait3A_385] : memref<640000x64xf32, #tpu.memory_space<hbm>> -> memref<640000x64xf32, #tpu.memory_space<hbm>>
      tpu.wait_indirect_dma semaphore(%arg25 : memref<!tpu.dma_semaphore, #tpu.memory_space<semaphore_mem>>) src(%dma_wait3A_386 : memref<640000x64xf32, #tpu.memory_space<hbm>>) dst(%dma_wait3A_380 : memref<40x64xf32, #tpu.memory_space<vmem>>)
      %parallel_loop3A_387 = arith.constant 0 : i32
      %parallel_loop3A_388 = arith.constant 40 : i32
      %parallel_loop3A_389 = arith.constant 1 : i32
      scf.for %parallel_loop3A_402 = %parallel_loop3A_387 to %parallel_loop3A_388 step %parallel_loop3A_389  : i32 {
        %parallel_loop3A_403 = arith.constant 1 : i32
        %parallel_loop3A_404 = arith.index_cast %parallel_loop3A_403 : i32 to index
        %parallel_loop3A_405 = arith.index_cast %parallel_loop3A_402 : i32 to index
        %parallel_loop3A_406 = arith.constant 0 : index
        %parallel_loop3A_407 = tpu.vector_load %arg13[%parallel_loop3A_404, %parallel_loop3A_405, %parallel_loop3A_406] {strides = array<i32>} : memref<2x40x64xf32, #tpu.memory_space<vmem>>, vector<1x1x16xf32>,
        %parallel_loop3A_408 = vector.shape_cast %parallel_loop3A_407 : vector<1x1x16xf32> to vector<16xf32>
        %parallel_loop3A_409 = arith.constant 1 : i32
        %parallel_loop3A_410 = arith.index_cast %parallel_loop3A_409 : i32 to index
        %parallel_loop3A_411 = arith.index_cast %parallel_loop3A_402 : i32 to index
        %parallel_loop3A_412 = arith.constant 0 : index
        %parallel_loop3A_413 = tpu.vector_load %arg14[%parallel_loop3A_410, %parallel_loop3A_411, %parallel_loop3A_412] {strides = array<i32>} : memref<2x40x64xf32, #tpu.memory_space<vmem>>, vector<1x1x16xf32>,
        %parallel_loop3A_414 = vector.shape_cast %parallel_loop3A_413 : vector<1x1x16xf32> to vector<16xf32>
        %parallel_loop3A_415 = arith.addf %parallel_loop3A_408, %parallel_loop3A_414 : vector<16xf32>
        %parallel_loop3A_416 = arith.constant 0.000000e+00 : f32
        %parallel_loop3A_417 = vector.broadcast %parallel_loop3A_416 : f32 to vector<16xf32>
        %parallel_loop3A_418 = arith.maximumf %parallel_loop3A_415, %parallel_loop3A_417 : vector<16xf32>
        %parallel_loop3A_419 = arith.constant 1.000000e-07 : f32
        %parallel_loop3A_420 = vector.broadcast %parallel_loop3A_419 : f32 to vector<16xf32>
        %parallel_loop3A_421 = arith.addf %parallel_loop3A_418, %parallel_loop3A_420 : vector<16xf32>
        %parallel_loop3A_422 = arith.mulf %parallel_loop3A_421, %get3A_6 : vector<16xf32>
        %parallel_loop3A_423 = math.exp %parallel_loop3A_422 : vector<16xf32>
        %parallel_loop3A_424 = arith.mulf %parallel_loop3A_423, %parallel_loop3A_421 : vector<16xf32>
        %parallel_loop3A_425 = arith.constant 1 : i32
        %parallel_loop3A_426 = arith.index_cast %parallel_loop3A_425 : i32 to index
        %parallel_loop3A_427 = arith.index_cast %parallel_loop3A_402 : i32 to index
        %parallel_loop3A_428 = arith.constant 0 : index
        %parallel_loop3A_429 = tpu.vector_load %arg15[%parallel_loop3A_426, %parallel_loop3A_427, %parallel_loop3A_428] {strides = array<i32>} : memref<2x40x128xf32, #tpu.memory_space<vmem>>, vector<1x1x16xf32>,
        %parallel_loop3A_430 = vector.shape_cast %parallel_loop3A_429 : vector<1x1x16xf32> to vector<16xf32>
        %parallel_loop3A_431 = vector.shape_cast %parallel_loop3A_424 : vector<16xf32> to vector<1x1x16xf32>
        tpu.vector_store %arg15[%parallel_loop3A_426, %parallel_loop3A_427, %parallel_loop3A_428], %parallel_loop3A_431 {strides = array<i32>} : memref<2x40x128xf32, #tpu.memory_space<vmem>>, vector<1x1x16xf32>,
        %parallel_loop3A_432 = arith.constant 1 : i32
        %parallel_loop3A_433 = arith.index_cast %parallel_loop3A_432 : i32 to index
        %parallel_loop3A_434 = arith.index_cast %parallel_loop3A_402 : i32 to index
        %parallel_loop3A_435 = arith.constant 64 : index
        %parallel_loop3A_436 = tpu.vector_load %arg15[%parallel_loop3A_433, %parallel_loop3A_434, %parallel_loop3A_435] {strides = array<i32>} : memref<2x40x128xf32, #tpu.memory_space<vmem>>, vector<1x1x16xf32>,
        %parallel_loop3A_437 = vector.shape_cast %parallel_loop3A_436 : vector<1x1x16xf32> to vector<16xf32>
        %parallel_loop3A_438 = vector.shape_cast %parallel_loop3A_423 : vector<16xf32> to vector<1x1x16xf32>
        tpu.vector_store %arg15[%parallel_loop3A_433, %parallel_loop3A_434, %parallel_loop3A_435], %parallel_loop3A_438 {strides = array<i32>} : memref<2x40x128xf32, #tpu.memory_space<vmem>>, vector<1x1x16xf32>,
        %parallel_loop3A_439 = arith.constant 1 : i32
        %parallel_loop3A_440 = arith.index_cast %parallel_loop3A_439 : i32 to index
        %parallel_loop3A_441 = arith.index_cast %parallel_loop3A_402 : i32 to index
        %parallel_loop3A_442 = arith.constant 16 : index
        %parallel_loop3A_443 = tpu.vector_load %arg13[%parallel_loop3A_440, %parallel_loop3A_441, %parallel_loop3A_442] {strides = array<i32>} : memref<2x40x64xf32, #tpu.memory_space<vmem>>, vector<1x1x16xf32>,
        %parallel_loop3A_444 = vector.shape_cast %parallel_loop3A_443 : vector<1x1x16xf32> to vector<16xf32>
        %parallel_loop3A_445 = arith.constant 1 : i32
        %parallel_loop3A_446 = arith.index_cast %parallel_loop3A_445 : i32 to index
        %parallel_loop3A_447 = arith.index_cast %parallel_loop3A_402 : i32 to index
        %parallel_loop3A_448 = arith.constant 16 : index
        %parallel_loop3A_449 = tpu.vector_load %arg14[%parallel_loop3A_446, %parallel_loop3A_447, %parallel_loop3A_448] {strides = array<i32>} : memref<2x40x64xf32, #tpu.memory_space<vmem>>, vector<1x1x16xf32>,
        %parallel_loop3A_450 = vector.shape_cast %parallel_loop3A_449 : vector<1x1x16xf32> to vector<16xf32>
        %parallel_loop3A_451 = arith.addf %parallel_loop3A_444, %parallel_loop3A_450 : vector<16xf32>
        %parallel_loop3A_452 = arith.constant 0.000000e+00 : f32
        %parallel_loop3A_453 = vector.broadcast %parallel_loop3A_452 : f32 to vector<16xf32>
        %parallel_loop3A_454 = arith.maximumf %parallel_loop3A_451, %parallel_loop3A_453 : vector<16xf32>
        %parallel_loop3A_455 = arith.constant 1.000000e-07 : f32
        %parallel_loop3A_456 = vector.broadcast %parallel_loop3A_455 : f32 to vector<16xf32>
        %parallel_loop3A_457 = arith.addf %parallel_loop3A_454, %parallel_loop3A_456 : vector<16xf32>
        %parallel_loop3A_458 = arith.mulf %parallel_loop3A_457, %get3A_6 : vector<16xf32>
        %parallel_loop3A_459 = math.exp %parallel_loop3A_458 : vector<16xf32>
        %parallel_loop3A_460 = arith.mulf %parallel_loop3A_459, %parallel_loop3A_457 : vector<16xf32>
        %parallel_loop3A_461 = arith.constant 1 : i32
        %parallel_loop3A_462 = arith.index_cast %parallel_loop3A_461 : i32 to index
        %parallel_loop3A_463 = arith.index_cast %parallel_loop3A_402 : i32 to index
        %parallel_loop3A_464 = arith.constant 16 : index
        %parallel_loop3A_465 = tpu.vector_load %arg15[%parallel_loop3A_462, %parallel_loop3A_463, %parallel_loop3A_464] {strides = array<i32>} : memref<2x40x128xf32, #tpu.memory_space<vmem>>, vector<1x1x16xf32>,
        %parallel_loop3A_466 = vector.shape_cast %parallel_loop3A_465 : vector<1x1x16xf32> to vector<16xf32>
        %parallel_loop3A_467 = vector.shape_cast %parallel_loop3A_460 : vector<16xf32> to vector<1x1x16xf32>
        tpu.vector_store %arg15[%parallel_loop3A_462, %parallel_loop3A_463, %parallel_loop3A_464], %parallel_loop3A_467 {strides = array<i32>} : memref<2x40x128xf32, #tpu.memory_space<vmem>>, vector<1x1x16xf32>,
        %parallel_loop3A_468 = arith.constant 1 : i32
        %parallel_loop3A_469 = arith.index_cast %parallel_loop3A_468 : i32 to index
        %parallel_loop3A_470 = arith.index_cast %parallel_loop3A_402 : i32 to index
        %parallel_loop3A_471 = arith.constant 80 : index
        %parallel_loop3A_472 = tpu.vector_load %arg15[%parallel_loop3A_469, %parallel_loop3A_470, %parallel_loop3A_471] {strides = array<i32>} : memref<2x40x128xf32, #tpu.memory_space<vmem>>, vector<1x1x16xf32>,
        %parallel_loop3A_473 = vector.shape_cast %parallel_loop3A_472 : vector<1x1x16xf32> to vector<16xf32>
        %parallel_loop3A_474 = vector.shape_cast %parallel_loop3A_459 : vector<16xf32> to vector<1x1x16xf32>
        tpu.vector_store %arg15[%parallel_loop3A_469, %parallel_loop3A_470, %parallel_loop3A_471], %parallel_loop3A_474 {strides = array<i32>} : memref<2x40x128xf32, #tpu.memory_space<vmem>>, vector<1x1x16xf32>,
        %parallel_loop3A_475 = arith.constant 1 : i32
        %parallel_loop3A_476 = arith.index_cast %parallel_loop3A_475 : i32 to index
        %parallel_loop3A_477 = arith.index_cast %parallel_loop3A_402 : i32 to index
        %parallel_loop3A_478 = arith.constant 32 : index
        %parallel_loop3A_479 = tpu.vector_load %arg13[%parallel_loop3A_476, %parallel_loop3A_477, %parallel_loop3A_478] {strides = array<i32>} : memref<2x40x64xf32, #tpu.memory_space<vmem>>, vector<1x1x16xf32>,
        %parallel_loop3A_480 = vector.shape_cast %parallel_loop3A_479 : vector<1x1x16xf32> to vector<16xf32>
        %parallel_loop3A_481 = arith.constant 1 : i32
        %parallel_loop3A_482 = arith.index_cast %parallel_loop3A_481 : i32 to index
        %parallel_loop3A_483 = arith.index_cast %parallel_loop3A_402 : i32 to index
        %parallel_loop3A_484 = arith.constant 32 : index
        %parallel_loop3A_485 = tpu.vector_load %arg14[%parallel_loop3A_482, %parallel_loop3A_483, %parallel_loop3A_484] {strides = array<i32>} : memref<2x40x64xf32, #tpu.memory_space<vmem>>, vector<1x1x16xf32>,
        %parallel_loop3A_486 = vector.shape_cast %parallel_loop3A_485 : vector<1x1x16xf32> to vector<16xf32>
        %parallel_loop3A_487 = arith.addf %parallel_loop3A_480, %parallel_loop3A_486 : vector<16xf32>
        %parallel_loop3A_488 = arith.constant 0.000000e+00 : f32
        %parallel_loop3A_489 = vector.broadcast %parallel_loop3A_488 : f32 to vector<16xf32>
        %parallel_loop3A_490 = arith.maximumf %parallel_loop3A_487, %parallel_loop3A_489 : vector<16xf32>
        %parallel_loop3A_491 = arith.constant 1.000000e-07 : f32
        %parallel_loop3A_492 = vector.broadcast %parallel_loop3A_491 : f32 to vector<16xf32>
        %parallel_loop3A_493 = arith.addf %parallel_loop3A_490, %parallel_loop3A_492 : vector<16xf32>
        %parallel_loop3A_494 = arith.mulf %parallel_loop3A_493, %get3A_6 : vector<16xf32>
        %parallel_loop3A_495 = math.exp %parallel_loop3A_494 : vector<16xf32>
        %parallel_loop3A_496 = arith.mulf %parallel_loop3A_495, %parallel_loop3A_493 : vector<16xf32>
        %parallel_loop3A_497 = arith.constant 1 : i32
        %parallel_loop3A_498 = arith.index_cast %parallel_loop3A_497 : i32 to index
        %parallel_loop3A_499 = arith.index_cast %parallel_loop3A_402 : i32 to index
        %parallel_loop3A_500 = arith.constant 32 : index
        %parallel_loop3A_501 = tpu.vector_load %arg15[%parallel_loop3A_498, %parallel_loop3A_499, %parallel_loop3A_500] {strides = array<i32>} : memref<2x40x128xf32, #tpu.memory_space<vmem>>, vector<1x1x16xf32>,
        %parallel_loop3A_502 = vector.shape_cast %parallel_loop3A_501 : vector<1x1x16xf32> to vector<16xf32>
        %parallel_loop3A_503 = vector.shape_cast %parallel_loop3A_496 : vector<16xf32> to vector<1x1x16xf32>
        tpu.vector_store %arg15[%parallel_loop3A_498, %parallel_loop3A_499, %parallel_loop3A_500], %parallel_loop3A_503 {strides = array<i32>} : memref<2x40x128xf32, #tpu.memory_space<vmem>>, vector<1x1x16xf32>,
        %parallel_loop3A_504 = arith.constant 1 : i32
        %parallel_loop3A_505 = arith.index_cast %parallel_loop3A_504 : i32 to index
        %parallel_loop3A_506 = arith.index_cast %parallel_loop3A_402 : i32 to index
        %parallel_loop3A_507 = arith.constant 96 : index
        %parallel_loop3A_508 = tpu.vector_load %arg15[%parallel_loop3A_505, %parallel_loop3A_506, %parallel_loop3A_507] {strides = array<i32>} : memref<2x40x128xf32, #tpu.memory_space<vmem>>, vector<1x1x16xf32>,
        %parallel_loop3A_509 = vector.shape_cast %parallel_loop3A_508 : vector<1x1x16xf32> to vector<16xf32>
        %parallel_loop3A_510 = vector.shape_cast %parallel_loop3A_495 : vector<16xf32> to vector<1x1x16xf32>
        tpu.vector_store %arg15[%parallel_loop3A_505, %parallel_loop3A_506, %parallel_loop3A_507], %parallel_loop3A_510 {strides = array<i32>} : memref<2x40x128xf32, #tpu.memory_space<vmem>>, vector<1x1x16xf32>,
        %parallel_loop3A_511 = arith.constant 1 : i32
        %parallel_loop3A_512 = arith.index_cast %parallel_loop3A_511 : i32 to index
        %parallel_loop3A_513 = arith.index_cast %parallel_loop3A_402 : i32 to index
        %parallel_loop3A_514 = arith.constant 48 : index
        %parallel_loop3A_515 = tpu.vector_load %arg13[%parallel_loop3A_512, %parallel_loop3A_513, %parallel_loop3A_514] {strides = array<i32>} : memref<2x40x64xf32, #tpu.memory_space<vmem>>, vector<1x1x16xf32>,
        %parallel_loop3A_516 = vector.shape_cast %parallel_loop3A_515 : vector<1x1x16xf32> to vector<16xf32>
        %parallel_loop3A_517 = arith.constant 1 : i32
        %parallel_loop3A_518 = arith.index_cast %parallel_loop3A_517 : i32 to index
        %parallel_loop3A_519 = arith.index_cast %parallel_loop3A_402 : i32 to index
        %parallel_loop3A_520 = arith.constant 48 : index
        %parallel_loop3A_521 = tpu.vector_load %arg14[%parallel_loop3A_518, %parallel_loop3A_519, %parallel_loop3A_520] {strides = array<i32>} : memref<2x40x64xf32, #tpu.memory_space<vmem>>, vector<1x1x16xf32>,
        %parallel_loop3A_522 = vector.shape_cast %parallel_loop3A_521 : vector<1x1x16xf32> to vector<16xf32>
        %parallel_loop3A_523 = arith.addf %parallel_loop3A_516, %parallel_loop3A_522 : vector<16xf32>
        %parallel_loop3A_524 = arith.constant 0.000000e+00 : f32
        %parallel_loop3A_525 = vector.broadcast %parallel_loop3A_524 : f32 to vector<16xf32>
        %parallel_loop3A_526 = arith.maximumf %parallel_loop3A_523, %parallel_loop3A_525 : vector<16xf32>
        %parallel_loop3A_527 = arith.constant 1.000000e-07 : f32
        %parallel_loop3A_528 = vector.broadcast %parallel_loop3A_527 : f32 to vector<16xf32>
        %parallel_loop3A_529 = arith.addf %parallel_loop3A_526, %parallel_loop3A_528 : vector<16xf32>
        %parallel_loop3A_530 = arith.mulf %parallel_loop3A_529, %get3A_6 : vector<16xf32>
        %parallel_loop3A_531 = math.exp %parallel_loop3A_530 : vector<16xf32>
        %parallel_loop3A_532 = arith.mulf %parallel_loop3A_531, %parallel_loop3A_529 : vector<16xf32>
        %parallel_loop3A_533 = arith.constant 1 : i32
        %parallel_loop3A_534 = arith.index_cast %parallel_loop3A_533 : i32 to index
        %parallel_loop3A_535 = arith.index_cast %parallel_loop3A_402 : i32 to index
        %parallel_loop3A_536 = arith.constant 48 : index
        %parallel_loop3A_537 = tpu.vector_load %arg15[%parallel_loop3A_534, %parallel_loop3A_535, %parallel_loop3A_536] {strides = array<i32>} : memref<2x40x128xf32, #tpu.memory_space<vmem>>, vector<1x1x16xf32>,
        %parallel_loop3A_538 = vector.shape_cast %parallel_loop3A_537 : vector<1x1x16xf32> to vector<16xf32>
        %parallel_loop3A_539 = vector.shape_cast %parallel_loop3A_532 : vector<16xf32> to vector<1x1x16xf32>
        tpu.vector_store %arg15[%parallel_loop3A_534, %parallel_loop3A_535, %parallel_loop3A_536], %parallel_loop3A_539 {strides = array<i32>} : memref<2x40x128xf32, #tpu.memory_space<vmem>>, vector<1x1x16xf32>,
        %parallel_loop3A_540 = arith.constant 1 : i32
        %parallel_loop3A_541 = arith.index_cast %parallel_loop3A_540 : i32 to index
        %parallel_loop3A_542 = arith.index_cast %parallel_loop3A_402 : i32 to index
        %parallel_loop3A_543 = arith.constant 112 : index
        %parallel_loop3A_544 = tpu.vector_load %arg15[%parallel_loop3A_541, %parallel_loop3A_542, %parallel_loop3A_543] {strides = array<i32>} : memref<2x40x128xf32, #tpu.memory_space<vmem>>, vector<1x1x16xf32>,
        %parallel_loop3A_545 = vector.shape_cast %parallel_loop3A_544 : vector<1x1x16xf32> to vector<16xf32>
        %parallel_loop3A_546 = vector.shape_cast %parallel_loop3A_531 : vector<16xf32> to vector<1x1x16xf32>
        tpu.vector_store %arg15[%parallel_loop3A_541, %parallel_loop3A_542, %parallel_loop3A_543], %parallel_loop3A_546 {strides = array<i32>} : memref<2x40x128xf32, #tpu.memory_space<vmem>>, vector<1x1x16xf32>,
      } {sc.loop_unroll_factor = 8 : i64, sc.parallel_access}
      %dma_start3A_390 = arith.constant 1 : i32
      %dma_start3A_391 = arith.constant 3 : i32
      %dma_start3A_392 = arith.constant 0 : i32
      %dma_start3A_393 = arith.constant 0 : i32
      %dma_start3A_394 = tpu.memref_slice %arg15[%dma_start3A_390, %dma_start3A_392, %dma_start3A_393] : memref<2x40x128xf32, #tpu.memory_space<vmem>> -> memref<1x40x128xf32, #tpu.memory_space<vmem>>
      %dma_start3A_395 = tpu.memref_squeeze %dma_start3A_394 : memref<1x40x128xf32, #tpu.memory_space<vmem>> -> memref<40x128xf32, #tpu.memory_space<vmem>>
      %dma_start3A_396 = arith.constant 0 : i32
      %dma_start3A_397 = tpu.memref_slice %arg12[%dma_start3A_391, %dma_start3A_396] : memref<4x40xi32, #tpu.memory_space<vmem>> -> memref<1x40xi32, #tpu.memory_space<vmem>>
      %dma_start3A_398 = tpu.memref_squeeze %dma_start3A_397 : memref<1x40xi32, #tpu.memory_space<vmem>> -> memref<40xi32, #tpu.memory_space<vmem>>
      %dma_start3A_399 = arith.constant 0 : i32
      %dma_start3A_400 = arith.constant 0 : i32
      %dma_start3A_401 = tpu.memref_slice %arg17[%dma_start3A_399, %dma_start3A_400] : memref<10240x128xf32, #tpu.memory_space<vmem_shared>> -> memref<10240x128xf32, #tpu.memory_space<vmem_shared>>
      tpu.enqueue_indirect_dma source(%dma_start3A_395 : memref<40x128xf32, #tpu.memory_space<vmem>>) target(%dma_start3A_401 : memref<10240x128xf32, #tpu.memory_space<vmem_shared>>) offsets(%dma_start3A_398 : memref<40xi32, #tpu.memory_space<vmem>>) semaphore(%arg27 : memref<!tpu.dma_semaphore, #tpu.memory_space<semaphore_mem>>) {add = true}
    }
    %scan3A_128 = arith.constant 125 : i32
    %dma_wait3A_129 = arith.constant 0 : i32
    %dma_wait3A_130 = arith.constant 2 : i32
    %dma_wait3A_131 = arith.constant 0 : i32
    %dma_wait3A_132 = arith.constant 0 : i32
    %dma_wait3A_133 = tpu.memref_slice %arg15[%dma_wait3A_129, %dma_wait3A_131, %dma_wait3A_132] : memref<2x40x128xf32, #tpu.memory_space<vmem>> -> memref<1x40x128xf32, #tpu.memory_space<vmem>>
    %dma_wait3A_134 = tpu.memref_squeeze %dma_wait3A_133 : memref<1x40x128xf32, #tpu.memory_space<vmem>> -> memref<40x128xf32, #tpu.memory_space<vmem>>
    %dma_wait3A_135 = arith.constant 0 : i32
    %dma_wait3A_136 = tpu.memref_slice %arg12[%dma_wait3A_130, %dma_wait3A_135] : memref<4x40xi32, #tpu.memory_space<vmem>> -> memref<1x40xi32, #tpu.memory_space<vmem>>
    %dma_wait3A_137 = tpu.memref_squeeze %dma_wait3A_136 : memref<1x40xi32, #tpu.memory_space<vmem>> -> memref<40xi32, #tpu.memory_space<vmem>>
    %dma_wait3A_138 = arith.constant 0 : i32
    %dma_wait3A_139 = arith.constant 0 : i32
    %dma_wait3A_140 = tpu.memref_slice %arg17[%dma_wait3A_138, %dma_wait3A_139] : memref<10240x128xf32, #tpu.memory_space<vmem_shared>> -> memref<10240x128xf32, #tpu.memory_space<vmem_shared>>
    tpu.wait_indirect_dma semaphore(%arg26 : memref<!tpu.dma_semaphore, #tpu.memory_space<semaphore_mem>>) src(%dma_wait3A_134 : memref<40x128xf32, #tpu.memory_space<vmem>>) dst(%dma_wait3A_140 : memref<10240x128xf32, #tpu.memory_space<vmem_shared>>)
    %dma_wait3A_141 = arith.constant 1 : i32
    %dma_wait3A_142 = arith.constant 3 : i32
    %dma_wait3A_143 = arith.constant 0 : i32
    %dma_wait3A_144 = arith.constant 0 : i32
    %dma_wait3A_145 = tpu.memref_slice %arg15[%dma_wait3A_141, %dma_wait3A_143, %dma_wait3A_144] : memref<2x40x128xf32, #tpu.memory_space<vmem>> -> memref<1x40x128xf32, #tpu.memory_space<vmem>>
    %dma_wait3A_146 = tpu.memref_squeeze %dma_wait3A_145 : memref<1x40x128xf32, #tpu.memory_space<vmem>> -> memref<40x128xf32, #tpu.memory_space<vmem>>
    %dma_wait3A_147 = arith.constant 0 : i32
    %dma_wait3A_148 = tpu.memref_slice %arg12[%dma_wait3A_142, %dma_wait3A_147] : memref<4x40xi32, #tpu.memory_space<vmem>> -> memref<1x40xi32, #tpu.memory_space<vmem>>
    %dma_wait3A_149 = tpu.memref_squeeze %dma_wait3A_148 : memref<1x40xi32, #tpu.memory_space<vmem>> -> memref<40xi32, #tpu.memory_space<vmem>>
    %dma_wait3A_150 = arith.constant 0 : i32
    %dma_wait3A_151 = arith.constant 0 : i32
    %dma_wait3A_152 = tpu.memref_slice %arg17[%dma_wait3A_150, %dma_wait3A_151] : memref<10240x128xf32, #tpu.memory_space<vmem_shared>> -> memref<10240x128xf32, #tpu.memory_space<vmem_shared>>
    tpu.wait_indirect_dma semaphore(%arg27 : memref<!tpu.dma_semaphore, #tpu.memory_space<semaphore_mem>>) src(%dma_wait3A_146 : memref<40x128xf32, #tpu.memory_space<vmem>>) dst(%dma_wait3A_152 : memref<10240x128xf32, #tpu.memory_space<vmem_shared>>)
    %barrier3A_153 = arith.constant 0 : index
    tpu.barrier barrier_id(%barrier3A_153)
    %mul3A_154 = arith.constant 640 : i32
    %mul3A_155 = arith.muli %arg1, %mul3A_154 : i32
    %mul3A_156 = arith.constant 640 : i32
    %mul3A_157 = arith.muli %arg1, %mul3A_156 : i32
    "tpu.region"() ({
      %run_scoped3A = tpu.sem_alloc : memref<!tpu.dma_semaphore, #tpu.memory_space<semaphore_mem>>
      %dma_start3A_158 = arith.constant 0 : i32
      %dma_start3A_159 = tpu.memref_slice %arg9[%arg0, %mul3A_157, %dma_start3A_158] : memref<2x10240x128xf32, #tpu.memory_space<hbm>> -> memref<1x640x128xf32, #tpu.memory_space<hbm>>
      %dma_start3A_160 = tpu.memref_squeeze %dma_start3A_159 : memref<1x640x128xf32, #tpu.memory_space<hbm>> -> memref<640x128xf32, #tpu.memory_space<hbm>>
      %dma_start3A_161 = arith.constant 0 : i32
      %dma_start3A_162 = tpu.memref_slice %arg17[%mul3A_155, %dma_start3A_161] : memref<10240x128xf32, #tpu.memory_space<vmem_shared>> -> memref<640x128xf32, #tpu.memory_space<vmem_shared>>
      tpu.enqueue_dma source(%dma_start3A_162 : memref<640x128xf32, #tpu.memory_space<vmem_shared>>) target(%dma_start3A_160 : memref<640x128xf32, #tpu.memory_space<hbm>>) target_semaphore(%run_scoped3A : memref<!tpu.dma_semaphore, #tpu.memory_space<semaphore_mem>>)
      %dma_wait3A_163 = arith.constant 0 : i32
      %dma_wait3A_164 = tpu.memref_slice %arg9[%arg0, %mul3A_157, %dma_wait3A_163] : memref<2x10240x128xf32, #tpu.memory_space<hbm>> -> memref<1x640x128xf32, #tpu.memory_space<hbm>>
      %dma_wait3A_165 = tpu.memref_squeeze %dma_wait3A_164 : memref<1x640x128xf32, #tpu.memory_space<hbm>> -> memref<640x128xf32, #tpu.memory_space<hbm>>
      %dma_wait3A_166 = arith.constant 0 : i32
      %dma_wait3A_167 = tpu.memref_slice %arg17[%mul3A_155, %dma_wait3A_166] : memref<10240x128xf32, #tpu.memory_space<vmem_shared>> -> memref<640x128xf32, #tpu.memory_space<vmem_shared>>
      tpu.wait_dma2 semaphore(%run_scoped3A : memref<!tpu.dma_semaphore, #tpu.memory_space<semaphore_mem>>) src(%dma_wait3A_167 : memref<640x128xf32, #tpu.memory_space<vmem_shared>>) dst(%dma_wait3A_165 : memref<640x128xf32, #tpu.memory_space<hbm>>)
      tpu.yield
    }) : () -> ()
    return
  }
}

module attributes {stable_mosaic.version = 14 : i64} {
  func.func @_mlp_body(%arg0: i32, %arg1: memref<2000x128xf32, #tpu.memory_space<vmem>>, %arg2: memref<2x2000x128xf32, #tpu.memory_space<vmem>>, %arg3: memref<128x256xf32, #tpu.memory_space<vmem>>, %arg4: memref<256xf32, #tpu.memory_space<vmem>>, %arg5: memref<256xf32, #tpu.memory_space<vmem>>, %arg6: memref<256xf32, #tpu.memory_space<vmem>>, %arg7: memref<256x128xf32, #tpu.memory_space<vmem>>, %arg8: memref<128xf32, #tpu.memory_space<vmem>>, %arg9: memref<2000x128xf32, #tpu.memory_space<vmem>>) attributes {dimension_semantics = [#tpu.dimension_semantics<arbitrary>], iteration_bounds = array<i64: 5>, scalar_prefetch = 0 : i64, scratch_operands = 0 : i64, tpu.core_type = #tpu.core_type<tc>, window_params = [{transform_indices = @transform_0, window_bounds = array<i64: 2000, 128>}, {transform_indices = @transform_1, window_bounds = array<i64: 2, 2000, 128>}, {pipeline_mode = #tpu.pipeline_mode<synchronous>, transform_indices = @transform_2, window_bounds = array<i64: 128, 256>}, {pipeline_mode = #tpu.pipeline_mode<synchronous>, transform_indices = @transform_3, window_bounds = array<i64: 256>}, {pipeline_mode = #tpu.pipeline_mode<synchronous>, transform_indices = @transform_4, window_bounds = array<i64: 256>}, {pipeline_mode = #tpu.pipeline_mode<synchronous>, transform_indices = @transform_5, window_bounds = array<i64: 256>}, {pipeline_mode = #tpu.pipeline_mode<synchronous>, transform_indices = @transform_6, window_bounds = array<i64: 256, 128>}, {pipeline_mode = #tpu.pipeline_mode<synchronous>, transform_indices = @transform_7, window_bounds = array<i64: 128>}, {transform_indices = @transform_8, window_bounds = array<i64: 2000, 128>}]} {
    %get3A = arith.constant 0 : index
    %get3A_0 = arith.constant 0 : index
    %get3A_1 = vector.load %arg1[%get3A, %get3A_0] : memref<2000x128xf32, #tpu.memory_space<vmem>>, vector<2000x128xf32>
    %get3A_2 = arith.constant 0 : index
    %get3A_3 = arith.constant 0 : index
    %get3A_4 = arith.constant 0 : index
    %get3A_5 = vector.load %arg2[%get3A_2, %get3A_3, %get3A_4] : memref<2x2000x128xf32, #tpu.memory_space<vmem>>, vector<1x2000x64xf32>
    %get3A_6 = vector.shape_cast %get3A_5 : vector<1x2000x64xf32> to vector<2000x64xf32>
    %get3A_7 = arith.constant 1 : index
    %get3A_8 = arith.constant 0 : index
    %get3A_9 = arith.constant 0 : index
    %get3A_10 = vector.load %arg2[%get3A_7, %get3A_8, %get3A_9] : memref<2x2000x128xf32, #tpu.memory_space<vmem>>, vector<1x2000x64xf32>
    %get3A_11 = vector.shape_cast %get3A_10 : vector<1x2000x64xf32> to vector<2000x64xf32>
    %concatenate3A = tpu.concatenate %get3A_6, %get3A_11 in 1 : vector<2000x64xf32>, vector<2000x64xf32> -> vector<2000x128xf32>
    %get3A_12 = arith.constant 0 : index
    %get3A_13 = arith.constant 0 : index
    %get3A_14 = arith.constant 64 : index
    %get3A_15 = vector.load %arg2[%get3A_12, %get3A_13, %get3A_14] : memref<2x2000x128xf32, #tpu.memory_space<vmem>>, vector<1x2000x64xf32>
    %get3A_16 = vector.shape_cast %get3A_15 : vector<1x2000x64xf32> to vector<2000x64xf32>
    %get3A_17 = arith.constant 1 : index
    %get3A_18 = arith.constant 0 : index
    %get3A_19 = arith.constant 64 : index
    %get3A_20 = vector.load %arg2[%get3A_17, %get3A_18, %get3A_19] : memref<2x2000x128xf32, #tpu.memory_space<vmem>>, vector<1x2000x64xf32>
    %get3A_21 = vector.shape_cast %get3A_20 : vector<1x2000x64xf32> to vector<2000x64xf32>
    %concatenate3A_22 = tpu.concatenate %get3A_16, %get3A_21 in 1 : vector<2000x64xf32>, vector<2000x64xf32> -> vector<2000x128xf32>
    %add3A = arith.constant 1.000000e-16 : f32
    %add3A_23 = vector.broadcast %add3A : f32 to vector<2000x128xf32>
    %add3A_24 = arith.addf %concatenate3A_22, %add3A_23 : vector<2000x128xf32>
    %div3A = arith.divf %concatenate3A, %add3A_24 : vector<2000x128xf32>
    %add3A_25 = arith.addf %get3A_1, %div3A : vector<2000x128xf32>
    %get3A_26 = arith.constant 0 : index
    %get3A_27 = arith.constant 0 : index
    %get3A_28 = vector.load %arg3[%get3A_26, %get3A_27] : memref<128x256xf32, #tpu.memory_space<vmem>>, vector<128x256xf32>
    %dot_general3A = arith.constant dense<0.000000e+00> : vector<2000x256xf32>
    %dot_general3A_29 = tpu.matmul %add3A_25, %get3A_28, %dot_general3A {dimension_numbers = #tpu.dot_dimension_numbers<[1], [0], [0], [1], [0, 0, 1, 1], [], []>, transpose_lhs_hint = false} : vector<2000x128xf32>, vector<128x256xf32>, vector<2000x256xf32> -> vector<2000x256xf32>
    %get3A_30 = arith.constant 0 : index
    %get3A_31 = vector.load %arg4[%get3A_30] : memref<256xf32, #tpu.memory_space<vmem>>, vector<256xf32>
    %broadcast_in_dim3A = vector.shape_cast %get3A_31 : vector<256xf32> to vector<1x256xf32>
    %add3A_32 = vector.broadcast %broadcast_in_dim3A : vector<1x256xf32> to vector<2000x256xf32>
    %add3A_33 = arith.addf %dot_general3A_29, %add3A_32 : vector<2000x256xf32>
    %reduce_sum3A = arith.constant dense<0.000000e+00> : vector<2000xf32>
    %reduce_sum3A_34 = vector.multi_reduction <add>, %add3A_33, %reduce_sum3A [1] : vector<2000x256xf32> to vector<2000xf32>
    %broadcast_in_dim3A_35 = vector.shape_cast %reduce_sum3A_34 : vector<2000xf32> to vector<2000x1xf32>
    %div3A_36 = arith.constant 2.560000e+02 : f32
    %div3A_37 = vector.broadcast %div3A_36 : f32 to vector<2000x1xf32>
    %div3A_38 = arith.divf %broadcast_in_dim3A_35, %div3A_37 : vector<2000x1xf32>
    %sub3A = vector.broadcast %div3A_38 : vector<2000x1xf32> to vector<2000x256xf32>
    %sub3A_39 = arith.subf %add3A_33, %sub3A : vector<2000x256xf32>
    %integer_pow3A = arith.mulf %sub3A_39, %sub3A_39 : vector<2000x256xf32>
    %reduce_sum3A_40 = arith.constant dense<0.000000e+00> : vector<2000xf32>
    %reduce_sum3A_41 = vector.multi_reduction <add>, %integer_pow3A, %reduce_sum3A_40 [1] : vector<2000x256xf32> to vector<2000xf32>
    %broadcast_in_dim3A_42 = vector.shape_cast %reduce_sum3A_41 : vector<2000xf32> to vector<2000x1xf32>
    %div3A_43 = arith.constant 2.560000e+02 : f32
    %div3A_44 = vector.broadcast %div3A_43 : f32 to vector<2000x1xf32>
    %div3A_45 = arith.divf %broadcast_in_dim3A_42, %div3A_44 : vector<2000x1xf32>
    %sub3A_46 = vector.broadcast %div3A_38 : vector<2000x1xf32> to vector<2000x256xf32>
    %sub3A_47 = arith.subf %add3A_33, %sub3A_46 : vector<2000x256xf32>
    %add3A_48 = arith.constant 9.99999974E-6 : f32
    %add3A_49 = vector.broadcast %add3A_48 : f32 to vector<2000x1xf32>
    %add3A_50 = arith.addf %div3A_45, %add3A_49 : vector<2000x1xf32>
    %rsqrt3A = math.rsqrt %add3A_50 : vector<2000x1xf32>
    %mul3A = vector.broadcast %rsqrt3A : vector<2000x1xf32> to vector<2000x256xf32>
    %mul3A_51 = arith.mulf %sub3A_47, %mul3A : vector<2000x256xf32>
    %get3A_52 = arith.constant 0 : index
    %get3A_53 = vector.load %arg5[%get3A_52] : memref<256xf32, #tpu.memory_space<vmem>>, vector<256xf32>
    %broadcast_in_dim3A_54 = vector.shape_cast %get3A_53 : vector<256xf32> to vector<1x256xf32>
    %mul3A_55 = vector.broadcast %broadcast_in_dim3A_54 : vector<1x256xf32> to vector<2000x256xf32>
    %mul3A_56 = arith.mulf %mul3A_51, %mul3A_55 : vector<2000x256xf32>
    %get3A_57 = arith.constant 0 : index
    %get3A_58 = vector.load %arg6[%get3A_57] : memref<256xf32, #tpu.memory_space<vmem>>, vector<256xf32>
    %broadcast_in_dim3A_59 = vector.shape_cast %get3A_58 : vector<256xf32> to vector<1x256xf32>
    %add3A_60 = vector.broadcast %broadcast_in_dim3A_59 : vector<1x256xf32> to vector<2000x256xf32>
    %add3A_61 = arith.addf %mul3A_56, %add3A_60 : vector<2000x256xf32>
    %max3A = arith.constant 0.000000e+00 : f32
    %max3A_62 = vector.broadcast %max3A : f32 to vector<2000x256xf32>
    %max3A_63 = arith.maximumf %add3A_61, %max3A_62 : vector<2000x256xf32>
    %get3A_64 = arith.constant 0 : index
    %get3A_65 = arith.constant 0 : index
    %get3A_66 = vector.load %arg7[%get3A_64, %get3A_65] : memref<256x128xf32, #tpu.memory_space<vmem>>, vector<256x128xf32>
    %dot_general3A_67 = arith.constant dense<0.000000e+00> : vector<2000x128xf32>
    %dot_general3A_68 = tpu.matmul %max3A_63, %get3A_66, %dot_general3A_67 {dimension_numbers = #tpu.dot_dimension_numbers<[1], [0], [0], [1], [0, 0, 1, 1], [], []>, transpose_lhs_hint = false} : vector<2000x256xf32>, vector<256x128xf32>, vector<2000x128xf32> -> vector<2000x128xf32>
    %get3A_69 = arith.constant 0 : index
    %get3A_70 = vector.load %arg8[%get3A_69] : memref<128xf32, #tpu.memory_space<vmem>>, vector<128xf32>
    %broadcast_in_dim3A_71 = vector.shape_cast %get3A_70 : vector<128xf32> to vector<1x128xf32>
    %add3A_72 = vector.broadcast %broadcast_in_dim3A_71 : vector<1x128xf32> to vector<2000x128xf32>
    %add3A_73 = arith.addf %dot_general3A_68, %add3A_72 : vector<2000x128xf32>
    %swap3A = arith.constant 0 : index
    %swap3A_74 = arith.constant 0 : index
    %swap3A_75 = vector.load %arg9[%swap3A, %swap3A_74] : memref<2000x128xf32, #tpu.memory_space<vmem>>, vector<2000x128xf32>
    tpu.vector_store %arg9[%swap3A, %swap3A_74], %add3A_73 {strides = array<i32>} : memref<2000x128xf32, #tpu.memory_space<vmem>>, vector<2000x128xf32>,
    return
  }
  func.func @transform_0(%arg0: i32) -> (i32, i32) {
    %c0_i32 = arith.constant 0 : i32
    %c0_i32_0 = arith.constant 0 : i32
    return %arg0, %c0_i32 : i32, i32
  }
  func.func @transform_1(%arg0: i32) -> (i32, i32, i32) {
    %c0_i32 = arith.constant 0 : i32
    %c0_i32_0 = arith.constant 0 : i32
    %c0_i32_1 = arith.constant 0 : i32
    return %c0_i32, %arg0, %c0_i32_0 : i32, i32, i32
  }
  func.func @transform_2(%arg0: i32) -> (i32, i32) {
    %c0_i32 = arith.constant 0 : i32
    %c0_i32_0 = arith.constant 0 : i32
    %c0_i32_1 = arith.constant 0 : i32
    return %c0_i32, %c0_i32_0 : i32, i32
  }
  func.func @transform_3(%arg0: i32) -> i32 {
    %c0_i32 = arith.constant 0 : i32
    %c0_i32_0 = arith.constant 0 : i32
    return %c0_i32 : i32
  }
  func.func @transform_4(%arg0: i32) -> i32 {
    %c0_i32 = arith.constant 0 : i32
    %c0_i32_0 = arith.constant 0 : i32
    return %c0_i32 : i32
  }
  func.func @transform_5(%arg0: i32) -> i32 {
    %c0_i32 = arith.constant 0 : i32
    %c0_i32_0 = arith.constant 0 : i32
    return %c0_i32 : i32
  }
  func.func @transform_6(%arg0: i32) -> (i32, i32) {
    %c0_i32 = arith.constant 0 : i32
    %c0_i32_0 = arith.constant 0 : i32
    %c0_i32_1 = arith.constant 0 : i32
    return %c0_i32, %c0_i32_0 : i32, i32
  }
  func.func @transform_7(%arg0: i32) -> i32 {
    %c0_i32 = arith.constant 0 : i32
    %c0_i32_0 = arith.constant 0 : i32
    return %c0_i32 : i32
  }
  func.func @transform_8(%arg0: i32) -> (i32, i32) {
    %c0_i32 = arith.constant 0 : i32
    %c0_i32_0 = arith.constant 0 : i32
    return %arg0, %c0_i32 : i32, i32
  }
}

</mosaic_0001>

<sc_bundles>
// kernel: kernel.4.cloned.1.call-start
scs
__scs_entry_jumppad:
0x0: {  	(pc) =	sbr.rel $0x88, $3  }
0x1: {  	(tag) =	ssettag $0x0;
	lr =	simm.s32 $0x1  }
0x2: {  	[smem:$0x3F97] =	sst lr;
	_ =	strace $0xD0000000  }
0x3: {  	_ = 	snop  }
0x4: {  	_ = 	snop  }
0x5: {  	_ = 	snop  }
0x6: {  	_ = 	snop  }
0x7: {  	_ = 	snop  }
__scs_overlays_trampoline_lowered:
0x8: {  	[smem:$0x3FA6] =	sst s0  }
0x9: {  	[smem:$0x3FA7] =	sst s1  }
0xa: {  	[smem:$0x3FA8] =	sst s2  }
0xb: {  	[smem:$0x3FA9] =	sst s3  }
0xc: {  	[smem:$0x3FAA] =	sst s4  }
0xd: {  	[smem:$0x3FAB] =	sst s5  }
0xe: {  	[smem:$0x3FAC] =	sst s6  }
0xf: {  	[smem:$0x3FAD] =	sst s7  }
0x10: {  	[smem:$0x3FAE] =	sst s8  }
0x11: {  	[smem:$0x3FAF] =	sst s9;
	s0 =	simm.s32 @!p0 $0x0  }
0x12: {  	s1 =	sld [smem:$0x3F95];
	s0 =	simm.s32 @p0 $0x1  }
0x13: {  	[smem:$0x3FB0] =	sst s0;
	s0 =	simm.s32 @!p1 $0x0  }
0x14: {  	s2 =	sld [smem:$0x3F94];
	s0 =	simm.s32 @p1 $0x1  }
0x15: {  	[smem:$0x3FB1] =	sst s0;
	s0 =	simm.s32 @!p2 $0x0  }
0x16: {  	s3 =	sld [smem:$0x3FDB];
	s0 =	simm.s32 @p2 $0x1  }
0x17: {  	s4 =	simm.s32 $0x1BF5;
	[smem:$0x3FB3] =	sst s0  }
0x18: {  	s0 =	sld [smem:$0x3F96];
	_ =	swait.ge [sflag:s4], $0x0  }
0x19: {  	s7 =	sld [smem:$0x3F97]  }
0x1a: {  	s8 =	sadd.s32 $0xFFFFE003, lr  }
0x1b: {  	s9 =	sadd.s32 $0xFFFFFEF7, lr;
	s5 =	simm.s32 $0xFFFFFFFF;
	p2 =	slt.u32 s8, $0xFFFFF086  }
0x1c: {  	p1 =	slt.u32 s9, $0xF7A;
	s5 =	simm.s32 @!p2 $0x0  }
0x1d: {  	s5 =	simm.s32 @p1 $0x1;
	p0 =	seq.s32 s7, s2  }
0x1e: {  	s7 =	smul.u32 @!p0 $0xF7A, s2;
	p2 =	seq.s32 @!p0 s5, $0x0  }
0x1f: {  	s9 =	smul.u32 $0xF7A, s1;
	s8 =	simm.s32 @!p0 $0x1BF5;
	p2 =	por !p2, p0  }
0x20: {  	[sflag:s8] =	ssyncset.s32 @!p0 $0xFFFFF086;
	s6 =	sadd.s32 @!p0 s3, s7;
	s7 =	simm.s32 @!p0 $0x108  }
0x21: {  	s3 =	sadd.s32 s3, s9;
	s6 =	sadd.s32 @!p0 $0x88, s6;
	s7 =	simm.s32 @p2 $0x1082  }
0x22: {  	[simem:s7], [sflag:s8] =	dma.local @!p0 [hbm:s6], $0xF7A  }
0x23: {  	s9 =	sor.u32 $0xD0000000, s2;
	s6 =	simm.s32 $0x108;
	_ =	swait.ge @!p0 [sflag:s8], $0x0  }
0x24: {  	s3 =	sadd.s32 $0x88, s3;
	s6 =	simm.s32 @!p1 $0x1082;
	[sflag:s4] =	ssyncset.s32 $0xFFFFF086  }
0x25: {  	[simem:s6], [sflag:s4] =	dma.local [hbm:s3], $0xF7A  }
0x26: {  	[smem:$0x3F97] =	sst s1;
	(tag) =	ssettag s2;
	_ =	strace s9  }
0x27: {  	s1 =	sld [smem:$0x3FA7]  }
0x28: {  	s2 =	sld [smem:$0x3FA8]  }
0x29: {  	s4 =	sld [smem:$0x3FAA]  }
0x2a: {  	p0 =	seq.s32 s5, $0x0;
	s5 =	sld [smem:$0x3FAB]  }
0x2b: {  	s6 =	sld [smem:$0x3FAC]  }
0x2c: {  	s7 =	sld [smem:$0x3FAD]  }
0x2d: {  	s3 =	simm.s32 $0x108;
	s8 =	sld [smem:$0x3FAE]  }
0x2e: {  	s3 =	simm.s32 @!p0 $0x1082;
	s9 =	sld [smem:$0x3FAF]  }
0x2f: {  	lr =	sadd.s32 s0, s3;
	s0 =	sld [smem:$0x3FA6]  }
0x30: {  	s3 =	sld [smem:$0x3FA9]  }
0x31: {  	[smem:$0x3FB2] =	sst s10  }
0x32: {  	s10 =	sld [smem:$0x3FB0];
	_ =	sdelay $0x3  }
0x33: {  	p0 =	seq.s32 s10, $0x1;
	s10 =	sld [smem:$0x3FB2];
	_ =	sdelay $0x3  }
0x34: {  	[smem:$0x3FB2] =	sst s10  }
0x35: {  	s10 =	sld [smem:$0x3FB1];
	_ =	sdelay $0x3  }
0x36: {  	p1 =	seq.s32 s10, $0x1;
	s10 =	sld [smem:$0x3FB2];
	_ =	sdelay $0x3  }
0x37: {  	[smem:$0x3FB2] =	sst s10  }
0x38: {  	s10 =	sld [smem:$0x3FB3]  }
0x39: {  	_ = 	snop;
	(pc) =	sbr.ind lr, $3  }
0x3a: {  	_ = 	snop  }
0x3b: {  	_ = 	snop  }
0x3c: {  	p2 =	seq.s32 s10, $0x1;
	s10 =	sld [smem:$0x3FB2]  }
0x3d: {  	_ =	shalt  }
0x3e: {  	_ =	shalt  }
0x3f: {  	_ =	shalt  }
0x40: {  	_ =	shalt  }
0x41: {  	_ =	shalt  }
0x42: {  	_ =	shalt  }
0x43: {  	_ =	shalt  }
0x44: {  	_ =	shalt  }
0x45: {  	_ =	shalt  }
0x46: {  	_ =	shalt  }
0x47: {  	_ =	shalt  }
0x48: {  	_ =	shalt  }
0x49: {  	_ =	shalt  }
0x4a: {  	_ =	shalt  }
0x4b: {  	_ =	shalt  }
0x4c: {  	_ =	shalt  }
0x4d: {  	_ =	shalt  }
0x4e: {  	_ =	shalt  }
0x4f: {  	_ =	shalt  }
0x50: {  	_ =	shalt  }
0x51: {  	_ =	shalt  }
0x52: {  	_ =	shalt  }
0x53: {  	_ =	shalt  }
0x54: {  	_ =	shalt  }
0x55: {  	_ =	shalt  }
0x56: {  	_ =	shalt  }
0x57: {  	_ =	shalt  }
0x58: {  	_ =	shalt  }
0x59: {  	_ =	shalt  }
0x5a: {  	_ =	shalt  }
0x5b: {  	_ =	shalt  }
0x5c: {  	_ =	shalt  }
0x5d: {  	_ =	shalt  }
0x5e: {  	_ =	shalt  }
0x5f: {  	_ =	shalt  }
0x60: {  	_ =	shalt  }
0x61: {  	_ =	shalt  }
0x62: {  	_ =	shalt  }
0x63: {  	_ =	shalt  }
0x64: {  	_ =	shalt  }
0x65: {  	_ =	shalt  }
0x66: {  	_ =	shalt  }
0x67: {  	_ =	shalt  }
0x68: {  	_ =	shalt  }
0x69: {  	_ =	shalt  }
0x6a: {  	_ =	shalt  }
0x6b: {  	_ =	shalt  }
0x6c: {  	_ =	shalt  }
0x6d: {  	_ =	shalt  }
0x6e: {  	_ =	shalt  }
0x6f: {  	_ =	shalt  }
0x70: {  	_ =	shalt  }
0x71: {  	_ =	shalt  }
0x72: {  	_ =	shalt  }
0x73: {  	_ =	shalt  }
0x74: {  	_ =	shalt  }
0x75: {  	_ =	shalt  }
0x76: {  	_ =	shalt  }
0x77: {  	_ =	shalt  }
0x78: {  	_ =	shalt  }
0x79: {  	_ =	shalt  }
0x7a: {  	_ =	shalt  }
0x7b: {  	_ =	shalt  }
0x7c: {  	_ =	shalt  }
0x7d: {  	_ =	shalt  }
0x7e: {  	_ =	shalt  }
0x7f: {  	_ =	shalt  }
0x80: {  	_ =	shalt  }
0x81: {  	_ =	shalt  }
0x82: {  	_ =	shalt  }
0x83: {  	_ =	shalt  }
0x84: {  	_ =	shalt  }
0x85: {  	_ =	shalt  }
0x86: {  	_ =	shalt  }
0x87: {  	_ =	shalt  }
.Lfunc_end0:
.L_simem_size_0:
called_computation_lowered:
.L_overlay_start_0:
0x88: {  	s2 =	sld [smem:$0x3FD9]  }
0x89: {  	s3 =	sld [smem:$0x3FFE];
	_ =	sdelay $0x1  }
0x8a: {  	s1 =	srdreg.scid  }
0x8b: {  	s0 =	sand.u32 $0x1, s1  }
0x8c: {  	s17 =	sshll.u32 s0, $0xA;
	s2 =	sadd.s32 s3, s2  }
0x8d: {  	s2 =	sadd.s32 s2, s17  }
0x8e: {  	[smem:$0x3FBE] =	sst s2  }
0x8f: {  	_ = 	snop  }
0x90: {  	s2 =	sld [smem:$0x3FC7]  }
0x91: {  	s18 =	sld [smem:$0x3FD0];
	(tm) =	ssettm $0x1  }
0x92: {  	s4 =	sld [smem:$0x3FFB];
	_ =	sdelay $0x3  }
0x93: {  	_ =	strace s4  }
0x94: {  	s4 =	sld [smem:$0x3FFC];
	_ =	sdelay $0x3  }
0x95: {  	_ =	strace s4  }
0x96: {  	s4 =	sld [smem:$0x3FFD];
	_ =	sdelay $0x3  }
0x97: {  	_ =	strace s4  }
0x98: {  	_ =	strace $0x8FFFFFFF  }
0x99: {  	s19 =	sld [smem:$0x3FDB];
	_ =	sdelay $0x1  }
0x9a: {  	s5 =	simm.s32 $_scs_section_size  }
0x9b: {  	s6 =	simm.s32 $_size__tile_overlayer_lowered;
	s7 =	simm.s32 $_tile_overlayer_lowered  }
0x9c: {  	s22 =	simm.s32 $0x1BFF;
	s21 =	sshll.u32 s7, $0x1;
	s4 =	sadd.s32 s5, s19  }
0x9d: {  	s8 =	simm.s32 $0x0;
	s20 =	sshll.u32 s6, $0x1;
	s6 =	sadd.s32 s21, s4  }
0x9e: {  	[timem:s8], [sflag:s22] =	dma.local [hbm:s6], s20  }
0x9f: {  	_ =	swait.ge [sflag:s22], s20  }
0xa0: {  	s5 =	ssub.s32 $0x0, s20;
	[sflag:s22] =	ssyncset.done $0x0  }
0xa1: {  	[sflag:s22] =	ssyncadd.s32 s5;
	_ =	sdelay $0x1  }
0xa2: {  	s23 =	simm.s32 $0x1B8B  }
0xa3: {  	_ =	swait.ge [sflag:s23], $0x1  }
0xa4: {  	[sflag:s23] =	ssyncset.done $0x0  }
0xa5: {  	s25 =	simm.s32 $0x1B8E;
	s24 =	sld [smem:$0x3FFE];
	[sflag:s23] =	ssyncadd.s32 $0xFFFFFFFF  }
0xa6: {  	s26 =	simm.s32 $execute0_lowered;
	[smem:$0x3FD2] =	sst s25  }
0xa7: {  	s6 =	sshll.u32 s26, $0x1;
	_ =	strace $0x80000046;
	[dreg:$0x1] =	wrdreg $0xFFFFFFFF  }
0xa8: {  	s28 =	simm.s32 $_size_execute0_lowered;
	s4 =	sadd.s32 s4, s6;
	[dreg:$0x0] =	wrdreg $0x0  }
0xa9: {  	s6 =	sshll.u32 s28, $0x1;
	[dreg:$0x2] =	wrdreg s4  }
0xaa: {  	[dreg:$0x3] =	wrdreg s6  }
0xab: {  	[dreg:$0x4] =	wrdreg $0xC0  }
0xac: {  	_ =	task [dreg:s8], $0x5FFFF  }
0xad: {  	[dreg:$0x1] =	wrdreg $0xFFFFFFFF  }
0xae: {  	[dreg:$0x0] =	wrdreg $0x60  }
0xaf: {  	[dreg:$0x2] =	wrdreg s18  }
0xb0: {  	[dreg:$0x3] =	wrdreg s2  }
0xb1: {  	[dreg:$0x4] =	wrdreg s24  }
0xb2: {  	[dreg:$0x5] =	wrdreg $0x51F00  }
0xb3: {  	[dreg:$0x6] =	wrdreg $0x9  }
0xb4: {  	_ =	task.clear_ibuf [dreg:s8], $0x7FFFF;
	_ =	strace $0x90000046  }
0xb5: {  	s29 =	simm.s32 $0x9;
	_ =	strace $0x80000048  }
0xb6: {  	_ =	swait.ge [sflag:s29], $0x1  }
0xb7: {  	[sflag:s29] =	ssyncadd.s32 $0xFFFFFFFF  }
0xb8: {  	_ =	strace $0x90000048  }
0xb9: {  	_ =	sfence  }
0xba: {  	s30 =	sld [smem:$0x0];
	_ =	sdelay $0x2  }
0xbb: {  	s31 =	sshll.u32 s1, $0xD;
	s1 =	sshrl.u32 s1, $0x2  }
0xbc: {  	s3 =	sand.u32 $0x4000, s31;
	s1 =	sadd.s32 s1, s30  }
0xbd: {  	s0 =	sor.u32 s3, s0;
	s1 =	sshll.u32 s1, $0x11  }
0xbe: {  	s0 =	sor.u32 s1, s0  }
0xbf: {  	s0 =	sadd.s32 $0x8F2B, s0  }
0xc0: {  	[sflag:s0] =	ssyncadd.remote.s32 $0x1  }
0xc1: {  	_ =	sfence.sel $0xFFFF  }
0xc2: {  	[dreg:$0x0] =	wrdreg $0xFFFFFFFF;
	(pc) =	sbr.abs _section_cstart, $3  }
0xc3: {  	[dreg:$0x1] =	wrdreg $0xFFFFFFFF  }
0xc4: {  	_ =	task.clear_ibuf [dreg:s8], $0x2FFFF;
	_ =	strace $0x9FFFFFFF  }
0xc5: {  	(tm) =	ssettm $0x7FFFFFFF  }
tec
execute0_lowered:
.L_overlay_start_1:
0x0: {  	(tag) =	ssettag $0x1  }
0x1: {  	s1 =	rddreg [dreg:$0x0]  }
0x2: {  	s2 =	rddreg [dreg:$0x1]  }
0x3: {  	s0 =	rddreg [dreg:$0x2]  }
0x4: {  	s4 =	rddreg [dreg:$0x3]  }
0x5: {  	s5 =	simm.s32 $0x0;
	s15 =	stileid.u32;
	s3 =	srdreg.scid  }
0x6: {  	s31 =	simm.s32 $0x28;
	s28 =	simm.s32 $0x1B8;
	s30 =	simm.s32 $0x6  }
0x7: {  	s29 =	simm.s32 $0x4;
	[smem:$0x7FF] =	sst s5;
	s9 =	smul.u32 $0x14000, s15  }
0x8: {  	s3 =	sand.u32 $0x1, s3;
	s6 =	sadd.s32 $0xB800, s0;
	s7 =	sadd.s32 $0x1F200, s0  }
0x9: {  	s8 =	sadd.s32 $0x1A00, s0;
	s11 =	sadd.s32 $0x5AC00, s0;
	s12 =	smul.u32 $0x4E20, s15  }
0xa: {  	s16 =	sshll.u32 s15, $0x6;
	s15 =	simm.s32 $0xB;
	_ =	strace $0x80000047  }
0xb: {  	s10 =	smul.u32 $0x140000, s3;
	[dreg:$0x5] =	wrdreg s11;
	s14 =	ssub.s32 $0x2, s3  }
0xc: {  	s25 =	sshrl.u32 s9, $0x3;
	s18 =	sadd.s32 $0x28, s12;
	s22 =	sadd.s32 $0x50, s12  }
0xd: {  	s19 =	sshrl.u32 s12, $0x3;
	s23 =	sadd.s32 $0x78, s12;
	[dreg:$0xf] =	wrdreg s22  }
0xe: {  	s24 =	sadd.s32 $0xA0, s12;
	s10 =	sadd.s32 s9, s10;
	[dreg:$0x10] =	wrdreg s23  }
0xf: {  	s26 =	sadd.s32 s25, s0;
	s9 =	sadd.s32 s9, s4;
	[dreg:$0x11] =	wrdreg s24  }
0x10: {  	s25 =	sadd.s32 $0xC8, s12;
	s23 =	simm.s32 $0x190;
	s24 =	simm.s32 $0x29E0  }
0x11: {  	s13 =	sshrl.u32 s10, $0x3;
	s10 =	smul.u32 $0x4E200, s3;
	[dreg:$0x6] =	wrdreg s9  }
0x12: {  	s3 =	sadd.s32 $0x32C00, s26;
	[dreg:$0x12] =	wrdreg s25;
	s25 =	simm.s32 $0x3  }
0x13: {  	s0 =	sadd.s32 s13, s0;
	s13 =	sshrl.u32 s14, $0x1;
	[dreg:$0x7] =	wrdreg s3  }
0x14: {  	s3 =	sshrl.u32 s18, $0x3;
	s11 =	ssub.s32 s14, s13;
	s14 =	sadd.s32 s12, s10  }
0x15: {  	s20 =	sadd.s32 s10, s18;
	s3 =	sadd.s32 s8, s3;
	s0 =	sadd.s32 $0x5AE00, s0  }
0x16: {  	s18 =	simm.s32 $0x5;
	s9 =	sshrl.u32 s14, $0x3;
	[dreg:$0xe] =	wrdreg s3  }
0x17: {  	s14 =	sor.u32 $0x1C0B, s16;
	[dreg:$0x13] =	wrdreg s0;
	s26 =	smax.u32 s11, $0x1  }
0x18: {  	s21 =	sshrl.u32 s20, $0x3;
	s11 =	simm.s32 $0x2;
	[dreg:$0x14] =	wrdreg s26  }
0x19: {  	s0 =	simm.s32 $0x8;
	s17 =	sadd.s32 s6, s9;
	[dreg:$0x8] =	wrdreg s14  }
0x1a: {  	s3 =	simm.s32 $0x3DE0;
	s9 =	sadd.s32 s7, s9;
	[dreg:$0x9] =	wrdreg s17  }
0x1b: {  	s16 =	simm.s32 $0x0;
	s13 =	sadd.s32 s6, s21;
	[dreg:$0xa] =	wrdreg s9  }
0x1c: {  	s26 =	simm.s32 $0x118;
	s9 =	sadd.s32 s8, s19;
	[dreg:$0xc] =	wrdreg s13  }
0x1d: {  	s19 =	simm.s32 $0x7;
	[dreg:$0xb] =	wrdreg s9;
	s9 =	sadd.s32 s7, s21  }
0x1e: {  	s13 =	simm.s32 $0x78;
	[dreg:$0xd] =	wrdreg s9;
	s9 =	simm.s32 $0x9  }
.LBB2_1:
0x1f: {  	[dreg:$0x15] =	wrdreg s16  }
0x20: {  	s12 =	rddreg [dreg:$0x6]  }
0x21: {  	s20 =	rddreg [dreg:$0x7];
	s17 =	sshrl.u32 s12, $0x3  }
0x22: {  	[dreg:$0x16] =	wrdreg s17  }
0x23: {  	[spmem:s17], [sflag:s14] =	dma.local [hbm:s20], $0x2800  }
0x24: {  	_ =	swait.ge [sflag:s15], $0x2800  }
0x25: {  	[sflag:s15] =	ssyncset.done $0x0  }
0x26: {  	s22 =	simm.s32 $0x51E0;
	s21 =	rddreg [dreg:$0x5];
	[sflag:s15] =	ssyncadd.s32 $0xFFFFD800  }
0x27: {  	[tilespmem:s22], [sflag:$0xB] =	stream.linear.gather [hbm4b:s21+s5], $0x10, $0x38;
	[tilespmem:$0x191F0] =	vst v63  }
0x28: {  	_ =	swait.ge [sflag:s15], $0x10  }
0x29: {  	[sflag:s15] =	ssyncset.done $0x0  }
0x2a: {  	[sflag:s15] =	ssyncadd.s32 $0xFFFFFFF0  }
0x2b: {  	[bflag:$0x0] =	sbarrier.arrive $0xFFFF  }
0x2c: {  	s14 =	rddreg [dreg:$0x9]  }
0x2d: {  	v0 =	vld [tilespmem:$0x51E0];
	[tilespmem:s5], [sflag:$0x1] =	stream.linear.gather [hbm4b:s14+s5], $0x28, $0x38  }
0x2e: {  	s15 =	rddreg [dreg:$0xa];
	s14 =	simm.s32 $0xA0  }
0x2f: {  	[tilespmem:s14], [sflag:$0x1] =	stream.linear.gather [hbm4b:s15+s5], $0x28, $0x38;
	[tilespmem:$0x191F0] =	vst v63  }
0x30: {  	s17 =	simm.s32 $0x140;
	s16 =	rddreg [dreg:$0xb]  }
0x31: {  	[tilespmem:s17], [sflag:$0x1] =	stream.linear.gather [hbm4b:s16+s5], $0x28, $0x38;
	[tilespmem:$0x191F0] =	vst v63  }
0x32: {  	s20 =	rddreg [dreg:$0xc]  }
0x33: {  	[tilespmem:s31], [sflag:$0x2] =	stream.linear.gather [hbm4b:s20+s5], $0x28, $0x38;
	[tilespmem:$0x191F0] =	vst v63  }
0x34: {  	s22 =	simm.s32 $0xC8;
	s21 =	rddreg [dreg:$0xd]  }
0x35: {  	[tilespmem:s22], [sflag:$0x2] =	stream.linear.gather [hbm4b:s21+s5], $0x28, $0x38;
	[tilespmem:$0x191F0] =	vst v63  }
0x36: {  	s16 =	rddreg [dreg:$0xe];
	s17 =	simm.s32 $0x168;
	s20 =	simm.s32 $0x1  }
0x37: {  	[tilespmem:s17], [sflag:$0x2] =	stream.linear.gather [hbm4b:s16+s5], $0x28, $0x38;
	[tilespmem:$0x191F0] =	vst v63  }
0x38: {  	_ =	swait.ge [sflag:s20], $0x28  }
0x39: {  	[sflag:s20] =	ssyncset.done $0x0  }
0x3a: {  	[sflag:s20] =	ssyncadd.s32 $0xFFFFFFD8  }
0x3b: {  	_ =	swait.ge [sflag:s20], $0x28  }
0x3c: {  	[sflag:s20] =	ssyncset.done $0x0  }
0x3d: {  	[sflag:s20] =	ssyncadd.s32 $0xFFFFFFD8  }
0x3e: {  	_ =	swait.ge [sflag:s20], $0x28  }
0x3f: {  	[sflag:s20] =	ssyncset.done $0x0  }
0x40: {  	s21 =	simm.s32 $0x1E0;
	[sflag:s20] =	ssyncadd.s32 $0xFFFFFFD8  }
0x41: {  	[tilespmem:s21], [sflag:$0x5] =	stream.indirect.gather [hbm4b:s1+s31], $0x40, s5, s31, $0xb8;
	[tilespmem:$0x191F0] =	vst v63  }
0x42: {  	s22 =	simm.s32 $0x15E0;
	s20 =	simm.s32 $0x0  }
0x43: {  	[tilespmem:s22], [sflag:$0x7] =	stream.indirect.gather [hbm4b:s2+s31], $0x40, s14, s31, $0xb8;
	[tilespmem:$0x191F0] =	vst v63  }
.LBB2_2:
0x44: {  	_ =	swait.ge [sflag:s11], $0x28  }
0x45: {  	[sflag:s11] =	ssyncset.done $0x0  }
0x46: {  	[sflag:s11] =	ssyncadd.s32 $0xFFFFFFD8  }
0x47: {  	_ =	swait.ge [sflag:s11], $0x28  }
0x48: {  	[sflag:s11] =	ssyncset.done $0x0  }
0x49: {  	[sflag:s11] =	ssyncadd.s32 $0xFFFFFFD8  }
0x4a: {  	_ =	swait.ge [sflag:s11], $0x28  }
0x4b: {  	s12 =	simm.s32 $0xBE0;
	[sflag:s11] =	ssyncset.done $0x0  }
0x4c: {  	s16 =	simm.s32 $0xC8;
	s14 =	simm.s32 $0x1FE0;
	[sflag:s11] =	ssyncadd.s32 $0xFFFFFFD8  }
0x4d: {  	[tilespmem:s12], [sflag:$0x6] =	stream.indirect.gather [hbm4b:s1+s31], $0x40, s31, s31, $0xb8;
	[tilespmem:$0x191F0] =	vst v63  }
0x4e: {  	s21 =	smul.u32 $0xA0, s20;
	p0 =	seq.s32 s20, $0x0;
	s17 =	rddreg [dreg:$0xf]  }
0x4f: {  	[tilespmem:s14], [sflag:$0x8] =	stream.indirect.gather [hbm4b:s2+s31], $0x40, s16, s31, $0xb8;
	[tilespmem:$0x191F0] =	vst v63  }
0x50: {  	s12 =	simm.s32 @!p0 $0x9;
	s14 =	sadd.s32 s21, s17  }
0x51: {  	_ =	swait.ge @!p0 [sflag:s12], $0x1400;
	s15 =	sadd.s32 s10, s14  }
0x52: {  	[sflag:s12] =	ssyncset.done @!p0 $0x0;
	s15 =	sshrl.u32 s15, $0x3  }
0x53: {  	s16 =	simm.s32 $0x50;
	[sflag:s12] =	ssyncadd.s32 @!p0 $0xFFFFEC00;
	s22 =	sadd.s32 s6, s15  }
0x54: {  	[tilespmem:s16], [sflag:$0x3] =	stream.linear.gather [hbm4b:s22+s5], $0x28, $0x38;
	[tilespmem:$0x191F0] =	vst v63  }
0x55: {  	s14 =	sshrl.u32 s14, $0x3;
	s17 =	sadd.s32 s7, s15;
	s22 =	simm.s32 $0xF0  }
0x56: {  	[tilespmem:s22], [sflag:$0x3] =	stream.linear.gather [hbm4b:s17+s5], $0x28, $0x38;
	[tilespmem:$0x191F0] =	vst v63  }
0x57: {  	s12 =	sadd.s32 s8, s14  }
0x58: {  	[tilespmem:s23], [sflag:$0x3] =	stream.linear.gather [hbm4b:s12+s5], $0x28, $0x38;
	[tilespmem:$0x191F0] =	vst v63  }
0x59: {  	_ =	swait.ge [sflag:s18], $0xA00  }
0x5a: {  	[sflag:s18] =	ssyncset.done $0x0  }
0x5b: {  	[sflag:s18] =	ssyncadd.s32 $0xFFFFF600  }
0x5c: {  	_ =	swait.ge [sflag:s19], $0xA00  }
0x5d: {  	[sflag:s19] =	ssyncset.done $0x0  }
0x5e: {  	s15 =	simm.s32 $0x2E0;
	[sflag:s19] =	ssyncadd.s32 $0xFFFFF600  }
0x5f: {  	s17 =	simm.s32 $0x16E0;
	v1 =	vld [tilespmem:s15+$0xC0]  }
0x60: {  	v2 =	vld [tilespmem:s17+$0xC0];
	_ =	sdelay $0x4  }
0x61: {  	v1 =	vadd.f32 v2, v1;
	_ =	sdelay $0x1  }
0x62: {  	v3 =	vld [tilespmem:s17+$0xFFFFFF40];
	v1 =	vmax.f32 v1, $0.0e+00  }
0x63: {  	v4 =	vld [tilespmem:s17+$0xFFFFFF00];
	v1 =	vadd.f32 $1.000000010e-07, v1  }
0x64: {  	v2 =	vld [tilespmem:s15+$0xFFFFFF40]  }
0x65: {  	v6 =	vld [tilespmem:s15+$0xFFFFFF80];
	v5 =	vmul.f32 v1, v0  }
0x66: {  	v7 =	vld [tilespmem:s17+$0xFFFFFF80]  }
0x67: {  	v8 =	vld [tilespmem:s17+$0xFFFFFFC0];
	v5 =	vmul.f32 $1.442695020e+00, v5  }
0x68: {  	v9 =	vld [tilespmem:s17+$0x0]  }
0x69: {  	v10 =	vld [tilespmem:s15+$0x40];
	v2 =	vadd.f32 v3, v2;
	(erf) = vpow2.f32 v5  }
0x6a: {  	v3 =	vld [tilespmem:s15+$0xFFFFFFC0]  }
0x6b: {  	v2 =	vmax.f32 v2, $0.0e+00;
	v5 =	vld [tilespmem:s15+$0x0]  }
0x6c: {  	v6 =	vadd.f32 v7, v6;
	v7 =	vld [tilespmem:s15+$0xFFFFFF00];
	v2 =	vadd.f32 $1.000000010e-07, v2  }
0x6d: {  	v12 =	vld [tilespmem:s17+$0x40]  }
0x6e: {  	v6 =	vmax.f32 v6, $0.0e+00;
	v11 =	vmul.f32 v2, v0  }
0x6f: {  	v6 =	vadd.f32 $1.000000010e-07, v6  }
0x70: {  	v3 =	vadd.f32 v8, v3;
	v8 =	vmul.f32 $1.442695020e+00, v11;
	v5 =	vadd.f32 v9, v5  }
0x71: {  	v4 =	vadd.f32 v4, v7;
	v7 =	vmul.f32 v6, v0  }
0x72: {  	v11 =	vld [tilespmem:s17+$0x80];
	(erf) = vpow2.f32 v8;
	v8 =	vadd.f32 v12, v10;
	v5 =	vmax.f32 v5, $0.0e+00;
	v10 =	vpop (erf)  }
0x73: {  	s22 =	simm.s32 $0x2BE0;
	v3 =	vmax.f32 v3, $0.0e+00;
	v9 =	vld [tilespmem:s15+$0x80];
	v5 =	vadd.f32 $1.000000010e-07, v5;
	v1 =	vmul.f32 v10, v1  }
0x74: {  	v3 =	vadd.f32 $1.000000010e-07, v3;
	[tilespmem:s22+$0x1C0] =	vst v10  }
0x75: {  	v8 =	vmax.f32 v8, $0.0e+00;
	v10 =	vmul.f32 v5, v0;
	[tilespmem:s22+$0x180] =	vst v1;
	v1 =	vmul.f32 $1.442695020e+00, v7  }
0x76: {  	v4 =	vmax.f32 v4, $0.0e+00;
	v12 =	vmul.f32 v3, v0;
	v8 =	vadd.f32 $1.000000010e-07, v8  }
0x77: {  	v4 =	vadd.f32 $1.000000010e-07, v4;
	v10 =	vmul.f32 $1.442695020e+00, v10;
	(erf) = vpow2.f32 v1  }
0x78: {  	v13 =	vmul.f32 v8, v0;
	v9 =	vadd.f32 v11, v9;
	v7 =	vmul.f32 $1.442695020e+00, v12;
	v12 =	vld [tilespmem:s15+$0xD0]  }
0x79: {  	v11 =	vmul.f32 v4, v0;
	v14 =	vld [tilespmem:s17+$0xD0]  }
0x7a: {  	v1 =	vmul.f32 $1.442695020e+00, v13;
	(erf) = vpow2.f32 v7;
	v7 =	vmax.f32 v9, $0.0e+00  }
0x7b: {  	v9 =	vmul.f32 $1.442695020e+00, v11;
	(erf) = vpow2.f32 v10;
	v7 =	vadd.f32 $1.000000010e-07, v7;
	v10 =	vpop (erf)  }
0x7c: {  	(erf) = vpow2.f32 v1;
	v1 =	vmul.f32 v10, v2  }
0x7d: {  	(erf) = vpow2.f32 v9;
	v9 =	vmul.f32 v7, v0  }
0x7e: {  	[tilespmem:s22+$0xFFFFFEC0] =	vst v10;
	v2 =	vadd.f32 v14, v12  }
0x7f: {  	[tilespmem:s22+$0xFFFFFE80] =	vst v1;
	v9 =	vmul.f32 $1.442695020e+00, v9  }
0x80: {  	v1 =	vmax.f32 v2, $0.0e+00;
	v2 =	vld [tilespmem:s15+$0xFFFFFF50];
	v11 =	vpop (erf)  }
0x81: {  	v10 =	vld [tilespmem:s17+$0xFFFFFF50];
	v1 =	vadd.f32 $1.000000010e-07, v1;
	v6 =	vmul.f32 v11, v6  }
0x82: {  	(erf) = vpow2.f32 v9  }
0x83: {  	v12 =	vmul.f32 v1, v0;
	v9 =	vpop (erf);
	[tilespmem:s22+$0xFFFFFF40] =	vst v11  }
0x84: {  	v11 =	vpop (erf);
	v3 =	vmul.f32 v9, v3;
	[tilespmem:s22+$0xFFFFFFC0] =	vst v9  }
0x85: {  	v12 =	vmul.f32 $1.442695020e+00, v12;
	[tilespmem:s22+$0xFFFFFF00] =	vst v6;
	v6 =	vpop (erf)  }
0x86: {  	v2 =	vadd.f32 v10, v2;
	v9 =	vld [tilespmem:s15+$0xFFFFFF90];
	[tilespmem:s22+$0xFFFFFF80] =	vst v3;
	v10 =	vpop (erf)  }
0x87: {  	(erf) = vpow2.f32 v12;
	v12 =	vld [tilespmem:s15+$0xFFFFFFD0];
	v3 =	vmul.f32 v10, v4  }
0x88: {  	v2 =	vmax.f32 v2, $0.0e+00;
	v4 =	vld [tilespmem:s17+$0xFFFFFF90]  }
0x89: {  	v5 =	vmul.f32 v11, v5;
	v2 =	vadd.f32 $1.000000010e-07, v2;
	[tilespmem:s22+$0xFFFFFE00] =	vst v3;
	v3 =	vld [tilespmem:s17+$0xFFFFFFD0]  }
0x8a: {  	[tilespmem:s22+$0xFFFFFE40] =	vst v10  }
0x8b: {  	[tilespmem:s22+$0x0] =	vst v5;
	v5 =	vmul.f32 v2, v0;
	v13 =	vpop (erf);
	v10 =	vld [tilespmem:s15+$0xFFFFFF10]  }
0x8c: {  	[tilespmem:s22+$0x40] =	vst v11;
	v8 =	vmul.f32 v6, v8;
	v11 =	vld [tilespmem:s17+$0xFFFFFF10];
	v7 =	vmul.f32 v13, v7  }
0x8d: {  	[tilespmem:s22+$0xC0] =	vst v6;
	v6 =	vld [tilespmem:s17+$0x10];
	v5 =	vmul.f32 $1.442695020e+00, v5;
	v4 =	vadd.f32 v4, v9  }
0x8e: {  	[tilespmem:s22+$0x80] =	vst v8;
	v8 =	vld [tilespmem:s15+$0x10];
	v3 =	vadd.f32 v3, v12  }
0x8f: {  	(erf) = vpow2.f32 v5;
	v5 =	vld [tilespmem:s15+$0x50];
	v4 =	vmax.f32 v4, $0.0e+00  }
0x90: {  	[tilespmem:s22+$0x100] =	vst v7;
	v9 =	vld [tilespmem:s17+$0x50];
	v7 =	vpop (erf);
	v4 =	vadd.f32 $1.000000010e-07, v4;
	v3 =	vmax.f32 v3, $0.0e+00  }
0x91: {  	[tilespmem:s22+$0x140] =	vst v13;
	v1 =	vmul.f32 v7, v1;
	v10 =	vadd.f32 v11, v10;
	v3 =	vadd.f32 $1.000000010e-07, v3  }
0x92: {  	v12 =	vld [tilespmem:s17+$0x90];
	[tilespmem:s22+$0x1D0] =	vst v7;
	v7 =	vmul.f32 v4, v0  }
0x93: {  	v11 =	vld [tilespmem:s15+$0x90];
	[tilespmem:s22+$0x190] =	vst v1;
	v10 =	vmax.f32 v10, $0.0e+00;
	v1 =	vmul.f32 v3, v0  }
0x94: {  	v6 =	vadd.f32 v6, v8;
	v8 =	vld [tilespmem:s15+$0xE0];
	v10 =	vadd.f32 $1.000000010e-07, v10;
	v7 =	vmul.f32 $1.442695020e+00, v7  }
0x95: {  	v5 =	vadd.f32 v9, v5;
	v13 =	vld [tilespmem:s17+$0xE0];
	v1 =	vmul.f32 $1.442695020e+00, v1  }
0x96: {  	v6 =	vmax.f32 v6, $0.0e+00;
	(erf) = vpow2.f32 v7;
	v7 =	vmul.f32 v10, v0  }
0x97: {  	v6 =	vadd.f32 $1.000000010e-07, v6;
	v5 =	vmax.f32 v5, $0.0e+00  }
0x98: {  	v9 =	vadd.f32 v12, v11;
	(erf) = vpow2.f32 v1;
	v7 =	vmul.f32 $1.442695020e+00, v7  }
0x99: {  	v5 =	vadd.f32 $1.000000010e-07, v5;
	v11 =	vmul.f32 v6, v0  }
0x9a: {  	v9 =	vmax.f32 v9, $0.0e+00;
	v8 =	vadd.f32 v13, v8;
	v1 =	vpop (erf);
	(erf) = vpow2.f32 v7  }
0x9b: {  	v9 =	vadd.f32 $1.000000010e-07, v9;
	v7 =	vmul.f32 v5, v0;
	v2 =	vmul.f32 v1, v2  }
0x9c: {  	v8 =	vmax.f32 v8, $0.0e+00;
	[tilespmem:s22+$0xFFFFFED0] =	vst v1;
	v1 =	vmul.f32 $1.442695020e+00, v11  }
0x9d: {  	v8 =	vadd.f32 $1.000000010e-07, v8;
	[tilespmem:s22+$0xFFFFFE90] =	vst v2;
	v2 =	vmul.f32 $1.442695020e+00, v7;
	v7 =	vmul.f32 v9, v0  }
0x9e: {  	(erf) = vpow2.f32 v1;
	v11 =	vld [tilespmem:s15+$0xFFFFFF60]  }
0x9f: {  	v1 =	vmul.f32 v8, v0;
	v12 =	vld [tilespmem:s17+$0xFFFFFF60];
	v7 =	vmul.f32 $1.442695020e+00, v7;
	v13 =	vpop (erf)  }
0xa0: {  	(erf) = vpow2.f32 v2;
	v2 =	vmul.f32 v13, v4  }
0xa1: {  	s14 =	simm.s32 $0x18E0;
	v1 =	vmul.f32 $1.442695020e+00, v1;
	[tilespmem:s22+$0xFFFFFF50] =	vst v13;
	v4 =	vpop (erf)  }
0xa2: {  	v16 =	vld [tilespmem:s14+$0xC0];
	(erf) = vpow2.f32 v7;
	[tilespmem:s22+$0xFFFFFF10] =	vst v2;
	v2 =	vmul.f32 v4, v3  }
0xa3: {  	(erf) = vpow2.f32 v1;
	[tilespmem:s22+$0xFFFFFFD0] =	vst v4;
	v1 =	vld [tilespmem:s15+$0xFFFFFFA0];
	v3 =	vpop (erf)  }
0xa4: {  	v4 =	vadd.f32 v12, v11;
	v7 =	vld [tilespmem:s17+$0xFFFFFFA0];
	[tilespmem:s22+$0xFFFFFF90] =	vst v2;
	v2 =	vmul.f32 v3, v10  }
0xa5: {  	[tilespmem:s22+$0xFFFFFE50] =	vst v3;
	v10 =	vld [tilespmem:s15+$0xFFFFFFE0]  }
0xa6: {  	v3 =	vmax.f32 v4, $0.0e+00;
	v4 =	vld [tilespmem:s17+$0xFFFFFFE0];
	[tilespmem:s22+$0xFFFFFE10] =	vst v2  }
0xa7: {  	v2 =	vld [tilespmem:s15+$0xFFFFFF20]  }
0xa8: {  	v12 =	vld [tilespmem:s17+$0xFFFFFF20]  }
0xa9: {  	s23 =	simm.s32 $0x4E0;
	v17 =	vld [tilespmem:s14+$0xFFFFFF00];
	v11 =	vpop (erf);
	v1 =	vadd.f32 v7, v1  }
0xaa: {  	v14 =	vpop (erf);
	v7 =	vld [tilespmem:s23+$0xC0]  }
0xab: {  	v19 =	vld [tilespmem:s14+$0xFFFFFF40];
	v3 =	vadd.f32 $1.000000010e-07, v3;
	v15 =	vpop (erf);
	v1 =	vmax.f32 v1, $0.0e+00  }
0xac: {  	v20 =	vld [tilespmem:s14+$0xFFFFFF80];
	v6 =	vmul.f32 v11, v6;
	v4 =	vadd.f32 v4, v10;
	v18 =	vpop (erf);
	v1 =	vadd.f32 $1.000000010e-07, v1  }
0xad: {  	v22 =	vld [tilespmem:s23+$0x0];
	[tilespmem:s22+$0x50] =	vst v11;
	v8 =	vmul.f32 v18, v8;
	v12 =	vadd.f32 v12, v2  }
0xae: {  	v11 =	vld [tilespmem:s23+$0xFFFFFF00];
	v13 =	vmul.f32 v3, v0;
	[tilespmem:s22+$0x10] =	vst v6;
	v2 =	vmax.f32 v4, $0.0e+00;
	v4 =	vmul.f32 v1, v0  }
0xaf: {  	v10 =	vld [tilespmem:s23+$0xFFFFFF40];
	v2 =	vadd.f32 $1.000000010e-07, v2;
	v7 =	vadd.f32 v16, v7;
	[tilespmem:s22+$0x1A0] =	vst v8;
	v8 =	vmax.f32 v12, $0.0e+00  }
0xb0: {  	v5 =	vmul.f32 v14, v5;
	v13 =	vmul.f32 $1.442695020e+00, v13;
	v6 =	vld [tilespmem:s15+$0x20];
	[tilespmem:s22+$0x1E0] =	vst v18;
	v8 =	vadd.f32 $1.000000010e-07, v8  }
0xb1: {  	v12 =	vld [tilespmem:s15+$0xF0];
	v4 =	vmul.f32 $1.442695020e+00, v4;
	v18 =	vmul.f32 v2, v0;
	v7 =	vmax.f32 v7, $0.0e+00  }
0xb2: {  	(erf) = vpow2.f32 v13;
	v16 =	vld [tilespmem:s17+$0xF0];
	v7 =	vadd.f32 $1.000000010e-07, v7;
	v21 =	vmul.f32 v8, v0  }
0xb3: {  	[tilespmem:s22+$0xD0] =	vst v14;
	v14 =	vld [tilespmem:s17+$0x20];
	v18 =	vmul.f32 $1.442695020e+00, v18;
	(erf) = vpow2.f32 v4  }
0xb4: {  	v13 =	vld [tilespmem:s23+$0xFFFFFF80];
	v10 =	vadd.f32 v19, v10;
	v23 =	vmul.f32 v7, v0;
	v21 =	vmul.f32 $1.442695020e+00, v21  }
0xb5: {  	v11 =	vadd.f32 v17, v11;
	v19 =	vld [tilespmem:s23+$0xFFFFFFC0];
	(erf) = vpow2.f32 v18  }
0xb6: {  	v4 =	vld [tilespmem:s14+$0xFFFFFFC0];
	v10 =	vmax.f32 v10, $0.0e+00;
	(erf) = vpow2.f32 v21;
	v21 =	vmul.f32 $1.442695020e+00, v23  }
0xb7: {  	v11 =	vmax.f32 v11, $0.0e+00;
	v10 =	vadd.f32 $1.000000010e-07, v10;
	v18 =	vld [tilespmem:s14+$0x0];
	v12 =	vadd.f32 v16, v12  }
0xb8: {  	v9 =	vmul.f32 v15, v9;
	v11 =	vadd.f32 $1.000000010e-07, v11;
	(erf) = vpow2.f32 v21  }
0xb9: {  	v13 =	vadd.f32 v20, v13;
	v16 =	vld [tilespmem:s23+$0x40];
	v20 =	vmul.f32 v10, v0;
	v12 =	vmax.f32 v12, $0.0e+00  }
0xba: {  	v6 =	vadd.f32 v14, v6;
	v14 =	vmul.f32 v11, v0;
	v23 =	vld [tilespmem:s14+$0x40];
	v12 =	vadd.f32 $1.000000010e-07, v12  }
0xbb: {  	v13 =	vmax.f32 v13, $0.0e+00;
	v4 =	vadd.f32 v4, v19;
	v20 =	vmul.f32 $1.442695020e+00, v20  }
0xbc: {  	v13 =	vadd.f32 $1.000000010e-07, v13;
	v19 =	vld [tilespmem:s23+$0x80];
	v18 =	vadd.f32 v18, v22;
	v22 =	vmul.f32 v12, v0  }
0xbd: {  	[tilespmem:s22+$0x90] =	vst v5;
	v14 =	vmul.f32 $1.442695020e+00, v14;
	v24 =	vpop (erf);
	v21 =	vld [tilespmem:s14+$0x80];
	v4 =	vmax.f32 v4, $0.0e+00;
	(erf) = vpow2.f32 v20  }
0xbe: {  	[tilespmem:s22+$0x110] =	vst v9;
	v20 =	vmul.f32 v13, v0;
	v5 =	vmax.f32 v18, $0.0e+00;
	v9 =	vpop (erf);
	v18 =	vmul.f32 $1.442695020e+00, v22  }
0xbf: {  	[tilespmem:s22+$0x150] =	vst v15;
	v3 =	vmul.f32 v24, v3;
	v4 =	vadd.f32 $1.000000010e-07, v4;
	v16 =	vadd.f32 v23, v16;
	v23 =	vld [tilespmem:s15+$0x60];
	v15 =	vpop (erf)  }
0xc0: {  	v20 =	vmul.f32 $1.442695020e+00, v20;
	(erf) = vpow2.f32 v18;
	v18 =	vld [tilespmem:s17+$0x60];
	v25 =	vpop (erf)  }
0xc1: {  	v22 =	vmul.f32 v4, v0;
	v5 =	vadd.f32 $1.000000010e-07, v5;
	v16 =	vmax.f32 v16, $0.0e+00;
	v28 =	vpop (erf)  }
0xc2: {  	s12 =	simm.s32 $0x2FE0;
	v26 =	vld [tilespmem:s17+$0xA0];
	v19 =	vadd.f32 v21, v19;
	v16 =	vadd.f32 $1.000000010e-07, v16;
	v7 =	vmul.f32 v28, v7  }
0xc3: {  	v21 =	vld [tilespmem:s15+$0xA0];
	v17 =	vmul.f32 v5, v0;
	v22 =	vmul.f32 $1.442695020e+00, v22;
	[tilespmem:s12+$0x1C0] =	vst v28  }
0xc4: {  	v19 =	vmax.f32 v19, $0.0e+00;
	(erf) = vpow2.f32 v20;
	v27 =	vmul.f32 v16, v0;
	[tilespmem:s12+$0x180] =	vst v7  }
0xc5: {  	v19 =	vadd.f32 $1.000000010e-07, v19;
	v17 =	vmul.f32 $1.442695020e+00, v17;
	v7 =	vadd.f32 v18, v23;
	v20 =	vld [tilespmem:s23+$0xD0]  }
0xc6: {  	(erf) = vpow2.f32 v22;
	v27 =	vmul.f32 $1.442695020e+00, v27;
	v23 =	vld [tilespmem:s14+$0xD0]  }
0xc7: {  	[tilespmem:s22+$0xFFFFFEA0] =	vst v3;
	v3 =	vmax.f32 v6, $0.0e+00;
	v29 =	vmul.f32 v19, v0;
	v22 =	vpop (erf);
	(erf) = vpow2.f32 v17  }
0xc8: {  	[tilespmem:s22+$0xFFFFFEE0] =	vst v24;
	v21 =	vadd.f32 v26, v21;
	v10 =	vmul.f32 v22, v10;
	(erf) = vpow2.f32 v27  }
0xc9: {  	v17 =	vld [tilespmem:s15+$0xFFFFFF70];
	[tilespmem:s12+$0xFFFFFEC0] =	vst v22;
	v18 =	vmul.f32 $1.442695020e+00, v29;
	(erf) = vpow2.f32 v14;
	v22 =	vmax.f32 v7, $0.0e+00;
	v7 =	vpop (erf)  }
0xca: {  	v14 =	vmax.f32 v21, $0.0e+00;
	v21 =	vld [tilespmem:s17+$0xFFFFFF70];
	[tilespmem:s12+$0xFFFFFE80] =	vst v10;
	v6 =	vmul.f32 v7, v12;
	v12 =	vadd.f32 $1.000000010e-07, v22  }
0xcb: {  	v8 =	vmul.f32 v25, v8;
	v10 =	vadd.f32 $1.000000010e-07, v3;
	v3 =	vld [tilespmem:s23+$0xFFFFFF50];
	v20 =	vadd.f32 v23, v20  }
0xcc: {  	(erf) = vpow2.f32 v18;
	v18 =	vld [tilespmem:s14+$0xFFFFFF50];
	v23 =	vmul.f32 v12, v0  }
0xcd: {  	[tilespmem:s22+$0xFFFFFE60] =	vst v25;
	v22 =	vmul.f32 v10, v0  }
0xce: {  	v1 =	vmul.f32 v9, v1;
	[tilespmem:s22+$0xFFFFFE20] =	vst v8;
	v8 =	vmul.f32 v15, v2;
	v14 =	vadd.f32 $1.000000010e-07, v14  }
0xcf: {  	[tilespmem:s22+$0xFFFFFF60] =	vst v9;
	v24 =	vld [tilespmem:s15+$0xFFFFFF30];
	v17 =	vadd.f32 v21, v17;
	v22 =	vmul.f32 $1.442695020e+00, v22;
	v9 =	vmax.f32 v20, $0.0e+00;
	v20 =	vpop (erf)  }
0xd0: {  	[tilespmem:s22+$0xFFFFFF20] =	vst v1;
	v25 =	vld [tilespmem:s17+$0xFFFFFF30];
	v1 =	vmul.f32 $1.442695020e+00, v23;
	v9 =	vadd.f32 $1.000000010e-07, v9;
	v13 =	vmul.f32 v20, v13;
	v23 =	vpop (erf)  }
0xd1: {  	v2 =	vmul.f32 v14, v0;
	v3 =	vadd.f32 v18, v3;
	v18 =	vld [tilespmem:s17+$0xFFFFFFB0];
	[tilespmem:s12+$0xFFFFFF40] =	vst v20;
	v4 =	vmul.f32 v23, v4  }
0xd2: {  	v17 =	vmax.f32 v17, $0.0e+00;
	(erf) = vpow2.f32 v22;
	v20 =	vld [tilespmem:s15+$0xFFFFFFB0];
	[tilespmem:s12+$0xFFFFFF00] =	vst v13;
	v13 =	vmul.f32 v9, v0  }
0xd3: {  	v2 =	vmul.f32 $1.442695020e+00, v2;
	(erf) = vpow2.f32 v1;
	v1 =	vadd.f32 $1.000000010e-07, v17;
	v21 =	vpop (erf);
	[tilespmem:s12+$0xFFFFFFC0] =	vst v23;
	v23 =	vld [tilespmem:s23+$0xFFFFFF90]  }
0xd4: {  	v3 =	vmax.f32 v3, $0.0e+00;
	v22 =	vpop (erf);
	[tilespmem:s12+$0xFFFFFF80] =	vst v4;
	v17 =	vld [tilespmem:s14+$0xFFFFFF90];
	v13 =	vmul.f32 $1.442695020e+00, v13  }
0xd5: {  	v26 =	vadd.f32 $1.000000010e-07, v3;
	(erf) = vpow2.f32 v2;
	v3 =	vmul.f32 v1, v0;
	v27 =	vld [tilespmem:s23+$0xFFFFFFD0];
	v4 =	vpop (erf)  }
0xd6: {  	[tilespmem:s22+$0xFFFFFFE0] =	vst v15;
	v2 =	vadd.f32 v25, v24;
	v15 =	vld [tilespmem:s14+$0xFFFFFFD0];
	v11 =	vmul.f32 v4, v11;
	(erf) = vpow2.f32 v13  }
0xd7: {  	v5 =	vmul.f32 v21, v5;
	v18 =	vadd.f32 v18, v20;
	v13 =	vmul.f32 v22, v16;
	[tilespmem:s12+$0xFFFFFE40] =	vst v4  }
0xd8: {  	v2 =	vmax.f32 v2, $0.0e+00;
	v4 =	vmul.f32 $1.442695020e+00, v3;
	[tilespmem:s12+$0xFFFFFE00] =	vst v11;
	v11 =	vmul.f32 v26, v0  }
0xd9: {  	[tilespmem:s12+$0x0] =	vst v5;
	v16 =	vpop (erf);
	v3 =	vadd.f32 $1.000000010e-07, v2;
	v18 =	vmax.f32 v18, $0.0e+00;
	v17 =	vadd.f32 v17, v23;
	v5 =	vld [tilespmem:s23+$0xFFFFFF10]  }
0xda: {  	[tilespmem:s12+$0x40] =	vst v21;
	v19 =	vmul.f32 v16, v19;
	v2 =	vadd.f32 $1.000000010e-07, v18;
	v20 =	vld [tilespmem:s14+$0xFFFFFF10];
	v11 =	vmul.f32 $1.442695020e+00, v11  }
0xdb: {  	(erf) = vpow2.f32 v4;
	[tilespmem:s12+$0x80] =	vst v13;
	v15 =	vadd.f32 v15, v27;
	v13 =	vmax.f32 v17, $0.0e+00;
	v17 =	vld [tilespmem:s23+$0x10]  }
0xdc: {  	[tilespmem:s12+$0xC0] =	vst v22;
	v18 =	vmul.f32 v3, v0;
	v4 =	vpop (erf);
	(erf) = vpow2.f32 v11;
	v11 =	vadd.f32 $1.000000010e-07, v13;
	v13 =	vld [tilespmem:s14+$0x10]  }
0xdd: {  	[tilespmem:s12+$0x100] =	vst v19;
	v19 =	vld [tilespmem:s23+$0x50];
	v22 =	vmul.f32 v2, v0;
	v21 =	vpop (erf);
	v15 =	vmax.f32 v15, $0.0e+00  }
0xde: {  	[tilespmem:s12+$0x140] =	vst v16;
	v23 =	vld [tilespmem:s14+$0x50];
	v18 =	vmul.f32 $1.442695020e+00, v18;
	v10 =	vmul.f32 v4, v10;
	v15 =	vadd.f32 $1.000000010e-07, v15;
	v24 =	vpop (erf)  }
0xdf: {  	[tilespmem:s22+$0xFFFFFFA0] =	vst v8;
	v8 =	vld [tilespmem:s23+$0x90];
	v12 =	vmul.f32 v21, v12;
	v16 =	vmul.f32 v11, v0;
	v5 =	vadd.f32 v20, v5;
	v20 =	vpop (erf)  }
0xe0: {  	v25 =	vld [tilespmem:s14+$0x90];
	[tilespmem:s22+$0x60] =	vst v4;
	v4 =	vmul.f32 v15, v0;
	v9 =	vmul.f32 v20, v9  }
0xe1: {  	v22 =	vmul.f32 $1.442695020e+00, v22;
	v16 =	vmul.f32 $1.442695020e+00, v16;
	[tilespmem:s12+$0x1D0] =	vst v20;
	v13 =	vadd.f32 v13, v17;
	v17 =	vld [tilespmem:s15+$0xFFFFFFF0]  }
0xe2: {  	v14 =	vmul.f32 v24, v14;
	(erf) = vpow2.f32 v18;
	v5 =	vmax.f32 v5, $0.0e+00;
	[tilespmem:s12+$0x190] =	vst v9;
	v9 =	vld [tilespmem:s17+$0xFFFFFFF0]  }
0xe3: {  	[tilespmem:s22+$0x20] =	vst v10;
	v20 =	vadd.f32 $1.000000010e-07, v5;
	v5 =	vmul.f32 $1.442695020e+00, v4;
	v10 =	vmax.f32 v13, $0.0e+00;
	v18 =	vld [tilespmem:s23+$0xE0]  }
0xe4: {  	(erf) = vpow2.f32 v16;
	v4 =	vpop (erf);
	v13 =	vadd.f32 v23, v19;
	v19 =	vadd.f32 $1.000000010e-07, v10;
	v10 =	vld [tilespmem:s14+$0xE0]  }
0xe5: {  	[tilespmem:s22+$0xA0] =	vst v12;
	v12 =	vmul.f32 v20, v0;
	(erf) = vpow2.f32 v5;
	v16 =	vpop (erf)  }
0xe6: {  	[tilespmem:s22+$0xE0] =	vst v21;
	v8 =	vadd.f32 v25, v8;
	(erf) = vpow2.f32 v22;
	v5 =	vmul.f32 v16, v26  }
0xe7: {  	v21 =	vld [tilespmem:s15+$0x30];
	v13 =	vmax.f32 v13, $0.0e+00;
	v12 =	vmul.f32 $1.442695020e+00, v12;
	[tilespmem:s12+$0xFFFFFED0] =	vst v16;
	v16 =	vmul.f32 v19, v0  }
0xe8: {  	v23 =	vld [tilespmem:s17+$0x30];
	v13 =	vadd.f32 $1.000000010e-07, v13;
	[tilespmem:s12+$0xFFFFFE90] =	vst v5;
	v5 =	vmax.f32 v8, $0.0e+00;
	v8 =	vadd.f32 v9, v17  }
0xe9: {  	v9 =	vmul.f32 $1.442695020e+00, v16;
	v22 =	vld [tilespmem:s23+$0xFFFFFF60];
	v25 =	vadd.f32 $1.000000010e-07, v5;
	v10 =	vadd.f32 v10, v18  }
0xea: {  	[tilespmem:s22+$0x1F0] =	vst v7;
	(erf) = vpow2.f32 v12;
	v16 =	vmul.f32 v13, v0;
	v26 =	vld [tilespmem:s14+$0xFFFFFF60]  }
0xeb: {  	[tilespmem:s22+$0x160] =	vst v24;
	v17 =	vld [tilespmem:s15+$0x70];
	v5 =	vmax.f32 v8, $0.0e+00;
	v12 =	vmul.f32 v25, v0;
	v7 =	vmax.f32 v10, $0.0e+00  }
0xec: {  	[tilespmem:s22+$0x120] =	vst v14;
	v8 =	vmul.f32 $1.442695020e+00, v16;
	v16 =	vld [tilespmem:s17+$0x70];
	(erf) = vpow2.f32 v9;
	v5 =	vadd.f32 $1.000000010e-07, v5  }
0xed: {  	[tilespmem:s22+$0x1B0] =	vst v6;
	v18 =	vld [tilespmem:s15+$0xB0];
	v10 =	vadd.f32 v23, v21;
	v9 =	vpop (erf);
	v14 =	vadd.f32 $1.000000010e-07, v7;
	v6 =	vmul.f32 $1.442695020e+00, v12  }
0xee: {  	v12 =	vmul.f32 v5, v0;
	v7 =	vpop (erf);
	(erf) = vpow2.f32 v8;
	v8 =	vld [tilespmem:s17+$0xB0]  }
0xef: {  	v10 =	vmax.f32 v10, $0.0e+00;
	v21 =	vadd.f32 v26, v22;
	v22 =	vmul.f32 v14, v0  }
0xf0: {  	v11 =	vmul.f32 v7, v11;
	[tilespmem:s12+$0xFFFFFF50] =	vst v7;
	v7 =	vpop (erf);
	(erf) = vpow2.f32 v6  }
0xf1: {  	v16 =	vadd.f32 v16, v17;
	v23 =	vmul.f32 v7, v15;
	[tilespmem:s12+$0xFFFFFFD0] =	vst v7;
	v7 =	vmax.f32 v21, $0.0e+00  }
0xf2: {  	v6 =	vadd.f32 $1.000000010e-07, v10;
	v17 =	vmul.f32 $1.442695020e+00, v22;
	v10 =	vpop (erf);
	[tilespmem:s12+$0xFFFFFF10] =	vst v11;
	v11 =	vadd.f32 $1.000000010e-07, v7  }
0xf3: {  	[tilespmem:s22+$0xFFFFFEF0] =	vst v4;
	v15 =	vmul.f32 $1.442695020e+00, v12;
	v7 =	vmax.f32 v16, $0.0e+00;
	v21 =	vld [tilespmem:s23+$0xFFFFFFA0];
	v16 =	vadd.f32 v8, v18;
	v18 =	vpop (erf)  }
0xf4: {  	v12 =	vld [tilespmem:s14+$0xFFFFFFA0];
	[tilespmem:s12+$0xFFFFFF90] =	vst v23;
	v22 =	vmul.f32 v11, v0;
	v20 =	vmul.f32 v18, v20  }
0xf5: {  	(erf) = vpow2.f32 v17;
	v23 =	vld [tilespmem:s23+$0xFFFFFFE0];
	v8 =	vadd.f32 $1.000000010e-07, v7;
	[tilespmem:s12+$0xFFFFFE50] =	vst v18  }
0xf6: {  	v17 =	vmul.f32 v6, v0;
	v24 =	vld [tilespmem:s14+$0xFFFFFFE0];
	v18 =	vpop (erf);
	[tilespmem:s12+$0xFFFFFE10] =	vst v20;
	v20 =	vmul.f32 $1.442695020e+00, v22  }
0xf7: {  	[tilespmem:s22+$0xFFFFFE70] =	vst v9;
	v7 =	vmax.f32 v16, $0.0e+00;
	v26 =	vmul.f32 v8, v0;
	v19 =	vmul.f32 v18, v19  }
0xf8: {  	[tilespmem:s22+$0xFFFFFF70] =	vst v10;
	v16 =	vmul.f32 $1.442695020e+00, v17;
	v7 =	vadd.f32 $1.000000010e-07, v7;
	v22 =	vpop (erf)  }
0xf9: {  	v17 =	vld [tilespmem:s23+$0xFFFFFF20];
	v12 =	vadd.f32 v12, v21;
	[tilespmem:s12+$0x10] =	vst v19;
	v19 =	vmul.f32 $1.442695020e+00, v26;
	v27 =	vmul.f32 v22, v13  }
0xfa: {  	[tilespmem:s12+$0x50] =	vst v18;
	v21 =	vld [tilespmem:s14+$0xFFFFFF20];
	v18 =	vmul.f32 v7, v0;
	(erf) = vpow2.f32 v20;
	v20 =	vpop (erf)  }
0xfb: {  	s16 =	simm.s32 $0x8;
	s15 =	simm.s32 $0x18E0;
	s17 =	simm.s32 $0x6E0;
	v23 =	vadd.f32 v24, v23;
	v13 =	vmax.f32 v12, $0.0e+00;
	v12 =	vld [tilespmem:s23+$0x20];
	[tilespmem:s12+$0x90] =	vst v27;
	v24 =	vmul.f32 v20, v25  }
.LBB2_3:
0xfc: {  	v25 =	vld [tilespmem:s17+$0xC0];
	v13 =	vadd.f32 $1.000000010e-07, v13;
	[tilespmem:s12+$0xD0] =	vst v22;
	s14 =	sadd.s32 $0x200, s14;
	v9 =	vmul.f32 v9, v3;
	(erf) = vpow2.f32 v15  }
0xfd: {  	v18 =	vmul.f32 $1.442695020e+00, v18;
	v15 =	vld [tilespmem:s14+$0xC0];
	v3 =	vmax.f32 v23, $0.0e+00;
	[tilespmem:s12+$0x110] =	vst v24;
	(erf) = vpow2.f32 v16  }
0xfe: {  	v16 =	vld [tilespmem:s14+$0xFFFFFF00];
	v22 =	vmul.f32 v13, v0;
	v3 =	vadd.f32 $1.000000010e-07, v3;
	[tilespmem:s12+$0x150] =	vst v20;
	v20 =	vpop (erf);
	(erf) = vpow2.f32 v19  }
0xff: {  	v19 =	vld [tilespmem:s17+$0xFFFFFF40];
	v17 =	vadd.f32 v21, v17;
	v14 =	vmul.f32 v20, v14;
	[tilespmem:s22+$0xFFFFFE30] =	vst v9;
	(erf) = vpow2.f32 v18  }
0x100: {  	s16 =	sadd.s32 $0x8, s16;
	v9 =	vld [tilespmem:s14+$0xFFFFFF40];
	v18 =	vmul.f32 $1.442695020e+00, v22;
	v22 =	vmul.f32 v3, v0;
	[tilespmem:s12+$0x1E0] =	vst v20  }
0x101: {  	v4 =	vmul.f32 v4, v1;
	v2 =	vmul.f32 v10, v2;
	p1 =	slt.u32 s16, $0x20;
	v20 =	vld [tilespmem:s17+$0xFFFFFF80];
	v17 =	vmax.f32 v17, $0.0e+00;
	[tilespmem:s12+$0x1A0] =	vst v14  }
0x102: {  	v10 =	vadd.f32 v15, v25;
	v1 =	vadd.f32 $1.000000010e-07, v17;
	v14 =	vmul.f32 $1.442695020e+00, v22;
	v15 =	vld [tilespmem:s23+$0xF0]  }
0x103: {  	v17 =	vld [tilespmem:s15+$0xF0];
	v21 =	vpop (erf);
	(erf) = vpow2.f32 v18;
	[tilespmem:s22+$0xFFFFFEB0] =	vst v4  }
0x104: {  	v4 =	vld [tilespmem:s14+$0xFFFFFF80];
	v10 =	vmax.f32 v10, $0.0e+00;
	v18 =	vmul.f32 v1, v0;
	[tilespmem:s12+$0xFFFFFEE0] =	vst v21;
	(erf) = vpow2.f32 v14  }
0x105: {  	v23 =	vmul.f32 v21, v11;
	v9 =	vadd.f32 v9, v19;
	v14 =	vld [tilespmem:s17+$0xFFFFFFC0];
	v10 =	vadd.f32 $1.000000010e-07, v10;
	[tilespmem:s22+$0xFFFFFF30] =	vst v2;
	v2 =	vpop (erf)  }
0x106: {  	v19 =	vld [tilespmem:s14+$0xFFFFFFC0];
	v18 =	vmul.f32 $1.442695020e+00, v18;
	v24 =	vmul.f32 v2, v5;
	[tilespmem:s22+$0xFFFFFFF0] =	vst v2;
	v2 =	vpop (erf)  }
0x107: {  	v9 =	vmax.f32 v9, $0.0e+00;
	v21 =	vld [tilespmem:s17+$0x0];
	v22 =	vmul.f32 v10, v0;
	[tilespmem:s12+$0xFFFFFEA0] =	vst v23;
	v6 =	vmul.f32 v2, v6;
	v11 =	vpop (erf)  }
0x108: {  	v9 =	vadd.f32 $1.000000010e-07, v9;
	v23 =	vld [tilespmem:s14+$0x0];
	v15 =	vadd.f32 v17, v15;
	(erf) = vpow2.f32 v18;
	[tilespmem:s22+$0xFFFFFFB0] =	vst v24;
	v5 =	vpop (erf)  }
0x109: {  	v4 =	vadd.f32 v4, v20;
	v17 =	vld [tilespmem:s17+$0x40];
	v22 =	vmul.f32 $1.442695020e+00, v22;
	[tilespmem:s22+$0x30] =	vst v6;
	v6 =	vmul.f32 v11, v8  }
0x10a: {  	v8 =	vmul.f32 v9, v0;
	v20 =	vld [tilespmem:s14+$0x40];
	v15 =	vmax.f32 v15, $0.0e+00;
	[tilespmem:s22+$0x70] =	vst v2;
	v2 =	vmul.f32 v5, v7  }
0x10b: {  	v7 =	vadd.f32 v19, v14;
	v14 =	vld [tilespmem:s17+$0x80];
	(erf) = vpow2.f32 v22;
	v15 =	vadd.f32 $1.000000010e-07, v15;
	[tilespmem:s22+$0xB0] =	vst v6  }
0x10c: {  	v4 =	vmax.f32 v4, $0.0e+00;
	v6 =	vmul.f32 $1.442695020e+00, v8;
	v8 =	vld [tilespmem:s14+$0x80];
	v18 =	vpop (erf);
	[tilespmem:s22+$0x130] =	vst v2  }
0x10d: {  	v2 =	vld [tilespmem:s17+$0xFFFFFF00];
	v7 =	vmax.f32 v7, $0.0e+00;
	v19 =	vadd.f32 v23, v21;
	[tilespmem:s12+$0xFFFFFF60] =	vst v18;
	v21 =	vmul.f32 v15, v0;
	v22 =	vpop (erf)  }
0x10e: {  	v4 =	vadd.f32 $1.000000010e-07, v4;
	v7 =	vadd.f32 $1.000000010e-07, v7;
	(erf) = vpow2.f32 v6;
	[tilespmem:s12+$0xFFFFFFE0] =	vst v22;
	v6 =	vld [tilespmem:s15+$0x20]  }
0x10f: {  	v19 =	vmax.f32 v19, $0.0e+00;
	v25 =	vadd.f32 v20, v17;
	v20 =	vld [tilespmem:s23+$0x60];
	v21 =	vmul.f32 $1.442695020e+00, v21;
	[tilespmem:s22+$0xF0] =	vst v11  }
0x110: {  	v11 =	vmul.f32 v4, v0;
	v23 =	vmul.f32 v7, v0;
	v19 =	vadd.f32 $1.000000010e-07, v19;
	v24 =	vld [tilespmem:s15+$0x60];
	[tilespmem:s22+$0x170] =	vst v5;
	s22 =	smov.u32 s12  }
0x111: {  	v5 =	vmax.f32 v25, $0.0e+00;
	v8 =	vadd.f32 v8, v14;
	v14 =	vld [tilespmem:s23+$0xA0];
	v17 =	vpop (erf);
	(erf) = vpow2.f32 v21  }
0x112: {  	v2 =	vadd.f32 v16, v2;
	v16 =	vmul.f32 v19, v0;
	v5 =	vadd.f32 $1.000000010e-07, v5;
	[tilespmem:s12+$0xFFFFFE60] =	vst v17;
	v21 =	vld [tilespmem:s15+$0xA0]  }
0x113: {  	v11 =	vmul.f32 $1.442695020e+00, v11;
	v23 =	vmul.f32 $1.442695020e+00, v23;
	v8 =	vmax.f32 v8, $0.0e+00;
	v25 =	vld [tilespmem:s23+$0xFFFFFF70]  }
0x114: {  	v2 =	vmax.f32 v2, $0.0e+00;
	v26 =	vmul.f32 v5, v0;
	v8 =	vadd.f32 $1.000000010e-07, v8;
	v27 =	vpop (erf);
	v28 =	vld [tilespmem:s15+$0xFFFFFF70]  }
0x115: {  	s12 =	sadd.s32 $0x400, s12;
	v16 =	vmul.f32 $1.442695020e+00, v16;
	v2 =	vadd.f32 $1.000000010e-07, v2;
	v30 =	vmul.f32 v27, v10  }
0x116: {  	v6 =	vadd.f32 v6, v12;
	v26 =	vmul.f32 $1.442695020e+00, v26;
	v29 =	vmul.f32 v8, v0;
	[tilespmem:s12+$0x1C0] =	vst v27  }
0x117: {  	v27 =	vadd.f32 v24, v20;
	v12 =	vmul.f32 v2, v0;
	[tilespmem:s12+$0x180] =	vst v30;
	v10 =	vpop (erf);
	(erf) = vpow2.f32 v11  }
0x118: {  	v14 =	vadd.f32 v21, v14;
	[tilespmem:s12+$0xFFFFFEC0] =	vst v10;
	v20 =	vmul.f32 $1.442695020e+00, v29;
	v24 =	vld [tilespmem:s17+$0xD0];
	(erf) = vpow2.f32 v23  }
0x119: {  	v6 =	vmax.f32 v6, $0.0e+00;
	v12 =	vmul.f32 $1.442695020e+00, v12;
	v21 =	vld [tilespmem:s14+$0xD0];
	(erf) = vpow2.f32 v16  }
0x11a: {  	v9 =	vmul.f32 v10, v9;
	v10 =	vmax.f32 v27, $0.0e+00;
	(erf) = vpow2.f32 v26;
	v11 =	vpop (erf)  }
0x11b: {  	(erf) = vpow2.f32 v12;
	v12 =	vmax.f32 v14, $0.0e+00;
	v14 =	vmul.f32 v11, v15;
	[tilespmem:s22+$0x1F0] =	vst v11  }
0x11c: {  	v6 =	vadd.f32 $1.000000010e-07, v6;
	[tilespmem:s12+$0xFFFFFE80] =	vst v9;
	(erf) = vpow2.f32 v20;
	v9 =	vadd.f32 $1.000000010e-07, v10  }
0x11d: {  	v1 =	vmul.f32 v17, v1;
	v11 =	vmul.f32 v18, v13;
	v12 =	vadd.f32 $1.000000010e-07, v12;
	v10 =	vld [tilespmem:s17+$0xFFFFFF50];
	[tilespmem:s22+$0x1B0] =	vst v14  }
0x11e: {  	v15 =	vmul.f32 v6, v0;
	v13 =	vld [tilespmem:s14+$0xFFFFFF50];
	v14 =	vadd.f32 v21, v24;
	v21 =	vmul.f32 v9, v0  }
0x11f: {  	v17 =	vmul.f32 v22, v3;
	v3 =	vmul.f32 v12, v0;
	[tilespmem:s22+$0xFFFFFE20] =	vst v1;
	v1 =	vadd.f32 v28, v25  }
0x120: {  	v14 =	vmax.f32 v14, $0.0e+00;
	v18 =	vpop (erf);
	v20 =	vld [tilespmem:s23+$0xFFFFFF30];
	[tilespmem:s22+$0xFFFFFF20] =	vst v11;
	v11 =	vmul.f32 $1.442695020e+00, v15;
	v15 =	vmul.f32 $1.442695020e+00, v21  }
0x121: {  	v3 =	vmul.f32 $1.442695020e+00, v3;
	v4 =	vmul.f32 v18, v4;
	[tilespmem:s12+$0xFFFFFF40] =	vst v18;
	v14 =	vadd.f32 $1.000000010e-07, v14;
	v16 =	vpop (erf);
	v18 =	vld [tilespmem:s15+$0xFFFFFF30]  }
0x122: {  	v1 =	vmax.f32 v1, $0.0e+00;
	v23 =	vmul.f32 v16, v7;
	[tilespmem:s12+$0xFFFFFFC0] =	vst v16;
	v16 =	vpop (erf);
	v21 =	vld [tilespmem:s23+$0xFFFFFFB0];
	(erf) = vpow2.f32 v11  }
0x123: {  	v10 =	vadd.f32 v13, v10;
	[tilespmem:s12+$0xFFFFFF00] =	vst v4;
	v4 =	vmul.f32 v16, v19;
	v24 =	vmul.f32 v14, v0;
	v13 =	vpop (erf);
	v19 =	vld [tilespmem:s15+$0xFFFFFFB0]  }
0x124: {  	v1 =	vadd.f32 $1.000000010e-07, v1;
	v22 =	vld [tilespmem:s17+$0xFFFFFF90];
	[tilespmem:s12+$0xFFFFFF80] =	vst v23;
	v5 =	vmul.f32 v13, v5;
	v7 =	vpop (erf);
	(erf) = vpow2.f32 v15  }
0x125: {  	v2 =	vmul.f32 v7, v2;
	v10 =	vmax.f32 v10, $0.0e+00;
	v15 =	vld [tilespmem:s14+$0xFFFFFF90];
	[tilespmem:s12+$0x0] =	vst v4;
	v4 =	vmul.f32 $1.442695020e+00, v24;
	v11 =	vpop (erf)  }
0x126: {  	v10 =	vadd.f32 $1.000000010e-07, v10;
	v23 =	vld [tilespmem:s17+$0xFFFFFFD0];
	[tilespmem:s12+$0x80] =	vst v5;
	v5 =	vmul.f32 v11, v8;
	(erf) = vpow2.f32 v3  }
0x127: {  	v3 =	vmul.f32 v1, v0;
	[tilespmem:s12+$0xFFFFFE00] =	vst v2;
	v8 =	vld [tilespmem:s14+$0xFFFFFFD0];
	(erf) = vpow2.f32 v4;
	v2 =	vadd.f32 v18, v20  }
0x128: {  	v4 =	vmul.f32 v10, v0;
	[tilespmem:s12+$0x100] =	vst v5;
	v21 =	vadd.f32 v19, v21  }
0x129: {  	[tilespmem:s12+$0xFFFFFE40] =	vst v7;
	v2 =	vmax.f32 v2, $0.0e+00;
	v7 =	vmul.f32 $1.442695020e+00, v3  }
0x12a: {  	v18 =	vld [tilespmem:s17+$0xFFFFFF10];
	v4 =	vmul.f32 $1.442695020e+00, v4;
	v20 =	vadd.f32 v15, v22;
	[tilespmem:s12+$0x40] =	vst v16;
	v19 =	vmax.f32 v21, $0.0e+00  }
0x12b: {  	v3 =	vadd.f32 $1.000000010e-07, v2;
	v16 =	vld [tilespmem:s14+$0xFFFFFF10];
	[tilespmem:s12+$0xC0] =	vst v13;
	v2 =	vadd.f32 $1.000000010e-07, v19;
	(erf) = vpow2.f32 v7;
	v5 =	vpop (erf)  }
0x12c: {  	v7 =	vmax.f32 v20, $0.0e+00;
	v8 =	vadd.f32 v8, v23;
	v13 =	vld [tilespmem:s17+$0x10];
	[tilespmem:s12+$0x140] =	vst v11;
	(erf) = vpow2.f32 v4  }
0x12d: {  	v11 =	vmul.f32 v3, v0;
	v22 =	vmul.f32 v5, v6;
	v7 =	vadd.f32 $1.000000010e-07, v7;
	v4 =	vld [tilespmem:s14+$0x10];
	[tilespmem:s22+$0xFFFFFFA0] =	vst v17;
	v15 =	vpop (erf)  }
0x12e: {  	v19 =	vmul.f32 v2, v0;
	v8 =	vmax.f32 v8, $0.0e+00;
	v17 =	vld [tilespmem:s17+$0x50];
	[tilespmem:s22+$0x60] =	vst v5;
	v5 =	vmul.f32 v15, v9  }
0x12f: {  	v11 =	vmul.f32 $1.442695020e+00, v11;
	v9 =	vmul.f32 v7, v0;
	v8 =	vadd.f32 $1.000000010e-07, v8;
	v20 =	vld [tilespmem:s14+$0x50];
	[tilespmem:s22+$0x20] =	vst v22;
	v6 =	vpop (erf)  }
0x130: {  	v19 =	vmul.f32 $1.442695020e+00, v19;
	v16 =	vadd.f32 v16, v18;
	v18 =	vld [tilespmem:s17+$0x90];
	v21 =	vpop (erf);
	[tilespmem:s22+$0xA0] =	vst v5;
	v5 =	vmul.f32 v6, v12  }
0x131: {  	v12 =	vmul.f32 v8, v0;
	v22 =	vld [tilespmem:s14+$0x90];
	v14 =	vmul.f32 v21, v14;
	[tilespmem:s22+$0xE0] =	vst v15  }
0x132: {  	v9 =	vmul.f32 $1.442695020e+00, v9;
	v15 =	vmax.f32 v16, $0.0e+00;
	v23 =	vadd.f32 v4, v13;
	[tilespmem:s12+$0x1D0] =	vst v21;
	v13 =	vld [tilespmem:s23+$0xFFFFFFF0]  }
0x133: {  	v16 =	vadd.f32 $1.000000010e-07, v15;
	v12 =	vmul.f32 $1.442695020e+00, v12;
	[tilespmem:s12+$0x190] =	vst v14;
	v14 =	vld [tilespmem:s15+$0xFFFFFFF0];
	(erf) = vpow2.f32 v11  }
0x134: {  	v21 =	vmax.f32 v23, $0.0e+00;
	v15 =	vadd.f32 v20, v17;
	v17 =	vld [tilespmem:s17+$0xE0];
	(erf) = vpow2.f32 v9;
	[tilespmem:s22+$0x120] =	vst v5;
	v4 =	vpop (erf)  }
0x135: {  	v5 =	vmul.f32 v16, v0;
	v20 =	vadd.f32 $1.000000010e-07, v21;
	v9 =	vld [tilespmem:s14+$0xE0];
	v11 =	vpop (erf);
	(erf) = vpow2.f32 v12;
	[tilespmem:s22+$0x160] =	vst v6  }
0x136: {  	v6 =	vmul.f32 v11, v10;
	[tilespmem:s12+$0xFFFFFED0] =	vst v11;
	v10 =	vmax.f32 v15, $0.0e+00;
	v11 =	vadd.f32 v22, v18;
	v12 =	vld [tilespmem:s23+$0x30]  }
0x137: {  	v5 =	vmul.f32 $1.442695020e+00, v5;
	v15 =	vmul.f32 v20, v0;
	v18 =	vadd.f32 $1.000000010e-07, v10;
	[tilespmem:s22+$0xFFFFFEF0] =	vst v4;
	v10 =	vld [tilespmem:s15+$0x30]  }
0x138: {  	[tilespmem:s12+$0xFFFFFE90] =	vst v6;
	v6 =	vmax.f32 v11, $0.0e+00;
	v11 =	vadd.f32 v14, v13;
	v13 =	vld [tilespmem:s23+$0x70];
	(erf) = vpow2.f32 v19  }
0x139: {  	v19 =	vld [tilespmem:s17+$0xFFFFFF60];
	v14 =	vmul.f32 $1.442695020e+00, v15;
	v15 =	vmul.f32 v18, v0;
	v24 =	vadd.f32 $1.000000010e-07, v6  }
0x13a: {  	v6 =	vld [tilespmem:s14+$0xFFFFFF60];
	v22 =	vadd.f32 v9, v17;
	(erf) = vpow2.f32 v5;
	v5 =	vmax.f32 v11, $0.0e+00  }
0x13b: {  	v23 =	vmul.f32 $1.442695020e+00, v15;
	v15 =	vmul.f32 v24, v0;
	v5 =	vadd.f32 $1.000000010e-07, v5;
	v17 =	vld [tilespmem:s15+$0x70]  }
0x13c: {  	v22 =	vmax.f32 v22, $0.0e+00;
	(erf) = vpow2.f32 v14;
	v10 =	vadd.f32 v10, v12;
	v12 =	vld [tilespmem:s23+$0xB0];
	v9 =	vpop (erf);
	s23 =	smov.u32 s17  }
0x13d: {  	v15 =	vmul.f32 $1.442695020e+00, v15;
	v14 =	vadd.f32 $1.000000010e-07, v22;
	v21 =	vpop (erf);
	(erf) = vpow2.f32 v23;
	[tilespmem:s22+$0xFFFFFE70] =	vst v9;
	v22 =	vld [tilespmem:s15+$0xB0];
	s15 =	smov.u32 s14  }
0x13e: {  	v7 =	vmul.f32 v21, v7;
	[tilespmem:s12+$0xFFFFFF50] =	vst v21;
	v11 =	vpop (erf);
	v21 =	vmul.f32 v5, v0;
	v10 =	vmax.f32 v10, $0.0e+00  }
0x13f: {  	v19 =	vadd.f32 v6, v19;
	[tilespmem:s12+$0xFFFFFFD0] =	vst v11;
	v23 =	vmul.f32 v14, v0;
	(erf) = vpow2.f32 v15  }
0x140: {  	v6 =	vadd.f32 $1.000000010e-07, v10;
	[tilespmem:s12+$0xFFFFFF10] =	vst v7;
	v7 =	vmul.f32 v11, v8;
	v8 =	vadd.f32 v17, v13  }
0x141: {  	v15 =	vmul.f32 $1.442695020e+00, v21;
	v11 =	vmax.f32 v19, $0.0e+00;
	v13 =	vld [tilespmem:s17+$0xFFFFFFA0];
	v17 =	vmul.f32 $1.442695020e+00, v23;
	v10 =	vpop (erf)  }
0x142: {  	v11 =	vadd.f32 $1.000000010e-07, v11;
	v19 =	vld [tilespmem:s14+$0xFFFFFFA0];
	[tilespmem:s12+$0xFFFFFF90] =	vst v7;
	v7 =	vmax.f32 v8, $0.0e+00;
	v26 =	vadd.f32 v22, v12  }
0x143: {  	v23 =	vld [tilespmem:s17+$0xFFFFFFE0];
	v21 =	vpop (erf);
	(erf) = vpow2.f32 v17;
	[tilespmem:s22+$0xFFFFFF70] =	vst v10;
	v17 =	vmul.f32 v6, v0;
	v8 =	vadd.f32 $1.000000010e-07, v7  }
0x144: {  	v28 =	vmul.f32 v21, v16;
	[tilespmem:s12+$0xFFFFFE50] =	vst v21;
	v21 =	vmul.f32 v11, v0;
	v25 =	vld [tilespmem:s14+$0xFFFFFFE0];
	v7 =	vmax.f32 v26, $0.0e+00  }
.Ltmp0:
0x145: {  	v12 =	vpop (erf);
	v16 =	vmul.f32 $1.442695020e+00, v17;
	v26 =	vmul.f32 v8, v0;
	v7 =	vadd.f32 $1.000000010e-07, v7;
	(pc) =	sbr.rel @p1 .LBB2_3-.Ltmp0, $4  }
0x146: {  	[tilespmem:s12+$0xFFFFFE10] =	vst v28;
	v27 =	vmul.f32 $1.442695020e+00, v21;
	v29 =	vmul.f32 v12, v20;
	v22 =	vpop (erf)  }
0x147: {  	v17 =	vld [tilespmem:s17+$0xFFFFFF20];
	v13 =	vadd.f32 v19, v13;
	[tilespmem:s12+$0x50] =	vst v12;
	v28 =	vmul.f32 v22, v18;
	v18 =	vmul.f32 v7, v0  }
0x148: {  	v19 =	vmul.f32 $1.442695020e+00, v26;
	v21 =	vld [tilespmem:s14+$0xFFFFFF20];
	[tilespmem:s12+$0x10] =	vst v29;
	(erf) = vpow2.f32 v27;
	v20 =	vpop (erf)  }
0x149: {  	s17 =	sadd.s32 $0x200, s17;
	v13 =	vmax.f32 v13, $0.0e+00;
	v23 =	vadd.f32 v25, v23;
	v12 =	vld [tilespmem:s23+$0x20];
	[tilespmem:s12+$0x90] =	vst v28;
	v24 =	vmul.f32 v20, v24  }
0x14a: {  	_ =	sdelay $0x1  }
0x14b: {  	v25 =	vpop (erf)  }
0x14c: {  	[tilespmem:s12+$0xD0] =	vst v22;
	v14 =	vmul.f32 v25, v14  }
0x14d: {  	[tilespmem:s12+$0x1E0] =	vst v25  }
0x14e: {  	v22 =	vld [tilespmem:s23+$0x60];
	[tilespmem:s12+$0x1A0] =	vst v14  }
0x14f: {  	v14 =	vld [tilespmem:s23+$0xF0]  }
0x150: {  	v13 =	vadd.f32 $1.000000010e-07, v13;
	(erf) = vpow2.f32 v15;
	v25 =	vld [tilespmem:s15+$0xF0]  }
0x151: {  	v15 =	vadd.f32 v21, v17;
	v17 =	vmax.f32 v23, $0.0e+00;
	(erf) = vpow2.f32 v16;
	v16 =	vld [tilespmem:s15+$0x20]  }
0x152: {  	v21 =	vmul.f32 v13, v0;
	v17 =	vadd.f32 $1.000000010e-07, v17;
	(erf) = vpow2.f32 v19;
	v19 =	vld [tilespmem:s15+$0x60]  }
0x153: {  	v18 =	vmul.f32 $1.442695020e+00, v18;
	v15 =	vmax.f32 v15, $0.0e+00  }
0x154: {  	[tilespmem:s12+$0x150] =	vst v20;
	v20 =	vmul.f32 $1.442695020e+00, v21;
	v15 =	vadd.f32 $1.000000010e-07, v15;
	v21 =	vmul.f32 v17, v0  }
0x155: {  	[tilespmem:s12+$0x110] =	vst v24;
	(erf) = vpow2.f32 v18;
	v14 =	vadd.f32 v25, v14  }
0x156: {  	v24 =	vld [tilespmem:s15+$0xA0];
	v18 =	vmul.f32 v15, v0;
	v21 =	vmul.f32 $1.442695020e+00, v21  }
0x157: {  	v23 =	vld [tilespmem:s23+$0xA0];
	v12 =	vadd.f32 v16, v12;
	v16 =	vadd.f32 v19, v22;
	v14 =	vmax.f32 v14, $0.0e+00  }
0x158: {  	(erf) = vpow2.f32 v20;
	v18 =	vmul.f32 $1.442695020e+00, v18;
	v14 =	vadd.f32 $1.000000010e-07, v14  }
0x159: {  	(erf) = vpow2.f32 v21;
	v12 =	vmax.f32 v12, $0.0e+00;
	v16 =	vmax.f32 v16, $0.0e+00  }
0x15a: {  	v12 =	vadd.f32 $1.000000010e-07, v12;
	(erf) = vpow2.f32 v18;
	v18 =	vmul.f32 v14, v0  }
0x15b: {  	v16 =	vadd.f32 $1.000000010e-07, v16  }
0x15c: {  	v19 =	vadd.f32 v24, v23;
	v20 =	vpop (erf);
	v22 =	vmul.f32 v12, v0;
	v18 =	vmul.f32 $1.442695020e+00, v18  }
0x15d: {  	v21 =	vpop (erf);
	v24 =	vmul.f32 v16, v0  }
0x15e: {  	v19 =	vmax.f32 v19, $0.0e+00;
	v23 =	vpop (erf);
	(erf) = vpow2.f32 v18;
	v18 =	vmul.f32 $1.442695020e+00, v22  }
0x15f: {  	v19 =	vadd.f32 $1.000000010e-07, v19  }
0x160: {  	v25 =	vpop (erf);
	v24 =	vmul.f32 $1.442695020e+00, v24;
	(erf) = vpow2.f32 v18  }
0x161: {  	v26 =	vmul.f32 v19, v0;
	v22 =	vpop (erf)  }
0x162: {  	v11 =	vmul.f32 v20, v11;
	v27 =	vpop (erf);
	(erf) = vpow2.f32 v24  }
0x163: {  	[tilespmem:s12+$0xFFFFFEE0] =	vst v20;
	v26 =	vmul.f32 $1.442695020e+00, v26;
	v18 =	vpop (erf)  }
0x164: {  	[tilespmem:s12+$0xFFFFFEA0] =	vst v11;
	v20 =	vpop (erf)  }
0x165: {  	[tilespmem:s12+$0xFFFFFF60] =	vst v27;
	(erf) = vpow2.f32 v26;
	v11 =	vmul.f32 v20, v15  }
0x166: {  	v13 =	vmul.f32 v27, v13;
	[tilespmem:s12+$0xFFFFFE60] =	vst v20;
	v15 =	vld [tilespmem:s23+$0xFFFFFF70]  }
0x167: {  	v17 =	vmul.f32 v18, v17;
	v20 =	vld [tilespmem:s15+$0xFFFFFF70];
	[tilespmem:s12+$0xFFFFFE20] =	vst v11  }
0x168: {  	[tilespmem:s12+$0xFFFFFF20] =	vst v13;
	v11 =	vld [tilespmem:s23+$0xFFFFFF30];
	v24 =	vpop (erf)  }
0x169: {  	[tilespmem:s12+$0xFFFFFFE0] =	vst v18;
	v13 =	vld [tilespmem:s15+$0xFFFFFF30];
	v27 =	vpop (erf)  }
0x16a: {  	v26 =	vld [tilespmem:s23+$0xFFFFFFB0];
	[tilespmem:s12+$0xFFFFFFA0] =	vst v17;
	v12 =	vmul.f32 v27, v12  }
0x16b: {  	v18 =	vld [tilespmem:s15+$0xFFFFFFB0];
	v17 =	vpop (erf);
	[tilespmem:s12+$0x60] =	vst v27  }
0x16c: {  	v15 =	vadd.f32 v20, v15;
	v20 =	vld [tilespmem:s23+$0xFFFFFFF0];
	v16 =	vmul.f32 v17, v16;
	[tilespmem:s12+$0xE0] =	vst v17  }
0x16d: {  	v27 =	vld [tilespmem:s15+$0xFFFFFFF0];
	[tilespmem:s12+$0x20] =	vst v12  }
0x16e: {  	v3 =	vmul.f32 v9, v3;
	v9 =	vadd.f32 v13, v11;
	[tilespmem:s12+$0xA0] =	vst v16;
	v13 =	vld [tilespmem:s15+$0x30];
	v12 =	vpop (erf)  }
0x16f: {  	v1 =	vmul.f32 v4, v1;
	v15 =	vmax.f32 v15, $0.0e+00;
	v4 =	vld [tilespmem:s23+$0x70];
	v16 =	vmul.f32 v12, v19  }
0x170: {  	v15 =	vadd.f32 $1.000000010e-07, v15;
	v11 =	vadd.f32 v18, v26;
	v19 =	vld [tilespmem:s23+$0x30];
	[tilespmem:s12+$0x160] =	vst v12  }
0x171: {  	v2 =	vmul.f32 v10, v2;
	v5 =	vmul.f32 v21, v5;
	v9 =	vmax.f32 v9, $0.0e+00;
	v12 =	vld [tilespmem:s15+$0x70];
	[tilespmem:s12+$0x120] =	vst v16  }
0x172: {  	v10 =	vmul.f32 v15, v0;
	v11 =	vmax.f32 v11, $0.0e+00;
	v9 =	vadd.f32 $1.000000010e-07, v9;
	v16 =	vld [tilespmem:s23+$0xB0]  }
0x173: {  	[tilespmem:s22+$0xFFFFFE30] =	vst v3;
	v6 =	vmul.f32 v23, v6;
	v3 =	vmul.f32 v25, v8;
	v11 =	vadd.f32 $1.000000010e-07, v11;
	v17 =	vld [tilespmem:s15+$0xB0]  }
0x174: {  	v20 =	vadd.f32 v27, v20;
	v10 =	vmul.f32 $1.442695020e+00, v10;
	v18 =	vmul.f32 v9, v0  }
0x175: {  	v7 =	vmul.f32 v22, v7;
	v26 =	vmul.f32 v11, v0;
	v8 =	vadd.f32 v13, v19  }
0x176: {  	[tilespmem:s22+$0xFFFFFEB0] =	vst v1;
	(erf) = vpow2.f32 v10;
	v1 =	vmul.f32 $1.442695020e+00, v18;
	v13 =	vmax.f32 v20, $0.0e+00  }
0x177: {  	[tilespmem:s22+$0xFFFFFF30] =	vst v2;
	v4 =	vadd.f32 v12, v4;
	v2 =	vadd.f32 $1.000000010e-07, v13;
	v8 =	vmax.f32 v8, $0.0e+00  }
0x178: {  	(erf) = vpow2.f32 v1;
	v1 =	vadd.f32 $1.000000010e-07, v8;
	v8 =	vadd.f32 v17, v16  }
0x179: {  	[tilespmem:s22+$0xFFFFFFB0] =	vst v5;
	v10 =	vmul.f32 $1.442695020e+00, v26;
	v4 =	vmax.f32 v4, $0.0e+00;
	v5 =	vmul.f32 v2, v0  }
0x17a: {  	[tilespmem:s22+$0x30] =	vst v6;
	v4 =	vadd.f32 $1.000000010e-07, v4;
	v6 =	vmul.f32 v1, v0;
	v8 =	vmax.f32 v8, $0.0e+00  }
0x17b: {  	[tilespmem:s22+$0xFFFFFFF0] =	vst v21;
	(erf) = vpow2.f32 v10;
	v5 =	vmul.f32 $1.442695020e+00, v5;
	v8 =	vadd.f32 $1.000000010e-07, v8  }
0x17c: {  	[tilespmem:s22+$0xB0] =	vst v3;
	v3 =	vmul.f32 $1.442695020e+00, v6;
	v6 =	vmul.f32 v4, v0  }
0x17d: {  	[tilespmem:s22+$0x130] =	vst v7;
	(erf) = vpow2.f32 v5;
	v7 =	vmul.f32 v8, v0  }
0x17e: {  	[tilespmem:s22+$0x70] =	vst v23;
	(erf) = vpow2.f32 v3;
	v3 =	vmul.f32 v24, v14  }
0x17f: {  	[tilespmem:s22+$0xF0] =	vst v25;
	v5 =	vmul.f32 $1.442695020e+00, v6  }
0x180: {  	[tilespmem:s22+$0x170] =	vst v22;
	v6 =	vmul.f32 $1.442695020e+00, v7  }
0x181: {  	[tilespmem:s12+$0x1F0] =	vst v24  }
0x182: {  	(erf) = vpow2.f32 v5;
	[tilespmem:s12+$0x1B0] =	vst v3;
	v3 =	vpop (erf)  }
0x183: {  	[tilespmem:s12+$0xFFFFFEF0] =	vst v3;
	v5 =	vpop (erf);
	v3 =	vmul.f32 v3, v15  }
0x184: {  	(erf) = vpow2.f32 v6;
	[tilespmem:s12+$0xFFFFFE70] =	vst v5;
	v6 =	vpop (erf);
	v5 =	vmul.f32 v5, v9  }
0x185: {  	[tilespmem:s12+$0xFFFFFF70] =	vst v6  }
0x186: {  	[tilespmem:s12+$0xFFFFFE30] =	vst v5;
	v5 =	vmul.f32 v6, v11  }
0x187: {  	[tilespmem:s12+$0xFFFFFEB0] =	vst v3;
	v3 =	vpop (erf)  }
0x188: {  	[tilespmem:s12+$0xFFFFFF30] =	vst v5;
	v2 =	vmul.f32 v3, v2  }
0x189: {  	[tilespmem:s12+$0xFFFFFFF0] =	vst v3  }
0x18a: {  	v5 =	vpop (erf);
	[tilespmem:s12+$0xFFFFFFB0] =	vst v2  }
0x18b: {  	v1 =	vmul.f32 v5, v1;
	v3 =	vpop (erf);
	[tilespmem:s12+$0x70] =	vst v5  }
0x18c: {  	[tilespmem:s12+$0xF0] =	vst v3  }
0x18d: {  	v2 =	vpop (erf);
	[tilespmem:s12+$0x30] =	vst v1;
	v1 =	vmul.f32 v3, v4  }
0x18e: {  	v4 =	vmul.f32 v2, v8;
	[tilespmem:s12+$0x170] =	vst v2  }
0x18f: {  	[tilespmem:s12+$0xB0] =	vst v1  }
0x190: {  	s22 =	simm.s32 $0x140;
	[tilespmem:s12+$0x130] =	vst v4  }
0x191: {  	[spmem:s4] =	stream.indirect.scatter.add.f32 [tilespmem:s24], [sflag:$0x9], $0x80, s22, s31, $0xb8;
	[tilespmem:$0x191F0] =	vst v63  }
0x192: {  	_ =	swait.ge [sflag:s25], $0x28  }
0x193: {  	[sflag:s25] =	ssyncset.done $0x0  }
0x194: {  	[sflag:s25] =	ssyncadd.s32 $0xFFFFFFD8  }
0x195: {  	_ =	swait.ge [sflag:s25], $0x28  }
0x196: {  	[sflag:s25] =	ssyncset.done $0x0  }
0x197: {  	[sflag:s25] =	ssyncadd.s32 $0xFFFFFFD8  }
0x198: {  	_ =	swait.ge [sflag:s25], $0x28  }
0x199: {  	s14 =	simm.s32 $0x50;
	s16 =	simm.s32 $0xF0;
	[sflag:s25] =	ssyncset.done $0x0  }
0x19a: {  	s23 =	simm.s32 $0x1E0;
	s17 =	rddreg [dreg:$0x10];
	[sflag:s25] =	ssyncadd.s32 $0xFFFFFFD8  }
0x19b: {  	[tilespmem:s23], [sflag:$0x5] =	stream.indirect.gather [hbm4b:s1+s31], $0x40, s14, s31, $0xb8;
	[tilespmem:$0x191F0] =	vst v63  }
0x19c: {  	s15 =	simm.s32 $0x15E0;
	s12 =	simm.s32 @!p0 $0xA;
	s14 =	sadd.s32 s21, s17  }
0x19d: {  	[tilespmem:s15], [sflag:$0x7] =	stream.indirect.gather [hbm4b:s2+s31], $0x40, s16, s31, $0xb8;
	[tilespmem:$0x191F0] =	vst v63  }
0x19e: {  	s22 =	sadd.s32 s10, s14;
	_ =	swait.ge @!p0 [sflag:s12], $0x1400  }
0x19f: {  	s15 =	sshrl.u32 s22, $0x3;
	[sflag:s12] =	ssyncset.done @!p0 $0x0  }
0x1a0: {  	s23 =	sadd.s32 s6, s15;
	[sflag:s12] =	ssyncadd.s32 @!p0 $0xFFFFEC00  }
0x1a1: {  	[tilespmem:s13], [sflag:$0x4] =	stream.linear.gather [hbm4b:s23+s5], $0x28, $0x38;
	[tilespmem:$0x191F0] =	vst v63  }
0x1a2: {  	s16 =	sshrl.u32 s14, $0x3;
	s15 =	sadd.s32 s7, s15  }
0x1a3: {  	[tilespmem:s26], [sflag:$0x4] =	stream.linear.gather [hbm4b:s15+s5], $0x28, $0x38;
	[tilespmem:$0x191F0] =	vst v63  }
0x1a4: {  	s12 =	sadd.s32 s8, s16  }
0x1a5: {  	[tilespmem:s28], [sflag:$0x4] =	stream.linear.gather [hbm4b:s12+s5], $0x28, $0x38;
	[tilespmem:$0x191F0] =	vst v63  }
0x1a6: {  	_ =	swait.ge [sflag:s30], $0xA00  }
0x1a7: {  	[sflag:s30] =	ssyncset.done $0x0  }
0x1a8: {  	[sflag:s30] =	ssyncadd.s32 $0xFFFFF600  }
0x1a9: {  	_ =	swait.ge [sflag:s0], $0xA00  }
0x1aa: {  	[sflag:s0] =	ssyncset.done $0x0  }
0x1ab: {  	s16 =	simm.s32 $0xDD0;
	[sflag:s0] =	ssyncadd.s32 $0xFFFFF600  }
0x1ac: {  	s17 =	simm.s32 $0x21D0;
	v1 =	vld [tilespmem:s16+$0xFFFFFFD0]  }
0x1ad: {  	v2 =	vld [tilespmem:s17+$0xFFFFFFD0];
	_ =	sdelay $0x4  }
0x1ae: {  	v1 =	vadd.f32 v2, v1;
	_ =	sdelay $0x1  }
0x1af: {  	v3 =	vld [tilespmem:s17+$0xFFFFFE50];
	v1 =	vmax.f32 v1, $0.0e+00  }
0x1b0: {  	v4 =	vld [tilespmem:s17+$0xFFFFFE10];
	v1 =	vadd.f32 $1.000000010e-07, v1  }
0x1b1: {  	v2 =	vld [tilespmem:s16+$0xFFFFFE50]  }
0x1b2: {  	v6 =	vld [tilespmem:s16+$0xFFFFFE90];
	v5 =	vmul.f32 v1, v0  }
0x1b3: {  	v7 =	vld [tilespmem:s17+$0xFFFFFE90]  }
0x1b4: {  	v8 =	vld [tilespmem:s17+$0xFFFFFED0];
	v5 =	vmul.f32 $1.442695020e+00, v5  }
0x1b5: {  	v9 =	vld [tilespmem:s17+$0xFFFFFF10]  }
0x1b6: {  	v10 =	vld [tilespmem:s16+$0xFFFFFF50];
	v2 =	vadd.f32 v3, v2;
	(erf) = vpow2.f32 v5  }
0x1b7: {  	v3 =	vld [tilespmem:s16+$0xFFFFFED0]  }
0x1b8: {  	v2 =	vmax.f32 v2, $0.0e+00;
	v5 =	vld [tilespmem:s16+$0xFFFFFF10]  }
0x1b9: {  	v6 =	vadd.f32 v7, v6;
	v7 =	vld [tilespmem:s16+$0xFFFFFE10];
	v2 =	vadd.f32 $1.000000010e-07, v2  }
0x1ba: {  	v12 =	vld [tilespmem:s17+$0xFFFFFF50]  }
0x1bb: {  	v6 =	vmax.f32 v6, $0.0e+00;
	v11 =	vmul.f32 v2, v0  }
0x1bc: {  	v6 =	vadd.f32 $1.000000010e-07, v6  }
0x1bd: {  	v3 =	vadd.f32 v8, v3;
	v8 =	vmul.f32 $1.442695020e+00, v11;
	v5 =	vadd.f32 v9, v5  }
0x1be: {  	v4 =	vadd.f32 v4, v7;
	v7 =	vmul.f32 v6, v0  }
0x1bf: {  	v11 =	vld [tilespmem:s17+$0xFFFFFF90];
	(erf) = vpow2.f32 v8;
	v8 =	vadd.f32 v12, v10;
	v5 =	vmax.f32 v5, $0.0e+00;
	v10 =	vpop (erf)  }
0x1c0: {  	s22 =	simm.s32 $0x41D0;
	v3 =	vmax.f32 v3, $0.0e+00;
	v9 =	vld [tilespmem:s16+$0xFFFFFF90];
	v5 =	vadd.f32 $1.000000010e-07, v5;
	v1 =	vmul.f32 v10, v1  }
0x1c1: {  	v3 =	vadd.f32 $1.000000010e-07, v3;
	[tilespmem:s22+$0xFFFFFFD0] =	vst v10  }
0x1c2: {  	v8 =	vmax.f32 v8, $0.0e+00;
	v10 =	vmul.f32 v5, v0;
	[tilespmem:s22+$0xFFFFFF90] =	vst v1;
	v1 =	vmul.f32 $1.442695020e+00, v7  }
0x1c3: {  	v4 =	vmax.f32 v4, $0.0e+00;
	v12 =	vmul.f32 v3, v0;
	v8 =	vadd.f32 $1.000000010e-07, v8  }
0x1c4: {  	v4 =	vadd.f32 $1.000000010e-07, v4;
	v10 =	vmul.f32 $1.442695020e+00, v10;
	(erf) = vpow2.f32 v1  }
0x1c5: {  	v13 =	vmul.f32 v8, v0;
	v9 =	vadd.f32 v11, v9;
	v7 =	vmul.f32 $1.442695020e+00, v12;
	v12 =	vld [tilespmem:s16+$0xFFFFFFE0]  }
0x1c6: {  	v11 =	vmul.f32 v4, v0;
	v14 =	vld [tilespmem:s17+$0xFFFFFFE0]  }
0x1c7: {  	v1 =	vmul.f32 $1.442695020e+00, v13;
	(erf) = vpow2.f32 v7;
	v7 =	vmax.f32 v9, $0.0e+00  }
0x1c8: {  	v9 =	vmul.f32 $1.442695020e+00, v11;
	(erf) = vpow2.f32 v10;
	v7 =	vadd.f32 $1.000000010e-07, v7;
	v10 =	vpop (erf)  }
0x1c9: {  	(erf) = vpow2.f32 v1;
	v1 =	vmul.f32 v10, v2  }
0x1ca: {  	(erf) = vpow2.f32 v9;
	v9 =	vmul.f32 v7, v0  }
0x1cb: {  	[tilespmem:s22+$0xFFFFFCD0] =	vst v10;
	v2 =	vadd.f32 v14, v12  }
0x1cc: {  	[tilespmem:s22+$0xFFFFFC90] =	vst v1;
	v9 =	vmul.f32 $1.442695020e+00, v9  }
0x1cd: {  	v1 =	vmax.f32 v2, $0.0e+00;
	v2 =	vld [tilespmem:s16+$0xFFFFFE60];
	v11 =	vpop (erf)  }
0x1ce: {  	v10 =	vld [tilespmem:s17+$0xFFFFFE60];
	v1 =	vadd.f32 $1.000000010e-07, v1;
	v6 =	vmul.f32 v11, v6  }
0x1cf: {  	(erf) = vpow2.f32 v9  }
0x1d0: {  	v12 =	vmul.f32 v1, v0;
	v9 =	vpop (erf);
	[tilespmem:s22+$0xFFFFFD50] =	vst v11  }
0x1d1: {  	v11 =	vpop (erf);
	v3 =	vmul.f32 v9, v3;
	[tilespmem:s22+$0xFFFFFDD0] =	vst v9  }
0x1d2: {  	v12 =	vmul.f32 $1.442695020e+00, v12;
	[tilespmem:s22+$0xFFFFFD10] =	vst v6;
	v6 =	vpop (erf)  }
0x1d3: {  	v2 =	vadd.f32 v10, v2;
	v9 =	vld [tilespmem:s16+$0xFFFFFEA0];
	[tilespmem:s22+$0xFFFFFD90] =	vst v3;
	v10 =	vpop (erf)  }
0x1d4: {  	(erf) = vpow2.f32 v12;
	v12 =	vld [tilespmem:s16+$0xFFFFFEE0];
	v3 =	vmul.f32 v10, v4  }
0x1d5: {  	v2 =	vmax.f32 v2, $0.0e+00;
	v4 =	vld [tilespmem:s17+$0xFFFFFEA0]  }
0x1d6: {  	v5 =	vmul.f32 v11, v5;
	v2 =	vadd.f32 $1.000000010e-07, v2;
	[tilespmem:s22+$0xFFFFFC10] =	vst v3;
	v3 =	vld [tilespmem:s17+$0xFFFFFEE0]  }
0x1d7: {  	[tilespmem:s22+$0xFFFFFC50] =	vst v10  }
0x1d8: {  	[tilespmem:s22+$0xFFFFFE10] =	vst v5;
	v5 =	vmul.f32 v2, v0;
	v13 =	vpop (erf);
	v10 =	vld [tilespmem:s16+$0xFFFFFE20]  }
0x1d9: {  	[tilespmem:s22+$0xFFFFFE50] =	vst v11;
	v8 =	vmul.f32 v6, v8;
	v11 =	vld [tilespmem:s17+$0xFFFFFE20];
	v7 =	vmul.f32 v13, v7  }
0x1da: {  	[tilespmem:s22+$0xFFFFFED0] =	vst v6;
	v6 =	vld [tilespmem:s17+$0xFFFFFF20];
	v5 =	vmul.f32 $1.442695020e+00, v5;
	v4 =	vadd.f32 v4, v9  }
0x1db: {  	[tilespmem:s22+$0xFFFFFE90] =	vst v8;
	v8 =	vld [tilespmem:s16+$0xFFFFFF20];
	v3 =	vadd.f32 v3, v12  }
0x1dc: {  	(erf) = vpow2.f32 v5;
	v5 =	vld [tilespmem:s16+$0xFFFFFF60];
	v4 =	vmax.f32 v4, $0.0e+00  }
0x1dd: {  	[tilespmem:s22+$0xFFFFFF10] =	vst v7;
	v9 =	vld [tilespmem:s17+$0xFFFFFF60];
	v7 =	vpop (erf);
	v4 =	vadd.f32 $1.000000010e-07, v4;
	v3 =	vmax.f32 v3, $0.0e+00  }
0x1de: {  	[tilespmem:s22+$0xFFFFFF50] =	vst v13;
	v1 =	vmul.f32 v7, v1;
	v10 =	vadd.f32 v11, v10;
	v3 =	vadd.f32 $1.000000010e-07, v3  }
0x1df: {  	v12 =	vld [tilespmem:s17+$0xFFFFFFA0];
	[tilespmem:s22+$0xFFFFFFE0] =	vst v7;
	v7 =	vmul.f32 v4, v0  }
0x1e0: {  	v11 =	vld [tilespmem:s16+$0xFFFFFFA0];
	[tilespmem:s22+$0xFFFFFFA0] =	vst v1;
	v10 =	vmax.f32 v10, $0.0e+00;
	v1 =	vmul.f32 v3, v0  }
0x1e1: {  	v6 =	vadd.f32 v6, v8;
	v8 =	vld [tilespmem:s16+$0xFFFFFFF0];
	v10 =	vadd.f32 $1.000000010e-07, v10;
	v7 =	vmul.f32 $1.442695020e+00, v7  }
0x1e2: {  	v5 =	vadd.f32 v9, v5;
	v13 =	vld [tilespmem:s17+$0xFFFFFFF0];
	v1 =	vmul.f32 $1.442695020e+00, v1  }
0x1e3: {  	v6 =	vmax.f32 v6, $0.0e+00;
	(erf) = vpow2.f32 v7;
	v7 =	vmul.f32 v10, v0  }
0x1e4: {  	v6 =	vadd.f32 $1.000000010e-07, v6;
	v5 =	vmax.f32 v5, $0.0e+00  }
0x1e5: {  	v9 =	vadd.f32 v12, v11;
	(erf) = vpow2.f32 v1;
	v7 =	vmul.f32 $1.442695020e+00, v7  }
0x1e6: {  	v5 =	vadd.f32 $1.000000010e-07, v5;
	v11 =	vmul.f32 v6, v0  }
0x1e7: {  	v9 =	vmax.f32 v9, $0.0e+00;
	v8 =	vadd.f32 v13, v8;
	v1 =	vpop (erf);
	(erf) = vpow2.f32 v7  }
0x1e8: {  	v9 =	vadd.f32 $1.000000010e-07, v9;
	v7 =	vmul.f32 v5, v0;
	v2 =	vmul.f32 v1, v2  }
0x1e9: {  	v8 =	vmax.f32 v8, $0.0e+00;
	[tilespmem:s22+$0xFFFFFCE0] =	vst v1;
	v1 =	vmul.f32 $1.442695020e+00, v11  }
0x1ea: {  	v8 =	vadd.f32 $1.000000010e-07, v8;
	[tilespmem:s22+$0xFFFFFCA0] =	vst v2;
	v2 =	vmul.f32 $1.442695020e+00, v7;
	v7 =	vmul.f32 v9, v0  }
0x1eb: {  	(erf) = vpow2.f32 v1;
	v11 =	vld [tilespmem:s16+$0xFFFFFE70]  }
0x1ec: {  	v1 =	vmul.f32 v8, v0;
	v12 =	vld [tilespmem:s17+$0xFFFFFE70];
	v7 =	vmul.f32 $1.442695020e+00, v7;
	v13 =	vpop (erf)  }
0x1ed: {  	(erf) = vpow2.f32 v2;
	v2 =	vmul.f32 v13, v4  }
0x1ee: {  	s14 =	simm.s32 $0x23D0;
	v1 =	vmul.f32 $1.442695020e+00, v1;
	[tilespmem:s22+$0xFFFFFD60] =	vst v13;
	v4 =	vpop (erf)  }
0x1ef: {  	v16 =	vld [tilespmem:s14+$0xFFFFFFD0];
	(erf) = vpow2.f32 v7;
	[tilespmem:s22+$0xFFFFFD20] =	vst v2;
	v2 =	vmul.f32 v4, v3  }
0x1f0: {  	(erf) = vpow2.f32 v1;
	[tilespmem:s22+$0xFFFFFDE0] =	vst v4;
	v1 =	vld [tilespmem:s16+$0xFFFFFEB0];
	v3 =	vpop (erf)  }
0x1f1: {  	v4 =	vadd.f32 v12, v11;
	v7 =	vld [tilespmem:s17+$0xFFFFFEB0];
	[tilespmem:s22+$0xFFFFFDA0] =	vst v2;
	v2 =	vmul.f32 v3, v10  }
0x1f2: {  	[tilespmem:s22+$0xFFFFFC60] =	vst v3;
	v10 =	vld [tilespmem:s16+$0xFFFFFEF0]  }
0x1f3: {  	v3 =	vmax.f32 v4, $0.0e+00;
	v4 =	vld [tilespmem:s17+$0xFFFFFEF0];
	[tilespmem:s22+$0xFFFFFC20] =	vst v2  }
0x1f4: {  	v2 =	vld [tilespmem:s16+$0xFFFFFE30]  }
0x1f5: {  	v12 =	vld [tilespmem:s17+$0xFFFFFE30]  }
0x1f6: {  	s23 =	simm.s32 $0xFD0;
	v17 =	vld [tilespmem:s14+$0xFFFFFE10];
	v11 =	vpop (erf);
	v1 =	vadd.f32 v7, v1  }
0x1f7: {  	v14 =	vpop (erf);
	v7 =	vld [tilespmem:s23+$0xFFFFFFD0]  }
0x1f8: {  	v19 =	vld [tilespmem:s14+$0xFFFFFE50];
	v3 =	vadd.f32 $1.000000010e-07, v3;
	v15 =	vpop (erf);
	v1 =	vmax.f32 v1, $0.0e+00  }
0x1f9: {  	v20 =	vld [tilespmem:s14+$0xFFFFFE90];
	v6 =	vmul.f32 v11, v6;
	v4 =	vadd.f32 v4, v10;
	v18 =	vpop (erf);
	v1 =	vadd.f32 $1.000000010e-07, v1  }
0x1fa: {  	v22 =	vld [tilespmem:s23+$0xFFFFFF10];
	[tilespmem:s22+$0xFFFFFE60] =	vst v11;
	v8 =	vmul.f32 v18, v8;
	v12 =	vadd.f32 v12, v2  }
0x1fb: {  	v11 =	vld [tilespmem:s23+$0xFFFFFE10];
	v13 =	vmul.f32 v3, v0;
	[tilespmem:s22+$0xFFFFFE20] =	vst v6;
	v2 =	vmax.f32 v4, $0.0e+00;
	v4 =	vmul.f32 v1, v0  }
0x1fc: {  	v10 =	vld [tilespmem:s23+$0xFFFFFE50];
	v2 =	vadd.f32 $1.000000010e-07, v2;
	v7 =	vadd.f32 v16, v7;
	[tilespmem:s22+$0xFFFFFFB0] =	vst v8;
	v8 =	vmax.f32 v12, $0.0e+00  }
0x1fd: {  	v5 =	vmul.f32 v14, v5;
	v13 =	vmul.f32 $1.442695020e+00, v13;
	v6 =	vld [tilespmem:s16+$0xFFFFFF30];
	[tilespmem:s22+$0xFFFFFFF0] =	vst v18;
	v8 =	vadd.f32 $1.000000010e-07, v8  }
0x1fe: {  	v12 =	vld [tilespmem:s16+$0x0];
	v4 =	vmul.f32 $1.442695020e+00, v4;
	v18 =	vmul.f32 v2, v0;
	v7 =	vmax.f32 v7, $0.0e+00  }
0x1ff: {  	(erf) = vpow2.f32 v13;
	v16 =	vld [tilespmem:s17+$0x0];
	v7 =	vadd.f32 $1.000000010e-07, v7;
	v21 =	vmul.f32 v8, v0  }
0x200: {  	[tilespmem:s22+$0xFFFFFEE0] =	vst v14;
	v14 =	vld [tilespmem:s17+$0xFFFFFF30];
	v18 =	vmul.f32 $1.442695020e+00, v18;
	(erf) = vpow2.f32 v4  }
0x201: {  	v13 =	vld [tilespmem:s23+$0xFFFFFE90];
	v10 =	vadd.f32 v19, v10;
	v23 =	vmul.f32 v7, v0;
	v21 =	vmul.f32 $1.442695020e+00, v21  }
0x202: {  	v11 =	vadd.f32 v17, v11;
	v19 =	vld [tilespmem:s23+$0xFFFFFED0];
	(erf) = vpow2.f32 v18  }
0x203: {  	v4 =	vld [tilespmem:s14+$0xFFFFFED0];
	v10 =	vmax.f32 v10, $0.0e+00;
	(erf) = vpow2.f32 v21;
	v21 =	vmul.f32 $1.442695020e+00, v23  }
0x204: {  	v11 =	vmax.f32 v11, $0.0e+00;
	v10 =	vadd.f32 $1.000000010e-07, v10;
	v18 =	vld [tilespmem:s14+$0xFFFFFF10];
	v12 =	vadd.f32 v16, v12  }
0x205: {  	v9 =	vmul.f32 v15, v9;
	v11 =	vadd.f32 $1.000000010e-07, v11;
	(erf) = vpow2.f32 v21  }
0x206: {  	v13 =	vadd.f32 v20, v13;
	v16 =	vld [tilespmem:s23+$0xFFFFFF50];
	v20 =	vmul.f32 v10, v0;
	v12 =	vmax.f32 v12, $0.0e+00  }
0x207: {  	v6 =	vadd.f32 v14, v6;
	v14 =	vmul.f32 v11, v0;
	v23 =	vld [tilespmem:s14+$0xFFFFFF50];
	v12 =	vadd.f32 $1.000000010e-07, v12  }
0x208: {  	v13 =	vmax.f32 v13, $0.0e+00;
	v4 =	vadd.f32 v4, v19;
	v20 =	vmul.f32 $1.442695020e+00, v20  }
0x209: {  	v13 =	vadd.f32 $1.000000010e-07, v13;
	v19 =	vld [tilespmem:s23+$0xFFFFFF90];
	v18 =	vadd.f32 v18, v22;
	v22 =	vmul.f32 v12, v0  }
0x20a: {  	[tilespmem:s22+$0xFFFFFEA0] =	vst v5;
	v14 =	vmul.f32 $1.442695020e+00, v14;
	v24 =	vpop (erf);
	v21 =	vld [tilespmem:s14+$0xFFFFFF90];
	v4 =	vmax.f32 v4, $0.0e+00;
	(erf) = vpow2.f32 v20  }
0x20b: {  	[tilespmem:s22+$0xFFFFFF20] =	vst v9;
	v20 =	vmul.f32 v13, v0;
	v5 =	vmax.f32 v18, $0.0e+00;
	v9 =	vpop (erf);
	v18 =	vmul.f32 $1.442695020e+00, v22  }
0x20c: {  	[tilespmem:s22+$0xFFFFFF60] =	vst v15;
	v3 =	vmul.f32 v24, v3;
	v4 =	vadd.f32 $1.000000010e-07, v4;
	v16 =	vadd.f32 v23, v16;
	v23 =	vld [tilespmem:s16+$0xFFFFFF70];
	v15 =	vpop (erf)  }
0x20d: {  	v20 =	vmul.f32 $1.442695020e+00, v20;
	(erf) = vpow2.f32 v18;
	v18 =	vld [tilespmem:s17+$0xFFFFFF70];
	v25 =	vpop (erf)  }
0x20e: {  	v22 =	vmul.f32 v4, v0;
	v5 =	vadd.f32 $1.000000010e-07, v5;
	v16 =	vmax.f32 v16, $0.0e+00;
	v28 =	vpop (erf)  }
0x20f: {  	s12 =	simm.s32 $0x45D0;
	v26 =	vld [tilespmem:s17+$0xFFFFFFB0];
	v19 =	vadd.f32 v21, v19;
	v16 =	vadd.f32 $1.000000010e-07, v16;
	v7 =	vmul.f32 v28, v7  }
0x210: {  	v21 =	vld [tilespmem:s16+$0xFFFFFFB0];
	v17 =	vmul.f32 v5, v0;
	v22 =	vmul.f32 $1.442695020e+00, v22;
	[tilespmem:s12+$0xFFFFFFD0] =	vst v28  }
0x211: {  	v19 =	vmax.f32 v19, $0.0e+00;
	(erf) = vpow2.f32 v20;
	v27 =	vmul.f32 v16, v0;
	[tilespmem:s12+$0xFFFFFF90] =	vst v7  }
0x212: {  	v19 =	vadd.f32 $1.000000010e-07, v19;
	v17 =	vmul.f32 $1.442695020e+00, v17;
	v7 =	vadd.f32 v18, v23;
	v20 =	vld [tilespmem:s23+$0xFFFFFFE0]  }
0x213: {  	(erf) = vpow2.f32 v22;
	v27 =	vmul.f32 $1.442695020e+00, v27;
	v23 =	vld [tilespmem:s14+$0xFFFFFFE0]  }
0x214: {  	[tilespmem:s22+$0xFFFFFCB0] =	vst v3;
	v3 =	vmax.f32 v6, $0.0e+00;
	v29 =	vmul.f32 v19, v0;
	v22 =	vpop (erf);
	(erf) = vpow2.f32 v17  }
0x215: {  	[tilespmem:s22+$0xFFFFFCF0] =	vst v24;
	v21 =	vadd.f32 v26, v21;
	v10 =	vmul.f32 v22, v10;
	(erf) = vpow2.f32 v27  }
0x216: {  	v17 =	vld [tilespmem:s16+$0xFFFFFE80];
	[tilespmem:s12+$0xFFFFFCD0] =	vst v22;
	v18 =	vmul.f32 $1.442695020e+00, v29;
	(erf) = vpow2.f32 v14;
	v22 =	vmax.f32 v7, $0.0e+00;
	v7 =	vpop (erf)  }
0x217: {  	v14 =	vmax.f32 v21, $0.0e+00;
	v21 =	vld [tilespmem:s17+$0xFFFFFE80];
	[tilespmem:s12+$0xFFFFFC90] =	vst v10;
	v6 =	vmul.f32 v7, v12;
	v12 =	vadd.f32 $1.000000010e-07, v22  }
0x218: {  	v8 =	vmul.f32 v25, v8;
	v10 =	vadd.f32 $1.000000010e-07, v3;
	v3 =	vld [tilespmem:s23+$0xFFFFFE60];
	v20 =	vadd.f32 v23, v20  }
0x219: {  	(erf) = vpow2.f32 v18;
	v18 =	vld [tilespmem:s14+$0xFFFFFE60];
	v23 =	vmul.f32 v12, v0  }
0x21a: {  	[tilespmem:s22+$0xFFFFFC70] =	vst v25;
	v22 =	vmul.f32 v10, v0  }
0x21b: {  	v1 =	vmul.f32 v9, v1;
	[tilespmem:s22+$0xFFFFFC30] =	vst v8;
	v8 =	vmul.f32 v15, v2;
	v14 =	vadd.f32 $1.000000010e-07, v14  }
0x21c: {  	[tilespmem:s22+$0xFFFFFD70] =	vst v9;
	v24 =	vld [tilespmem:s16+$0xFFFFFE40];
	v17 =	vadd.f32 v21, v17;
	v22 =	vmul.f32 $1.442695020e+00, v22;
	v9 =	vmax.f32 v20, $0.0e+00;
	v20 =	vpop (erf)  }
0x21d: {  	[tilespmem:s22+$0xFFFFFD30] =	vst v1;
	v25 =	vld [tilespmem:s17+$0xFFFFFE40];
	v1 =	vmul.f32 $1.442695020e+00, v23;
	v9 =	vadd.f32 $1.000000010e-07, v9;
	v13 =	vmul.f32 v20, v13;
	v23 =	vpop (erf)  }
0x21e: {  	v2 =	vmul.f32 v14, v0;
	v3 =	vadd.f32 v18, v3;
	v18 =	vld [tilespmem:s17+$0xFFFFFEC0];
	[tilespmem:s12+$0xFFFFFD50] =	vst v20;
	v4 =	vmul.f32 v23, v4  }
0x21f: {  	v17 =	vmax.f32 v17, $0.0e+00;
	(erf) = vpow2.f32 v22;
	v20 =	vld [tilespmem:s16+$0xFFFFFEC0];
	[tilespmem:s12+$0xFFFFFD10] =	vst v13;
	v13 =	vmul.f32 v9, v0  }
0x220: {  	v2 =	vmul.f32 $1.442695020e+00, v2;
	(erf) = vpow2.f32 v1;
	v1 =	vadd.f32 $1.000000010e-07, v17;
	v21 =	vpop (erf);
	[tilespmem:s12+$0xFFFFFDD0] =	vst v23;
	v23 =	vld [tilespmem:s23+$0xFFFFFEA0]  }
0x221: {  	v3 =	vmax.f32 v3, $0.0e+00;
	v22 =	vpop (erf);
	[tilespmem:s12+$0xFFFFFD90] =	vst v4;
	v17 =	vld [tilespmem:s14+$0xFFFFFEA0];
	v13 =	vmul.f32 $1.442695020e+00, v13  }
0x222: {  	v26 =	vadd.f32 $1.000000010e-07, v3;
	(erf) = vpow2.f32 v2;
	v3 =	vmul.f32 v1, v0;
	v27 =	vld [tilespmem:s23+$0xFFFFFEE0];
	v4 =	vpop (erf)  }
0x223: {  	[tilespmem:s22+$0xFFFFFDF0] =	vst v15;
	v2 =	vadd.f32 v25, v24;
	v15 =	vld [tilespmem:s14+$0xFFFFFEE0];
	v11 =	vmul.f32 v4, v11;
	(erf) = vpow2.f32 v13  }
0x224: {  	v5 =	vmul.f32 v21, v5;
	v18 =	vadd.f32 v18, v20;
	v13 =	vmul.f32 v22, v16;
	[tilespmem:s12+$0xFFFFFC50] =	vst v4  }
0x225: {  	v2 =	vmax.f32 v2, $0.0e+00;
	v4 =	vmul.f32 $1.442695020e+00, v3;
	[tilespmem:s12+$0xFFFFFC10] =	vst v11;
	v11 =	vmul.f32 v26, v0  }
0x226: {  	[tilespmem:s12+$0xFFFFFE10] =	vst v5;
	v16 =	vpop (erf);
	v3 =	vadd.f32 $1.000000010e-07, v2;
	v18 =	vmax.f32 v18, $0.0e+00;
	v17 =	vadd.f32 v17, v23;
	v5 =	vld [tilespmem:s23+$0xFFFFFE20]  }
0x227: {  	[tilespmem:s12+$0xFFFFFE50] =	vst v21;
	v19 =	vmul.f32 v16, v19;
	v2 =	vadd.f32 $1.000000010e-07, v18;
	v20 =	vld [tilespmem:s14+$0xFFFFFE20];
	v11 =	vmul.f32 $1.442695020e+00, v11  }
0x228: {  	(erf) = vpow2.f32 v4;
	[tilespmem:s12+$0xFFFFFE90] =	vst v13;
	v15 =	vadd.f32 v15, v27;
	v13 =	vmax.f32 v17, $0.0e+00;
	v17 =	vld [tilespmem:s23+$0xFFFFFF20]  }
0x229: {  	[tilespmem:s12+$0xFFFFFED0] =	vst v22;
	v18 =	vmul.f32 v3, v0;
	v4 =	vpop (erf);
	(erf) = vpow2.f32 v11;
	v11 =	vadd.f32 $1.000000010e-07, v13;
	v13 =	vld [tilespmem:s14+$0xFFFFFF20]  }
0x22a: {  	[tilespmem:s12+$0xFFFFFF10] =	vst v19;
	v19 =	vld [tilespmem:s23+$0xFFFFFF60];
	v22 =	vmul.f32 v2, v0;
	v21 =	vpop (erf);
	v15 =	vmax.f32 v15, $0.0e+00  }
0x22b: {  	[tilespmem:s12+$0xFFFFFF50] =	vst v16;
	v23 =	vld [tilespmem:s14+$0xFFFFFF60];
	v18 =	vmul.f32 $1.442695020e+00, v18;
	v10 =	vmul.f32 v4, v10;
	v15 =	vadd.f32 $1.000000010e-07, v15;
	v24 =	vpop (erf)  }
0x22c: {  	[tilespmem:s22+$0xFFFFFDB0] =	vst v8;
	v8 =	vld [tilespmem:s23+$0xFFFFFFA0];
	v12 =	vmul.f32 v21, v12;
	v16 =	vmul.f32 v11, v0;
	v5 =	vadd.f32 v20, v5;
	v20 =	vpop (erf)  }
0x22d: {  	v25 =	vld [tilespmem:s14+$0xFFFFFFA0];
	[tilespmem:s22+$0xFFFFFE70] =	vst v4;
	v4 =	vmul.f32 v15, v0;
	v9 =	vmul.f32 v20, v9  }
0x22e: {  	v22 =	vmul.f32 $1.442695020e+00, v22;
	v16 =	vmul.f32 $1.442695020e+00, v16;
	[tilespmem:s12+$0xFFFFFFE0] =	vst v20;
	v13 =	vadd.f32 v13, v17;
	v17 =	vld [tilespmem:s16+$0xFFFFFF00]  }
0x22f: {  	v14 =	vmul.f32 v24, v14;
	(erf) = vpow2.f32 v18;
	v5 =	vmax.f32 v5, $0.0e+00;
	[tilespmem:s12+$0xFFFFFFA0] =	vst v9;
	v9 =	vld [tilespmem:s17+$0xFFFFFF00]  }
0x230: {  	[tilespmem:s22+$0xFFFFFE30] =	vst v10;
	v20 =	vadd.f32 $1.000000010e-07, v5;
	v5 =	vmul.f32 $1.442695020e+00, v4;
	v10 =	vmax.f32 v13, $0.0e+00;
	v18 =	vld [tilespmem:s23+$0xFFFFFFF0]  }
0x231: {  	(erf) = vpow2.f32 v16;
	v4 =	vpop (erf);
	v13 =	vadd.f32 v23, v19;
	v19 =	vadd.f32 $1.000000010e-07, v10;
	v10 =	vld [tilespmem:s14+$0xFFFFFFF0]  }
0x232: {  	[tilespmem:s22+$0xFFFFFEB0] =	vst v12;
	v12 =	vmul.f32 v20, v0;
	(erf) = vpow2.f32 v5;
	v16 =	vpop (erf)  }
0x233: {  	[tilespmem:s22+$0xFFFFFEF0] =	vst v21;
	v8 =	vadd.f32 v25, v8;
	(erf) = vpow2.f32 v22;
	v5 =	vmul.f32 v16, v26  }
0x234: {  	v21 =	vld [tilespmem:s16+$0xFFFFFF40];
	v13 =	vmax.f32 v13, $0.0e+00;
	v12 =	vmul.f32 $1.442695020e+00, v12;
	[tilespmem:s12+$0xFFFFFCE0] =	vst v16;
	v16 =	vmul.f32 v19, v0  }
0x235: {  	v23 =	vld [tilespmem:s17+$0xFFFFFF40];
	v13 =	vadd.f32 $1.000000010e-07, v13;
	[tilespmem:s12+$0xFFFFFCA0] =	vst v5;
	v5 =	vmax.f32 v8, $0.0e+00;
	v8 =	vadd.f32 v9, v17  }
0x236: {  	v9 =	vmul.f32 $1.442695020e+00, v16;
	v22 =	vld [tilespmem:s23+$0xFFFFFE70];
	v25 =	vadd.f32 $1.000000010e-07, v5;
	v10 =	vadd.f32 v10, v18  }
0x237: {  	[tilespmem:s22+$0x0] =	vst v7;
	(erf) = vpow2.f32 v12;
	v16 =	vmul.f32 v13, v0;
	v26 =	vld [tilespmem:s14+$0xFFFFFE70]  }
0x238: {  	[tilespmem:s22+$0xFFFFFF70] =	vst v24;
	v17 =	vld [tilespmem:s16+$0xFFFFFF80];
	v5 =	vmax.f32 v8, $0.0e+00;
	v12 =	vmul.f32 v25, v0;
	v7 =	vmax.f32 v10, $0.0e+00  }
0x239: {  	[tilespmem:s22+$0xFFFFFF30] =	vst v14;
	v8 =	vmul.f32 $1.442695020e+00, v16;
	v16 =	vld [tilespmem:s17+$0xFFFFFF80];
	(erf) = vpow2.f32 v9;
	v5 =	vadd.f32 $1.000000010e-07, v5  }
0x23a: {  	[tilespmem:s22+$0xFFFFFFC0] =	vst v6;
	v18 =	vld [tilespmem:s16+$0xFFFFFFC0];
	v10 =	vadd.f32 v23, v21;
	v9 =	vpop (erf);
	v14 =	vadd.f32 $1.000000010e-07, v7;
	v6 =	vmul.f32 $1.442695020e+00, v12  }
0x23b: {  	v12 =	vmul.f32 v5, v0;
	v7 =	vpop (erf);
	(erf) = vpow2.f32 v8;
	v8 =	vld [tilespmem:s17+$0xFFFFFFC0]  }
0x23c: {  	v10 =	vmax.f32 v10, $0.0e+00;
	v21 =	vadd.f32 v26, v22;
	v22 =	vmul.f32 v14, v0  }
0x23d: {  	v11 =	vmul.f32 v7, v11;
	[tilespmem:s12+$0xFFFFFD60] =	vst v7;
	v7 =	vpop (erf);
	(erf) = vpow2.f32 v6  }
0x23e: {  	v16 =	vadd.f32 v16, v17;
	v23 =	vmul.f32 v7, v15;
	[tilespmem:s12+$0xFFFFFDE0] =	vst v7;
	v7 =	vmax.f32 v21, $0.0e+00  }
0x23f: {  	v6 =	vadd.f32 $1.000000010e-07, v10;
	v17 =	vmul.f32 $1.442695020e+00, v22;
	v10 =	vpop (erf);
	[tilespmem:s12+$0xFFFFFD20] =	vst v11;
	v11 =	vadd.f32 $1.000000010e-07, v7  }
0x240: {  	[tilespmem:s22+$0xFFFFFD00] =	vst v4;
	v15 =	vmul.f32 $1.442695020e+00, v12;
	v7 =	vmax.f32 v16, $0.0e+00;
	v21 =	vld [tilespmem:s23+$0xFFFFFEB0];
	v16 =	vadd.f32 v8, v18;
	v18 =	vpop (erf)  }
0x241: {  	v12 =	vld [tilespmem:s14+$0xFFFFFEB0];
	[tilespmem:s12+$0xFFFFFDA0] =	vst v23;
	v22 =	vmul.f32 v11, v0;
	v20 =	vmul.f32 v18, v20  }
0x242: {  	(erf) = vpow2.f32 v17;
	v23 =	vld [tilespmem:s23+$0xFFFFFEF0];
	v8 =	vadd.f32 $1.000000010e-07, v7;
	[tilespmem:s12+$0xFFFFFC60] =	vst v18  }
0x243: {  	v17 =	vmul.f32 v6, v0;
	v24 =	vld [tilespmem:s14+$0xFFFFFEF0];
	v18 =	vpop (erf);
	[tilespmem:s12+$0xFFFFFC20] =	vst v20;
	v20 =	vmul.f32 $1.442695020e+00, v22  }
0x244: {  	[tilespmem:s22+$0xFFFFFC80] =	vst v9;
	v7 =	vmax.f32 v16, $0.0e+00;
	v26 =	vmul.f32 v8, v0;
	v19 =	vmul.f32 v18, v19  }
0x245: {  	[tilespmem:s22+$0xFFFFFD80] =	vst v10;
	v16 =	vmul.f32 $1.442695020e+00, v17;
	v7 =	vadd.f32 $1.000000010e-07, v7;
	v22 =	vpop (erf)  }
0x246: {  	v17 =	vld [tilespmem:s23+$0xFFFFFE30];
	v12 =	vadd.f32 v12, v21;
	[tilespmem:s12+$0xFFFFFE20] =	vst v19;
	v19 =	vmul.f32 $1.442695020e+00, v26;
	v27 =	vmul.f32 v22, v13  }
0x247: {  	[tilespmem:s12+$0xFFFFFE60] =	vst v18;
	v21 =	vld [tilespmem:s14+$0xFFFFFE30];
	v18 =	vmul.f32 v7, v0;
	(erf) = vpow2.f32 v20;
	v20 =	vpop (erf)  }
0x248: {  	s15 =	simm.s32 $0x23D0;
	s16 =	simm.s32 $0x8;
	s17 =	simm.s32 $0x11D0;
	v23 =	vadd.f32 v24, v23;
	v13 =	vmax.f32 v12, $0.0e+00;
	v12 =	vld [tilespmem:s23+$0xFFFFFF30];
	[tilespmem:s12+$0xFFFFFEA0] =	vst v27;
	v24 =	vmul.f32 v20, v25  }
.LBB2_5:
0x249: {  	v25 =	vld [tilespmem:s17+$0xFFFFFFD0];
	v13 =	vadd.f32 $1.000000010e-07, v13;
	[tilespmem:s12+$0xFFFFFEE0] =	vst v22;
	s14 =	sadd.s32 $0x200, s14;
	v9 =	vmul.f32 v9, v3;
	(erf) = vpow2.f32 v15  }
0x24a: {  	v18 =	vmul.f32 $1.442695020e+00, v18;
	v15 =	vld [tilespmem:s14+$0xFFFFFFD0];
	v3 =	vmax.f32 v23, $0.0e+00;
	[tilespmem:s12+$0xFFFFFF20] =	vst v24;
	(erf) = vpow2.f32 v16  }
0x24b: {  	v16 =	vld [tilespmem:s14+$0xFFFFFE10];
	v22 =	vmul.f32 v13, v0;
	v3 =	vadd.f32 $1.000000010e-07, v3;
	[tilespmem:s12+$0xFFFFFF60] =	vst v20;
	v20 =	vpop (erf);
	(erf) = vpow2.f32 v19  }
0x24c: {  	v19 =	vld [tilespmem:s17+$0xFFFFFE50];
	v17 =	vadd.f32 v21, v17;
	v14 =	vmul.f32 v20, v14;
	[tilespmem:s22+$0xFFFFFC40] =	vst v9;
	(erf) = vpow2.f32 v18  }
0x24d: {  	s16 =	sadd.s32 $0x8, s16;
	v9 =	vld [tilespmem:s14+$0xFFFFFE50];
	v18 =	vmul.f32 $1.442695020e+00, v22;
	v22 =	vmul.f32 v3, v0;
	[tilespmem:s12+$0xFFFFFFF0] =	vst v20  }
0x24e: {  	v4 =	vmul.f32 v4, v1;
	v2 =	vmul.f32 v10, v2;
	p0 =	slt.u32 s16, $0x20;
	v20 =	vld [tilespmem:s17+$0xFFFFFE90];
	v17 =	vmax.f32 v17, $0.0e+00;
	[tilespmem:s12+$0xFFFFFFB0] =	vst v14  }
0x24f: {  	v10 =	vadd.f32 v15, v25;
	v1 =	vadd.f32 $1.000000010e-07, v17;
	v14 =	vmul.f32 $1.442695020e+00, v22;
	v15 =	vld [tilespmem:s23+$0x0]  }
0x250: {  	v17 =	vld [tilespmem:s15+$0x0];
	v21 =	vpop (erf);
	(erf) = vpow2.f32 v18;
	[tilespmem:s22+$0xFFFFFCC0] =	vst v4  }
0x251: {  	v4 =	vld [tilespmem:s14+$0xFFFFFE90];
	v10 =	vmax.f32 v10, $0.0e+00;
	v18 =	vmul.f32 v1, v0;
	[tilespmem:s12+$0xFFFFFCF0] =	vst v21;
	(erf) = vpow2.f32 v14  }
0x252: {  	v23 =	vmul.f32 v21, v11;
	v9 =	vadd.f32 v9, v19;
	v14 =	vld [tilespmem:s17+$0xFFFFFED0];
	v10 =	vadd.f32 $1.000000010e-07, v10;
	[tilespmem:s22+$0xFFFFFD40] =	vst v2;
	v2 =	vpop (erf)  }
0x253: {  	v19 =	vld [tilespmem:s14+$0xFFFFFED0];
	v18 =	vmul.f32 $1.442695020e+00, v18;
	v24 =	vmul.f32 v2, v5;
	[tilespmem:s22+$0xFFFFFE00] =	vst v2;
	v2 =	vpop (erf)  }
0x254: {  	v9 =	vmax.f32 v9, $0.0e+00;
	v21 =	vld [tilespmem:s17+$0xFFFFFF10];
	v22 =	vmul.f32 v10, v0;
	[tilespmem:s12+$0xFFFFFCB0] =	vst v23;
	v6 =	vmul.f32 v2, v6;
	v11 =	vpop (erf)  }
0x255: {  	v9 =	vadd.f32 $1.000000010e-07, v9;
	v23 =	vld [tilespmem:s14+$0xFFFFFF10];
	v15 =	vadd.f32 v17, v15;
	(erf) = vpow2.f32 v18;
	[tilespmem:s22+$0xFFFFFDC0] =	vst v24;
	v5 =	vpop (erf)  }
0x256: {  	v4 =	vadd.f32 v4, v20;
	v17 =	vld [tilespmem:s17+$0xFFFFFF50];
	v22 =	vmul.f32 $1.442695020e+00, v22;
	[tilespmem:s22+$0xFFFFFE40] =	vst v6;
	v6 =	vmul.f32 v11, v8  }
0x257: {  	v8 =	vmul.f32 v9, v0;
	v20 =	vld [tilespmem:s14+$0xFFFFFF50];
	v15 =	vmax.f32 v15, $0.0e+00;
	[tilespmem:s22+$0xFFFFFE80] =	vst v2;
	v2 =	vmul.f32 v5, v7  }
0x258: {  	v7 =	vadd.f32 v19, v14;
	v14 =	vld [tilespmem:s17+$0xFFFFFF90];
	(erf) = vpow2.f32 v22;
	v15 =	vadd.f32 $1.000000010e-07, v15;
	[tilespmem:s22+$0xFFFFFEC0] =	vst v6  }
0x259: {  	v4 =	vmax.f32 v4, $0.0e+00;
	v6 =	vmul.f32 $1.442695020e+00, v8;
	v8 =	vld [tilespmem:s14+$0xFFFFFF90];
	v18 =	vpop (erf);
	[tilespmem:s22+$0xFFFFFF40] =	vst v2  }
0x25a: {  	v2 =	vld [tilespmem:s17+$0xFFFFFE10];
	v7 =	vmax.f32 v7, $0.0e+00;
	v19 =	vadd.f32 v23, v21;
	[tilespmem:s12+$0xFFFFFD70] =	vst v18;
	v21 =	vmul.f32 v15, v0;
	v22 =	vpop (erf)  }
0x25b: {  	v4 =	vadd.f32 $1.000000010e-07, v4;
	v7 =	vadd.f32 $1.000000010e-07, v7;
	(erf) = vpow2.f32 v6;
	[tilespmem:s12+$0xFFFFFDF0] =	vst v22;
	v6 =	vld [tilespmem:s15+$0xFFFFFF30]  }
0x25c: {  	v19 =	vmax.f32 v19, $0.0e+00;
	v25 =	vadd.f32 v20, v17;
	v20 =	vld [tilespmem:s23+$0xFFFFFF70];
	v21 =	vmul.f32 $1.442695020e+00, v21;
	[tilespmem:s22+$0xFFFFFF00] =	vst v11  }
0x25d: {  	v11 =	vmul.f32 v4, v0;
	v23 =	vmul.f32 v7, v0;
	v19 =	vadd.f32 $1.000000010e-07, v19;
	v24 =	vld [tilespmem:s15+$0xFFFFFF70];
	[tilespmem:s22+$0xFFFFFF80] =	vst v5;
	s22 =	smov.u32 s12  }
0x25e: {  	v5 =	vmax.f32 v25, $0.0e+00;
	v8 =	vadd.f32 v8, v14;
	v14 =	vld [tilespmem:s23+$0xFFFFFFB0];
	v17 =	vpop (erf);
	(erf) = vpow2.f32 v21  }
0x25f: {  	v2 =	vadd.f32 v16, v2;
	v16 =	vmul.f32 v19, v0;
	v5 =	vadd.f32 $1.000000010e-07, v5;
	[tilespmem:s12+$0xFFFFFC70] =	vst v17;
	v21 =	vld [tilespmem:s15+$0xFFFFFFB0]  }
0x260: {  	v11 =	vmul.f32 $1.442695020e+00, v11;
	v23 =	vmul.f32 $1.442695020e+00, v23;
	v8 =	vmax.f32 v8, $0.0e+00;
	v25 =	vld [tilespmem:s23+$0xFFFFFE80]  }
0x261: {  	v2 =	vmax.f32 v2, $0.0e+00;
	v26 =	vmul.f32 v5, v0;
	v8 =	vadd.f32 $1.000000010e-07, v8;
	v27 =	vpop (erf);
	v28 =	vld [tilespmem:s15+$0xFFFFFE80]  }
0x262: {  	s12 =	sadd.s32 $0x400, s12;
	v16 =	vmul.f32 $1.442695020e+00, v16;
	v2 =	vadd.f32 $1.000000010e-07, v2;
	v30 =	vmul.f32 v27, v10  }
0x263: {  	v6 =	vadd.f32 v6, v12;
	v26 =	vmul.f32 $1.442695020e+00, v26;
	v29 =	vmul.f32 v8, v0;
	[tilespmem:s12+$0xFFFFFFD0] =	vst v27  }
0x264: {  	v27 =	vadd.f32 v24, v20;
	v12 =	vmul.f32 v2, v0;
	[tilespmem:s12+$0xFFFFFF90] =	vst v30;
	v10 =	vpop (erf);
	(erf) = vpow2.f32 v11  }
0x265: {  	v14 =	vadd.f32 v21, v14;
	[tilespmem:s12+$0xFFFFFCD0] =	vst v10;
	v20 =	vmul.f32 $1.442695020e+00, v29;
	v24 =	vld [tilespmem:s17+$0xFFFFFFE0];
	(erf) = vpow2.f32 v23  }
0x266: {  	v6 =	vmax.f32 v6, $0.0e+00;
	v12 =	vmul.f32 $1.442695020e+00, v12;
	v21 =	vld [tilespmem:s14+$0xFFFFFFE0];
	(erf) = vpow2.f32 v16  }
0x267: {  	v9 =	vmul.f32 v10, v9;
	v10 =	vmax.f32 v27, $0.0e+00;
	(erf) = vpow2.f32 v26;
	v11 =	vpop (erf)  }
0x268: {  	(erf) = vpow2.f32 v12;
	v12 =	vmax.f32 v14, $0.0e+00;
	v14 =	vmul.f32 v11, v15;
	[tilespmem:s22+$0x0] =	vst v11  }
0x269: {  	v6 =	vadd.f32 $1.000000010e-07, v6;
	[tilespmem:s12+$0xFFFFFC90] =	vst v9;
	(erf) = vpow2.f32 v20;
	v9 =	vadd.f32 $1.000000010e-07, v10  }
0x26a: {  	v1 =	vmul.f32 v17, v1;
	v11 =	vmul.f32 v18, v13;
	v12 =	vadd.f32 $1.000000010e-07, v12;
	v10 =	vld [tilespmem:s17+$0xFFFFFE60];
	[tilespmem:s22+$0xFFFFFFC0] =	vst v14  }
0x26b: {  	v15 =	vmul.f32 v6, v0;
	v13 =	vld [tilespmem:s14+$0xFFFFFE60];
	v14 =	vadd.f32 v21, v24;
	v21 =	vmul.f32 v9, v0  }
0x26c: {  	v17 =	vmul.f32 v22, v3;
	v3 =	vmul.f32 v12, v0;
	[tilespmem:s22+$0xFFFFFC30] =	vst v1;
	v1 =	vadd.f32 v28, v25  }
0x26d: {  	v14 =	vmax.f32 v14, $0.0e+00;
	v18 =	vpop (erf);
	v20 =	vld [tilespmem:s23+$0xFFFFFE40];
	[tilespmem:s22+$0xFFFFFD30] =	vst v11;
	v11 =	vmul.f32 $1.442695020e+00, v15;
	v15 =	vmul.f32 $1.442695020e+00, v21  }
0x26e: {  	v3 =	vmul.f32 $1.442695020e+00, v3;
	v4 =	vmul.f32 v18, v4;
	[tilespmem:s12+$0xFFFFFD50] =	vst v18;
	v14 =	vadd.f32 $1.000000010e-07, v14;
	v16 =	vpop (erf);
	v18 =	vld [tilespmem:s15+$0xFFFFFE40]  }
0x26f: {  	v1 =	vmax.f32 v1, $0.0e+00;
	v23 =	vmul.f32 v16, v7;
	[tilespmem:s12+$0xFFFFFDD0] =	vst v16;
	v16 =	vpop (erf);
	v21 =	vld [tilespmem:s23+$0xFFFFFEC0];
	(erf) = vpow2.f32 v11  }
0x270: {  	v10 =	vadd.f32 v13, v10;
	[tilespmem:s12+$0xFFFFFD10] =	vst v4;
	v4 =	vmul.f32 v16, v19;
	v24 =	vmul.f32 v14, v0;
	v13 =	vpop (erf);
	v19 =	vld [tilespmem:s15+$0xFFFFFEC0]  }
0x271: {  	v1 =	vadd.f32 $1.000000010e-07, v1;
	v22 =	vld [tilespmem:s17+$0xFFFFFEA0];
	[tilespmem:s12+$0xFFFFFD90] =	vst v23;
	v5 =	vmul.f32 v13, v5;
	v7 =	vpop (erf);
	(erf) = vpow2.f32 v15  }
0x272: {  	v2 =	vmul.f32 v7, v2;
	v10 =	vmax.f32 v10, $0.0e+00;
	v15 =	vld [tilespmem:s14+$0xFFFFFEA0];
	[tilespmem:s12+$0xFFFFFE10] =	vst v4;
	v4 =	vmul.f32 $1.442695020e+00, v24;
	v11 =	vpop (erf)  }
0x273: {  	v10 =	vadd.f32 $1.000000010e-07, v10;
	v23 =	vld [tilespmem:s17+$0xFFFFFEE0];
	[tilespmem:s12+$0xFFFFFE90] =	vst v5;
	v5 =	vmul.f32 v11, v8;
	(erf) = vpow2.f32 v3  }
0x274: {  	v3 =	vmul.f32 v1, v0;
	[tilespmem:s12+$0xFFFFFC10] =	vst v2;
	v8 =	vld [tilespmem:s14+$0xFFFFFEE0];
	(erf) = vpow2.f32 v4;
	v2 =	vadd.f32 v18, v20  }
0x275: {  	v4 =	vmul.f32 v10, v0;
	[tilespmem:s12+$0xFFFFFF10] =	vst v5;
	v21 =	vadd.f32 v19, v21  }
0x276: {  	[tilespmem:s12+$0xFFFFFC50] =	vst v7;
	v2 =	vmax.f32 v2, $0.0e+00;
	v7 =	vmul.f32 $1.442695020e+00, v3  }
0x277: {  	v18 =	vld [tilespmem:s17+$0xFFFFFE20];
	v4 =	vmul.f32 $1.442695020e+00, v4;
	v20 =	vadd.f32 v15, v22;
	[tilespmem:s12+$0xFFFFFE50] =	vst v16;
	v19 =	vmax.f32 v21, $0.0e+00  }
0x278: {  	v3 =	vadd.f32 $1.000000010e-07, v2;
	v16 =	vld [tilespmem:s14+$0xFFFFFE20];
	[tilespmem:s12+$0xFFFFFED0] =	vst v13;
	v2 =	vadd.f32 $1.000000010e-07, v19;
	(erf) = vpow2.f32 v7;
	v5 =	vpop (erf)  }
0x279: {  	v7 =	vmax.f32 v20, $0.0e+00;
	v8 =	vadd.f32 v8, v23;
	v13 =	vld [tilespmem:s17+$0xFFFFFF20];
	[tilespmem:s12+$0xFFFFFF50] =	vst v11;
	(erf) = vpow2.f32 v4  }
0x27a: {  	v11 =	vmul.f32 v3, v0;
	v22 =	vmul.f32 v5, v6;
	v7 =	vadd.f32 $1.000000010e-07, v7;
	v4 =	vld [tilespmem:s14+$0xFFFFFF20];
	[tilespmem:s22+$0xFFFFFDB0] =	vst v17;
	v15 =	vpop (erf)  }
0x27b: {  	v19 =	vmul.f32 v2, v0;
	v8 =	vmax.f32 v8, $0.0e+00;
	v17 =	vld [tilespmem:s17+$0xFFFFFF60];
	[tilespmem:s22+$0xFFFFFE70] =	vst v5;
	v5 =	vmul.f32 v15, v9  }
0x27c: {  	v11 =	vmul.f32 $1.442695020e+00, v11;
	v9 =	vmul.f32 v7, v0;
	v8 =	vadd.f32 $1.000000010e-07, v8;
	v20 =	vld [tilespmem:s14+$0xFFFFFF60];
	[tilespmem:s22+$0xFFFFFE30] =	vst v22;
	v6 =	vpop (erf)  }
0x27d: {  	v19 =	vmul.f32 $1.442695020e+00, v19;
	v16 =	vadd.f32 v16, v18;
	v18 =	vld [tilespmem:s17+$0xFFFFFFA0];
	v21 =	vpop (erf);
	[tilespmem:s22+$0xFFFFFEB0] =	vst v5;
	v5 =	vmul.f32 v6, v12  }
0x27e: {  	v12 =	vmul.f32 v8, v0;
	v22 =	vld [tilespmem:s14+$0xFFFFFFA0];
	v14 =	vmul.f32 v21, v14;
	[tilespmem:s22+$0xFFFFFEF0] =	vst v15  }
0x27f: {  	v9 =	vmul.f32 $1.442695020e+00, v9;
	v15 =	vmax.f32 v16, $0.0e+00;
	v23 =	vadd.f32 v4, v13;
	[tilespmem:s12+$0xFFFFFFE0] =	vst v21;
	v13 =	vld [tilespmem:s23+$0xFFFFFF00]  }
0x280: {  	v16 =	vadd.f32 $1.000000010e-07, v15;
	v12 =	vmul.f32 $1.442695020e+00, v12;
	[tilespmem:s12+$0xFFFFFFA0] =	vst v14;
	v14 =	vld [tilespmem:s15+$0xFFFFFF00];
	(erf) = vpow2.f32 v11  }
0x281: {  	v21 =	vmax.f32 v23, $0.0e+00;
	v15 =	vadd.f32 v20, v17;
	v17 =	vld [tilespmem:s17+$0xFFFFFFF0];
	(erf) = vpow2.f32 v9;
	[tilespmem:s22+$0xFFFFFF30] =	vst v5;
	v4 =	vpop (erf)  }
0x282: {  	v5 =	vmul.f32 v16, v0;
	v20 =	vadd.f32 $1.000000010e-07, v21;
	v9 =	vld [tilespmem:s14+$0xFFFFFFF0];
	v11 =	vpop (erf);
	(erf) = vpow2.f32 v12;
	[tilespmem:s22+$0xFFFFFF70] =	vst v6  }
0x283: {  	v6 =	vmul.f32 v11, v10;
	[tilespmem:s12+$0xFFFFFCE0] =	vst v11;
	v10 =	vmax.f32 v15, $0.0e+00;
	v11 =	vadd.f32 v22, v18;
	v12 =	vld [tilespmem:s23+$0xFFFFFF40]  }
0x284: {  	v5 =	vmul.f32 $1.442695020e+00, v5;
	v15 =	vmul.f32 v20, v0;
	v18 =	vadd.f32 $1.000000010e-07, v10;
	[tilespmem:s22+$0xFFFFFD00] =	vst v4;
	v10 =	vld [tilespmem:s15+$0xFFFFFF40]  }
0x285: {  	[tilespmem:s12+$0xFFFFFCA0] =	vst v6;
	v6 =	vmax.f32 v11, $0.0e+00;
	v11 =	vadd.f32 v14, v13;
	v13 =	vld [tilespmem:s23+$0xFFFFFF80];
	(erf) = vpow2.f32 v19  }
0x286: {  	v19 =	vld [tilespmem:s17+$0xFFFFFE70];
	v14 =	vmul.f32 $1.442695020e+00, v15;
	v15 =	vmul.f32 v18, v0;
	v24 =	vadd.f32 $1.000000010e-07, v6  }
0x287: {  	v6 =	vld [tilespmem:s14+$0xFFFFFE70];
	v22 =	vadd.f32 v9, v17;
	(erf) = vpow2.f32 v5;
	v5 =	vmax.f32 v11, $0.0e+00  }
0x288: {  	v23 =	vmul.f32 $1.442695020e+00, v15;
	v15 =	vmul.f32 v24, v0;
	v5 =	vadd.f32 $1.000000010e-07, v5;
	v17 =	vld [tilespmem:s15+$0xFFFFFF80]  }
0x289: {  	v22 =	vmax.f32 v22, $0.0e+00;
	(erf) = vpow2.f32 v14;
	v10 =	vadd.f32 v10, v12;
	v12 =	vld [tilespmem:s23+$0xFFFFFFC0];
	v9 =	vpop (erf);
	s23 =	smov.u32 s17  }
0x28a: {  	v15 =	vmul.f32 $1.442695020e+00, v15;
	v14 =	vadd.f32 $1.000000010e-07, v22;
	v21 =	vpop (erf);
	(erf) = vpow2.f32 v23;
	[tilespmem:s22+$0xFFFFFC80] =	vst v9;
	v22 =	vld [tilespmem:s15+$0xFFFFFFC0];
	s15 =	smov.u32 s14  }
0x28b: {  	v7 =	vmul.f32 v21, v7;
	[tilespmem:s12+$0xFFFFFD60] =	vst v21;
	v11 =	vpop (erf);
	v21 =	vmul.f32 v5, v0;
	v10 =	vmax.f32 v10, $0.0e+00  }
0x28c: {  	v19 =	vadd.f32 v6, v19;
	[tilespmem:s12+$0xFFFFFDE0] =	vst v11;
	v23 =	vmul.f32 v14, v0;
	(erf) = vpow2.f32 v15  }
0x28d: {  	v6 =	vadd.f32 $1.000000010e-07, v10;
	[tilespmem:s12+$0xFFFFFD20] =	vst v7;
	v7 =	vmul.f32 v11, v8;
	v8 =	vadd.f32 v17, v13  }
0x28e: {  	v15 =	vmul.f32 $1.442695020e+00, v21;
	v11 =	vmax.f32 v19, $0.0e+00;
	v13 =	vld [tilespmem:s17+$0xFFFFFEB0];
	v17 =	vmul.f32 $1.442695020e+00, v23;
	v10 =	vpop (erf)  }
0x28f: {  	v11 =	vadd.f32 $1.000000010e-07, v11;
	v19 =	vld [tilespmem:s14+$0xFFFFFEB0];
	[tilespmem:s12+$0xFFFFFDA0] =	vst v7;
	v7 =	vmax.f32 v8, $0.0e+00;
	v26 =	vadd.f32 v22, v12  }
0x290: {  	v23 =	vld [tilespmem:s17+$0xFFFFFEF0];
	v21 =	vpop (erf);
	(erf) = vpow2.f32 v17;
	[tilespmem:s22+$0xFFFFFD80] =	vst v10;
	v17 =	vmul.f32 v6, v0;
	v8 =	vadd.f32 $1.000000010e-07, v7  }
0x291: {  	v28 =	vmul.f32 v21, v16;
	[tilespmem:s12+$0xFFFFFC60] =	vst v21;
	v21 =	vmul.f32 v11, v0;
	v25 =	vld [tilespmem:s14+$0xFFFFFEF0];
	v7 =	vmax.f32 v26, $0.0e+00  }
.Ltmp1:
0x292: {  	v12 =	vpop (erf);
	v16 =	vmul.f32 $1.442695020e+00, v17;
	v26 =	vmul.f32 v8, v0;
	v7 =	vadd.f32 $1.000000010e-07, v7;
	(pc) =	sbr.rel @p0 .LBB2_5-.Ltmp1, $4  }
0x293: {  	[tilespmem:s12+$0xFFFFFC20] =	vst v28;
	v27 =	vmul.f32 $1.442695020e+00, v21;
	v29 =	vmul.f32 v12, v20;
	v22 =	vpop (erf)  }
0x294: {  	v17 =	vld [tilespmem:s17+$0xFFFFFE30];
	v13 =	vadd.f32 v19, v13;
	[tilespmem:s12+$0xFFFFFE60] =	vst v12;
	v28 =	vmul.f32 v22, v18;
	v18 =	vmul.f32 v7, v0  }
0x295: {  	v19 =	vmul.f32 $1.442695020e+00, v26;
	v21 =	vld [tilespmem:s14+$0xFFFFFE30];
	[tilespmem:s12+$0xFFFFFE20] =	vst v29;
	(erf) = vpow2.f32 v27;
	v20 =	vpop (erf)  }
0x296: {  	s17 =	sadd.s32 $0x200, s17;
	v13 =	vmax.f32 v13, $0.0e+00;
	v23 =	vadd.f32 v25, v23;
	v12 =	vld [tilespmem:s23+$0xFFFFFF30];
	[tilespmem:s12+$0xFFFFFEA0] =	vst v28;
	v24 =	vmul.f32 v20, v24  }
0x297: {  	_ =	sdelay $0x1  }
0x298: {  	v25 =	vpop (erf)  }
0x299: {  	[tilespmem:s12+$0xFFFFFEE0] =	vst v22;
	v14 =	vmul.f32 v25, v14  }
0x29a: {  	[tilespmem:s12+$0xFFFFFFF0] =	vst v25  }
0x29b: {  	v22 =	vld [tilespmem:s23+$0xFFFFFF70];
	[tilespmem:s12+$0xFFFFFFB0] =	vst v14  }
0x29c: {  	v14 =	vld [tilespmem:s23+$0x0]  }
0x29d: {  	v13 =	vadd.f32 $1.000000010e-07, v13;
	(erf) = vpow2.f32 v15;
	v25 =	vld [tilespmem:s15+$0x0]  }
0x29e: {  	v15 =	vadd.f32 v21, v17;
	v17 =	vmax.f32 v23, $0.0e+00;
	(erf) = vpow2.f32 v16;
	v16 =	vld [tilespmem:s15+$0xFFFFFF30]  }
0x29f: {  	v21 =	vmul.f32 v13, v0;
	v17 =	vadd.f32 $1.000000010e-07, v17;
	(erf) = vpow2.f32 v19;
	v19 =	vld [tilespmem:s15+$0xFFFFFF70]  }
0x2a0: {  	v18 =	vmul.f32 $1.442695020e+00, v18;
	v15 =	vmax.f32 v15, $0.0e+00  }
0x2a1: {  	[tilespmem:s12+$0xFFFFFF60] =	vst v20;
	v20 =	vmul.f32 $1.442695020e+00, v21;
	v15 =	vadd.f32 $1.000000010e-07, v15;
	v21 =	vmul.f32 v17, v0  }
0x2a2: {  	[tilespmem:s12+$0xFFFFFF20] =	vst v24;
	(erf) = vpow2.f32 v18;
	v14 =	vadd.f32 v25, v14  }
0x2a3: {  	v24 =	vld [tilespmem:s15+$0xFFFFFFB0];
	v18 =	vmul.f32 v15, v0;
	v21 =	vmul.f32 $1.442695020e+00, v21  }
0x2a4: {  	v23 =	vld [tilespmem:s23+$0xFFFFFFB0];
	v12 =	vadd.f32 v16, v12;
	v16 =	vadd.f32 v19, v22;
	v14 =	vmax.f32 v14, $0.0e+00  }
0x2a5: {  	(erf) = vpow2.f32 v20;
	v18 =	vmul.f32 $1.442695020e+00, v18;
	v14 =	vadd.f32 $1.000000010e-07, v14  }
0x2a6: {  	(erf) = vpow2.f32 v21;
	v12 =	vmax.f32 v12, $0.0e+00;
	v16 =	vmax.f32 v16, $0.0e+00  }
0x2a7: {  	v12 =	vadd.f32 $1.000000010e-07, v12;
	(erf) = vpow2.f32 v18;
	v18 =	vmul.f32 v14, v0  }
0x2a8: {  	v16 =	vadd.f32 $1.000000010e-07, v16  }
0x2a9: {  	v19 =	vadd.f32 v24, v23;
	v20 =	vpop (erf);
	v22 =	vmul.f32 v12, v0;
	v18 =	vmul.f32 $1.442695020e+00, v18  }
0x2aa: {  	v21 =	vpop (erf);
	v24 =	vmul.f32 v16, v0  }
0x2ab: {  	v19 =	vmax.f32 v19, $0.0e+00;
	v23 =	vpop (erf);
	(erf) = vpow2.f32 v18;
	v18 =	vmul.f32 $1.442695020e+00, v22  }
0x2ac: {  	v19 =	vadd.f32 $1.000000010e-07, v19  }
0x2ad: {  	v25 =	vpop (erf);
	v24 =	vmul.f32 $1.442695020e+00, v24;
	(erf) = vpow2.f32 v18  }
0x2ae: {  	v26 =	vmul.f32 v19, v0;
	v22 =	vpop (erf)  }
0x2af: {  	v11 =	vmul.f32 v20, v11;
	v27 =	vpop (erf);
	(erf) = vpow2.f32 v24  }
0x2b0: {  	[tilespmem:s12+$0xFFFFFCF0] =	vst v20;
	v26 =	vmul.f32 $1.442695020e+00, v26;
	v18 =	vpop (erf)  }
0x2b1: {  	[tilespmem:s12+$0xFFFFFCB0] =	vst v11;
	v20 =	vpop (erf)  }
0x2b2: {  	[tilespmem:s12+$0xFFFFFD70] =	vst v27;
	(erf) = vpow2.f32 v26;
	v11 =	vmul.f32 v20, v15  }
0x2b3: {  	v13 =	vmul.f32 v27, v13;
	[tilespmem:s12+$0xFFFFFC70] =	vst v20;
	v15 =	vld [tilespmem:s23+$0xFFFFFE80]  }
0x2b4: {  	v17 =	vmul.f32 v18, v17;
	v20 =	vld [tilespmem:s15+$0xFFFFFE80];
	[tilespmem:s12+$0xFFFFFC30] =	vst v11  }
0x2b5: {  	[tilespmem:s12+$0xFFFFFD30] =	vst v13;
	v11 =	vld [tilespmem:s23+$0xFFFFFE40];
	v24 =	vpop (erf)  }
0x2b6: {  	[tilespmem:s12+$0xFFFFFDF0] =	vst v18;
	v13 =	vld [tilespmem:s15+$0xFFFFFE40];
	v27 =	vpop (erf)  }
0x2b7: {  	v26 =	vld [tilespmem:s23+$0xFFFFFEC0];
	[tilespmem:s12+$0xFFFFFDB0] =	vst v17;
	v12 =	vmul.f32 v27, v12  }
0x2b8: {  	v18 =	vld [tilespmem:s15+$0xFFFFFEC0];
	v17 =	vpop (erf);
	[tilespmem:s12+$0xFFFFFE70] =	vst v27  }
0x2b9: {  	v15 =	vadd.f32 v20, v15;
	v20 =	vld [tilespmem:s23+$0xFFFFFF00];
	v16 =	vmul.f32 v17, v16;
	[tilespmem:s12+$0xFFFFFEF0] =	vst v17  }
0x2ba: {  	v27 =	vld [tilespmem:s15+$0xFFFFFF00];
	[tilespmem:s12+$0xFFFFFE30] =	vst v12  }
0x2bb: {  	v3 =	vmul.f32 v9, v3;
	v9 =	vadd.f32 v13, v11;
	[tilespmem:s12+$0xFFFFFEB0] =	vst v16;
	v13 =	vld [tilespmem:s15+$0xFFFFFF40];
	v12 =	vpop (erf)  }
0x2bc: {  	v1 =	vmul.f32 v4, v1;
	v15 =	vmax.f32 v15, $0.0e+00;
	v4 =	vld [tilespmem:s23+$0xFFFFFF80];
	v16 =	vmul.f32 v12, v19  }
0x2bd: {  	v15 =	vadd.f32 $1.000000010e-07, v15;
	v11 =	vadd.f32 v18, v26;
	v19 =	vld [tilespmem:s23+$0xFFFFFF40];
	[tilespmem:s12+$0xFFFFFF70] =	vst v12  }
0x2be: {  	v2 =	vmul.f32 v10, v2;
	v5 =	vmul.f32 v21, v5;
	v9 =	vmax.f32 v9, $0.0e+00;
	v12 =	vld [tilespmem:s15+$0xFFFFFF80];
	[tilespmem:s12+$0xFFFFFF30] =	vst v16  }
0x2bf: {  	v10 =	vmul.f32 v15, v0;
	v11 =	vmax.f32 v11, $0.0e+00;
	v9 =	vadd.f32 $1.000000010e-07, v9;
	v16 =	vld [tilespmem:s23+$0xFFFFFFC0]  }
0x2c0: {  	[tilespmem:s22+$0xFFFFFC40] =	vst v3;
	v6 =	vmul.f32 v23, v6;
	v3 =	vmul.f32 v25, v8;
	v11 =	vadd.f32 $1.000000010e-07, v11;
	v17 =	vld [tilespmem:s15+$0xFFFFFFC0]  }
0x2c1: {  	v20 =	vadd.f32 v27, v20;
	v10 =	vmul.f32 $1.442695020e+00, v10;
	v18 =	vmul.f32 v9, v0  }
0x2c2: {  	v7 =	vmul.f32 v22, v7;
	v26 =	vmul.f32 v11, v0;
	v8 =	vadd.f32 v13, v19  }
0x2c3: {  	[tilespmem:s22+$0xFFFFFCC0] =	vst v1;
	(erf) = vpow2.f32 v10;
	v1 =	vmul.f32 $1.442695020e+00, v18;
	v13 =	vmax.f32 v20, $0.0e+00  }
0x2c4: {  	[tilespmem:s22+$0xFFFFFD40] =	vst v2;
	v4 =	vadd.f32 v12, v4;
	v2 =	vadd.f32 $1.000000010e-07, v13;
	v8 =	vmax.f32 v8, $0.0e+00  }
0x2c5: {  	(erf) = vpow2.f32 v1;
	v1 =	vadd.f32 $1.000000010e-07, v8;
	v8 =	vadd.f32 v17, v16  }
0x2c6: {  	[tilespmem:s22+$0xFFFFFDC0] =	vst v5;
	v10 =	vmul.f32 $1.442695020e+00, v26;
	v4 =	vmax.f32 v4, $0.0e+00;
	v5 =	vmul.f32 v2, v0  }
0x2c7: {  	[tilespmem:s22+$0xFFFFFE40] =	vst v6;
	v4 =	vadd.f32 $1.000000010e-07, v4;
	v6 =	vmul.f32 v1, v0;
	v8 =	vmax.f32 v8, $0.0e+00  }
0x2c8: {  	[tilespmem:s22+$0xFFFFFE00] =	vst v21;
	(erf) = vpow2.f32 v10;
	v5 =	vmul.f32 $1.442695020e+00, v5;
	v8 =	vadd.f32 $1.000000010e-07, v8  }
0x2c9: {  	[tilespmem:s22+$0xFFFFFEC0] =	vst v3;
	v3 =	vmul.f32 $1.442695020e+00, v6;
	v6 =	vmul.f32 v4, v0  }
0x2ca: {  	[tilespmem:s22+$0xFFFFFF40] =	vst v7;
	(erf) = vpow2.f32 v5;
	v7 =	vmul.f32 v8, v0  }
0x2cb: {  	[tilespmem:s22+$0xFFFFFE80] =	vst v23;
	(erf) = vpow2.f32 v3;
	v3 =	vmul.f32 v24, v14  }
0x2cc: {  	[tilespmem:s22+$0xFFFFFF00] =	vst v25;
	v5 =	vmul.f32 $1.442695020e+00, v6  }
0x2cd: {  	[tilespmem:s22+$0xFFFFFF80] =	vst v22;
	v6 =	vmul.f32 $1.442695020e+00, v7  }
0x2ce: {  	[tilespmem:s12+$0x0] =	vst v24  }
0x2cf: {  	(erf) = vpow2.f32 v5;
	[tilespmem:s12+$0xFFFFFFC0] =	vst v3;
	v3 =	vpop (erf)  }
0x2d0: {  	[tilespmem:s12+$0xFFFFFD00] =	vst v3;
	v5 =	vpop (erf);
	v3 =	vmul.f32 v3, v15  }
0x2d1: {  	(erf) = vpow2.f32 v6;
	[tilespmem:s12+$0xFFFFFC80] =	vst v5;
	v6 =	vpop (erf);
	v5 =	vmul.f32 v5, v9  }
0x2d2: {  	[tilespmem:s12+$0xFFFFFD80] =	vst v6  }
0x2d3: {  	[tilespmem:s12+$0xFFFFFC40] =	vst v5;
	v5 =	vmul.f32 v6, v11  }
0x2d4: {  	[tilespmem:s12+$0xFFFFFCC0] =	vst v3;
	v3 =	vpop (erf)  }
0x2d5: {  	[tilespmem:s12+$0xFFFFFD40] =	vst v5;
	v2 =	vmul.f32 v3, v2  }
0x2d6: {  	[tilespmem:s12+$0xFFFFFE00] =	vst v3  }
0x2d7: {  	v5 =	vpop (erf);
	[tilespmem:s12+$0xFFFFFDC0] =	vst v2  }
0x2d8: {  	v1 =	vmul.f32 v5, v1;
	v3 =	vpop (erf);
	[tilespmem:s12+$0xFFFFFE80] =	vst v5  }
0x2d9: {  	[tilespmem:s12+$0xFFFFFF00] =	vst v3  }
0x2da: {  	v2 =	vpop (erf);
	[tilespmem:s12+$0xFFFFFE40] =	vst v1;
	v1 =	vmul.f32 v3, v4  }
0x2db: {  	v4 =	vmul.f32 v2, v8;
	[tilespmem:s12+$0xFFFFFF80] =	vst v2  }
0x2dc: {  	[tilespmem:s12+$0xFFFFFEC0] =	vst v1  }
0x2dd: {  	s22 =	simm.s32 $0x168;
	[tilespmem:s12+$0xFFFFFF40] =	vst v4  }
0x2de: {  	[spmem:s4] =	stream.indirect.scatter.add.f32 [tilespmem:s3], [sflag:$0xA], $0x80, s22, s31, $0xb8;
	[tilespmem:$0x191F0] =	vst v63  }
0x2df: {  	_ =	swait.ge [sflag:s29], $0x28  }
0x2e0: {  	[sflag:s29] =	ssyncset.done $0x0  }
0x2e1: {  	[sflag:s29] =	ssyncadd.s32 $0xFFFFFFD8  }
0x2e2: {  	_ =	swait.ge [sflag:s29], $0x28  }
0x2e3: {  	[sflag:s29] =	ssyncset.done $0x0  }
0x2e4: {  	[sflag:s29] =	ssyncadd.s32 $0xFFFFFFD8  }
0x2e5: {  	_ =	swait.ge [sflag:s29], $0x28  }
0x2e6: {  	p0 =	seq.s32 s20, $0x7C;
	[sflag:s29] =	ssyncset.done $0x0  }
0x2e7: {  	s23 =	simm.s32 $0xBE0;
	s12 =	rddreg [dreg:$0x11];
	[sflag:s29] =	ssyncadd.s32 $0xFFFFFFD8  }
0x2e8: {  	[tilespmem:s23], [sflag:$0x6] =	stream.indirect.gather [hbm4b:s1+s31], $0x40, s13, s31, $0xb8;
	[tilespmem:$0x191F0] =	vst v63  }
0x2e9: {  	s14 =	simm.s32 $0x1FE0;
	s12 =	sadd.s32 @!p0 s21, s12  }
0x2ea: {  	[tilespmem:s14], [sflag:$0x8] =	stream.indirect.gather [hbm4b:s2+s31], $0x40, s26, s31, $0xb8;
	[tilespmem:$0x191F0] =	vst v63  }
0x2eb: {  	s14 =	sadd.s32 @!p0 s10, s12;
	_ =	swait.ge [sflag:s9], $0x1400  }
0x2ec: {  	s14 =	sshrl.u32 @!p0 s14, $0x3;
	[sflag:s9] =	ssyncset.done $0x0  }
0x2ed: {  	s16 =	simm.s32 @!p0 $0x0;
	s15 =	sadd.s32 @!p0 s6, s14;
	[sflag:s9] =	ssyncadd.s32 $0xFFFFEC00  }
0x2ee: {  	[tilespmem:s16], [sflag:$0x1] =	stream.linear.gather @!p0 [hbm4b:s15+s16], $0x28, $0x38;
	[tilespmem:$0x191F0] =	vst v63  }
0x2ef: {  	s12 =	sshrl.u32 @!p0 s12, $0x3;
	s14 =	sadd.s32 @!p0 s7, s14;
	s15 =	simm.s32 @!p0 $0xA0  }
0x2f0: {  	[tilespmem:s15], [sflag:$0x1] =	stream.linear.gather @!p0 [hbm4b:s14+s16], $0x28, $0x38;
	[tilespmem:$0x191F0] =	vst v63  }
0x2f1: {  	s12 =	sadd.s32 @!p0 s8, s12;
	s14 =	simm.s32 @!p0 $0x140  }
0x2f2: {  	[tilespmem:s14], [sflag:$0x1] =	stream.linear.gather @!p0 [hbm4b:s12+s16], $0x28, $0x38;
	[tilespmem:$0x191F0] =	vst v63  }
0x2f3: {  	_ =	swait.ge [sflag:s18], $0xA00  }
0x2f4: {  	[sflag:s18] =	ssyncset.done $0x0  }
0x2f5: {  	[sflag:s18] =	ssyncadd.s32 $0xFFFFF600  }
0x2f6: {  	_ =	swait.ge [sflag:s19], $0xA00  }
0x2f7: {  	[sflag:s19] =	ssyncset.done $0x0  }
0x2f8: {  	s15 =	simm.s32 $0x2E0;
	[sflag:s19] =	ssyncadd.s32 $0xFFFFF600  }
0x2f9: {  	s17 =	simm.s32 $0x16E0;
	v1 =	vld [tilespmem:s15+$0xC0]  }
0x2fa: {  	v2 =	vld [tilespmem:s17+$0xC0];
	_ =	sdelay $0x4  }
0x2fb: {  	v1 =	vadd.f32 v2, v1;
	_ =	sdelay $0x1  }
0x2fc: {  	v3 =	vld [tilespmem:s17+$0xFFFFFF40];
	v1 =	vmax.f32 v1, $0.0e+00  }
0x2fd: {  	v4 =	vld [tilespmem:s17+$0xFFFFFF00];
	v1 =	vadd.f32 $1.000000010e-07, v1  }
0x2fe: {  	v2 =	vld [tilespmem:s15+$0xFFFFFF40]  }
0x2ff: {  	v6 =	vld [tilespmem:s15+$0xFFFFFF80];
	v5 =	vmul.f32 v1, v0  }
0x300: {  	v7 =	vld [tilespmem:s17+$0xFFFFFF80]  }
0x301: {  	v8 =	vld [tilespmem:s17+$0xFFFFFFC0];
	v5 =	vmul.f32 $1.442695020e+00, v5  }
0x302: {  	v9 =	vld [tilespmem:s17+$0x0]  }
0x303: {  	v10 =	vld [tilespmem:s15+$0x40];
	v2 =	vadd.f32 v3, v2;
	(erf) = vpow2.f32 v5  }
0x304: {  	v3 =	vld [tilespmem:s15+$0xFFFFFFC0]  }
0x305: {  	v2 =	vmax.f32 v2, $0.0e+00;
	v5 =	vld [tilespmem:s15+$0x0]  }
0x306: {  	v6 =	vadd.f32 v7, v6;
	v7 =	vld [tilespmem:s15+$0xFFFFFF00];
	v2 =	vadd.f32 $1.000000010e-07, v2  }
0x307: {  	v12 =	vld [tilespmem:s17+$0x40]  }
0x308: {  	v6 =	vmax.f32 v6, $0.0e+00;
	v11 =	vmul.f32 v2, v0  }
0x309: {  	v6 =	vadd.f32 $1.000000010e-07, v6  }
0x30a: {  	v3 =	vadd.f32 v8, v3;
	v8 =	vmul.f32 $1.442695020e+00, v11;
	v5 =	vadd.f32 v9, v5  }
0x30b: {  	v4 =	vadd.f32 v4, v7;
	v7 =	vmul.f32 v6, v0  }
0x30c: {  	v11 =	vld [tilespmem:s17+$0x80];
	(erf) = vpow2.f32 v8;
	v8 =	vadd.f32 v12, v10;
	v5 =	vmax.f32 v5, $0.0e+00;
	v10 =	vpop (erf)  }
0x30d: {  	s22 =	simm.s32 $0x2BE0;
	v3 =	vmax.f32 v3, $0.0e+00;
	v9 =	vld [tilespmem:s15+$0x80];
	v5 =	vadd.f32 $1.000000010e-07, v5;
	v1 =	vmul.f32 v10, v1  }
0x30e: {  	v3 =	vadd.f32 $1.000000010e-07, v3;
	[tilespmem:s22+$0x1C0] =	vst v10  }
0x30f: {  	v8 =	vmax.f32 v8, $0.0e+00;
	v10 =	vmul.f32 v5, v0;
	[tilespmem:s22+$0x180] =	vst v1;
	v1 =	vmul.f32 $1.442695020e+00, v7  }
0x310: {  	v4 =	vmax.f32 v4, $0.0e+00;
	v12 =	vmul.f32 v3, v0;
	v8 =	vadd.f32 $1.000000010e-07, v8  }
0x311: {  	v4 =	vadd.f32 $1.000000010e-07, v4;
	v10 =	vmul.f32 $1.442695020e+00, v10;
	(erf) = vpow2.f32 v1  }
0x312: {  	v13 =	vmul.f32 v8, v0;
	v9 =	vadd.f32 v11, v9;
	v7 =	vmul.f32 $1.442695020e+00, v12;
	v12 =	vld [tilespmem:s15+$0xD0]  }
0x313: {  	v11 =	vmul.f32 v4, v0;
	v14 =	vld [tilespmem:s17+$0xD0]  }
0x314: {  	v1 =	vmul.f32 $1.442695020e+00, v13;
	(erf) = vpow2.f32 v7;
	v7 =	vmax.f32 v9, $0.0e+00  }
0x315: {  	v9 =	vmul.f32 $1.442695020e+00, v11;
	(erf) = vpow2.f32 v10;
	v7 =	vadd.f32 $1.000000010e-07, v7;
	v10 =	vpop (erf)  }
0x316: {  	(erf) = vpow2.f32 v1;
	v1 =	vmul.f32 v10, v2  }
0x317: {  	(erf) = vpow2.f32 v9;
	v9 =	vmul.f32 v7, v0  }
0x318: {  	[tilespmem:s22+$0xFFFFFEC0] =	vst v10;
	v2 =	vadd.f32 v14, v12  }
0x319: {  	[tilespmem:s22+$0xFFFFFE80] =	vst v1;
	v9 =	vmul.f32 $1.442695020e+00, v9  }
0x31a: {  	v1 =	vmax.f32 v2, $0.0e+00;
	v2 =	vld [tilespmem:s15+$0xFFFFFF50];
	v11 =	vpop (erf)  }
0x31b: {  	v10 =	vld [tilespmem:s17+$0xFFFFFF50];
	v1 =	vadd.f32 $1.000000010e-07, v1;
	v6 =	vmul.f32 v11, v6  }
0x31c: {  	(erf) = vpow2.f32 v9  }
0x31d: {  	v12 =	vmul.f32 v1, v0;
	v9 =	vpop (erf);
	[tilespmem:s22+$0xFFFFFF40] =	vst v11  }
0x31e: {  	v11 =	vpop (erf);
	v3 =	vmul.f32 v9, v3;
	[tilespmem:s22+$0xFFFFFFC0] =	vst v9  }
0x31f: {  	v12 =	vmul.f32 $1.442695020e+00, v12;
	[tilespmem:s22+$0xFFFFFF00] =	vst v6;
	v6 =	vpop (erf)  }
0x320: {  	v2 =	vadd.f32 v10, v2;
	v9 =	vld [tilespmem:s15+$0xFFFFFF90];
	[tilespmem:s22+$0xFFFFFF80] =	vst v3;
	v10 =	vpop (erf)  }
0x321: {  	(erf) = vpow2.f32 v12;
	v12 =	vld [tilespmem:s15+$0xFFFFFFD0];
	v3 =	vmul.f32 v10, v4  }
0x322: {  	v2 =	vmax.f32 v2, $0.0e+00;
	v4 =	vld [tilespmem:s17+$0xFFFFFF90]  }
0x323: {  	v5 =	vmul.f32 v11, v5;
	v2 =	vadd.f32 $1.000000010e-07, v2;
	[tilespmem:s22+$0xFFFFFE00] =	vst v3;
	v3 =	vld [tilespmem:s17+$0xFFFFFFD0]  }
0x324: {  	[tilespmem:s22+$0xFFFFFE40] =	vst v10  }
0x325: {  	[tilespmem:s22+$0x0] =	vst v5;
	v5 =	vmul.f32 v2, v0;
	v13 =	vpop (erf);
	v10 =	vld [tilespmem:s15+$0xFFFFFF10]  }
0x326: {  	[tilespmem:s22+$0x40] =	vst v11;
	v8 =	vmul.f32 v6, v8;
	v11 =	vld [tilespmem:s17+$0xFFFFFF10];
	v7 =	vmul.f32 v13, v7  }
0x327: {  	[tilespmem:s22+$0xC0] =	vst v6;
	v6 =	vld [tilespmem:s17+$0x10];
	v5 =	vmul.f32 $1.442695020e+00, v5;
	v4 =	vadd.f32 v4, v9  }
0x328: {  	[tilespmem:s22+$0x80] =	vst v8;
	v8 =	vld [tilespmem:s15+$0x10];
	v3 =	vadd.f32 v3, v12  }
0x329: {  	(erf) = vpow2.f32 v5;
	v5 =	vld [tilespmem:s15+$0x50];
	v4 =	vmax.f32 v4, $0.0e+00  }
0x32a: {  	[tilespmem:s22+$0x100] =	vst v7;
	v9 =	vld [tilespmem:s17+$0x50];
	v7 =	vpop (erf);
	v4 =	vadd.f32 $1.000000010e-07, v4;
	v3 =	vmax.f32 v3, $0.0e+00  }
0x32b: {  	[tilespmem:s22+$0x140] =	vst v13;
	v1 =	vmul.f32 v7, v1;
	v10 =	vadd.f32 v11, v10;
	v3 =	vadd.f32 $1.000000010e-07, v3  }
0x32c: {  	v12 =	vld [tilespmem:s17+$0x90];
	[tilespmem:s22+$0x1D0] =	vst v7;
	v7 =	vmul.f32 v4, v0  }
0x32d: {  	v11 =	vld [tilespmem:s15+$0x90];
	[tilespmem:s22+$0x190] =	vst v1;
	v10 =	vmax.f32 v10, $0.0e+00;
	v1 =	vmul.f32 v3, v0  }
0x32e: {  	v6 =	vadd.f32 v6, v8;
	v8 =	vld [tilespmem:s15+$0xE0];
	v10 =	vadd.f32 $1.000000010e-07, v10;
	v7 =	vmul.f32 $1.442695020e+00, v7  }
0x32f: {  	v5 =	vadd.f32 v9, v5;
	v13 =	vld [tilespmem:s17+$0xE0];
	v1 =	vmul.f32 $1.442695020e+00, v1  }
0x330: {  	v6 =	vmax.f32 v6, $0.0e+00;
	(erf) = vpow2.f32 v7;
	v7 =	vmul.f32 v10, v0  }
0x331: {  	v6 =	vadd.f32 $1.000000010e-07, v6;
	v5 =	vmax.f32 v5, $0.0e+00  }
0x332: {  	v9 =	vadd.f32 v12, v11;
	(erf) = vpow2.f32 v1;
	v7 =	vmul.f32 $1.442695020e+00, v7  }
0x333: {  	v5 =	vadd.f32 $1.000000010e-07, v5;
	v11 =	vmul.f32 v6, v0  }
0x334: {  	v9 =	vmax.f32 v9, $0.0e+00;
	v8 =	vadd.f32 v13, v8;
	v1 =	vpop (erf);
	(erf) = vpow2.f32 v7  }
0x335: {  	v9 =	vadd.f32 $1.000000010e-07, v9;
	v7 =	vmul.f32 v5, v0;
	v2 =	vmul.f32 v1, v2  }
0x336: {  	v8 =	vmax.f32 v8, $0.0e+00;
	[tilespmem:s22+$0xFFFFFED0] =	vst v1;
	v1 =	vmul.f32 $1.442695020e+00, v11  }
0x337: {  	v8 =	vadd.f32 $1.000000010e-07, v8;
	[tilespmem:s22+$0xFFFFFE90] =	vst v2;
	v2 =	vmul.f32 $1.442695020e+00, v7;
	v7 =	vmul.f32 v9, v0  }
0x338: {  	(erf) = vpow2.f32 v1;
	v11 =	vld [tilespmem:s15+$0xFFFFFF60]  }
0x339: {  	v1 =	vmul.f32 v8, v0;
	v12 =	vld [tilespmem:s17+$0xFFFFFF60];
	v7 =	vmul.f32 $1.442695020e+00, v7;
	v13 =	vpop (erf)  }
0x33a: {  	(erf) = vpow2.f32 v2;
	v2 =	vmul.f32 v13, v4  }
0x33b: {  	s14 =	simm.s32 $0x18E0;
	v1 =	vmul.f32 $1.442695020e+00, v1;
	[tilespmem:s22+$0xFFFFFF50] =	vst v13;
	v4 =	vpop (erf)  }
0x33c: {  	v16 =	vld [tilespmem:s14+$0xC0];
	(erf) = vpow2.f32 v7;
	[tilespmem:s22+$0xFFFFFF10] =	vst v2;
	v2 =	vmul.f32 v4, v3  }
0x33d: {  	(erf) = vpow2.f32 v1;
	[tilespmem:s22+$0xFFFFFFD0] =	vst v4;
	v1 =	vld [tilespmem:s15+$0xFFFFFFA0];
	v3 =	vpop (erf)  }
0x33e: {  	v4 =	vadd.f32 v12, v11;
	v7 =	vld [tilespmem:s17+$0xFFFFFFA0];
	[tilespmem:s22+$0xFFFFFF90] =	vst v2;
	v2 =	vmul.f32 v3, v10  }
0x33f: {  	[tilespmem:s22+$0xFFFFFE50] =	vst v3;
	v10 =	vld [tilespmem:s15+$0xFFFFFFE0]  }
0x340: {  	v3 =	vmax.f32 v4, $0.0e+00;
	v4 =	vld [tilespmem:s17+$0xFFFFFFE0];
	[tilespmem:s22+$0xFFFFFE10] =	vst v2  }
0x341: {  	v2 =	vld [tilespmem:s15+$0xFFFFFF20]  }
0x342: {  	v12 =	vld [tilespmem:s17+$0xFFFFFF20]  }
0x343: {  	s23 =	simm.s32 $0x4E0;
	v17 =	vld [tilespmem:s14+$0xFFFFFF00];
	v11 =	vpop (erf);
	v1 =	vadd.f32 v7, v1  }
0x344: {  	v14 =	vpop (erf);
	v7 =	vld [tilespmem:s23+$0xC0]  }
0x345: {  	v19 =	vld [tilespmem:s14+$0xFFFFFF40];
	v3 =	vadd.f32 $1.000000010e-07, v3;
	v15 =	vpop (erf);
	v1 =	vmax.f32 v1, $0.0e+00  }
0x346: {  	v20 =	vld [tilespmem:s14+$0xFFFFFF80];
	v6 =	vmul.f32 v11, v6;
	v4 =	vadd.f32 v4, v10;
	v18 =	vpop (erf);
	v1 =	vadd.f32 $1.000000010e-07, v1  }
0x347: {  	v22 =	vld [tilespmem:s23+$0x0];
	[tilespmem:s22+$0x50] =	vst v11;
	v8 =	vmul.f32 v18, v8;
	v12 =	vadd.f32 v12, v2  }
0x348: {  	v11 =	vld [tilespmem:s23+$0xFFFFFF00];
	v13 =	vmul.f32 v3, v0;
	[tilespmem:s22+$0x10] =	vst v6;
	v2 =	vmax.f32 v4, $0.0e+00;
	v4 =	vmul.f32 v1, v0  }
0x349: {  	v10 =	vld [tilespmem:s23+$0xFFFFFF40];
	v2 =	vadd.f32 $1.000000010e-07, v2;
	v7 =	vadd.f32 v16, v7;
	[tilespmem:s22+$0x1A0] =	vst v8;
	v8 =	vmax.f32 v12, $0.0e+00  }
0x34a: {  	v5 =	vmul.f32 v14, v5;
	v13 =	vmul.f32 $1.442695020e+00, v13;
	v6 =	vld [tilespmem:s15+$0x20];
	[tilespmem:s22+$0x1E0] =	vst v18;
	v8 =	vadd.f32 $1.000000010e-07, v8  }
0x34b: {  	v12 =	vld [tilespmem:s15+$0xF0];
	v4 =	vmul.f32 $1.442695020e+00, v4;
	v18 =	vmul.f32 v2, v0;
	v7 =	vmax.f32 v7, $0.0e+00  }
0x34c: {  	(erf) = vpow2.f32 v13;
	v16 =	vld [tilespmem:s17+$0xF0];
	v7 =	vadd.f32 $1.000000010e-07, v7;
	v21 =	vmul.f32 v8, v0  }
0x34d: {  	[tilespmem:s22+$0xD0] =	vst v14;
	v14 =	vld [tilespmem:s17+$0x20];
	v18 =	vmul.f32 $1.442695020e+00, v18;
	(erf) = vpow2.f32 v4  }
0x34e: {  	v13 =	vld [tilespmem:s23+$0xFFFFFF80];
	v10 =	vadd.f32 v19, v10;
	v23 =	vmul.f32 v7, v0;
	v21 =	vmul.f32 $1.442695020e+00, v21  }
0x34f: {  	v11 =	vadd.f32 v17, v11;
	v19 =	vld [tilespmem:s23+$0xFFFFFFC0];
	(erf) = vpow2.f32 v18  }
0x350: {  	v4 =	vld [tilespmem:s14+$0xFFFFFFC0];
	v10 =	vmax.f32 v10, $0.0e+00;
	(erf) = vpow2.f32 v21;
	v21 =	vmul.f32 $1.442695020e+00, v23  }
0x351: {  	v11 =	vmax.f32 v11, $0.0e+00;
	v10 =	vadd.f32 $1.000000010e-07, v10;
	v18 =	vld [tilespmem:s14+$0x0];
	v12 =	vadd.f32 v16, v12  }
0x352: {  	v9 =	vmul.f32 v15, v9;
	v11 =	vadd.f32 $1.000000010e-07, v11;
	(erf) = vpow2.f32 v21  }
0x353: {  	v13 =	vadd.f32 v20, v13;
	v16 =	vld [tilespmem:s23+$0x40];
	v20 =	vmul.f32 v10, v0;
	v12 =	vmax.f32 v12, $0.0e+00  }
0x354: {  	v6 =	vadd.f32 v14, v6;
	v14 =	vmul.f32 v11, v0;
	v23 =	vld [tilespmem:s14+$0x40];
	v12 =	vadd.f32 $1.000000010e-07, v12  }
0x355: {  	v13 =	vmax.f32 v13, $0.0e+00;
	v4 =	vadd.f32 v4, v19;
	v20 =	vmul.f32 $1.442695020e+00, v20  }
0x356: {  	v13 =	vadd.f32 $1.000000010e-07, v13;
	v19 =	vld [tilespmem:s23+$0x80];
	v18 =	vadd.f32 v18, v22;
	v22 =	vmul.f32 v12, v0  }
0x357: {  	[tilespmem:s22+$0x90] =	vst v5;
	v14 =	vmul.f32 $1.442695020e+00, v14;
	v24 =	vpop (erf);
	v21 =	vld [tilespmem:s14+$0x80];
	v4 =	vmax.f32 v4, $0.0e+00;
	(erf) = vpow2.f32 v20  }
0x358: {  	[tilespmem:s22+$0x110] =	vst v9;
	v20 =	vmul.f32 v13, v0;
	v5 =	vmax.f32 v18, $0.0e+00;
	v9 =	vpop (erf);
	v18 =	vmul.f32 $1.442695020e+00, v22  }
0x359: {  	[tilespmem:s22+$0x150] =	vst v15;
	v3 =	vmul.f32 v24, v3;
	v4 =	vadd.f32 $1.000000010e-07, v4;
	v16 =	vadd.f32 v23, v16;
	v23 =	vld [tilespmem:s15+$0x60];
	v15 =	vpop (erf)  }
0x35a: {  	v20 =	vmul.f32 $1.442695020e+00, v20;
	(erf) = vpow2.f32 v18;
	v18 =	vld [tilespmem:s17+$0x60];
	v25 =	vpop (erf)  }
0x35b: {  	v22 =	vmul.f32 v4, v0;
	v5 =	vadd.f32 $1.000000010e-07, v5;
	v16 =	vmax.f32 v16, $0.0e+00;
	v28 =	vpop (erf)  }
0x35c: {  	s12 =	simm.s32 $0x2FE0;
	v26 =	vld [tilespmem:s17+$0xA0];
	v19 =	vadd.f32 v21, v19;
	v16 =	vadd.f32 $1.000000010e-07, v16;
	v7 =	vmul.f32 v28, v7  }
0x35d: {  	v21 =	vld [tilespmem:s15+$0xA0];
	v17 =	vmul.f32 v5, v0;
	v22 =	vmul.f32 $1.442695020e+00, v22;
	[tilespmem:s12+$0x1C0] =	vst v28  }
0x35e: {  	v19 =	vmax.f32 v19, $0.0e+00;
	(erf) = vpow2.f32 v20;
	v27 =	vmul.f32 v16, v0;
	[tilespmem:s12+$0x180] =	vst v7  }
0x35f: {  	v19 =	vadd.f32 $1.000000010e-07, v19;
	v17 =	vmul.f32 $1.442695020e+00, v17;
	v7 =	vadd.f32 v18, v23;
	v20 =	vld [tilespmem:s23+$0xD0]  }
0x360: {  	(erf) = vpow2.f32 v22;
	v27 =	vmul.f32 $1.442695020e+00, v27;
	v23 =	vld [tilespmem:s14+$0xD0]  }
0x361: {  	[tilespmem:s22+$0xFFFFFEA0] =	vst v3;
	v3 =	vmax.f32 v6, $0.0e+00;
	v29 =	vmul.f32 v19, v0;
	v22 =	vpop (erf);
	(erf) = vpow2.f32 v17  }
0x362: {  	[tilespmem:s22+$0xFFFFFEE0] =	vst v24;
	v21 =	vadd.f32 v26, v21;
	v10 =	vmul.f32 v22, v10;
	(erf) = vpow2.f32 v27  }
0x363: {  	v17 =	vld [tilespmem:s15+$0xFFFFFF70];
	[tilespmem:s12+$0xFFFFFEC0] =	vst v22;
	v18 =	vmul.f32 $1.442695020e+00, v29;
	(erf) = vpow2.f32 v14;
	v22 =	vmax.f32 v7, $0.0e+00;
	v7 =	vpop (erf)  }
0x364: {  	v14 =	vmax.f32 v21, $0.0e+00;
	v21 =	vld [tilespmem:s17+$0xFFFFFF70];
	[tilespmem:s12+$0xFFFFFE80] =	vst v10;
	v6 =	vmul.f32 v7, v12;
	v12 =	vadd.f32 $1.000000010e-07, v22  }
0x365: {  	v8 =	vmul.f32 v25, v8;
	v10 =	vadd.f32 $1.000000010e-07, v3;
	v3 =	vld [tilespmem:s23+$0xFFFFFF50];
	v20 =	vadd.f32 v23, v20  }
0x366: {  	(erf) = vpow2.f32 v18;
	v18 =	vld [tilespmem:s14+$0xFFFFFF50];
	v23 =	vmul.f32 v12, v0  }
0x367: {  	[tilespmem:s22+$0xFFFFFE60] =	vst v25;
	v22 =	vmul.f32 v10, v0  }
0x368: {  	v1 =	vmul.f32 v9, v1;
	[tilespmem:s22+$0xFFFFFE20] =	vst v8;
	v8 =	vmul.f32 v15, v2;
	v14 =	vadd.f32 $1.000000010e-07, v14  }
0x369: {  	[tilespmem:s22+$0xFFFFFF60] =	vst v9;
	v24 =	vld [tilespmem:s15+$0xFFFFFF30];
	v17 =	vadd.f32 v21, v17;
	v22 =	vmul.f32 $1.442695020e+00, v22;
	v9 =	vmax.f32 v20, $0.0e+00;
	v20 =	vpop (erf)  }
0x36a: {  	[tilespmem:s22+$0xFFFFFF20] =	vst v1;
	v25 =	vld [tilespmem:s17+$0xFFFFFF30];
	v1 =	vmul.f32 $1.442695020e+00, v23;
	v9 =	vadd.f32 $1.000000010e-07, v9;
	v13 =	vmul.f32 v20, v13;
	v23 =	vpop (erf)  }
0x36b: {  	v2 =	vmul.f32 v14, v0;
	v3 =	vadd.f32 v18, v3;
	v18 =	vld [tilespmem:s17+$0xFFFFFFB0];
	[tilespmem:s12+$0xFFFFFF40] =	vst v20;
	v4 =	vmul.f32 v23, v4  }
0x36c: {  	v17 =	vmax.f32 v17, $0.0e+00;
	(erf) = vpow2.f32 v22;
	v20 =	vld [tilespmem:s15+$0xFFFFFFB0];
	[tilespmem:s12+$0xFFFFFF00] =	vst v13;
	v13 =	vmul.f32 v9, v0  }
0x36d: {  	v2 =	vmul.f32 $1.442695020e+00, v2;
	(erf) = vpow2.f32 v1;
	v1 =	vadd.f32 $1.000000010e-07, v17;
	v21 =	vpop (erf);
	[tilespmem:s12+$0xFFFFFFC0] =	vst v23;
	v23 =	vld [tilespmem:s23+$0xFFFFFF90]  }
0x36e: {  	v3 =	vmax.f32 v3, $0.0e+00;
	v22 =	vpop (erf);
	[tilespmem:s12+$0xFFFFFF80] =	vst v4;
	v17 =	vld [tilespmem:s14+$0xFFFFFF90];
	v13 =	vmul.f32 $1.442695020e+00, v13  }
0x36f: {  	v26 =	vadd.f32 $1.000000010e-07, v3;
	(erf) = vpow2.f32 v2;
	v3 =	vmul.f32 v1, v0;
	v27 =	vld [tilespmem:s23+$0xFFFFFFD0];
	v4 =	vpop (erf)  }
0x370: {  	[tilespmem:s22+$0xFFFFFFE0] =	vst v15;
	v2 =	vadd.f32 v25, v24;
	v15 =	vld [tilespmem:s14+$0xFFFFFFD0];
	v11 =	vmul.f32 v4, v11;
	(erf) = vpow2.f32 v13  }
0x371: {  	v5 =	vmul.f32 v21, v5;
	v18 =	vadd.f32 v18, v20;
	v13 =	vmul.f32 v22, v16;
	[tilespmem:s12+$0xFFFFFE40] =	vst v4  }
0x372: {  	v2 =	vmax.f32 v2, $0.0e+00;
	v4 =	vmul.f32 $1.442695020e+00, v3;
	[tilespmem:s12+$0xFFFFFE00] =	vst v11;
	v11 =	vmul.f32 v26, v0  }
0x373: {  	[tilespmem:s12+$0x0] =	vst v5;
	v16 =	vpop (erf);
	v3 =	vadd.f32 $1.000000010e-07, v2;
	v18 =	vmax.f32 v18, $0.0e+00;
	v17 =	vadd.f32 v17, v23;
	v5 =	vld [tilespmem:s23+$0xFFFFFF10]  }
0x374: {  	[tilespmem:s12+$0x40] =	vst v21;
	v19 =	vmul.f32 v16, v19;
	v2 =	vadd.f32 $1.000000010e-07, v18;
	v20 =	vld [tilespmem:s14+$0xFFFFFF10];
	v11 =	vmul.f32 $1.442695020e+00, v11  }
0x375: {  	(erf) = vpow2.f32 v4;
	[tilespmem:s12+$0x80] =	vst v13;
	v15 =	vadd.f32 v15, v27;
	v13 =	vmax.f32 v17, $0.0e+00;
	v17 =	vld [tilespmem:s23+$0x10]  }
0x376: {  	[tilespmem:s12+$0xC0] =	vst v22;
	v18 =	vmul.f32 v3, v0;
	v4 =	vpop (erf);
	(erf) = vpow2.f32 v11;
	v11 =	vadd.f32 $1.000000010e-07, v13;
	v13 =	vld [tilespmem:s14+$0x10]  }
0x377: {  	[tilespmem:s12+$0x100] =	vst v19;
	v19 =	vld [tilespmem:s23+$0x50];
	v22 =	vmul.f32 v2, v0;
	v21 =	vpop (erf);
	v15 =	vmax.f32 v15, $0.0e+00  }
0x378: {  	[tilespmem:s12+$0x140] =	vst v16;
	v23 =	vld [tilespmem:s14+$0x50];
	v18 =	vmul.f32 $1.442695020e+00, v18;
	v10 =	vmul.f32 v4, v10;
	v15 =	vadd.f32 $1.000000010e-07, v15;
	v24 =	vpop (erf)  }
0x379: {  	[tilespmem:s22+$0xFFFFFFA0] =	vst v8;
	v8 =	vld [tilespmem:s23+$0x90];
	v12 =	vmul.f32 v21, v12;
	v16 =	vmul.f32 v11, v0;
	v5 =	vadd.f32 v20, v5;
	v20 =	vpop (erf)  }
0x37a: {  	v25 =	vld [tilespmem:s14+$0x90];
	[tilespmem:s22+$0x60] =	vst v4;
	v4 =	vmul.f32 v15, v0;
	v9 =	vmul.f32 v20, v9  }
0x37b: {  	v22 =	vmul.f32 $1.442695020e+00, v22;
	v16 =	vmul.f32 $1.442695020e+00, v16;
	[tilespmem:s12+$0x1D0] =	vst v20;
	v13 =	vadd.f32 v13, v17;
	v17 =	vld [tilespmem:s15+$0xFFFFFFF0]  }
0x37c: {  	v14 =	vmul.f32 v24, v14;
	(erf) = vpow2.f32 v18;
	v5 =	vmax.f32 v5, $0.0e+00;
	[tilespmem:s12+$0x190] =	vst v9;
	v9 =	vld [tilespmem:s17+$0xFFFFFFF0]  }
0x37d: {  	[tilespmem:s22+$0x20] =	vst v10;
	v20 =	vadd.f32 $1.000000010e-07, v5;
	v5 =	vmul.f32 $1.442695020e+00, v4;
	v10 =	vmax.f32 v13, $0.0e+00;
	v18 =	vld [tilespmem:s23+$0xE0]  }
0x37e: {  	(erf) = vpow2.f32 v16;
	v4 =	vpop (erf);
	v13 =	vadd.f32 v23, v19;
	v19 =	vadd.f32 $1.000000010e-07, v10;
	v10 =	vld [tilespmem:s14+$0xE0]  }
0x37f: {  	[tilespmem:s22+$0xA0] =	vst v12;
	v12 =	vmul.f32 v20, v0;
	(erf) = vpow2.f32 v5;
	v16 =	vpop (erf)  }
0x380: {  	[tilespmem:s22+$0xE0] =	vst v21;
	v8 =	vadd.f32 v25, v8;
	(erf) = vpow2.f32 v22;
	v5 =	vmul.f32 v16, v26  }
0x381: {  	v21 =	vld [tilespmem:s15+$0x30];
	v13 =	vmax.f32 v13, $0.0e+00;
	v12 =	vmul.f32 $1.442695020e+00, v12;
	[tilespmem:s12+$0xFFFFFED0] =	vst v16;
	v16 =	vmul.f32 v19, v0  }
0x382: {  	v23 =	vld [tilespmem:s17+$0x30];
	v13 =	vadd.f32 $1.000000010e-07, v13;
	[tilespmem:s12+$0xFFFFFE90] =	vst v5;
	v5 =	vmax.f32 v8, $0.0e+00;
	v8 =	vadd.f32 v9, v17  }
0x383: {  	v9 =	vmul.f32 $1.442695020e+00, v16;
	v22 =	vld [tilespmem:s23+$0xFFFFFF60];
	v25 =	vadd.f32 $1.000000010e-07, v5;
	v10 =	vadd.f32 v10, v18  }
0x384: {  	[tilespmem:s22+$0x1F0] =	vst v7;
	(erf) = vpow2.f32 v12;
	v16 =	vmul.f32 v13, v0;
	v26 =	vld [tilespmem:s14+$0xFFFFFF60]  }
0x385: {  	[tilespmem:s22+$0x160] =	vst v24;
	v17 =	vld [tilespmem:s15+$0x70];
	v5 =	vmax.f32 v8, $0.0e+00;
	v12 =	vmul.f32 v25, v0;
	v7 =	vmax.f32 v10, $0.0e+00  }
0x386: {  	[tilespmem:s22+$0x120] =	vst v14;
	v8 =	vmul.f32 $1.442695020e+00, v16;
	v16 =	vld [tilespmem:s17+$0x70];
	(erf) = vpow2.f32 v9;
	v5 =	vadd.f32 $1.000000010e-07, v5  }
0x387: {  	[tilespmem:s22+$0x1B0] =	vst v6;
	v18 =	vld [tilespmem:s15+$0xB0];
	v10 =	vadd.f32 v23, v21;
	v9 =	vpop (erf);
	v14 =	vadd.f32 $1.000000010e-07, v7;
	v6 =	vmul.f32 $1.442695020e+00, v12  }
0x388: {  	v12 =	vmul.f32 v5, v0;
	v7 =	vpop (erf);
	(erf) = vpow2.f32 v8;
	v8 =	vld [tilespmem:s17+$0xB0]  }
0x389: {  	v10 =	vmax.f32 v10, $0.0e+00;
	v21 =	vadd.f32 v26, v22;
	v22 =	vmul.f32 v14, v0  }
0x38a: {  	v11 =	vmul.f32 v7, v11;
	[tilespmem:s12+$0xFFFFFF50] =	vst v7;
	v7 =	vpop (erf);
	(erf) = vpow2.f32 v6  }
0x38b: {  	v16 =	vadd.f32 v16, v17;
	v23 =	vmul.f32 v7, v15;
	[tilespmem:s12+$0xFFFFFFD0] =	vst v7;
	v7 =	vmax.f32 v21, $0.0e+00  }
0x38c: {  	v6 =	vadd.f32 $1.000000010e-07, v10;
	v17 =	vmul.f32 $1.442695020e+00, v22;
	v10 =	vpop (erf);
	[tilespmem:s12+$0xFFFFFF10] =	vst v11;
	v11 =	vadd.f32 $1.000000010e-07, v7  }
0x38d: {  	[tilespmem:s22+$0xFFFFFEF0] =	vst v4;
	v15 =	vmul.f32 $1.442695020e+00, v12;
	v7 =	vmax.f32 v16, $0.0e+00;
	v21 =	vld [tilespmem:s23+$0xFFFFFFA0];
	v16 =	vadd.f32 v8, v18;
	v18 =	vpop (erf)  }
0x38e: {  	v12 =	vld [tilespmem:s14+$0xFFFFFFA0];
	[tilespmem:s12+$0xFFFFFF90] =	vst v23;
	v22 =	vmul.f32 v11, v0;
	v20 =	vmul.f32 v18, v20  }
0x38f: {  	(erf) = vpow2.f32 v17;
	v23 =	vld [tilespmem:s23+$0xFFFFFFE0];
	v8 =	vadd.f32 $1.000000010e-07, v7;
	[tilespmem:s12+$0xFFFFFE50] =	vst v18  }
0x390: {  	v17 =	vmul.f32 v6, v0;
	v24 =	vld [tilespmem:s14+$0xFFFFFFE0];
	v18 =	vpop (erf);
	[tilespmem:s12+$0xFFFFFE10] =	vst v20;
	v20 =	vmul.f32 $1.442695020e+00, v22  }
0x391: {  	[tilespmem:s22+$0xFFFFFE70] =	vst v9;
	v7 =	vmax.f32 v16, $0.0e+00;
	v26 =	vmul.f32 v8, v0;
	v19 =	vmul.f32 v18, v19  }
0x392: {  	[tilespmem:s22+$0xFFFFFF70] =	vst v10;
	v16 =	vmul.f32 $1.442695020e+00, v17;
	v7 =	vadd.f32 $1.000000010e-07, v7;
	v22 =	vpop (erf)  }
0x393: {  	v17 =	vld [tilespmem:s23+$0xFFFFFF20];
	v12 =	vadd.f32 v12, v21;
	[tilespmem:s12+$0x10] =	vst v19;
	v19 =	vmul.f32 $1.442695020e+00, v26;
	v27 =	vmul.f32 v22, v13  }
0x394: {  	[tilespmem:s12+$0x50] =	vst v18;
	v21 =	vld [tilespmem:s14+$0xFFFFFF20];
	v18 =	vmul.f32 v7, v0;
	(erf) = vpow2.f32 v20;
	v20 =	vpop (erf)  }
0x395: {  	s16 =	simm.s32 $0x8;
	s15 =	simm.s32 $0x18E0;
	s17 =	simm.s32 $0x6E0;
	v23 =	vadd.f32 v24, v23;
	v13 =	vmax.f32 v12, $0.0e+00;
	v12 =	vld [tilespmem:s23+$0x20];
	[tilespmem:s12+$0x90] =	vst v27;
	v24 =	vmul.f32 v20, v25  }
.LBB2_7:
0x396: {  	v25 =	vld [tilespmem:s17+$0xC0];
	v13 =	vadd.f32 $1.000000010e-07, v13;
	[tilespmem:s12+$0xD0] =	vst v22;
	s14 =	sadd.s32 $0x200, s14;
	v9 =	vmul.f32 v9, v3;
	(erf) = vpow2.f32 v15  }
0x397: {  	v18 =	vmul.f32 $1.442695020e+00, v18;
	v15 =	vld [tilespmem:s14+$0xC0];
	v3 =	vmax.f32 v23, $0.0e+00;
	[tilespmem:s12+$0x110] =	vst v24;
	(erf) = vpow2.f32 v16  }
0x398: {  	v16 =	vld [tilespmem:s14+$0xFFFFFF00];
	v22 =	vmul.f32 v13, v0;
	v3 =	vadd.f32 $1.000000010e-07, v3;
	[tilespmem:s12+$0x150] =	vst v20;
	v20 =	vpop (erf);
	(erf) = vpow2.f32 v19  }
0x399: {  	v19 =	vld [tilespmem:s17+$0xFFFFFF40];
	v17 =	vadd.f32 v21, v17;
	v14 =	vmul.f32 v20, v14;
	[tilespmem:s22+$0xFFFFFE30] =	vst v9;
	(erf) = vpow2.f32 v18  }
0x39a: {  	s16 =	sadd.s32 $0x8, s16;
	v9 =	vld [tilespmem:s14+$0xFFFFFF40];
	v18 =	vmul.f32 $1.442695020e+00, v22;
	v22 =	vmul.f32 v3, v0;
	[tilespmem:s12+$0x1E0] =	vst v20  }
0x39b: {  	v4 =	vmul.f32 v4, v1;
	v2 =	vmul.f32 v10, v2;
	p0 =	slt.u32 s16, $0x20;
	v20 =	vld [tilespmem:s17+$0xFFFFFF80];
	v17 =	vmax.f32 v17, $0.0e+00;
	[tilespmem:s12+$0x1A0] =	vst v14  }
0x39c: {  	v10 =	vadd.f32 v15, v25;
	v1 =	vadd.f32 $1.000000010e-07, v17;
	v14 =	vmul.f32 $1.442695020e+00, v22;
	v15 =	vld [tilespmem:s23+$0xF0]  }
0x39d: {  	v17 =	vld [tilespmem:s15+$0xF0];
	v21 =	vpop (erf);
	(erf) = vpow2.f32 v18;
	[tilespmem:s22+$0xFFFFFEB0] =	vst v4  }
0x39e: {  	v4 =	vld [tilespmem:s14+$0xFFFFFF80];
	v10 =	vmax.f32 v10, $0.0e+00;
	v18 =	vmul.f32 v1, v0;
	[tilespmem:s12+$0xFFFFFEE0] =	vst v21;
	(erf) = vpow2.f32 v14  }
0x39f: {  	v23 =	vmul.f32 v21, v11;
	v9 =	vadd.f32 v9, v19;
	v14 =	vld [tilespmem:s17+$0xFFFFFFC0];
	v10 =	vadd.f32 $1.000000010e-07, v10;
	[tilespmem:s22+$0xFFFFFF30] =	vst v2;
	v2 =	vpop (erf)  }
0x3a0: {  	v19 =	vld [tilespmem:s14+$0xFFFFFFC0];
	v18 =	vmul.f32 $1.442695020e+00, v18;
	v24 =	vmul.f32 v2, v5;
	[tilespmem:s22+$0xFFFFFFF0] =	vst v2;
	v2 =	vpop (erf)  }
0x3a1: {  	v9 =	vmax.f32 v9, $0.0e+00;
	v21 =	vld [tilespmem:s17+$0x0];
	v22 =	vmul.f32 v10, v0;
	[tilespmem:s12+$0xFFFFFEA0] =	vst v23;
	v6 =	vmul.f32 v2, v6;
	v11 =	vpop (erf)  }
0x3a2: {  	v9 =	vadd.f32 $1.000000010e-07, v9;
	v23 =	vld [tilespmem:s14+$0x0];
	v15 =	vadd.f32 v17, v15;
	(erf) = vpow2.f32 v18;
	[tilespmem:s22+$0xFFFFFFB0] =	vst v24;
	v5 =	vpop (erf)  }
0x3a3: {  	v4 =	vadd.f32 v4, v20;
	v17 =	vld [tilespmem:s17+$0x40];
	v22 =	vmul.f32 $1.442695020e+00, v22;
	[tilespmem:s22+$0x30] =	vst v6;
	v6 =	vmul.f32 v11, v8  }
0x3a4: {  	v8 =	vmul.f32 v9, v0;
	v20 =	vld [tilespmem:s14+$0x40];
	v15 =	vmax.f32 v15, $0.0e+00;
	[tilespmem:s22+$0x70] =	vst v2;
	v2 =	vmul.f32 v5, v7  }
0x3a5: {  	v7 =	vadd.f32 v19, v14;
	v14 =	vld [tilespmem:s17+$0x80];
	(erf) = vpow2.f32 v22;
	v15 =	vadd.f32 $1.000000010e-07, v15;
	[tilespmem:s22+$0xB0] =	vst v6  }
0x3a6: {  	v4 =	vmax.f32 v4, $0.0e+00;
	v6 =	vmul.f32 $1.442695020e+00, v8;
	v8 =	vld [tilespmem:s14+$0x80];
	v18 =	vpop (erf);
	[tilespmem:s22+$0x130] =	vst v2  }
0x3a7: {  	v2 =	vld [tilespmem:s17+$0xFFFFFF00];
	v7 =	vmax.f32 v7, $0.0e+00;
	v19 =	vadd.f32 v23, v21;
	[tilespmem:s12+$0xFFFFFF60] =	vst v18;
	v21 =	vmul.f32 v15, v0;
	v22 =	vpop (erf)  }
0x3a8: {  	v4 =	vadd.f32 $1.000000010e-07, v4;
	v7 =	vadd.f32 $1.000000010e-07, v7;
	(erf) = vpow2.f32 v6;
	[tilespmem:s12+$0xFFFFFFE0] =	vst v22;
	v6 =	vld [tilespmem:s15+$0x20]  }
0x3a9: {  	v19 =	vmax.f32 v19, $0.0e+00;
	v25 =	vadd.f32 v20, v17;
	v20 =	vld [tilespmem:s23+$0x60];
	v21 =	vmul.f32 $1.442695020e+00, v21;
	[tilespmem:s22+$0xF0] =	vst v11  }
0x3aa: {  	v11 =	vmul.f32 v4, v0;
	v23 =	vmul.f32 v7, v0;
	v19 =	vadd.f32 $1.000000010e-07, v19;
	v24 =	vld [tilespmem:s15+$0x60];
	[tilespmem:s22+$0x170] =	vst v5;
	s22 =	smov.u32 s12  }
0x3ab: {  	v5 =	vmax.f32 v25, $0.0e+00;
	v8 =	vadd.f32 v8, v14;
	v14 =	vld [tilespmem:s23+$0xA0];
	v17 =	vpop (erf);
	(erf) = vpow2.f32 v21  }
0x3ac: {  	v2 =	vadd.f32 v16, v2;
	v16 =	vmul.f32 v19, v0;
	v5 =	vadd.f32 $1.000000010e-07, v5;
	[tilespmem:s12+$0xFFFFFE60] =	vst v17;
	v21 =	vld [tilespmem:s15+$0xA0]  }
0x3ad: {  	v11 =	vmul.f32 $1.442695020e+00, v11;
	v23 =	vmul.f32 $1.442695020e+00, v23;
	v8 =	vmax.f32 v8, $0.0e+00;
	v25 =	vld [tilespmem:s23+$0xFFFFFF70]  }
0x3ae: {  	v2 =	vmax.f32 v2, $0.0e+00;
	v26 =	vmul.f32 v5, v0;
	v8 =	vadd.f32 $1.000000010e-07, v8;
	v27 =	vpop (erf);
	v28 =	vld [tilespmem:s15+$0xFFFFFF70]  }
0x3af: {  	s12 =	sadd.s32 $0x400, s12;
	v16 =	vmul.f32 $1.442695020e+00, v16;
	v2 =	vadd.f32 $1.000000010e-07, v2;
	v30 =	vmul.f32 v27, v10  }
0x3b0: {  	v6 =	vadd.f32 v6, v12;
	v26 =	vmul.f32 $1.442695020e+00, v26;
	v29 =	vmul.f32 v8, v0;
	[tilespmem:s12+$0x1C0] =	vst v27  }
0x3b1: {  	v27 =	vadd.f32 v24, v20;
	v12 =	vmul.f32 v2, v0;
	[tilespmem:s12+$0x180] =	vst v30;
	v10 =	vpop (erf);
	(erf) = vpow2.f32 v11  }
0x3b2: {  	v14 =	vadd.f32 v21, v14;
	[tilespmem:s12+$0xFFFFFEC0] =	vst v10;
	v20 =	vmul.f32 $1.442695020e+00, v29;
	v24 =	vld [tilespmem:s17+$0xD0];
	(erf) = vpow2.f32 v23  }
0x3b3: {  	v6 =	vmax.f32 v6, $0.0e+00;
	v12 =	vmul.f32 $1.442695020e+00, v12;
	v21 =	vld [tilespmem:s14+$0xD0];
	(erf) = vpow2.f32 v16  }
0x3b4: {  	v9 =	vmul.f32 v10, v9;
	v10 =	vmax.f32 v27, $0.0e+00;
	(erf) = vpow2.f32 v26;
	v11 =	vpop (erf)  }
0x3b5: {  	(erf) = vpow2.f32 v12;
	v12 =	vmax.f32 v14, $0.0e+00;
	v14 =	vmul.f32 v11, v15;
	[tilespmem:s22+$0x1F0] =	vst v11  }
0x3b6: {  	v6 =	vadd.f32 $1.000000010e-07, v6;
	[tilespmem:s12+$0xFFFFFE80] =	vst v9;
	(erf) = vpow2.f32 v20;
	v9 =	vadd.f32 $1.000000010e-07, v10  }
0x3b7: {  	v1 =	vmul.f32 v17, v1;
	v11 =	vmul.f32 v18, v13;
	v12 =	vadd.f32 $1.000000010e-07, v12;
	v10 =	vld [tilespmem:s17+$0xFFFFFF50];
	[tilespmem:s22+$0x1B0] =	vst v14  }
0x3b8: {  	v15 =	vmul.f32 v6, v0;
	v13 =	vld [tilespmem:s14+$0xFFFFFF50];
	v14 =	vadd.f32 v21, v24;
	v21 =	vmul.f32 v9, v0  }
0x3b9: {  	v17 =	vmul.f32 v22, v3;
	v3 =	vmul.f32 v12, v0;
	[tilespmem:s22+$0xFFFFFE20] =	vst v1;
	v1 =	vadd.f32 v28, v25  }
0x3ba: {  	v14 =	vmax.f32 v14, $0.0e+00;
	v18 =	vpop (erf);
	v20 =	vld [tilespmem:s23+$0xFFFFFF30];
	[tilespmem:s22+$0xFFFFFF20] =	vst v11;
	v11 =	vmul.f32 $1.442695020e+00, v15;
	v15 =	vmul.f32 $1.442695020e+00, v21  }
0x3bb: {  	v3 =	vmul.f32 $1.442695020e+00, v3;
	v4 =	vmul.f32 v18, v4;
	[tilespmem:s12+$0xFFFFFF40] =	vst v18;
	v14 =	vadd.f32 $1.000000010e-07, v14;
	v16 =	vpop (erf);
	v18 =	vld [tilespmem:s15+$0xFFFFFF30]  }
0x3bc: {  	v1 =	vmax.f32 v1, $0.0e+00;
	v23 =	vmul.f32 v16, v7;
	[tilespmem:s12+$0xFFFFFFC0] =	vst v16;
	v16 =	vpop (erf);
	v21 =	vld [tilespmem:s23+$0xFFFFFFB0];
	(erf) = vpow2.f32 v11  }
0x3bd: {  	v10 =	vadd.f32 v13, v10;
	[tilespmem:s12+$0xFFFFFF00] =	vst v4;
	v4 =	vmul.f32 v16, v19;
	v24 =	vmul.f32 v14, v0;
	v13 =	vpop (erf);
	v19 =	vld [tilespmem:s15+$0xFFFFFFB0]  }
0x3be: {  	v1 =	vadd.f32 $1.000000010e-07, v1;
	v22 =	vld [tilespmem:s17+$0xFFFFFF90];
	[tilespmem:s12+$0xFFFFFF80] =	vst v23;
	v5 =	vmul.f32 v13, v5;
	v7 =	vpop (erf);
	(erf) = vpow2.f32 v15  }
0x3bf: {  	v2 =	vmul.f32 v7, v2;
	v10 =	vmax.f32 v10, $0.0e+00;
	v15 =	vld [tilespmem:s14+$0xFFFFFF90];
	[tilespmem:s12+$0x0] =	vst v4;
	v4 =	vmul.f32 $1.442695020e+00, v24;
	v11 =	vpop (erf)  }
0x3c0: {  	v10 =	vadd.f32 $1.000000010e-07, v10;
	v23 =	vld [tilespmem:s17+$0xFFFFFFD0];
	[tilespmem:s12+$0x80] =	vst v5;
	v5 =	vmul.f32 v11, v8;
	(erf) = vpow2.f32 v3  }
0x3c1: {  	v3 =	vmul.f32 v1, v0;
	[tilespmem:s12+$0xFFFFFE00] =	vst v2;
	v8 =	vld [tilespmem:s14+$0xFFFFFFD0];
	(erf) = vpow2.f32 v4;
	v2 =	vadd.f32 v18, v20  }
0x3c2: {  	v4 =	vmul.f32 v10, v0;
	[tilespmem:s12+$0x100] =	vst v5;
	v21 =	vadd.f32 v19, v21  }
0x3c3: {  	[tilespmem:s12+$0xFFFFFE40] =	vst v7;
	v2 =	vmax.f32 v2, $0.0e+00;
	v7 =	vmul.f32 $1.442695020e+00, v3  }
0x3c4: {  	v18 =	vld [tilespmem:s17+$0xFFFFFF10];
	v4 =	vmul.f32 $1.442695020e+00, v4;
	v20 =	vadd.f32 v15, v22;
	[tilespmem:s12+$0x40] =	vst v16;
	v19 =	vmax.f32 v21, $0.0e+00  }
0x3c5: {  	v3 =	vadd.f32 $1.000000010e-07, v2;
	v16 =	vld [tilespmem:s14+$0xFFFFFF10];
	[tilespmem:s12+$0xC0] =	vst v13;
	v2 =	vadd.f32 $1.000000010e-07, v19;
	(erf) = vpow2.f32 v7;
	v5 =	vpop (erf)  }
0x3c6: {  	v7 =	vmax.f32 v20, $0.0e+00;
	v8 =	vadd.f32 v8, v23;
	v13 =	vld [tilespmem:s17+$0x10];
	[tilespmem:s12+$0x140] =	vst v11;
	(erf) = vpow2.f32 v4  }
0x3c7: {  	v11 =	vmul.f32 v3, v0;
	v22 =	vmul.f32 v5, v6;
	v7 =	vadd.f32 $1.000000010e-07, v7;
	v4 =	vld [tilespmem:s14+$0x10];
	[tilespmem:s22+$0xFFFFFFA0] =	vst v17;
	v15 =	vpop (erf)  }
0x3c8: {  	v19 =	vmul.f32 v2, v0;
	v8 =	vmax.f32 v8, $0.0e+00;
	v17 =	vld [tilespmem:s17+$0x50];
	[tilespmem:s22+$0x60] =	vst v5;
	v5 =	vmul.f32 v15, v9  }
0x3c9: {  	v11 =	vmul.f32 $1.442695020e+00, v11;
	v9 =	vmul.f32 v7, v0;
	v8 =	vadd.f32 $1.000000010e-07, v8;
	v20 =	vld [tilespmem:s14+$0x50];
	[tilespmem:s22+$0x20] =	vst v22;
	v6 =	vpop (erf)  }
0x3ca: {  	v19 =	vmul.f32 $1.442695020e+00, v19;
	v16 =	vadd.f32 v16, v18;
	v18 =	vld [tilespmem:s17+$0x90];
	v21 =	vpop (erf);
	[tilespmem:s22+$0xA0] =	vst v5;
	v5 =	vmul.f32 v6, v12  }
0x3cb: {  	v12 =	vmul.f32 v8, v0;
	v22 =	vld [tilespmem:s14+$0x90];
	v14 =	vmul.f32 v21, v14;
	[tilespmem:s22+$0xE0] =	vst v15  }
0x3cc: {  	v9 =	vmul.f32 $1.442695020e+00, v9;
	v15 =	vmax.f32 v16, $0.0e+00;
	v23 =	vadd.f32 v4, v13;
	[tilespmem:s12+$0x1D0] =	vst v21;
	v13 =	vld [tilespmem:s23+$0xFFFFFFF0]  }
0x3cd: {  	v16 =	vadd.f32 $1.000000010e-07, v15;
	v12 =	vmul.f32 $1.442695020e+00, v12;
	[tilespmem:s12+$0x190] =	vst v14;
	v14 =	vld [tilespmem:s15+$0xFFFFFFF0];
	(erf) = vpow2.f32 v11  }
0x3ce: {  	v21 =	vmax.f32 v23, $0.0e+00;
	v15 =	vadd.f32 v20, v17;
	v17 =	vld [tilespmem:s17+$0xE0];
	(erf) = vpow2.f32 v9;
	[tilespmem:s22+$0x120] =	vst v5;
	v4 =	vpop (erf)  }
0x3cf: {  	v5 =	vmul.f32 v16, v0;
	v20 =	vadd.f32 $1.000000010e-07, v21;
	v9 =	vld [tilespmem:s14+$0xE0];
	v11 =	vpop (erf);
	(erf) = vpow2.f32 v12;
	[tilespmem:s22+$0x160] =	vst v6  }
0x3d0: {  	v6 =	vmul.f32 v11, v10;
	[tilespmem:s12+$0xFFFFFED0] =	vst v11;
	v10 =	vmax.f32 v15, $0.0e+00;
	v11 =	vadd.f32 v22, v18;
	v12 =	vld [tilespmem:s23+$0x30]  }
0x3d1: {  	v5 =	vmul.f32 $1.442695020e+00, v5;
	v15 =	vmul.f32 v20, v0;
	v18 =	vadd.f32 $1.000000010e-07, v10;
	[tilespmem:s22+$0xFFFFFEF0] =	vst v4;
	v10 =	vld [tilespmem:s15+$0x30]  }
0x3d2: {  	[tilespmem:s12+$0xFFFFFE90] =	vst v6;
	v6 =	vmax.f32 v11, $0.0e+00;
	v11 =	vadd.f32 v14, v13;
	v13 =	vld [tilespmem:s23+$0x70];
	(erf) = vpow2.f32 v19  }
0x3d3: {  	v19 =	vld [tilespmem:s17+$0xFFFFFF60];
	v14 =	vmul.f32 $1.442695020e+00, v15;
	v15 =	vmul.f32 v18, v0;
	v24 =	vadd.f32 $1.000000010e-07, v6  }
0x3d4: {  	v6 =	vld [tilespmem:s14+$0xFFFFFF60];
	v22 =	vadd.f32 v9, v17;
	(erf) = vpow2.f32 v5;
	v5 =	vmax.f32 v11, $0.0e+00  }
0x3d5: {  	v23 =	vmul.f32 $1.442695020e+00, v15;
	v15 =	vmul.f32 v24, v0;
	v5 =	vadd.f32 $1.000000010e-07, v5;
	v17 =	vld [tilespmem:s15+$0x70]  }
0x3d6: {  	v22 =	vmax.f32 v22, $0.0e+00;
	(erf) = vpow2.f32 v14;
	v10 =	vadd.f32 v10, v12;
	v12 =	vld [tilespmem:s23+$0xB0];
	v9 =	vpop (erf);
	s23 =	smov.u32 s17  }
0x3d7: {  	v15 =	vmul.f32 $1.442695020e+00, v15;
	v14 =	vadd.f32 $1.000000010e-07, v22;
	v21 =	vpop (erf);
	(erf) = vpow2.f32 v23;
	[tilespmem:s22+$0xFFFFFE70] =	vst v9;
	v22 =	vld [tilespmem:s15+$0xB0];
	s15 =	smov.u32 s14  }
0x3d8: {  	v7 =	vmul.f32 v21, v7;
	[tilespmem:s12+$0xFFFFFF50] =	vst v21;
	v11 =	vpop (erf);
	v21 =	vmul.f32 v5, v0;
	v10 =	vmax.f32 v10, $0.0e+00  }
0x3d9: {  	v19 =	vadd.f32 v6, v19;
	[tilespmem:s12+$0xFFFFFFD0] =	vst v11;
	v23 =	vmul.f32 v14, v0;
	(erf) = vpow2.f32 v15  }
0x3da: {  	v6 =	vadd.f32 $1.000000010e-07, v10;
	[tilespmem:s12+$0xFFFFFF10] =	vst v7;
	v7 =	vmul.f32 v11, v8;
	v8 =	vadd.f32 v17, v13  }
0x3db: {  	v15 =	vmul.f32 $1.442695020e+00, v21;
	v11 =	vmax.f32 v19, $0.0e+00;
	v13 =	vld [tilespmem:s17+$0xFFFFFFA0];
	v17 =	vmul.f32 $1.442695020e+00, v23;
	v10 =	vpop (erf)  }
0x3dc: {  	v11 =	vadd.f32 $1.000000010e-07, v11;
	v19 =	vld [tilespmem:s14+$0xFFFFFFA0];
	[tilespmem:s12+$0xFFFFFF90] =	vst v7;
	v7 =	vmax.f32 v8, $0.0e+00;
	v26 =	vadd.f32 v22, v12  }
0x3dd: {  	v23 =	vld [tilespmem:s17+$0xFFFFFFE0];
	v21 =	vpop (erf);
	(erf) = vpow2.f32 v17;
	[tilespmem:s22+$0xFFFFFF70] =	vst v10;
	v17 =	vmul.f32 v6, v0;
	v8 =	vadd.f32 $1.000000010e-07, v7  }
0x3de: {  	v28 =	vmul.f32 v21, v16;
	[tilespmem:s12+$0xFFFFFE50] =	vst v21;
	v21 =	vmul.f32 v11, v0;
	v25 =	vld [tilespmem:s14+$0xFFFFFFE0];
	v7 =	vmax.f32 v26, $0.0e+00  }
.Ltmp2:
0x3df: {  	v12 =	vpop (erf);
	v16 =	vmul.f32 $1.442695020e+00, v17;
	v26 =	vmul.f32 v8, v0;
	v7 =	vadd.f32 $1.000000010e-07, v7;
	(pc) =	sbr.rel @p0 .LBB2_7-.Ltmp2, $4  }
0x3e0: {  	[tilespmem:s12+$0xFFFFFE10] =	vst v28;
	v27 =	vmul.f32 $1.442695020e+00, v21;
	v29 =	vmul.f32 v12, v20;
	v22 =	vpop (erf)  }
0x3e1: {  	v17 =	vld [tilespmem:s17+$0xFFFFFF20];
	v13 =	vadd.f32 v19, v13;
	[tilespmem:s12+$0x50] =	vst v12;
	v28 =	vmul.f32 v22, v18;
	v18 =	vmul.f32 v7, v0  }
0x3e2: {  	v19 =	vmul.f32 $1.442695020e+00, v26;
	v21 =	vld [tilespmem:s14+$0xFFFFFF20];
	[tilespmem:s12+$0x10] =	vst v29;
	(erf) = vpow2.f32 v27;
	v20 =	vpop (erf)  }
0x3e3: {  	s17 =	sadd.s32 $0x200, s17;
	v13 =	vmax.f32 v13, $0.0e+00;
	v23 =	vadd.f32 v25, v23;
	v12 =	vld [tilespmem:s23+$0x20];
	[tilespmem:s12+$0x90] =	vst v28;
	v24 =	vmul.f32 v20, v24  }
0x3e4: {  	_ =	sdelay $0x1  }
0x3e5: {  	v25 =	vpop (erf)  }
0x3e6: {  	[tilespmem:s12+$0xD0] =	vst v22;
	v14 =	vmul.f32 v25, v14  }
0x3e7: {  	[tilespmem:s12+$0x1E0] =	vst v25  }
0x3e8: {  	v22 =	vld [tilespmem:s23+$0x60];
	[tilespmem:s12+$0x1A0] =	vst v14  }
0x3e9: {  	v14 =	vld [tilespmem:s23+$0xF0]  }
0x3ea: {  	v13 =	vadd.f32 $1.000000010e-07, v13;
	(erf) = vpow2.f32 v15;
	v25 =	vld [tilespmem:s15+$0xF0]  }
0x3eb: {  	v15 =	vadd.f32 v21, v17;
	v17 =	vmax.f32 v23, $0.0e+00;
	(erf) = vpow2.f32 v16;
	v16 =	vld [tilespmem:s15+$0x20]  }
0x3ec: {  	v21 =	vmul.f32 v13, v0;
	v17 =	vadd.f32 $1.000000010e-07, v17;
	(erf) = vpow2.f32 v19;
	v19 =	vld [tilespmem:s15+$0x60]  }
0x3ed: {  	v18 =	vmul.f32 $1.442695020e+00, v18;
	v15 =	vmax.f32 v15, $0.0e+00  }
0x3ee: {  	[tilespmem:s12+$0x150] =	vst v20;
	v20 =	vmul.f32 $1.442695020e+00, v21;
	v15 =	vadd.f32 $1.000000010e-07, v15;
	v21 =	vmul.f32 v17, v0  }
0x3ef: {  	[tilespmem:s12+$0x110] =	vst v24;
	(erf) = vpow2.f32 v18;
	v14 =	vadd.f32 v25, v14  }
0x3f0: {  	v24 =	vld [tilespmem:s15+$0xA0];
	v18 =	vmul.f32 v15, v0;
	v21 =	vmul.f32 $1.442695020e+00, v21  }
0x3f1: {  	v23 =	vld [tilespmem:s23+$0xA0];
	v12 =	vadd.f32 v16, v12;
	v16 =	vadd.f32 v19, v22;
	v14 =	vmax.f32 v14, $0.0e+00  }
0x3f2: {  	(erf) = vpow2.f32 v20;
	v18 =	vmul.f32 $1.442695020e+00, v18;
	v14 =	vadd.f32 $1.000000010e-07, v14  }
0x3f3: {  	(erf) = vpow2.f32 v21;
	v12 =	vmax.f32 v12, $0.0e+00;
	v16 =	vmax.f32 v16, $0.0e+00  }
0x3f4: {  	v12 =	vadd.f32 $1.000000010e-07, v12;
	(erf) = vpow2.f32 v18;
	v18 =	vmul.f32 v14, v0  }
0x3f5: {  	v16 =	vadd.f32 $1.000000010e-07, v16  }
0x3f6: {  	v19 =	vadd.f32 v24, v23;
	v20 =	vpop (erf);
	v22 =	vmul.f32 v12, v0;
	v18 =	vmul.f32 $1.442695020e+00, v18  }
0x3f7: {  	v21 =	vpop (erf);
	v24 =	vmul.f32 v16, v0  }
0x3f8: {  	v19 =	vmax.f32 v19, $0.0e+00;
	v23 =	vpop (erf);
	(erf) = vpow2.f32 v18;
	v18 =	vmul.f32 $1.442695020e+00, v22  }
0x3f9: {  	v19 =	vadd.f32 $1.000000010e-07, v19  }
0x3fa: {  	v25 =	vpop (erf);
	v24 =	vmul.f32 $1.442695020e+00, v24;
	(erf) = vpow2.f32 v18  }
0x3fb: {  	v26 =	vmul.f32 v19, v0;
	v22 =	vpop (erf)  }
0x3fc: {  	v11 =	vmul.f32 v20, v11;
	v27 =	vpop (erf);
	(erf) = vpow2.f32 v24  }
0x3fd: {  	[tilespmem:s12+$0xFFFFFEE0] =	vst v20;
	v26 =	vmul.f32 $1.442695020e+00, v26;
	v18 =	vpop (erf)  }
0x3fe: {  	[tilespmem:s12+$0xFFFFFEA0] =	vst v11;
	v20 =	vpop (erf)  }
0x3ff: {  	[tilespmem:s12+$0xFFFFFF60] =	vst v27;
	(erf) = vpow2.f32 v26;
	v11 =	vmul.f32 v20, v15  }
0x400: {  	v13 =	vmul.f32 v27, v13;
	[tilespmem:s12+$0xFFFFFE60] =	vst v20;
	v15 =	vld [tilespmem:s23+$0xFFFFFF70]  }
0x401: {  	v17 =	vmul.f32 v18, v17;
	v20 =	vld [tilespmem:s15+$0xFFFFFF70];
	[tilespmem:s12+$0xFFFFFE20] =	vst v11  }
0x402: {  	[tilespmem:s12+$0xFFFFFF20] =	vst v13;
	v11 =	vld [tilespmem:s23+$0xFFFFFF30];
	v24 =	vpop (erf)  }
0x403: {  	[tilespmem:s12+$0xFFFFFFE0] =	vst v18;
	v13 =	vld [tilespmem:s15+$0xFFFFFF30];
	v27 =	vpop (erf)  }
0x404: {  	v26 =	vld [tilespmem:s23+$0xFFFFFFB0];
	[tilespmem:s12+$0xFFFFFFA0] =	vst v17;
	v12 =	vmul.f32 v27, v12  }
0x405: {  	v18 =	vld [tilespmem:s15+$0xFFFFFFB0];
	v17 =	vpop (erf);
	[tilespmem:s12+$0x60] =	vst v27  }
0x406: {  	v15 =	vadd.f32 v20, v15;
	v20 =	vld [tilespmem:s23+$0xFFFFFFF0];
	v16 =	vmul.f32 v17, v16;
	[tilespmem:s12+$0xE0] =	vst v17  }
0x407: {  	v27 =	vld [tilespmem:s15+$0xFFFFFFF0];
	[tilespmem:s12+$0x20] =	vst v12  }
0x408: {  	v3 =	vmul.f32 v9, v3;
	v9 =	vadd.f32 v13, v11;
	[tilespmem:s12+$0xA0] =	vst v16;
	v13 =	vld [tilespmem:s15+$0x30];
	v12 =	vpop (erf)  }
0x409: {  	v1 =	vmul.f32 v4, v1;
	v15 =	vmax.f32 v15, $0.0e+00;
	v4 =	vld [tilespmem:s23+$0x70];
	v16 =	vmul.f32 v12, v19  }
0x40a: {  	v15 =	vadd.f32 $1.000000010e-07, v15;
	v11 =	vadd.f32 v18, v26;
	v19 =	vld [tilespmem:s23+$0x30];
	[tilespmem:s12+$0x160] =	vst v12  }
0x40b: {  	v2 =	vmul.f32 v10, v2;
	v5 =	vmul.f32 v21, v5;
	v9 =	vmax.f32 v9, $0.0e+00;
	v12 =	vld [tilespmem:s15+$0x70];
	[tilespmem:s12+$0x120] =	vst v16  }
0x40c: {  	v10 =	vmul.f32 v15, v0;
	v11 =	vmax.f32 v11, $0.0e+00;
	v9 =	vadd.f32 $1.000000010e-07, v9;
	v16 =	vld [tilespmem:s23+$0xB0]  }
0x40d: {  	[tilespmem:s22+$0xFFFFFE30] =	vst v3;
	v6 =	vmul.f32 v23, v6;
	v3 =	vmul.f32 v25, v8;
	v11 =	vadd.f32 $1.000000010e-07, v11;
	v17 =	vld [tilespmem:s15+$0xB0]  }
0x40e: {  	v20 =	vadd.f32 v27, v20;
	v10 =	vmul.f32 $1.442695020e+00, v10;
	v18 =	vmul.f32 v9, v0  }
0x40f: {  	v7 =	vmul.f32 v22, v7;
	v26 =	vmul.f32 v11, v0;
	v8 =	vadd.f32 v13, v19  }
0x410: {  	[tilespmem:s22+$0xFFFFFEB0] =	vst v1;
	(erf) = vpow2.f32 v10;
	v1 =	vmul.f32 $1.442695020e+00, v18;
	v13 =	vmax.f32 v20, $0.0e+00  }
0x411: {  	[tilespmem:s22+$0xFFFFFF30] =	vst v2;
	v4 =	vadd.f32 v12, v4;
	v2 =	vadd.f32 $1.000000010e-07, v13;
	v8 =	vmax.f32 v8, $0.0e+00  }
0x412: {  	(erf) = vpow2.f32 v1;
	v1 =	vadd.f32 $1.000000010e-07, v8;
	v8 =	vadd.f32 v17, v16  }
0x413: {  	[tilespmem:s22+$0xFFFFFFB0] =	vst v5;
	v10 =	vmul.f32 $1.442695020e+00, v26;
	v4 =	vmax.f32 v4, $0.0e+00;
	v5 =	vmul.f32 v2, v0  }
0x414: {  	[tilespmem:s22+$0x30] =	vst v6;
	v4 =	vadd.f32 $1.000000010e-07, v4;
	v6 =	vmul.f32 v1, v0;
	v8 =	vmax.f32 v8, $0.0e+00  }
0x415: {  	[tilespmem:s22+$0xFFFFFFF0] =	vst v21;
	(erf) = vpow2.f32 v10;
	v5 =	vmul.f32 $1.442695020e+00, v5;
	v8 =	vadd.f32 $1.000000010e-07, v8  }
0x416: {  	[tilespmem:s22+$0xB0] =	vst v3;
	v3 =	vmul.f32 $1.442695020e+00, v6;
	v6 =	vmul.f32 v4, v0  }
0x417: {  	[tilespmem:s22+$0x130] =	vst v7;
	(erf) = vpow2.f32 v5;
	v7 =	vmul.f32 v8, v0  }
0x418: {  	[tilespmem:s22+$0x70] =	vst v23;
	(erf) = vpow2.f32 v3;
	v3 =	vmul.f32 v24, v14  }
0x419: {  	[tilespmem:s22+$0xF0] =	vst v25;
	v5 =	vmul.f32 $1.442695020e+00, v6  }
0x41a: {  	[tilespmem:s22+$0x170] =	vst v22;
	v6 =	vmul.f32 $1.442695020e+00, v7  }
0x41b: {  	[tilespmem:s12+$0x1F0] =	vst v24  }
0x41c: {  	(erf) = vpow2.f32 v5;
	[tilespmem:s12+$0x1B0] =	vst v3;
	v3 =	vpop (erf)  }
0x41d: {  	[tilespmem:s12+$0xFFFFFEF0] =	vst v3;
	v5 =	vpop (erf);
	v3 =	vmul.f32 v3, v15  }
0x41e: {  	(erf) = vpow2.f32 v6;
	[tilespmem:s12+$0xFFFFFE70] =	vst v5;
	v6 =	vpop (erf);
	v5 =	vmul.f32 v5, v9  }
0x41f: {  	[tilespmem:s12+$0xFFFFFF70] =	vst v6  }
0x420: {  	[tilespmem:s12+$0xFFFFFE30] =	vst v5;
	v5 =	vmul.f32 v6, v11  }
0x421: {  	[tilespmem:s12+$0xFFFFFEB0] =	vst v3;
	v3 =	vpop (erf)  }
0x422: {  	[tilespmem:s12+$0xFFFFFF30] =	vst v5;
	v2 =	vmul.f32 v3, v2  }
0x423: {  	[tilespmem:s12+$0xFFFFFFF0] =	vst v3  }
0x424: {  	v5 =	vpop (erf);
	[tilespmem:s12+$0xFFFFFFB0] =	vst v2  }
0x425: {  	v1 =	vmul.f32 v5, v1;
	v3 =	vpop (erf);
	[tilespmem:s12+$0x70] =	vst v5  }
0x426: {  	[tilespmem:s12+$0xF0] =	vst v3  }
0x427: {  	v2 =	vpop (erf);
	[tilespmem:s12+$0x30] =	vst v1;
	v1 =	vmul.f32 v3, v4  }
0x428: {  	v4 =	vmul.f32 v2, v8;
	[tilespmem:s12+$0x170] =	vst v2  }
0x429: {  	p0 =	sne.s32 s20, $0x7C;
	[tilespmem:s12+$0xB0] =	vst v1  }
0x42a: {  	s23 =	simm.s32 $0x190;
	[tilespmem:s12+$0x130] =	vst v4;
	s12 =	simm.s32 @p0 $0x1  }
0x42b: {  	[spmem:s4] =	stream.indirect.scatter.add.f32 [tilespmem:s24], [sflag:$0x9], $0x80, s23, s31, $0xb8;
	[tilespmem:$0x191F0] =	vst v63  }
0x42c: {  	_ =	swait.ge @p0 [sflag:s12], $0x28  }
0x42d: {  	[sflag:s12] =	ssyncset.done @p0 $0x0  }
0x42e: {  	[sflag:s12] =	ssyncadd.s32 @p0 $0xFFFFFFD8  }
0x42f: {  	_ =	swait.ge @p0 [sflag:s12], $0x28  }
0x430: {  	[sflag:s12] =	ssyncset.done @p0 $0x0  }
0x431: {  	[sflag:s12] =	ssyncadd.s32 @p0 $0xFFFFFFD8  }
0x432: {  	_ =	swait.ge @p0 [sflag:s12], $0x28  }
0x433: {  	s14 =	simm.s32 @p0 $0x0;
	[sflag:s12] =	ssyncset.done @p0 $0x0  }
0x434: {  	s15 =	simm.s32 @p0 $0x1E0;
	[sflag:s12] =	ssyncadd.s32 @p0 $0xFFFFFFD8;
	s12 =	simm.s32 @p0 $0x28  }
0x435: {  	[tilespmem:s15], [sflag:$0x5] =	stream.indirect.gather @p0 [hbm4b:s1+s12], $0x40, s14, s12, $0xb8;
	[tilespmem:$0x191F0] =	vst v63  }
0x436: {  	s16 =	simm.s32 @p0 $0x15E0;
	s15 =	simm.s32 @p0 $0xA0  }
0x437: {  	[tilespmem:s16], [sflag:$0x7] =	stream.indirect.gather @p0 [hbm4b:s2+s12], $0x40, s15, s12, $0xb8;
	[tilespmem:$0x191F0] =	vst v63  }
0x438: {  	s16 =	rddreg [dreg:$0x12]  }
0x439: {  	s15 =	simm.s32 @p0 $0xA;
	s16 =	sadd.s32 @p0 s21, s16  }
0x43a: {  	_ =	swait.ge @p0 [sflag:s15], $0x1400;
	s17 =	sadd.s32 @p0 s10, s16  }
0x43b: {  	[sflag:s15] =	ssyncset.done @p0 $0x0;
	s17 =	sshrl.u32 @p0 s17, $0x3  }
0x43c: {  	[sflag:s15] =	ssyncadd.s32 @p0 $0xFFFFEC00;
	s15 =	sadd.s32 @p0 s6, s17  }
0x43d: {  	[tilespmem:s12], [sflag:$0x2] =	stream.linear.gather @p0 [hbm4b:s15+s14], $0x28, $0x38;
	[tilespmem:$0x191F0] =	vst v63  }
0x43e: {  	s12 =	sadd.s32 @p0 s7, s17;
	s15 =	simm.s32 @p0 $0xC8  }
0x43f: {  	[tilespmem:s15], [sflag:$0x2] =	stream.linear.gather @p0 [hbm4b:s12+s14], $0x28, $0x38;
	[tilespmem:$0x191F0] =	vst v63  }
0x440: {  	s12 =	sshrl.u32 @p0 s16, $0x3  }
0x441: {  	s15 =	simm.s32 @p0 $0x168;
	s12 =	sadd.s32 @p0 s8, s12  }
0x442: {  	[tilespmem:s15], [sflag:$0x2] =	stream.linear.gather @p0 [hbm4b:s12+s14], $0x28, $0x38;
	[tilespmem:$0x191F0] =	vst v63  }
0x443: {  	s12 =	simm.s32 @!p0 $0xA  }
0x444: {  	_ =	swait.ge @!p0 [sflag:s12], $0x1400  }
0x445: {  	[sflag:s12] =	ssyncset.done @!p0 $0x0  }
0x446: {  	[sflag:s12] =	ssyncadd.s32 @!p0 $0xFFFFEC00  }
0x447: {  	_ =	swait.ge [sflag:s30], $0xA00  }
0x448: {  	[sflag:s30] =	ssyncset.done $0x0  }
0x449: {  	[sflag:s30] =	ssyncadd.s32 $0xFFFFF600  }
0x44a: {  	_ =	swait.ge [sflag:s0], $0xA00  }
0x44b: {  	[sflag:s0] =	ssyncset.done $0x0  }
0x44c: {  	s15 =	simm.s32 $0xDD0;
	[sflag:s0] =	ssyncadd.s32 $0xFFFFF600  }
0x44d: {  	s17 =	simm.s32 $0x21D0;
	v1 =	vld [tilespmem:s15+$0xFFFFFFD0]  }
0x44e: {  	v2 =	vld [tilespmem:s17+$0xFFFFFFD0];
	_ =	sdelay $0x4  }
0x44f: {  	v1 =	vadd.f32 v2, v1;
	_ =	sdelay $0x1  }
0x450: {  	v3 =	vld [tilespmem:s17+$0xFFFFFE50];
	v1 =	vmax.f32 v1, $0.0e+00  }
0x451: {  	v4 =	vld [tilespmem:s17+$0xFFFFFE10];
	v1 =	vadd.f32 $1.000000010e-07, v1  }
0x452: {  	v2 =	vld [tilespmem:s15+$0xFFFFFE50]  }
0x453: {  	v6 =	vld [tilespmem:s15+$0xFFFFFE90];
	v5 =	vmul.f32 v1, v0  }
0x454: {  	v7 =	vld [tilespmem:s17+$0xFFFFFE90]  }
0x455: {  	v8 =	vld [tilespmem:s17+$0xFFFFFED0];
	v5 =	vmul.f32 $1.442695020e+00, v5  }
0x456: {  	v9 =	vld [tilespmem:s17+$0xFFFFFF10]  }
0x457: {  	v10 =	vld [tilespmem:s15+$0xFFFFFF50];
	v2 =	vadd.f32 v3, v2;
	(erf) = vpow2.f32 v5  }
0x458: {  	v3 =	vld [tilespmem:s15+$0xFFFFFED0]  }
0x459: {  	v2 =	vmax.f32 v2, $0.0e+00;
	v5 =	vld [tilespmem:s15+$0xFFFFFF10]  }
0x45a: {  	v6 =	vadd.f32 v7, v6;
	v7 =	vld [tilespmem:s15+$0xFFFFFE10];
	v2 =	vadd.f32 $1.000000010e-07, v2  }
0x45b: {  	v12 =	vld [tilespmem:s17+$0xFFFFFF50]  }
0x45c: {  	v6 =	vmax.f32 v6, $0.0e+00;
	v11 =	vmul.f32 v2, v0  }
0x45d: {  	v6 =	vadd.f32 $1.000000010e-07, v6  }
0x45e: {  	v3 =	vadd.f32 v8, v3;
	v8 =	vmul.f32 $1.442695020e+00, v11;
	v5 =	vadd.f32 v9, v5  }
0x45f: {  	v4 =	vadd.f32 v4, v7;
	v7 =	vmul.f32 v6, v0  }
0x460: {  	v11 =	vld [tilespmem:s17+$0xFFFFFF90];
	(erf) = vpow2.f32 v8;
	v8 =	vadd.f32 v12, v10;
	v5 =	vmax.f32 v5, $0.0e+00;
	v10 =	vpop (erf)  }
0x461: {  	s21 =	simm.s32 $0x41D0;
	v3 =	vmax.f32 v3, $0.0e+00;
	v9 =	vld [tilespmem:s15+$0xFFFFFF90];
	v5 =	vadd.f32 $1.000000010e-07, v5;
	v1 =	vmul.f32 v10, v1  }
0x462: {  	v3 =	vadd.f32 $1.000000010e-07, v3;
	[tilespmem:s21+$0xFFFFFFD0] =	vst v10  }
0x463: {  	v8 =	vmax.f32 v8, $0.0e+00;
	v10 =	vmul.f32 v5, v0;
	[tilespmem:s21+$0xFFFFFF90] =	vst v1;
	v1 =	vmul.f32 $1.442695020e+00, v7  }
0x464: {  	v4 =	vmax.f32 v4, $0.0e+00;
	v12 =	vmul.f32 v3, v0;
	v8 =	vadd.f32 $1.000000010e-07, v8  }
0x465: {  	v4 =	vadd.f32 $1.000000010e-07, v4;
	v10 =	vmul.f32 $1.442695020e+00, v10;
	(erf) = vpow2.f32 v1  }
0x466: {  	v13 =	vmul.f32 v8, v0;
	v9 =	vadd.f32 v11, v9;
	v7 =	vmul.f32 $1.442695020e+00, v12;
	v12 =	vld [tilespmem:s15+$0xFFFFFFE0]  }
0x467: {  	v11 =	vmul.f32 v4, v0;
	v14 =	vld [tilespmem:s17+$0xFFFFFFE0]  }
0x468: {  	v1 =	vmul.f32 $1.442695020e+00, v13;
	(erf) = vpow2.f32 v7;
	v7 =	vmax.f32 v9, $0.0e+00  }
0x469: {  	v9 =	vmul.f32 $1.442695020e+00, v11;
	(erf) = vpow2.f32 v10;
	v7 =	vadd.f32 $1.000000010e-07, v7;
	v10 =	vpop (erf)  }
0x46a: {  	(erf) = vpow2.f32 v1;
	v1 =	vmul.f32 v10, v2  }
0x46b: {  	(erf) = vpow2.f32 v9;
	v9 =	vmul.f32 v7, v0  }
0x46c: {  	[tilespmem:s21+$0xFFFFFCD0] =	vst v10;
	v2 =	vadd.f32 v14, v12  }
0x46d: {  	[tilespmem:s21+$0xFFFFFC90] =	vst v1;
	v9 =	vmul.f32 $1.442695020e+00, v9  }
0x46e: {  	v1 =	vmax.f32 v2, $0.0e+00;
	v2 =	vld [tilespmem:s15+$0xFFFFFE60];
	v11 =	vpop (erf)  }
0x46f: {  	v10 =	vld [tilespmem:s17+$0xFFFFFE60];
	v1 =	vadd.f32 $1.000000010e-07, v1;
	v6 =	vmul.f32 v11, v6  }
0x470: {  	(erf) = vpow2.f32 v9  }
0x471: {  	v12 =	vmul.f32 v1, v0;
	v9 =	vpop (erf);
	[tilespmem:s21+$0xFFFFFD50] =	vst v11  }
0x472: {  	v11 =	vpop (erf);
	v3 =	vmul.f32 v9, v3;
	[tilespmem:s21+$0xFFFFFDD0] =	vst v9  }
0x473: {  	v12 =	vmul.f32 $1.442695020e+00, v12;
	[tilespmem:s21+$0xFFFFFD10] =	vst v6;
	v6 =	vpop (erf)  }
0x474: {  	v2 =	vadd.f32 v10, v2;
	v9 =	vld [tilespmem:s15+$0xFFFFFEA0];
	[tilespmem:s21+$0xFFFFFD90] =	vst v3;
	v10 =	vpop (erf)  }
0x475: {  	(erf) = vpow2.f32 v12;
	v12 =	vld [tilespmem:s15+$0xFFFFFEE0];
	v3 =	vmul.f32 v10, v4  }
0x476: {  	v2 =	vmax.f32 v2, $0.0e+00;
	v4 =	vld [tilespmem:s17+$0xFFFFFEA0]  }
0x477: {  	v5 =	vmul.f32 v11, v5;
	v2 =	vadd.f32 $1.000000010e-07, v2;
	[tilespmem:s21+$0xFFFFFC10] =	vst v3;
	v3 =	vld [tilespmem:s17+$0xFFFFFEE0]  }
0x478: {  	[tilespmem:s21+$0xFFFFFC50] =	vst v10  }
0x479: {  	[tilespmem:s21+$0xFFFFFE10] =	vst v5;
	v5 =	vmul.f32 v2, v0;
	v13 =	vpop (erf);
	v10 =	vld [tilespmem:s15+$0xFFFFFE20]  }
0x47a: {  	[tilespmem:s21+$0xFFFFFE50] =	vst v11;
	v8 =	vmul.f32 v6, v8;
	v11 =	vld [tilespmem:s17+$0xFFFFFE20];
	v7 =	vmul.f32 v13, v7  }
0x47b: {  	[tilespmem:s21+$0xFFFFFED0] =	vst v6;
	v6 =	vld [tilespmem:s17+$0xFFFFFF20];
	v5 =	vmul.f32 $1.442695020e+00, v5;
	v4 =	vadd.f32 v4, v9  }
0x47c: {  	[tilespmem:s21+$0xFFFFFE90] =	vst v8;
	v8 =	vld [tilespmem:s15+$0xFFFFFF20];
	v3 =	vadd.f32 v3, v12  }
0x47d: {  	(erf) = vpow2.f32 v5;
	v5 =	vld [tilespmem:s15+$0xFFFFFF60];
	v4 =	vmax.f32 v4, $0.0e+00  }
0x47e: {  	[tilespmem:s21+$0xFFFFFF10] =	vst v7;
	v9 =	vld [tilespmem:s17+$0xFFFFFF60];
	v7 =	vpop (erf);
	v4 =	vadd.f32 $1.000000010e-07, v4;
	v3 =	vmax.f32 v3, $0.0e+00  }
0x47f: {  	[tilespmem:s21+$0xFFFFFF50] =	vst v13;
	v1 =	vmul.f32 v7, v1;
	v10 =	vadd.f32 v11, v10;
	v3 =	vadd.f32 $1.000000010e-07, v3  }
0x480: {  	v12 =	vld [tilespmem:s17+$0xFFFFFFA0];
	[tilespmem:s21+$0xFFFFFFE0] =	vst v7;
	v7 =	vmul.f32 v4, v0  }
0x481: {  	v11 =	vld [tilespmem:s15+$0xFFFFFFA0];
	[tilespmem:s21+$0xFFFFFFA0] =	vst v1;
	v10 =	vmax.f32 v10, $0.0e+00;
	v1 =	vmul.f32 v3, v0  }
0x482: {  	v6 =	vadd.f32 v6, v8;
	v8 =	vld [tilespmem:s15+$0xFFFFFFF0];
	v10 =	vadd.f32 $1.000000010e-07, v10;
	v7 =	vmul.f32 $1.442695020e+00, v7  }
0x483: {  	v5 =	vadd.f32 v9, v5;
	v13 =	vld [tilespmem:s17+$0xFFFFFFF0];
	v1 =	vmul.f32 $1.442695020e+00, v1  }
0x484: {  	v6 =	vmax.f32 v6, $0.0e+00;
	(erf) = vpow2.f32 v7;
	v7 =	vmul.f32 v10, v0  }
0x485: {  	v6 =	vadd.f32 $1.000000010e-07, v6;
	v5 =	vmax.f32 v5, $0.0e+00  }
0x486: {  	v9 =	vadd.f32 v12, v11;
	(erf) = vpow2.f32 v1;
	v7 =	vmul.f32 $1.442695020e+00, v7  }
0x487: {  	v5 =	vadd.f32 $1.000000010e-07, v5;
	v11 =	vmul.f32 v6, v0  }
0x488: {  	v9 =	vmax.f32 v9, $0.0e+00;
	v8 =	vadd.f32 v13, v8;
	v1 =	vpop (erf);
	(erf) = vpow2.f32 v7  }
0x489: {  	v9 =	vadd.f32 $1.000000010e-07, v9;
	v7 =	vmul.f32 v5, v0;
	v2 =	vmul.f32 v1, v2  }
0x48a: {  	v8 =	vmax.f32 v8, $0.0e+00;
	[tilespmem:s21+$0xFFFFFCE0] =	vst v1;
	v1 =	vmul.f32 $1.442695020e+00, v11  }
0x48b: {  	v8 =	vadd.f32 $1.000000010e-07, v8;
	[tilespmem:s21+$0xFFFFFCA0] =	vst v2;
	v2 =	vmul.f32 $1.442695020e+00, v7;
	v7 =	vmul.f32 v9, v0  }
0x48c: {  	(erf) = vpow2.f32 v1;
	v11 =	vld [tilespmem:s15+$0xFFFFFE70]  }
0x48d: {  	v1 =	vmul.f32 v8, v0;
	v12 =	vld [tilespmem:s17+$0xFFFFFE70];
	v7 =	vmul.f32 $1.442695020e+00, v7;
	v13 =	vpop (erf)  }
0x48e: {  	(erf) = vpow2.f32 v2;
	v2 =	vmul.f32 v13, v4  }
0x48f: {  	s14 =	simm.s32 $0x23D0;
	v1 =	vmul.f32 $1.442695020e+00, v1;
	[tilespmem:s21+$0xFFFFFD60] =	vst v13;
	v4 =	vpop (erf)  }
0x490: {  	v16 =	vld [tilespmem:s14+$0xFFFFFFD0];
	(erf) = vpow2.f32 v7;
	[tilespmem:s21+$0xFFFFFD20] =	vst v2;
	v2 =	vmul.f32 v4, v3  }
0x491: {  	(erf) = vpow2.f32 v1;
	[tilespmem:s21+$0xFFFFFDE0] =	vst v4;
	v1 =	vld [tilespmem:s15+$0xFFFFFEB0];
	v3 =	vpop (erf)  }
0x492: {  	v4 =	vadd.f32 v12, v11;
	v7 =	vld [tilespmem:s17+$0xFFFFFEB0];
	[tilespmem:s21+$0xFFFFFDA0] =	vst v2;
	v2 =	vmul.f32 v3, v10  }
0x493: {  	[tilespmem:s21+$0xFFFFFC60] =	vst v3;
	v10 =	vld [tilespmem:s15+$0xFFFFFEF0]  }
0x494: {  	v3 =	vmax.f32 v4, $0.0e+00;
	v4 =	vld [tilespmem:s17+$0xFFFFFEF0];
	[tilespmem:s21+$0xFFFFFC20] =	vst v2  }
0x495: {  	v2 =	vld [tilespmem:s15+$0xFFFFFE30]  }
0x496: {  	v12 =	vld [tilespmem:s17+$0xFFFFFE30]  }
0x497: {  	s22 =	simm.s32 $0xFD0;
	v17 =	vld [tilespmem:s14+$0xFFFFFE10];
	v11 =	vpop (erf);
	v1 =	vadd.f32 v7, v1  }
0x498: {  	v14 =	vpop (erf);
	v7 =	vld [tilespmem:s22+$0xFFFFFFD0]  }
0x499: {  	v19 =	vld [tilespmem:s14+$0xFFFFFE50];
	v3 =	vadd.f32 $1.000000010e-07, v3;
	v15 =	vpop (erf);
	v1 =	vmax.f32 v1, $0.0e+00  }
0x49a: {  	v20 =	vld [tilespmem:s14+$0xFFFFFE90];
	v6 =	vmul.f32 v11, v6;
	v4 =	vadd.f32 v4, v10;
	v18 =	vpop (erf);
	v1 =	vadd.f32 $1.000000010e-07, v1  }
0x49b: {  	v22 =	vld [tilespmem:s22+$0xFFFFFF10];
	[tilespmem:s21+$0xFFFFFE60] =	vst v11;
	v8 =	vmul.f32 v18, v8;
	v12 =	vadd.f32 v12, v2  }
0x49c: {  	v11 =	vld [tilespmem:s22+$0xFFFFFE10];
	v13 =	vmul.f32 v3, v0;
	[tilespmem:s21+$0xFFFFFE20] =	vst v6;
	v2 =	vmax.f32 v4, $0.0e+00;
	v4 =	vmul.f32 v1, v0  }
0x49d: {  	v10 =	vld [tilespmem:s22+$0xFFFFFE50];
	v2 =	vadd.f32 $1.000000010e-07, v2;
	v7 =	vadd.f32 v16, v7;
	[tilespmem:s21+$0xFFFFFFB0] =	vst v8;
	v8 =	vmax.f32 v12, $0.0e+00  }
0x49e: {  	v5 =	vmul.f32 v14, v5;
	v13 =	vmul.f32 $1.442695020e+00, v13;
	v6 =	vld [tilespmem:s15+$0xFFFFFF30];
	[tilespmem:s21+$0xFFFFFFF0] =	vst v18;
	v8 =	vadd.f32 $1.000000010e-07, v8  }
0x49f: {  	v12 =	vld [tilespmem:s15+$0x0];
	v4 =	vmul.f32 $1.442695020e+00, v4;
	v18 =	vmul.f32 v2, v0;
	v7 =	vmax.f32 v7, $0.0e+00  }
0x4a0: {  	(erf) = vpow2.f32 v13;
	v16 =	vld [tilespmem:s17+$0x0];
	v7 =	vadd.f32 $1.000000010e-07, v7;
	v21 =	vmul.f32 v8, v0  }
0x4a1: {  	[tilespmem:s21+$0xFFFFFEE0] =	vst v14;
	v14 =	vld [tilespmem:s17+$0xFFFFFF30];
	v18 =	vmul.f32 $1.442695020e+00, v18;
	(erf) = vpow2.f32 v4  }
0x4a2: {  	v13 =	vld [tilespmem:s22+$0xFFFFFE90];
	v10 =	vadd.f32 v19, v10;
	v23 =	vmul.f32 v7, v0;
	v21 =	vmul.f32 $1.442695020e+00, v21  }
0x4a3: {  	v11 =	vadd.f32 v17, v11;
	v19 =	vld [tilespmem:s22+$0xFFFFFED0];
	(erf) = vpow2.f32 v18  }
0x4a4: {  	v4 =	vld [tilespmem:s14+$0xFFFFFED0];
	v10 =	vmax.f32 v10, $0.0e+00;
	(erf) = vpow2.f32 v21;
	v21 =	vmul.f32 $1.442695020e+00, v23  }
0x4a5: {  	v11 =	vmax.f32 v11, $0.0e+00;
	v10 =	vadd.f32 $1.000000010e-07, v10;
	v18 =	vld [tilespmem:s14+$0xFFFFFF10];
	v12 =	vadd.f32 v16, v12  }
0x4a6: {  	v9 =	vmul.f32 v15, v9;
	v11 =	vadd.f32 $1.000000010e-07, v11;
	(erf) = vpow2.f32 v21  }
0x4a7: {  	v13 =	vadd.f32 v20, v13;
	v16 =	vld [tilespmem:s22+$0xFFFFFF50];
	v20 =	vmul.f32 v10, v0;
	v12 =	vmax.f32 v12, $0.0e+00  }
0x4a8: {  	v6 =	vadd.f32 v14, v6;
	v14 =	vmul.f32 v11, v0;
	v23 =	vld [tilespmem:s14+$0xFFFFFF50];
	v12 =	vadd.f32 $1.000000010e-07, v12  }
0x4a9: {  	v13 =	vmax.f32 v13, $0.0e+00;
	v4 =	vadd.f32 v4, v19;
	v20 =	vmul.f32 $1.442695020e+00, v20  }
0x4aa: {  	v13 =	vadd.f32 $1.000000010e-07, v13;
	v19 =	vld [tilespmem:s22+$0xFFFFFF90];
	v18 =	vadd.f32 v18, v22;
	v22 =	vmul.f32 v12, v0  }
0x4ab: {  	[tilespmem:s21+$0xFFFFFEA0] =	vst v5;
	v14 =	vmul.f32 $1.442695020e+00, v14;
	v24 =	vpop (erf);
	v21 =	vld [tilespmem:s14+$0xFFFFFF90];
	v4 =	vmax.f32 v4, $0.0e+00;
	(erf) = vpow2.f32 v20  }
0x4ac: {  	[tilespmem:s21+$0xFFFFFF20] =	vst v9;
	v20 =	vmul.f32 v13, v0;
	v5 =	vmax.f32 v18, $0.0e+00;
	v9 =	vpop (erf);
	v18 =	vmul.f32 $1.442695020e+00, v22  }
0x4ad: {  	[tilespmem:s21+$0xFFFFFF60] =	vst v15;
	v3 =	vmul.f32 v24, v3;
	v4 =	vadd.f32 $1.000000010e-07, v4;
	v16 =	vadd.f32 v23, v16;
	v23 =	vld [tilespmem:s15+$0xFFFFFF70];
	v15 =	vpop (erf)  }
0x4ae: {  	v20 =	vmul.f32 $1.442695020e+00, v20;
	(erf) = vpow2.f32 v18;
	v18 =	vld [tilespmem:s17+$0xFFFFFF70];
	v25 =	vpop (erf)  }
0x4af: {  	v22 =	vmul.f32 v4, v0;
	v5 =	vadd.f32 $1.000000010e-07, v5;
	v16 =	vmax.f32 v16, $0.0e+00;
	v28 =	vpop (erf)  }
0x4b0: {  	s12 =	simm.s32 $0x45D0;
	v26 =	vld [tilespmem:s17+$0xFFFFFFB0];
	v19 =	vadd.f32 v21, v19;
	v16 =	vadd.f32 $1.000000010e-07, v16;
	v7 =	vmul.f32 v28, v7  }
0x4b1: {  	v21 =	vld [tilespmem:s15+$0xFFFFFFB0];
	v17 =	vmul.f32 v5, v0;
	v22 =	vmul.f32 $1.442695020e+00, v22;
	[tilespmem:s12+$0xFFFFFFD0] =	vst v28  }
0x4b2: {  	v19 =	vmax.f32 v19, $0.0e+00;
	(erf) = vpow2.f32 v20;
	v27 =	vmul.f32 v16, v0;
	[tilespmem:s12+$0xFFFFFF90] =	vst v7  }
0x4b3: {  	v19 =	vadd.f32 $1.000000010e-07, v19;
	v17 =	vmul.f32 $1.442695020e+00, v17;
	v7 =	vadd.f32 v18, v23;
	v20 =	vld [tilespmem:s22+$0xFFFFFFE0]  }
0x4b4: {  	(erf) = vpow2.f32 v22;
	v27 =	vmul.f32 $1.442695020e+00, v27;
	v23 =	vld [tilespmem:s14+$0xFFFFFFE0]  }
0x4b5: {  	[tilespmem:s21+$0xFFFFFCB0] =	vst v3;
	v3 =	vmax.f32 v6, $0.0e+00;
	v29 =	vmul.f32 v19, v0;
	v22 =	vpop (erf);
	(erf) = vpow2.f32 v17  }
0x4b6: {  	[tilespmem:s21+$0xFFFFFCF0] =	vst v24;
	v21 =	vadd.f32 v26, v21;
	v10 =	vmul.f32 v22, v10;
	(erf) = vpow2.f32 v27  }
0x4b7: {  	v17 =	vld [tilespmem:s15+$0xFFFFFE80];
	[tilespmem:s12+$0xFFFFFCD0] =	vst v22;
	v18 =	vmul.f32 $1.442695020e+00, v29;
	(erf) = vpow2.f32 v14;
	v22 =	vmax.f32 v7, $0.0e+00;
	v7 =	vpop (erf)  }
0x4b8: {  	v14 =	vmax.f32 v21, $0.0e+00;
	v21 =	vld [tilespmem:s17+$0xFFFFFE80];
	[tilespmem:s12+$0xFFFFFC90] =	vst v10;
	v6 =	vmul.f32 v7, v12;
	v12 =	vadd.f32 $1.000000010e-07, v22  }
0x4b9: {  	v8 =	vmul.f32 v25, v8;
	v10 =	vadd.f32 $1.000000010e-07, v3;
	v3 =	vld [tilespmem:s22+$0xFFFFFE60];
	v20 =	vadd.f32 v23, v20  }
0x4ba: {  	(erf) = vpow2.f32 v18;
	v18 =	vld [tilespmem:s14+$0xFFFFFE60];
	v23 =	vmul.f32 v12, v0  }
0x4bb: {  	[tilespmem:s21+$0xFFFFFC70] =	vst v25;
	v22 =	vmul.f32 v10, v0  }
0x4bc: {  	v1 =	vmul.f32 v9, v1;
	[tilespmem:s21+$0xFFFFFC30] =	vst v8;
	v8 =	vmul.f32 v15, v2;
	v14 =	vadd.f32 $1.000000010e-07, v14  }
0x4bd: {  	[tilespmem:s21+$0xFFFFFD70] =	vst v9;
	v24 =	vld [tilespmem:s15+$0xFFFFFE40];
	v17 =	vadd.f32 v21, v17;
	v22 =	vmul.f32 $1.442695020e+00, v22;
	v9 =	vmax.f32 v20, $0.0e+00;
	v20 =	vpop (erf)  }
0x4be: {  	[tilespmem:s21+$0xFFFFFD30] =	vst v1;
	v25 =	vld [tilespmem:s17+$0xFFFFFE40];
	v1 =	vmul.f32 $1.442695020e+00, v23;
	v9 =	vadd.f32 $1.000000010e-07, v9;
	v13 =	vmul.f32 v20, v13;
	v23 =	vpop (erf)  }
0x4bf: {  	v2 =	vmul.f32 v14, v0;
	v3 =	vadd.f32 v18, v3;
	v18 =	vld [tilespmem:s17+$0xFFFFFEC0];
	[tilespmem:s12+$0xFFFFFD50] =	vst v20;
	v4 =	vmul.f32 v23, v4  }
0x4c0: {  	v17 =	vmax.f32 v17, $0.0e+00;
	(erf) = vpow2.f32 v22;
	v20 =	vld [tilespmem:s15+$0xFFFFFEC0];
	[tilespmem:s12+$0xFFFFFD10] =	vst v13;
	v13 =	vmul.f32 v9, v0  }
0x4c1: {  	v2 =	vmul.f32 $1.442695020e+00, v2;
	(erf) = vpow2.f32 v1;
	v1 =	vadd.f32 $1.000000010e-07, v17;
	v21 =	vpop (erf);
	[tilespmem:s12+$0xFFFFFDD0] =	vst v23;
	v23 =	vld [tilespmem:s22+$0xFFFFFEA0]  }
0x4c2: {  	v3 =	vmax.f32 v3, $0.0e+00;
	v22 =	vpop (erf);
	[tilespmem:s12+$0xFFFFFD90] =	vst v4;
	v17 =	vld [tilespmem:s14+$0xFFFFFEA0];
	v13 =	vmul.f32 $1.442695020e+00, v13  }
0x4c3: {  	v26 =	vadd.f32 $1.000000010e-07, v3;
	(erf) = vpow2.f32 v2;
	v3 =	vmul.f32 v1, v0;
	v27 =	vld [tilespmem:s22+$0xFFFFFEE0];
	v4 =	vpop (erf)  }
0x4c4: {  	[tilespmem:s21+$0xFFFFFDF0] =	vst v15;
	v2 =	vadd.f32 v25, v24;
	v15 =	vld [tilespmem:s14+$0xFFFFFEE0];
	v11 =	vmul.f32 v4, v11;
	(erf) = vpow2.f32 v13  }
0x4c5: {  	v5 =	vmul.f32 v21, v5;
	v18 =	vadd.f32 v18, v20;
	v13 =	vmul.f32 v22, v16;
	[tilespmem:s12+$0xFFFFFC50] =	vst v4  }
0x4c6: {  	v2 =	vmax.f32 v2, $0.0e+00;
	v4 =	vmul.f32 $1.442695020e+00, v3;
	[tilespmem:s12+$0xFFFFFC10] =	vst v11;
	v11 =	vmul.f32 v26, v0  }
0x4c7: {  	[tilespmem:s12+$0xFFFFFE10] =	vst v5;
	v16 =	vpop (erf);
	v3 =	vadd.f32 $1.000000010e-07, v2;
	v18 =	vmax.f32 v18, $0.0e+00;
	v17 =	vadd.f32 v17, v23;
	v5 =	vld [tilespmem:s22+$0xFFFFFE20]  }
0x4c8: {  	[tilespmem:s12+$0xFFFFFE50] =	vst v21;
	v19 =	vmul.f32 v16, v19;
	v2 =	vadd.f32 $1.000000010e-07, v18;
	v20 =	vld [tilespmem:s14+$0xFFFFFE20];
	v11 =	vmul.f32 $1.442695020e+00, v11  }
0x4c9: {  	(erf) = vpow2.f32 v4;
	[tilespmem:s12+$0xFFFFFE90] =	vst v13;
	v15 =	vadd.f32 v15, v27;
	v13 =	vmax.f32 v17, $0.0e+00;
	v17 =	vld [tilespmem:s22+$0xFFFFFF20]  }
0x4ca: {  	[tilespmem:s12+$0xFFFFFED0] =	vst v22;
	v18 =	vmul.f32 v3, v0;
	v4 =	vpop (erf);
	(erf) = vpow2.f32 v11;
	v11 =	vadd.f32 $1.000000010e-07, v13;
	v13 =	vld [tilespmem:s14+$0xFFFFFF20]  }
0x4cb: {  	[tilespmem:s12+$0xFFFFFF10] =	vst v19;
	v19 =	vld [tilespmem:s22+$0xFFFFFF60];
	v22 =	vmul.f32 v2, v0;
	v21 =	vpop (erf);
	v15 =	vmax.f32 v15, $0.0e+00  }
0x4cc: {  	[tilespmem:s12+$0xFFFFFF50] =	vst v16;
	v23 =	vld [tilespmem:s14+$0xFFFFFF60];
	v18 =	vmul.f32 $1.442695020e+00, v18;
	v10 =	vmul.f32 v4, v10;
	v15 =	vadd.f32 $1.000000010e-07, v15;
	v24 =	vpop (erf)  }
0x4cd: {  	[tilespmem:s21+$0xFFFFFDB0] =	vst v8;
	v8 =	vld [tilespmem:s22+$0xFFFFFFA0];
	v12 =	vmul.f32 v21, v12;
	v16 =	vmul.f32 v11, v0;
	v5 =	vadd.f32 v20, v5;
	v20 =	vpop (erf)  }
0x4ce: {  	v25 =	vld [tilespmem:s14+$0xFFFFFFA0];
	[tilespmem:s21+$0xFFFFFE70] =	vst v4;
	v4 =	vmul.f32 v15, v0;
	v9 =	vmul.f32 v20, v9  }
0x4cf: {  	v22 =	vmul.f32 $1.442695020e+00, v22;
	v16 =	vmul.f32 $1.442695020e+00, v16;
	[tilespmem:s12+$0xFFFFFFE0] =	vst v20;
	v13 =	vadd.f32 v13, v17;
	v17 =	vld [tilespmem:s15+$0xFFFFFF00]  }
0x4d0: {  	v14 =	vmul.f32 v24, v14;
	(erf) = vpow2.f32 v18;
	v5 =	vmax.f32 v5, $0.0e+00;
	[tilespmem:s12+$0xFFFFFFA0] =	vst v9;
	v9 =	vld [tilespmem:s17+$0xFFFFFF00]  }
0x4d1: {  	[tilespmem:s21+$0xFFFFFE30] =	vst v10;
	v20 =	vadd.f32 $1.000000010e-07, v5;
	v5 =	vmul.f32 $1.442695020e+00, v4;
	v10 =	vmax.f32 v13, $0.0e+00;
	v18 =	vld [tilespmem:s22+$0xFFFFFFF0]  }
0x4d2: {  	(erf) = vpow2.f32 v16;
	v4 =	vpop (erf);
	v13 =	vadd.f32 v23, v19;
	v19 =	vadd.f32 $1.000000010e-07, v10;
	v10 =	vld [tilespmem:s14+$0xFFFFFFF0]  }
0x4d3: {  	[tilespmem:s21+$0xFFFFFEB0] =	vst v12;
	v12 =	vmul.f32 v20, v0;
	(erf) = vpow2.f32 v5;
	v16 =	vpop (erf)  }
0x4d4: {  	[tilespmem:s21+$0xFFFFFEF0] =	vst v21;
	v8 =	vadd.f32 v25, v8;
	(erf) = vpow2.f32 v22;
	v5 =	vmul.f32 v16, v26  }
0x4d5: {  	v21 =	vld [tilespmem:s15+$0xFFFFFF40];
	v13 =	vmax.f32 v13, $0.0e+00;
	v12 =	vmul.f32 $1.442695020e+00, v12;
	[tilespmem:s12+$0xFFFFFCE0] =	vst v16;
	v16 =	vmul.f32 v19, v0  }
0x4d6: {  	v23 =	vld [tilespmem:s17+$0xFFFFFF40];
	v13 =	vadd.f32 $1.000000010e-07, v13;
	[tilespmem:s12+$0xFFFFFCA0] =	vst v5;
	v5 =	vmax.f32 v8, $0.0e+00;
	v8 =	vadd.f32 v9, v17  }
0x4d7: {  	v9 =	vmul.f32 $1.442695020e+00, v16;
	v22 =	vld [tilespmem:s22+$0xFFFFFE70];
	v25 =	vadd.f32 $1.000000010e-07, v5;
	v10 =	vadd.f32 v10, v18  }
0x4d8: {  	[tilespmem:s21+$0x0] =	vst v7;
	(erf) = vpow2.f32 v12;
	v16 =	vmul.f32 v13, v0;
	v26 =	vld [tilespmem:s14+$0xFFFFFE70]  }
0x4d9: {  	[tilespmem:s21+$0xFFFFFF70] =	vst v24;
	v17 =	vld [tilespmem:s15+$0xFFFFFF80];
	v5 =	vmax.f32 v8, $0.0e+00;
	v12 =	vmul.f32 v25, v0;
	v7 =	vmax.f32 v10, $0.0e+00  }
0x4da: {  	[tilespmem:s21+$0xFFFFFF30] =	vst v14;
	v8 =	vmul.f32 $1.442695020e+00, v16;
	v16 =	vld [tilespmem:s17+$0xFFFFFF80];
	(erf) = vpow2.f32 v9;
	v5 =	vadd.f32 $1.000000010e-07, v5  }
0x4db: {  	[tilespmem:s21+$0xFFFFFFC0] =	vst v6;
	v18 =	vld [tilespmem:s15+$0xFFFFFFC0];
	v10 =	vadd.f32 v23, v21;
	v9 =	vpop (erf);
	v14 =	vadd.f32 $1.000000010e-07, v7;
	v6 =	vmul.f32 $1.442695020e+00, v12  }
0x4dc: {  	v12 =	vmul.f32 v5, v0;
	v7 =	vpop (erf);
	(erf) = vpow2.f32 v8;
	v8 =	vld [tilespmem:s17+$0xFFFFFFC0]  }
0x4dd: {  	v10 =	vmax.f32 v10, $0.0e+00;
	v21 =	vadd.f32 v26, v22;
	v22 =	vmul.f32 v14, v0  }
0x4de: {  	v11 =	vmul.f32 v7, v11;
	[tilespmem:s12+$0xFFFFFD60] =	vst v7;
	v7 =	vpop (erf);
	(erf) = vpow2.f32 v6  }
0x4df: {  	v16 =	vadd.f32 v16, v17;
	v23 =	vmul.f32 v7, v15;
	[tilespmem:s12+$0xFFFFFDE0] =	vst v7;
	v7 =	vmax.f32 v21, $0.0e+00  }
0x4e0: {  	v6 =	vadd.f32 $1.000000010e-07, v10;
	v17 =	vmul.f32 $1.442695020e+00, v22;
	v10 =	vpop (erf);
	[tilespmem:s12+$0xFFFFFD20] =	vst v11;
	v11 =	vadd.f32 $1.000000010e-07, v7  }
0x4e1: {  	[tilespmem:s21+$0xFFFFFD00] =	vst v4;
	v15 =	vmul.f32 $1.442695020e+00, v12;
	v7 =	vmax.f32 v16, $0.0e+00;
	v21 =	vld [tilespmem:s22+$0xFFFFFEB0];
	v16 =	vadd.f32 v8, v18;
	v18 =	vpop (erf)  }
0x4e2: {  	v12 =	vld [tilespmem:s14+$0xFFFFFEB0];
	[tilespmem:s12+$0xFFFFFDA0] =	vst v23;
	v22 =	vmul.f32 v11, v0;
	v20 =	vmul.f32 v18, v20  }
0x4e3: {  	(erf) = vpow2.f32 v17;
	v23 =	vld [tilespmem:s22+$0xFFFFFEF0];
	v8 =	vadd.f32 $1.000000010e-07, v7;
	[tilespmem:s12+$0xFFFFFC60] =	vst v18  }
0x4e4: {  	v17 =	vmul.f32 v6, v0;
	v24 =	vld [tilespmem:s14+$0xFFFFFEF0];
	v18 =	vpop (erf);
	[tilespmem:s12+$0xFFFFFC20] =	vst v20;
	v20 =	vmul.f32 $1.442695020e+00, v22  }
0x4e5: {  	[tilespmem:s21+$0xFFFFFC80] =	vst v9;
	v7 =	vmax.f32 v16, $0.0e+00;
	v26 =	vmul.f32 v8, v0;
	v19 =	vmul.f32 v18, v19  }
0x4e6: {  	[tilespmem:s21+$0xFFFFFD80] =	vst v10;
	v16 =	vmul.f32 $1.442695020e+00, v17;
	v7 =	vadd.f32 $1.000000010e-07, v7;
	v22 =	vpop (erf)  }
0x4e7: {  	v17 =	vld [tilespmem:s22+$0xFFFFFE30];
	v12 =	vadd.f32 v12, v21;
	[tilespmem:s12+$0xFFFFFE20] =	vst v19;
	v19 =	vmul.f32 $1.442695020e+00, v26;
	v27 =	vmul.f32 v22, v13  }
0x4e8: {  	[tilespmem:s12+$0xFFFFFE60] =	vst v18;
	v21 =	vld [tilespmem:s14+$0xFFFFFE30];
	v18 =	vmul.f32 v7, v0;
	(erf) = vpow2.f32 v20;
	v20 =	vpop (erf)  }
0x4e9: {  	s16 =	simm.s32 $0x8;
	s15 =	simm.s32 $0x23D0;
	s17 =	simm.s32 $0x11D0;
	v23 =	vadd.f32 v24, v23;
	v13 =	vmax.f32 v12, $0.0e+00;
	v12 =	vld [tilespmem:s22+$0xFFFFFF30];
	[tilespmem:s12+$0xFFFFFEA0] =	vst v27;
	v24 =	vmul.f32 v20, v25  }
.LBB2_9:
0x4ea: {  	v25 =	vld [tilespmem:s17+$0xFFFFFFD0];
	v13 =	vadd.f32 $1.000000010e-07, v13;
	[tilespmem:s12+$0xFFFFFEE0] =	vst v22;
	s14 =	sadd.s32 $0x200, s14;
	v9 =	vmul.f32 v9, v3;
	(erf) = vpow2.f32 v15  }
0x4eb: {  	v18 =	vmul.f32 $1.442695020e+00, v18;
	v15 =	vld [tilespmem:s14+$0xFFFFFFD0];
	v3 =	vmax.f32 v23, $0.0e+00;
	[tilespmem:s12+$0xFFFFFF20] =	vst v24;
	(erf) = vpow2.f32 v16  }
0x4ec: {  	v16 =	vld [tilespmem:s14+$0xFFFFFE10];
	v22 =	vmul.f32 v13, v0;
	v3 =	vadd.f32 $1.000000010e-07, v3;
	[tilespmem:s12+$0xFFFFFF60] =	vst v20;
	v20 =	vpop (erf);
	(erf) = vpow2.f32 v19  }
0x4ed: {  	v19 =	vld [tilespmem:s17+$0xFFFFFE50];
	v17 =	vadd.f32 v21, v17;
	v14 =	vmul.f32 v20, v14;
	[tilespmem:s21+$0xFFFFFC40] =	vst v9;
	(erf) = vpow2.f32 v18  }
0x4ee: {  	s16 =	sadd.s32 $0x8, s16;
	v9 =	vld [tilespmem:s14+$0xFFFFFE50];
	v18 =	vmul.f32 $1.442695020e+00, v22;
	v22 =	vmul.f32 v3, v0;
	[tilespmem:s12+$0xFFFFFFF0] =	vst v20  }
0x4ef: {  	v4 =	vmul.f32 v4, v1;
	v2 =	vmul.f32 v10, v2;
	p0 =	slt.u32 s16, $0x20;
	v20 =	vld [tilespmem:s17+$0xFFFFFE90];
	v17 =	vmax.f32 v17, $0.0e+00;
	[tilespmem:s12+$0xFFFFFFB0] =	vst v14  }
0x4f0: {  	v10 =	vadd.f32 v15, v25;
	v1 =	vadd.f32 $1.000000010e-07, v17;
	v14 =	vmul.f32 $1.442695020e+00, v22;
	v15 =	vld [tilespmem:s22+$0x0]  }
0x4f1: {  	v17 =	vld [tilespmem:s15+$0x0];
	v21 =	vpop (erf);
	(erf) = vpow2.f32 v18;
	[tilespmem:s21+$0xFFFFFCC0] =	vst v4  }
0x4f2: {  	v4 =	vld [tilespmem:s14+$0xFFFFFE90];
	v10 =	vmax.f32 v10, $0.0e+00;
	v18 =	vmul.f32 v1, v0;
	[tilespmem:s12+$0xFFFFFCF0] =	vst v21;
	(erf) = vpow2.f32 v14  }
0x4f3: {  	v23 =	vmul.f32 v21, v11;
	v9 =	vadd.f32 v9, v19;
	v14 =	vld [tilespmem:s17+$0xFFFFFED0];
	v10 =	vadd.f32 $1.000000010e-07, v10;
	[tilespmem:s21+$0xFFFFFD40] =	vst v2;
	v2 =	vpop (erf)  }
0x4f4: {  	v19 =	vld [tilespmem:s14+$0xFFFFFED0];
	v18 =	vmul.f32 $1.442695020e+00, v18;
	v24 =	vmul.f32 v2, v5;
	[tilespmem:s21+$0xFFFFFE00] =	vst v2;
	v2 =	vpop (erf)  }
0x4f5: {  	v9 =	vmax.f32 v9, $0.0e+00;
	v21 =	vld [tilespmem:s17+$0xFFFFFF10];
	v22 =	vmul.f32 v10, v0;
	[tilespmem:s12+$0xFFFFFCB0] =	vst v23;
	v6 =	vmul.f32 v2, v6;
	v11 =	vpop (erf)  }
0x4f6: {  	v9 =	vadd.f32 $1.000000010e-07, v9;
	v23 =	vld [tilespmem:s14+$0xFFFFFF10];
	v15 =	vadd.f32 v17, v15;
	(erf) = vpow2.f32 v18;
	[tilespmem:s21+$0xFFFFFDC0] =	vst v24;
	v5 =	vpop (erf)  }
0x4f7: {  	v4 =	vadd.f32 v4, v20;
	v17 =	vld [tilespmem:s17+$0xFFFFFF50];
	v22 =	vmul.f32 $1.442695020e+00, v22;
	[tilespmem:s21+$0xFFFFFE40] =	vst v6;
	v6 =	vmul.f32 v11, v8  }
0x4f8: {  	v8 =	vmul.f32 v9, v0;
	v20 =	vld [tilespmem:s14+$0xFFFFFF50];
	v15 =	vmax.f32 v15, $0.0e+00;
	[tilespmem:s21+$0xFFFFFE80] =	vst v2;
	v2 =	vmul.f32 v5, v7  }
0x4f9: {  	v7 =	vadd.f32 v19, v14;
	v14 =	vld [tilespmem:s17+$0xFFFFFF90];
	(erf) = vpow2.f32 v22;
	v15 =	vadd.f32 $1.000000010e-07, v15;
	[tilespmem:s21+$0xFFFFFEC0] =	vst v6  }
0x4fa: {  	v4 =	vmax.f32 v4, $0.0e+00;
	v6 =	vmul.f32 $1.442695020e+00, v8;
	v8 =	vld [tilespmem:s14+$0xFFFFFF90];
	v18 =	vpop (erf);
	[tilespmem:s21+$0xFFFFFF40] =	vst v2  }
0x4fb: {  	v2 =	vld [tilespmem:s17+$0xFFFFFE10];
	v7 =	vmax.f32 v7, $0.0e+00;
	v19 =	vadd.f32 v23, v21;
	[tilespmem:s12+$0xFFFFFD70] =	vst v18;
	v21 =	vmul.f32 v15, v0;
	v22 =	vpop (erf)  }
0x4fc: {  	v4 =	vadd.f32 $1.000000010e-07, v4;
	v7 =	vadd.f32 $1.000000010e-07, v7;
	(erf) = vpow2.f32 v6;
	[tilespmem:s12+$0xFFFFFDF0] =	vst v22;
	v6 =	vld [tilespmem:s15+$0xFFFFFF30]  }
0x4fd: {  	v19 =	vmax.f32 v19, $0.0e+00;
	v25 =	vadd.f32 v20, v17;
	v20 =	vld [tilespmem:s22+$0xFFFFFF70];
	v21 =	vmul.f32 $1.442695020e+00, v21;
	[tilespmem:s21+$0xFFFFFF00] =	vst v11  }
0x4fe: {  	v11 =	vmul.f32 v4, v0;
	v23 =	vmul.f32 v7, v0;
	v19 =	vadd.f32 $1.000000010e-07, v19;
	v24 =	vld [tilespmem:s15+$0xFFFFFF70];
	[tilespmem:s21+$0xFFFFFF80] =	vst v5;
	s21 =	smov.u32 s12  }
0x4ff: {  	v5 =	vmax.f32 v25, $0.0e+00;
	v8 =	vadd.f32 v8, v14;
	v14 =	vld [tilespmem:s22+$0xFFFFFFB0];
	v17 =	vpop (erf);
	(erf) = vpow2.f32 v21  }
0x500: {  	v2 =	vadd.f32 v16, v2;
	v16 =	vmul.f32 v19, v0;
	v5 =	vadd.f32 $1.000000010e-07, v5;
	[tilespmem:s12+$0xFFFFFC70] =	vst v17;
	v21 =	vld [tilespmem:s15+$0xFFFFFFB0]  }
0x501: {  	v11 =	vmul.f32 $1.442695020e+00, v11;
	v23 =	vmul.f32 $1.442695020e+00, v23;
	v8 =	vmax.f32 v8, $0.0e+00;
	v25 =	vld [tilespmem:s22+$0xFFFFFE80]  }
0x502: {  	v2 =	vmax.f32 v2, $0.0e+00;
	v26 =	vmul.f32 v5, v0;
	v8 =	vadd.f32 $1.000000010e-07, v8;
	v27 =	vpop (erf);
	v28 =	vld [tilespmem:s15+$0xFFFFFE80]  }
0x503: {  	s12 =	sadd.s32 $0x400, s12;
	v16 =	vmul.f32 $1.442695020e+00, v16;
	v2 =	vadd.f32 $1.000000010e-07, v2;
	v30 =	vmul.f32 v27, v10  }
0x504: {  	v6 =	vadd.f32 v6, v12;
	v26 =	vmul.f32 $1.442695020e+00, v26;
	v29 =	vmul.f32 v8, v0;
	[tilespmem:s12+$0xFFFFFFD0] =	vst v27  }
0x505: {  	v27 =	vadd.f32 v24, v20;
	v12 =	vmul.f32 v2, v0;
	[tilespmem:s12+$0xFFFFFF90] =	vst v30;
	v10 =	vpop (erf);
	(erf) = vpow2.f32 v11  }
0x506: {  	v14 =	vadd.f32 v21, v14;
	[tilespmem:s12+$0xFFFFFCD0] =	vst v10;
	v20 =	vmul.f32 $1.442695020e+00, v29;
	v24 =	vld [tilespmem:s17+$0xFFFFFFE0];
	(erf) = vpow2.f32 v23  }
0x507: {  	v6 =	vmax.f32 v6, $0.0e+00;
	v12 =	vmul.f32 $1.442695020e+00, v12;
	v21 =	vld [tilespmem:s14+$0xFFFFFFE0];
	(erf) = vpow2.f32 v16  }
0x508: {  	v9 =	vmul.f32 v10, v9;
	v10 =	vmax.f32 v27, $0.0e+00;
	(erf) = vpow2.f32 v26;
	v11 =	vpop (erf)  }
0x509: {  	(erf) = vpow2.f32 v12;
	v12 =	vmax.f32 v14, $0.0e+00;
	v14 =	vmul.f32 v11, v15;
	[tilespmem:s21+$0x0] =	vst v11  }
0x50a: {  	v6 =	vadd.f32 $1.000000010e-07, v6;
	[tilespmem:s12+$0xFFFFFC90] =	vst v9;
	(erf) = vpow2.f32 v20;
	v9 =	vadd.f32 $1.000000010e-07, v10  }
0x50b: {  	v1 =	vmul.f32 v17, v1;
	v11 =	vmul.f32 v18, v13;
	v12 =	vadd.f32 $1.000000010e-07, v12;
	v10 =	vld [tilespmem:s17+$0xFFFFFE60];
	[tilespmem:s21+$0xFFFFFFC0] =	vst v14  }
0x50c: {  	v15 =	vmul.f32 v6, v0;
	v13 =	vld [tilespmem:s14+$0xFFFFFE60];
	v14 =	vadd.f32 v21, v24;
	v21 =	vmul.f32 v9, v0  }
0x50d: {  	v17 =	vmul.f32 v22, v3;
	v3 =	vmul.f32 v12, v0;
	[tilespmem:s21+$0xFFFFFC30] =	vst v1;
	v1 =	vadd.f32 v28, v25  }
0x50e: {  	v14 =	vmax.f32 v14, $0.0e+00;
	v18 =	vpop (erf);
	v20 =	vld [tilespmem:s22+$0xFFFFFE40];
	[tilespmem:s21+$0xFFFFFD30] =	vst v11;
	v11 =	vmul.f32 $1.442695020e+00, v15;
	v15 =	vmul.f32 $1.442695020e+00, v21  }
0x50f: {  	v3 =	vmul.f32 $1.442695020e+00, v3;
	v4 =	vmul.f32 v18, v4;
	[tilespmem:s12+$0xFFFFFD50] =	vst v18;
	v14 =	vadd.f32 $1.000000010e-07, v14;
	v16 =	vpop (erf);
	v18 =	vld [tilespmem:s15+$0xFFFFFE40]  }
0x510: {  	v1 =	vmax.f32 v1, $0.0e+00;
	v23 =	vmul.f32 v16, v7;
	[tilespmem:s12+$0xFFFFFDD0] =	vst v16;
	v16 =	vpop (erf);
	v21 =	vld [tilespmem:s22+$0xFFFFFEC0];
	(erf) = vpow2.f32 v11  }
0x511: {  	v10 =	vadd.f32 v13, v10;
	[tilespmem:s12+$0xFFFFFD10] =	vst v4;
	v4 =	vmul.f32 v16, v19;
	v24 =	vmul.f32 v14, v0;
	v13 =	vpop (erf);
	v19 =	vld [tilespmem:s15+$0xFFFFFEC0]  }
0x512: {  	v1 =	vadd.f32 $1.000000010e-07, v1;
	v22 =	vld [tilespmem:s17+$0xFFFFFEA0];
	[tilespmem:s12+$0xFFFFFD90] =	vst v23;
	v5 =	vmul.f32 v13, v5;
	v7 =	vpop (erf);
	(erf) = vpow2.f32 v15  }
0x513: {  	v2 =	vmul.f32 v7, v2;
	v10 =	vmax.f32 v10, $0.0e+00;
	v15 =	vld [tilespmem:s14+$0xFFFFFEA0];
	[tilespmem:s12+$0xFFFFFE10] =	vst v4;
	v4 =	vmul.f32 $1.442695020e+00, v24;
	v11 =	vpop (erf)  }
0x514: {  	v10 =	vadd.f32 $1.000000010e-07, v10;
	v23 =	vld [tilespmem:s17+$0xFFFFFEE0];
	[tilespmem:s12+$0xFFFFFE90] =	vst v5;
	v5 =	vmul.f32 v11, v8;
	(erf) = vpow2.f32 v3  }
0x515: {  	v3 =	vmul.f32 v1, v0;
	[tilespmem:s12+$0xFFFFFC10] =	vst v2;
	v8 =	vld [tilespmem:s14+$0xFFFFFEE0];
	(erf) = vpow2.f32 v4;
	v2 =	vadd.f32 v18, v20  }
0x516: {  	v4 =	vmul.f32 v10, v0;
	[tilespmem:s12+$0xFFFFFF10] =	vst v5;
	v21 =	vadd.f32 v19, v21  }
0x517: {  	[tilespmem:s12+$0xFFFFFC50] =	vst v7;
	v2 =	vmax.f32 v2, $0.0e+00;
	v7 =	vmul.f32 $1.442695020e+00, v3  }
0x518: {  	v18 =	vld [tilespmem:s17+$0xFFFFFE20];
	v4 =	vmul.f32 $1.442695020e+00, v4;
	v20 =	vadd.f32 v15, v22;
	[tilespmem:s12+$0xFFFFFE50] =	vst v16;
	v19 =	vmax.f32 v21, $0.0e+00  }
0x519: {  	v3 =	vadd.f32 $1.000000010e-07, v2;
	v16 =	vld [tilespmem:s14+$0xFFFFFE20];
	[tilespmem:s12+$0xFFFFFED0] =	vst v13;
	v2 =	vadd.f32 $1.000000010e-07, v19;
	(erf) = vpow2.f32 v7;
	v5 =	vpop (erf)  }
0x51a: {  	v7 =	vmax.f32 v20, $0.0e+00;
	v8 =	vadd.f32 v8, v23;
	v13 =	vld [tilespmem:s17+$0xFFFFFF20];
	[tilespmem:s12+$0xFFFFFF50] =	vst v11;
	(erf) = vpow2.f32 v4  }
0x51b: {  	v11 =	vmul.f32 v3, v0;
	v22 =	vmul.f32 v5, v6;
	v7 =	vadd.f32 $1.000000010e-07, v7;
	v4 =	vld [tilespmem:s14+$0xFFFFFF20];
	[tilespmem:s21+$0xFFFFFDB0] =	vst v17;
	v15 =	vpop (erf)  }
0x51c: {  	v19 =	vmul.f32 v2, v0;
	v8 =	vmax.f32 v8, $0.0e+00;
	v17 =	vld [tilespmem:s17+$0xFFFFFF60];
	[tilespmem:s21+$0xFFFFFE70] =	vst v5;
	v5 =	vmul.f32 v15, v9  }
0x51d: {  	v11 =	vmul.f32 $1.442695020e+00, v11;
	v9 =	vmul.f32 v7, v0;
	v8 =	vadd.f32 $1.000000010e-07, v8;
	v20 =	vld [tilespmem:s14+$0xFFFFFF60];
	[tilespmem:s21+$0xFFFFFE30] =	vst v22;
	v6 =	vpop (erf)  }
0x51e: {  	v19 =	vmul.f32 $1.442695020e+00, v19;
	v16 =	vadd.f32 v16, v18;
	v18 =	vld [tilespmem:s17+$0xFFFFFFA0];
	v21 =	vpop (erf);
	[tilespmem:s21+$0xFFFFFEB0] =	vst v5;
	v5 =	vmul.f32 v6, v12  }
0x51f: {  	v12 =	vmul.f32 v8, v0;
	v22 =	vld [tilespmem:s14+$0xFFFFFFA0];
	v14 =	vmul.f32 v21, v14;
	[tilespmem:s21+$0xFFFFFEF0] =	vst v15  }
0x520: {  	v9 =	vmul.f32 $1.442695020e+00, v9;
	v15 =	vmax.f32 v16, $0.0e+00;
	v23 =	vadd.f32 v4, v13;
	[tilespmem:s12+$0xFFFFFFE0] =	vst v21;
	v13 =	vld [tilespmem:s22+$0xFFFFFF00]  }
0x521: {  	v16 =	vadd.f32 $1.000000010e-07, v15;
	v12 =	vmul.f32 $1.442695020e+00, v12;
	[tilespmem:s12+$0xFFFFFFA0] =	vst v14;
	v14 =	vld [tilespmem:s15+$0xFFFFFF00];
	(erf) = vpow2.f32 v11  }
0x522: {  	v21 =	vmax.f32 v23, $0.0e+00;
	v15 =	vadd.f32 v20, v17;
	v17 =	vld [tilespmem:s17+$0xFFFFFFF0];
	(erf) = vpow2.f32 v9;
	[tilespmem:s21+$0xFFFFFF30] =	vst v5;
	v4 =	vpop (erf)  }
0x523: {  	v5 =	vmul.f32 v16, v0;
	v20 =	vadd.f32 $1.000000010e-07, v21;
	v9 =	vld [tilespmem:s14+$0xFFFFFFF0];
	v11 =	vpop (erf);
	(erf) = vpow2.f32 v12;
	[tilespmem:s21+$0xFFFFFF70] =	vst v6  }
0x524: {  	v6 =	vmul.f32 v11, v10;
	[tilespmem:s12+$0xFFFFFCE0] =	vst v11;
	v10 =	vmax.f32 v15, $0.0e+00;
	v11 =	vadd.f32 v22, v18;
	v12 =	vld [tilespmem:s22+$0xFFFFFF40]  }
0x525: {  	v5 =	vmul.f32 $1.442695020e+00, v5;
	v15 =	vmul.f32 v20, v0;
	v18 =	vadd.f32 $1.000000010e-07, v10;
	[tilespmem:s21+$0xFFFFFD00] =	vst v4;
	v10 =	vld [tilespmem:s15+$0xFFFFFF40]  }
0x526: {  	[tilespmem:s12+$0xFFFFFCA0] =	vst v6;
	v6 =	vmax.f32 v11, $0.0e+00;
	v11 =	vadd.f32 v14, v13;
	v13 =	vld [tilespmem:s22+$0xFFFFFF80];
	(erf) = vpow2.f32 v19  }
0x527: {  	v19 =	vld [tilespmem:s17+$0xFFFFFE70];
	v14 =	vmul.f32 $1.442695020e+00, v15;
	v15 =	vmul.f32 v18, v0;
	v24 =	vadd.f32 $1.000000010e-07, v6  }
0x528: {  	v6 =	vld [tilespmem:s14+$0xFFFFFE70];
	v22 =	vadd.f32 v9, v17;
	(erf) = vpow2.f32 v5;
	v5 =	vmax.f32 v11, $0.0e+00  }
0x529: {  	v23 =	vmul.f32 $1.442695020e+00, v15;
	v15 =	vmul.f32 v24, v0;
	v5 =	vadd.f32 $1.000000010e-07, v5;
	v17 =	vld [tilespmem:s15+$0xFFFFFF80]  }
0x52a: {  	v22 =	vmax.f32 v22, $0.0e+00;
	(erf) = vpow2.f32 v14;
	v10 =	vadd.f32 v10, v12;
	v12 =	vld [tilespmem:s22+$0xFFFFFFC0];
	v9 =	vpop (erf);
	s22 =	smov.u32 s17  }
0x52b: {  	v15 =	vmul.f32 $1.442695020e+00, v15;
	v14 =	vadd.f32 $1.000000010e-07, v22;
	v21 =	vpop (erf);
	(erf) = vpow2.f32 v23;
	[tilespmem:s21+$0xFFFFFC80] =	vst v9;
	v22 =	vld [tilespmem:s15+$0xFFFFFFC0];
	s15 =	smov.u32 s14  }
0x52c: {  	v7 =	vmul.f32 v21, v7;
	[tilespmem:s12+$0xFFFFFD60] =	vst v21;
	v11 =	vpop (erf);
	v21 =	vmul.f32 v5, v0;
	v10 =	vmax.f32 v10, $0.0e+00  }
0x52d: {  	v19 =	vadd.f32 v6, v19;
	[tilespmem:s12+$0xFFFFFDE0] =	vst v11;
	v23 =	vmul.f32 v14, v0;
	(erf) = vpow2.f32 v15  }
0x52e: {  	v6 =	vadd.f32 $1.000000010e-07, v10;
	[tilespmem:s12+$0xFFFFFD20] =	vst v7;
	v7 =	vmul.f32 v11, v8;
	v8 =	vadd.f32 v17, v13  }
0x52f: {  	v15 =	vmul.f32 $1.442695020e+00, v21;
	v11 =	vmax.f32 v19, $0.0e+00;
	v13 =	vld [tilespmem:s17+$0xFFFFFEB0];
	v17 =	vmul.f32 $1.442695020e+00, v23;
	v10 =	vpop (erf)  }
0x530: {  	v11 =	vadd.f32 $1.000000010e-07, v11;
	v19 =	vld [tilespmem:s14+$0xFFFFFEB0];
	[tilespmem:s12+$0xFFFFFDA0] =	vst v7;
	v7 =	vmax.f32 v8, $0.0e+00;
	v26 =	vadd.f32 v22, v12  }
0x531: {  	v23 =	vld [tilespmem:s17+$0xFFFFFEF0];
	v21 =	vpop (erf);
	(erf) = vpow2.f32 v17;
	[tilespmem:s21+$0xFFFFFD80] =	vst v10;
	v17 =	vmul.f32 v6, v0;
	v8 =	vadd.f32 $1.000000010e-07, v7  }
0x532: {  	v28 =	vmul.f32 v21, v16;
	[tilespmem:s12+$0xFFFFFC60] =	vst v21;
	v21 =	vmul.f32 v11, v0;
	v25 =	vld [tilespmem:s14+$0xFFFFFEF0];
	v7 =	vmax.f32 v26, $0.0e+00  }
.Ltmp3:
0x533: {  	v12 =	vpop (erf);
	v16 =	vmul.f32 $1.442695020e+00, v17;
	v26 =	vmul.f32 v8, v0;
	v7 =	vadd.f32 $1.000000010e-07, v7;
	(pc) =	sbr.rel @p0 .LBB2_9-.Ltmp3, $4  }
0x534: {  	[tilespmem:s12+$0xFFFFFC20] =	vst v28;
	v27 =	vmul.f32 $1.442695020e+00, v21;
	v29 =	vmul.f32 v12, v20;
	v22 =	vpop (erf)  }
0x535: {  	v17 =	vld [tilespmem:s17+$0xFFFFFE30];
	v13 =	vadd.f32 v19, v13;
	[tilespmem:s12+$0xFFFFFE60] =	vst v12;
	v28 =	vmul.f32 v22, v18;
	v18 =	vmul.f32 v7, v0  }
0x536: {  	v19 =	vmul.f32 $1.442695020e+00, v26;
	v21 =	vld [tilespmem:s14+$0xFFFFFE30];
	[tilespmem:s12+$0xFFFFFE20] =	vst v29;
	(erf) = vpow2.f32 v27;
	v20 =	vpop (erf)  }
0x537: {  	s17 =	sadd.s32 $0x200, s17;
	v13 =	vmax.f32 v13, $0.0e+00;
	v23 =	vadd.f32 v25, v23;
	v12 =	vld [tilespmem:s22+$0xFFFFFF30];
	[tilespmem:s12+$0xFFFFFEA0] =	vst v28;
	v24 =	vmul.f32 v20, v24  }
0x538: {  	_ =	sdelay $0x1  }
0x539: {  	v25 =	vpop (erf)  }
0x53a: {  	v14 =	vmul.f32 v25, v14  }
0x53b: {  	[tilespmem:s12+$0xFFFFFFF0] =	vst v25  }
0x53c: {  	[tilespmem:s12+$0xFFFFFFB0] =	vst v14  }
0x53d: {  	v14 =	vld [tilespmem:s22+$0x0]  }
0x53e: {  	v39 =	vadd.f32 v21, v17;
	v25 =	vld [tilespmem:s15+$0x0]  }
0x53f: {  	v13 =	vadd.f32 $1.000000010e-07, v13;
	v41 =	vld [tilespmem:s15+$0xFFFFFF30];
	v18 =	vmul.f32 $1.442695020e+00, v18;
	v40 =	vmax.f32 v23, $0.0e+00  }
0x540: {  	[tilespmem:s12+$0xFFFFFEE0] =	vst v22;
	(erf) = vpow2.f32 v15;
	v17 =	vadd.f32 $1.000000010e-07, v40;
	v15 =	vmax.f32 v39, $0.0e+00  }
0x541: {  	v22 =	vld [tilespmem:s22+$0xFFFFFF70];
	v42 =	vmul.f32 v13, v0;
	(erf) = vpow2.f32 v16;
	v15 =	vadd.f32 $1.000000010e-07, v15  }
0x542: {  	[tilespmem:s12+$0xFFFFFF60] =	vst v20;
	v43 =	vld [tilespmem:s15+$0xFFFFFF70];
	(erf) = vpow2.f32 v19;
	v45 =	vmul.f32 v17, v0  }
0x543: {  	[tilespmem:s12+$0xFFFFFF20] =	vst v24;
	v44 =	vmul.f32 $1.442695020e+00, v42;
	v47 =	vmul.f32 v15, v0;
	v14 =	vadd.f32 v25, v14  }
0x544: {  	v46 =	vld [tilespmem:s22+$0xFFFFFFB0];
	(erf) = vpow2.f32 v18;
	v12 =	vadd.f32 v41, v12;
	v21 =	vmul.f32 $1.442695020e+00, v45  }
0x545: {  	v24 =	vld [tilespmem:s15+$0xFFFFFFB0];
	(erf) = vpow2.f32 v44;
	v18 =	vmul.f32 $1.442695020e+00, v47;
	v14 =	vmax.f32 v14, $0.0e+00  }
0x546: {  	v12 =	vmax.f32 v12, $0.0e+00;
	(erf) = vpow2.f32 v21;
	v14 =	vadd.f32 $1.000000010e-07, v14  }
0x547: {  	v48 =	vadd.f32 v43, v22;
	v12 =	vadd.f32 $1.000000010e-07, v12;
	(erf) = vpow2.f32 v18  }
0x548: {  	v49 =	vmul.f32 v14, v0  }
0x549: {  	v51 =	vpop (erf);
	v16 =	vmax.f32 v48, $0.0e+00;
	v52 =	vmul.f32 v12, v0  }
0x54a: {  	v50 =	vadd.f32 v24, v46;
	v16 =	vadd.f32 $1.000000010e-07, v16;
	v21 =	vpop (erf);
	v18 =	vmul.f32 $1.442695020e+00, v49  }
0x54b: {  	v23 =	vpop (erf);
	v54 =	vmul.f32 $1.442695020e+00, v52  }
0x54c: {  	v19 =	vmax.f32 v50, $0.0e+00;
	v53 =	vmul.f32 v16, v0;
	v25 =	vpop (erf);
	(erf) = vpow2.f32 v18  }
0x54d: {  	v11 =	vmul.f32 v51, v11;
	v19 =	vadd.f32 $1.000000010e-07, v19;
	v22 =	vpop (erf);
	(erf) = vpow2.f32 v54  }
0x54e: {  	[tilespmem:s12+$0xFFFFFCF0] =	vst v51;
	v24 =	vmul.f32 $1.442695020e+00, v53;
	v27 =	vpop (erf)  }
0x54f: {  	[tilespmem:s12+$0xFFFFFCB0] =	vst v11;
	v26 =	vmul.f32 v19, v0;
	v13 =	vmul.f32 v27, v13;
	v55 =	vpop (erf)  }
0x550: {  	[tilespmem:s12+$0xFFFFFD70] =	vst v27;
	v57 =	vpop (erf);
	(erf) = vpow2.f32 v24  }
0x551: {  	v58 =	vld [tilespmem:s22+$0xFFFFFE80];
	v56 =	vmul.f32 $1.442695020e+00, v26;
	[tilespmem:s12+$0xFFFFFD30] =	vst v13;
	v15 =	vmul.f32 v57, v15  }
0x552: {  	v59 =	vld [tilespmem:s15+$0xFFFFFE80];
	[tilespmem:s12+$0xFFFFFC70] =	vst v57  }
0x553: {  	v17 =	vmul.f32 v55, v17;
	v62 =	vld [tilespmem:s22+$0xFFFFFEC0];
	(erf) = vpow2.f32 v56;
	[tilespmem:s12+$0xFFFFFC30] =	vst v15  }
0x554: {  	[tilespmem:s12+$0xFFFFFDF0] =	vst v55;
	v15 =	vld [tilespmem:s22+$0xFFFFFE40]  }
0x555: {  	[tilespmem:s12+$0xFFFFFDB0] =	vst v17;
	v60 =	vld [tilespmem:s15+$0xFFFFFE40];
	v61 =	vpop (erf)  }
0x556: {  	v31 =	vld [tilespmem:s22+$0xFFFFFF00];
	v29 =	vpop (erf)  }
0x557: {  	v11 =	vadd.f32 v59, v58;
	v33 =	vld [tilespmem:s15+$0xFFFFFF00];
	v12 =	vmul.f32 v29, v12  }
0x558: {  	v3 =	vmul.f32 v9, v3;
	v63 =	vld [tilespmem:s15+$0xFFFFFEC0];
	[tilespmem:s12+$0xFFFFFE70] =	vst v29  }
0x559: {  	v1 =	vmul.f32 v4, v1;
	v11 =	vmax.f32 v11, $0.0e+00;
	v30 =	vpop (erf);
	[tilespmem:s12+$0xFFFFFE30] =	vst v12  }
0x55a: {  	[tilespmem:s21+$0xFFFFFC40] =	vst v3;
	v11 =	vadd.f32 $1.000000010e-07, v11;
	v13 =	vadd.f32 v60, v15;
	v16 =	vmul.f32 v30, v16;
	v35 =	vld [tilespmem:s22+$0xFFFFFF40]  }
0x55b: {  	v2 =	vmul.f32 v10, v2;
	v5 =	vmul.f32 v21, v5;
	[tilespmem:s12+$0xFFFFFEF0] =	vst v30;
	v38 =	vld [tilespmem:s15+$0xFFFFFF40]  }
0x55c: {  	v37 =	vmul.f32 v11, v0;
	v47 =	vadd.f32 v33, v31;
	v32 =	vpop (erf);
	v40 =	vmax.f32 v13, $0.0e+00;
	[tilespmem:s12+$0xFFFFFEB0] =	vst v16  }
0x55d: {  	[tilespmem:s21+$0xFFFFFD40] =	vst v2;
	v36 =	vadd.f32 v63, v62;
	v34 =	vmul.f32 v32, v19;
	v9 =	vadd.f32 $1.000000010e-07, v40;
	v39 =	vld [tilespmem:s22+$0xFFFFFF80]  }
0x55e: {  	v3 =	vmul.f32 v23, v6;
	v41 =	vmul.f32 $1.442695020e+00, v37;
	v52 =	vmax.f32 v47, $0.0e+00;
	[tilespmem:s12+$0xFFFFFF70] =	vst v32;
	v42 =	vld [tilespmem:s15+$0xFFFFFF80]  }
0x55f: {  	v15 =	vmax.f32 v36, $0.0e+00;
	v2 =	vadd.f32 $1.000000010e-07, v52;
	[tilespmem:s12+$0xFFFFFF30] =	vst v34;
	v46 =	vmul.f32 v9, v0  }
0x560: {  	v49 =	vmul.f32 v25, v8;
	v43 =	vadd.f32 $1.000000010e-07, v15;
	v44 =	vld [tilespmem:s22+$0xFFFFFFC0];
	v50 =	vadd.f32 v38, v35  }
0x561: {  	[tilespmem:s21+$0xFFFFFCC0] =	vst v1;
	(erf) = vpow2.f32 v41;
	v45 =	vld [tilespmem:s15+$0xFFFFFFC0];
	v1 =	vmul.f32 $1.442695020e+00, v46  }
0x562: {  	v54 =	vmul.f32 v2, v0;
	v48 =	vmul.f32 v43, v0;
	v8 =	vmax.f32 v50, $0.0e+00  }
0x563: {  	(erf) = vpow2.f32 v1;
	v4 =	vadd.f32 v42, v39;
	v1 =	vadd.f32 $1.000000010e-07, v8  }
0x564: {  	[tilespmem:s21+$0xFFFFFDC0] =	vst v5;
	v51 =	vmul.f32 $1.442695020e+00, v48  }
0x565: {  	[tilespmem:s21+$0xFFFFFE40] =	vst v3;
	v5 =	vmul.f32 $1.442695020e+00, v54;
	v4 =	vmax.f32 v4, $0.0e+00;
	v3 =	vmul.f32 v1, v0  }
0x566: {  	[tilespmem:s21+$0xFFFFFE00] =	vst v21;
	(erf) = vpow2.f32 v51;
	v53 =	vadd.f32 v45, v44;
	v4 =	vadd.f32 $1.000000010e-07, v4  }
0x567: {  	[tilespmem:s21+$0xFFFFFE80] =	vst v23;
	v7 =	vmul.f32 v22, v7;
	v3 =	vmul.f32 $1.442695020e+00, v3  }
0x568: {  	[tilespmem:s21+$0xFFFFFF00] =	vst v25;
	(erf) = vpow2.f32 v5;
	v8 =	vmax.f32 v53, $0.0e+00;
	v55 =	vmul.f32 v4, v0  }
0x569: {  	[tilespmem:s21+$0xFFFFFF80] =	vst v22;
	v8 =	vadd.f32 $1.000000010e-07, v8;
	(erf) = vpow2.f32 v3;
	v3 =	vmul.f32 v61, v14  }
0x56a: {  	[tilespmem:s21+$0xFFFFFF40] =	vst v7  }
0x56b: {  	[tilespmem:s21+$0xFFFFFEC0] =	vst v49;
	v56 =	vmul.f32 v8, v0;
	v57 =	vmul.f32 $1.442695020e+00, v55  }
0x56c: {  	[tilespmem:s12+$0x0] =	vst v61  }
0x56d: {  	v58 =	vmul.f32 $1.442695020e+00, v56;
	(erf) = vpow2.f32 v57;
	[tilespmem:s12+$0xFFFFFFC0] =	vst v3;
	v3 =	vpop (erf)  }
0x56e: {  	[tilespmem:s12+$0xFFFFFD00] =	vst v3;
	v59 =	vpop (erf)  }
0x56f: {  	(erf) = vpow2.f32 v58;
	v3 =	vmul.f32 v3, v11;
	[tilespmem:s12+$0xFFFFFC80] =	vst v59;
	v60 =	vpop (erf)  }
0x570: {  	v5 =	vmul.f32 v59, v9;
	[tilespmem:s12+$0xFFFFFD80] =	vst v60  }
0x571: {  	v61 =	vmul.f32 v60, v43;
	[tilespmem:s12+$0xFFFFFCC0] =	vst v3  }
0x572: {  	[tilespmem:s12+$0xFFFFFC40] =	vst v5  }
0x573: {  	v3 =	vpop (erf);
	[tilespmem:s12+$0xFFFFFD40] =	vst v61  }
0x574: {  	v2 =	vmul.f32 v3, v2;
	v62 =	vpop (erf);
	[tilespmem:s12+$0xFFFFFE00] =	vst v3  }
0x575: {  	v1 =	vmul.f32 v62, v1;
	[tilespmem:s12+$0xFFFFFE80] =	vst v62  }
0x576: {  	s20 =	sadd.s32 $0x1, s20;
	v3 =	vpop (erf);
	[tilespmem:s12+$0xFFFFFDC0] =	vst v2  }
0x577: {  	p0 =	sne.s32 s20, $0x7D;
	[tilespmem:s12+$0xFFFFFE40] =	vst v1;
	v1 =	vmul.f32 v3, v4  }
.Ltmp4:
0x578: {  	[tilespmem:s12+$0xFFFFFF00] =	vst v3;
	v2 =	vpop (erf);
	(pc) =	sbr.rel @p0 .LBB2_2-.Ltmp4, $4  }
0x579: {  	v63 =	vmul.f32 v2, v8;
	[tilespmem:s12+$0xFFFFFEC0] =	vst v1  }
0x57a: {  	[tilespmem:s12+$0xFFFFFF80] =	vst v2  }
0x57b: {  	[tilespmem:s12+$0xFFFFFF40] =	vst v63  }
0x57c: {  	[spmem:s4] =	stream.indirect.scatter.add.f32 [tilespmem:s3], [sflag:$0xA], $0x80, s28, s31, $0xb8;
	[tilespmem:$0x191F0] =	vst v63  }
0x57d: {  	_ =	swait.ge [sflag:s9], $0x1400  }
0x57e: {  	[sflag:s9] =	ssyncset.done $0x0  }
0x57f: {  	s12 =	simm.s32 $0xA;
	[sflag:s9] =	ssyncadd.s32 $0xFFFFEC00  }
0x580: {  	_ =	swait.ge [sflag:s12], $0x1400  }
0x581: {  	[sflag:s12] =	ssyncset.done $0x0  }
0x582: {  	[sflag:s12] =	ssyncadd.s32 $0xFFFFEC00  }
0x583: {  	[bflag:$0x0] =	sbarrier.arrive $0xFFFF  }
0x584: {  	s14 =	rddreg [dreg:$0x8]  }
0x585: {  	s21 =	rddreg [dreg:$0x13]  }
0x586: {  	s15 =	rddreg [dreg:$0x16]  }
0x587: {  	[hbm:s21], [sflag:s14] =	dma.local [spmem:s15], $0x2800  }
0x588: {  	s15 =	simm.s32 $0xB  }
0x589: {  	_ =	swait.ge [sflag:s15], $0x2800  }
0x58a: {  	s16 =	rddreg [dreg:$0x15]  }
0x58b: {  	s22 =	rddreg [dreg:$0x14];
	s16 =	sadd.s32 $0x1, s16  }
0x58c: {  	p0 =	sne.s32 s16, s22  }
.Ltmp5:
0x58d: {  	_ = 	snop;
	(pc) =	sbr.rel @p0 .LBB2_1-.Ltmp5, $3  }
0x58e: {  	_ =	sdelay $0x1  }
0x58f: {  	[sflag:s15] =	ssyncset.done $0x0  }
0x590: {  	[sflag:s15] =	ssyncadd.s32 $0xFFFFD800  }
0x591: {  	_ =	sfence.sel $0x180000  }
0x592: {  	[bflag:$0x0] =	sbarrier.arrive $0xFFFF  }
0x593: {  	_ =	strace $0x90000047  }
0x594: {  	s0 =	stileid.u32;
	[bflag:$0x2] =	sbarrier.arrive $0xFFFF  }
0x595: {  	p0 =	sne.s32 s0, $0x0;
	s0 =	rddreg [dreg:$0x4]  }
0x596: {  	s0 =	sadd.s32 @!p0 $0x100000, s0  }
0x597: {  	[sflag:s0] =	ssyncadd.tile.s32 @!p0 $0x1;
	_ =	shalt  }
.Lfunc_end2:
_tile_overlayer_lowered:
.L_overlay_start_2:
0x598: {  	(tag) =	ssettag $0x2  }
0x599: {  	s0 =	rddreg [dreg:$0x0];
	s2 =	stileid.u32  }
0x59a: {  	s1 =	rddreg [dreg:$0x1];
	p0 =	sne.s32 s2, $0x0  }
0x59b: {  	s3 =	rddreg [dreg:$0x2];
	[bflag:$0x3] =	sbarrier.arrive $0xFFFF;
	s2 =	simm.s32 @!p0 $0x1C0B  }
0x59c: {  	[timem:s3], [sflag:s2] =	dma.local @!p0 [hbm:s0], s1  }
0x59d: {  	s0 =	simm.s32 @!p0 $0xB  }
0x59e: {  	_ =	swait.ge @!p0 [sflag:s0], s1  }
0x59f: {  	s1 =	ssub.s32 @!p0 $0x0, s1;
	[sflag:s0] =	ssyncset.done @!p0 $0x0  }
0x5a0: {  	[sflag:s0] =	ssyncadd.s32 @!p0 s1  }
0x5a1: {  	[bflag:$0x3] =	sbarrier.arrive $0xFFFF  }
0x5a2: {  	_ =	shalt  }

</sc_bundles>
